<compile_context>
chip_gen: v7x
topology: tpu7x:2x2x1
jax: 0.10.2.dev20260603
libtpu: 0.0.44.dev20260713+nightly
codegen_flags: <defaults>
</compile_context>

<pallas_src>
import functools

import jax
import jax.numpy as jnp
from jax import lax
from jax.experimental import pallas as pl
from jax.experimental.pallas import tpu as pltpu
from jax.experimental.pallas import tpu_sc as plsc

QR = 16384
ACC_ROWS = 16512
C = 8192
G = 128
CB = C // 2 + G
ZROWS = 43


def _lane(v, l):
    return lax.squeeze(lax.slice(v, (l,), (l + 1,)), (0,))


def _make_spmm(n, d, nnz):
    mesh = plsc.VectorSubcoreMesh(core_axis_name="c", subcore_axis_name="s")
    epc = nnz // 16
    nch = epc // C

    @functools.partial(
        pl.kernel,
        mesh=mesh,
        out_type=jax.ShapeDtypeStruct((n, d), jnp.float32),
        compiler_params=pltpu.CompilerParams(
            needs_layout_passes=False, use_tc_tiling_on_sc=False),
        scratch_types=[
            pltpu.VMEM((C,), jnp.int32),
            pltpu.VMEM((C,), jnp.int32),
            pltpu.VMEM((C,), jnp.float32),
            pltpu.VMEM((CB,), jnp.int32),
            pltpu.VMEM((CB,), jnp.int32),
            pltpu.VMEM((CB,), jnp.float32),
            pltpu.VMEM((G,), jnp.int32),
            pltpu.VMEM((G,), jnp.int32),
            pltpu.VMEM((G, 64), jnp.float32),
            pltpu.VMEM((G, 64), jnp.float32),
            pltpu.VMEM((ZROWS, 64), jnp.float32),
            pltpu.VMEM_SHARED((ACC_ROWS, 64), jnp.float32),
            pltpu.SemaphoreType.DMA,
            pltpu.SemaphoreType.DMA,
            pltpu.SemaphoreType.DMA,
            pltpu.SemaphoreType.DMA,
            pltpu.SemaphoreType.DMA,
        ],
    )
    def spmm(row_hbm, col_hbm, val_hbm, feat_hbm, out_hbm,
             row_b, col_b, val_b, colc, lrowc, valc,
             lr0, lr1, gbuf0, gbuf1, zbuf,
             acc, gsem0, gsem1, ssem0, ssem1, esem):
        cid = lax.axis_index("c")
        sid = lax.axis_index("s")
        iota = lax.iota(jnp.int32, 16)
        zvec = jnp.zeros((16,), jnp.float32)

        def zb(i, carry):
            for k in range(4):
                zbuf[i, pl.ds(16 * k, 16)] = zvec
            return carry
        lax.fori_loop(0, ZROWS, zb, 0)

        def edescs(chs):
            b = sid * epc + chs * C
            return (
                pltpu.make_async_copy(row_hbm.at[pl.ds(b, C)], row_b, esem),
                pltpu.make_async_copy(col_hbm.at[pl.ds(b, C)], col_b, esem),
                pltpu.make_async_copy(val_hbm.at[pl.ds(b, C)], val_b, esem),
            )

        def chmap(ch):
            return lax.rem(ch + 2 * sid, nch)

        def qpass(q, qcarry):
            qid = 2 * cid + q
            lo = qid * QR

            for z in range(24):
                pltpu.make_async_copy(
                    zbuf, acc.at[pl.ds(sid * 1032 + z * ZROWS, ZROWS)],
                    esem).start()
            for z in range(24):
                pltpu.make_async_copy(
                    zbuf, acc.at[pl.ds(sid * 1032 + z * ZROWS, ZROWS)],
                    esem).wait()
            plsc.subcore_barrier()

            for dsc in edescs(chmap(0)):
                dsc.start()

            def chunk_body(ch, carry):
                pend0, pend1 = carry
                chs = chmap(ch)
                for dsc in edescs(chs):
                    dsc.wait()

                @plsc.parallel_loop(0, C // 16, unroll=8,
                                    carry=jnp.zeros((16,), jnp.int32))
                def comp(i, cnt_v):
                    r = row_b[pl.ds(i * 16, 16)]
                    cc = col_b[pl.ds(i * 16, 16)]
                    vv = val_b[pl.ds(i * 16, 16)]
                    lr = r - jnp.full((16,), lo, jnp.int32)
                    m = (lr >= jnp.zeros((16,), jnp.int32)) & (
                        lr < jnp.full((16,), QR, jnp.int32))
                    mi = m.astype(jnp.int32)
                    cs = plsc.cumsum(mi)
                    pos = cs - mi + cnt_v
                    plsc.store_scatter(colc, [pos], cc, mask=m)
                    plsc.store_scatter(lrowc, [pos], lr, mask=m)
                    plsc.store_scatter(valc, [pos], vv, mask=m)
                    return cnt_v + plsc.all_reduce_population_count(m)
                cnt = _lane(comp, 0)

                for j in range(G // 16):
                    colc[pl.ds(cnt + j * 16, 16)] = iota + (16 * j)
                    lrowc[pl.ds(cnt + j * 16, 16)] = iota + (16 * j + QR)
                    valc[pl.ds(cnt + j * 16, 16)] = zvec

                nb = (cnt + (G - 1)) // G

                @pl.when(ch + 1 < nch)
                def _prefetch_edges():
                    for dsc in edescs(chmap(ch + 1)):
                        dsc.start()

                def gdesc(g, gb, gs):
                    return pltpu.make_async_copy(
                        feat_hbm.at[colc.at[pl.ds(g * G, G)]], gb, gs)

                def sdesc(gb, lr, ss):
                    return pltpu.make_async_copy(gb, acc.at[lr], ss)

                def stage(g, lr):
                    off = g * G
                    for j in range(G // 16):
                        lr[pl.ds(j * 16, 16)] = lrowc[pl.ds(off + j * 16, 16)]

                def scale(gb, off):
                    @plsc.parallel_loop(0, G // 16, unroll=4)
                    def scale16(e16):
                        vv = valc[pl.ds(off + e16 * 16, 16)]
                        for l in range(16):
                            sv = _lane(vv, l)
                            row = e16 * 16 + l
                            for k in range(4):
                                gb[row, pl.ds(16 * k, 16)] = (
                                    gb[row, pl.ds(16 * k, 16)] * sv)

                bufs = ((gbuf0, gsem0, ssem0, lr0),
                        (gbuf1, gsem1, ssem1, lr1))

                @pl.when(pend0 > 0)
                def _lazy_drain0():
                    sdesc(gbuf0, lr0, ssem0).wait()

                @pl.when(pend1 > 0)
                def _lazy_drain1():
                    sdesc(gbuf1, lr1, ssem1).wait()

                @pl.when(nb >= 1)
                def _prologue():
                    stage(0, lr0)
                    gdesc(0, gbuf0, gsem0).start()

                def process(g, p):
                    gb, gs, ss, lr = bufs[p]
                    gbq, gsq, ssq, lrq = bufs[1 - p]
                    gdesc(g, gb, gs).wait()

                    @pl.when(g + 1 < nb)
                    def _issue_next():
                        @pl.when(g >= 1)
                        def _wait_prev_scatter():
                            sdesc(gbq, lrq, ssq).wait()
                        stage(g + 1, lrq)
                        gdesc(g + 1, gbq, gsq).start()

                    scale(gb, g * G)
                    sdesc(gb, lr, ss).start(add=True)

                def batch_body(g, carry2):
                    even = (g % 2) == 0

                    @pl.when(even)
                    def _e():
                        process(g, 0)

                    @pl.when(jnp.logical_not(even))
                    def _o():
                        process(g, 1)
                    return carry2
                lax.fori_loop(0, nb, batch_body, 0)

                last_even = jnp.logical_and(nb >= 1, (nb - 1) % 2 == 0)
                prev_even = jnp.logical_and(nb >= 2, nb % 2 == 0)
                last_odd = jnp.logical_and(nb >= 1, (nb - 1) % 2 == 1)
                prev_odd = jnp.logical_and(nb >= 2, nb % 2 == 1)
                np0 = jnp.logical_or(last_even, prev_even).astype(jnp.int32)
                np1 = jnp.logical_or(last_odd, prev_odd).astype(jnp.int32)
                return (np0, np1)
            pend0, pend1 = lax.fori_loop(
                0, nch, chunk_body, (jnp.int32(0), jnp.int32(0)))

            @pl.when(pend0 > 0)
            def _final_drain0():
                sdesc_f = pltpu.make_async_copy(gbuf0, acc.at[lr0], ssem0)
                sdesc_f.wait()

            @pl.when(pend1 > 0)
            def _final_drain1():
                sdesc_f = pltpu.make_async_copy(gbuf1, acc.at[lr1], ssem1)
                sdesc_f.wait()

            plsc.subcore_barrier()
            pltpu.sync_copy(acc.at[pl.ds(sid * 1024, 1024)],
                            out_hbm.at[pl.ds(lo + sid * 1024, 1024)])
            plsc.subcore_barrier()
            return qcarry
        lax.fori_loop(0, 2, qpass, 0)

    return spmm


def _epilogue_body(lx_ref, x_ref, w1t_ref, w2t_ref, b_ref, o_ref):
    lx = lx_ref[...]
    x = x_ref[...]
    a = lx + x
    m = lx * x
    o_ref[...] = (
        jnp.dot(a, w1t_ref[...], preferred_element_type=jnp.float32)
        + jnp.dot(m, w2t_ref[...], preferred_element_type=jnp.float32)
        + b_ref[:1, :]
    )


def _epilogue(lx, features, W1, b1, W2, b2):
    n, d = features.shape
    w1t = W1.T
    w2t = W2.T
    bias = jnp.broadcast_to((b1 + b2)[None, :], (8, d))
    BLK = 2048
    return pl.pallas_call(
        _epilogue_body,
        grid=(n // BLK,),
        in_specs=[
            pl.BlockSpec((BLK, d), lambda i: (i, 0)),
            pl.BlockSpec((BLK, d), lambda i: (i, 0)),
            pl.BlockSpec((d, d), lambda i: (0, 0)),
            pl.BlockSpec((d, d), lambda i: (0, 0)),
            pl.BlockSpec((8, d), lambda i: (0, 0)),
        ],
        out_specs=pl.BlockSpec((BLK, d), lambda i: (i, 0)),
        out_shape=jax.ShapeDtypeStruct((n, d), jnp.float32),
    )(lx, features, w1t, w2t, bias)


def kernel(edge_row, edge_col, edge_val, features, W1, b1, W2, b2):
    n, d = features.shape
    nnz = edge_row.shape[0]
    er = edge_row.astype(jnp.int32)
    ec = edge_col.astype(jnp.int32)
    lx = _make_spmm(n, d, nnz)(er, ec, edge_val, features)
    return _epilogue(lx, features, W1, b1, W2, b2)

# --- scband reference (transcript-rebuilt; emitter-appended) ---
"""Pipeline reference for scband-bi-gnnlayer-51943334478077 (READ-ONLY COPY).

The authoritative reference and input builder live on the scoring server;
editing this copy changes nothing except your own understanding.
"""

import jax, jax.numpy as jnp
import numpy as np

N = 65536
NNZ = 4194304
D_IN = 64
D_OUT = 64


def setup_inputs(seed: int = 0) -> dict:
    key = jax.random.key(seed)
    k1, k2, k3, k4, k5, k6, k7, k8 = jax.random.split(key, 8)
    edge_row = jax.random.randint(k1, (NNZ,), 0, N, dtype=jnp.int64) if jax.config.jax_enable_x64 else jax.random.randint(k1, (NNZ,), 0, N).astype(jnp.int32)
    edge_col = jax.random.randint(k2, (NNZ,), 0, N).astype(edge_row.dtype)
    edge_val = jax.random.uniform(k3, (NNZ,), dtype=jnp.float32)
    features = jax.random.normal(k4, (N, D_IN), dtype=jnp.float32)
    # learned parameters (torch Linear: y = x @ W.T + b), xavier-ish init
    W1 = jax.random.normal(k5, (D_OUT, D_IN), dtype=jnp.float32) * (1.0 / np.sqrt(D_IN))
    b1 = jnp.zeros((D_OUT,), dtype=jnp.float32)
    W2 = jax.random.normal(k6, (D_OUT, D_IN), dtype=jnp.float32) * (1.0 / np.sqrt(D_IN))
    b2 = jnp.zeros((D_OUT,), dtype=jnp.float32)
    return {"edge_row": edge_row, "edge_col": edge_col, "edge_val": edge_val,
            "features": features, "W1": W1, "b1": b1, "W2": W2, "b2": b2}


def reference(edge_row, edge_col, edge_val, features, W1, b1, W2, b2):
    n = features.shape[0]
    # sparse.mm(lap_matrix, features): gather columns, weight, scatter-add to rows
    gathered = edge_val[:, None] * jnp.take(features, edge_col, axis=0)
    Lx = jax.ops.segment_sum(gathered, edge_row, num_segments=n)
    # L1 = lap + eye  =>  (L + I) @ x = Lx + x
    L1x = Lx + features
    inter_part1 = L1x @ W1.T + b1
    inter_feature = Lx * features
    inter_part2 = inter_feature @ W2.T + b2
    return inter_part1 + inter_part2

if __name__ == "__main__":
    import jax
    _d = setup_inputs()
    print(jax.jit(kernel)(*tuple(_d.values())))

</pallas_src>

<mosaic_0001>
#map = affine_map<(d0, d1) -> (0)>
#map1 = affine_map<(d0, d1) -> (0, 0)>
module attributes {stable_mosaic.version = 14 : i64} {
  func.func @spmm(%arg0: i32, %arg1: i32, %arg2: memref<4194304xi32, #tpu.memory_space<hbm>>, %arg3: memref<4194304xi32, #tpu.memory_space<hbm>>, %arg4: memref<4194304xf32, #tpu.memory_space<hbm>>, %arg5: memref<65536x64xf32, #tpu.memory_space<hbm>>, %arg6: memref<65536x64xf32, #tpu.memory_space<hbm>>, %arg7: memref<8192xi32, #tpu.memory_space<vmem>>, %arg8: memref<8192xi32, #tpu.memory_space<vmem>>, %arg9: memref<8192xf32, #tpu.memory_space<vmem>>, %arg10: memref<4224xi32, #tpu.memory_space<vmem>>, %arg11: memref<4224xi32, #tpu.memory_space<vmem>>, %arg12: memref<4224xf32, #tpu.memory_space<vmem>>, %arg13: memref<128xi32, #tpu.memory_space<vmem>>, %arg14: memref<128xi32, #tpu.memory_space<vmem>>, %arg15: memref<128x64xf32, #tpu.memory_space<vmem>>, %arg16: memref<128x64xf32, #tpu.memory_space<vmem>>, %arg17: memref<43x64xf32, #tpu.memory_space<vmem>>, %arg18: memref<16512x64xf32, #tpu.memory_space<vmem_shared>>, %arg19: memref<!tpu.dma_semaphore, #tpu.memory_space<semaphore_mem>>, %arg20: memref<!tpu.dma_semaphore, #tpu.memory_space<semaphore_mem>>, %arg21: memref<!tpu.dma_semaphore, #tpu.memory_space<semaphore_mem>>, %arg22: memref<!tpu.dma_semaphore, #tpu.memory_space<semaphore_mem>>, %arg23: memref<!tpu.dma_semaphore, #tpu.memory_space<semaphore_mem>>) attributes {dimension_semantics = [#tpu.dimension_semantics<core_parallel>, #tpu.dimension_semantics<subcore_parallel>], iteration_bounds = array<i64: 2, 16>, scalar_prefetch = 0 : i64, scratch_operands = 17 : i64, tpu.core_type = #tpu.core_type<sc_vector_subcore>, window_params = [{transform_indices = #map}, {transform_indices = #map}, {transform_indices = #map}, {transform_indices = #map1}, {transform_indices = #map1}]} {
    %iota3A = tpu.iota {dimensions = array<i32: 0>} : vector<16xi32>
    %broadcast_in_dim3A = arith.constant 0.000000e+00 : f32
    %broadcast_in_dim3A_0 = vector.broadcast %broadcast_in_dim3A : f32 to vector<16xf32>
    %scan3A = arith.constant 0 : i32
    %scan3A_1 = arith.constant 0 : i32
    %scan3A_2 = arith.constant 43 : i32
    %scan3A_3 = arith.addi %scan3A_1, %scan3A_2 : i32
    %scan3A_4 = arith.constant 1 : i32
    scf.for %scan3A_12 = %scan3A_1 to %scan3A_3 step %scan3A_4  : i32 {
      %swap3A = arith.index_cast %scan3A_12 : i32 to index
      %swap3A_13 = arith.constant 0 : index
      %swap3A_14 = tpu.vector_load %arg17[%swap3A, %swap3A_13] {strides = array<i32>} : memref<43x64xf32, #tpu.memory_space<vmem>>, vector<16xf32>,
      tpu.vector_store %arg17[%swap3A, %swap3A_13], %broadcast_in_dim3A_0 {strides = array<i32>} : memref<43x64xf32, #tpu.memory_space<vmem>>, vector<16xf32>,
      %swap3A_15 = arith.index_cast %scan3A_12 : i32 to index
      %swap3A_16 = arith.constant 16 : index
      %swap3A_17 = tpu.vector_load %arg17[%swap3A_15, %swap3A_16] {strides = array<i32>} : memref<43x64xf32, #tpu.memory_space<vmem>>, vector<16xf32>,
      tpu.vector_store %arg17[%swap3A_15, %swap3A_16], %broadcast_in_dim3A_0 {strides = array<i32>} : memref<43x64xf32, #tpu.memory_space<vmem>>, vector<16xf32>,
      %swap3A_18 = arith.index_cast %scan3A_12 : i32 to index
      %swap3A_19 = arith.constant 32 : index
      %swap3A_20 = tpu.vector_load %arg17[%swap3A_18, %swap3A_19] {strides = array<i32>} : memref<43x64xf32, #tpu.memory_space<vmem>>, vector<16xf32>,
      tpu.vector_store %arg17[%swap3A_18, %swap3A_19], %broadcast_in_dim3A_0 {strides = array<i32>} : memref<43x64xf32, #tpu.memory_space<vmem>>, vector<16xf32>,
      %swap3A_21 = arith.index_cast %scan3A_12 : i32 to index
      %swap3A_22 = arith.constant 48 : index
      %swap3A_23 = tpu.vector_load %arg17[%swap3A_21, %swap3A_22] {strides = array<i32>} : memref<43x64xf32, #tpu.memory_space<vmem>>, vector<16xf32>,
      tpu.vector_store %arg17[%swap3A_21, %swap3A_22], %broadcast_in_dim3A_0 {strides = array<i32>} : memref<43x64xf32, #tpu.memory_space<vmem>>, vector<16xf32>,
    }
    %scan3A_5 = arith.constant 43 : i32
    %scan3A_6 = arith.constant 0 : i32
    %scan3A_7 = arith.constant 0 : i32
    %scan3A_8 = arith.constant 2 : i32
    %scan3A_9 = arith.addi %scan3A_7, %scan3A_8 : i32
    %scan3A_10 = arith.constant 1 : i32
    scf.for %scan3A_12 = %scan3A_7 to %scan3A_9 step %scan3A_10  : i32 {
      %mul3A = arith.constant 2 : i32
      %mul3A_13 = arith.muli %mul3A, %arg0 : i32
      %add3A = arith.addi %mul3A_13, %scan3A_12 : i32
      %mul3A_14 = arith.constant 16384 : i32
      %mul3A_15 = arith.muli %add3A, %mul3A_14 : i32
      %mul3A_16 = arith.constant 1032 : i32
      %mul3A_17 = arith.muli %arg1, %mul3A_16 : i32
      %add3A_18 = arith.constant 0 : i32
      %add3A_19 = arith.addi %mul3A_17, %add3A_18 : i32
      %dma_start3A = arith.constant 0 : i32
      %dma_start3A_20 = tpu.memref_slice %arg18[%add3A_19, %dma_start3A] : memref<16512x64xf32, #tpu.memory_space<vmem_shared>> -> memref<43x64xf32, #tpu.memory_space<vmem_shared>>
      %dma_start3A_21 = arith.constant 0 : i32
      %dma_start3A_22 = tpu.memref_slice %arg18[%add3A_19, %dma_start3A_21] : memref<16512x64xf32, #tpu.memory_space<vmem_shared>> -> memref<43x64xf32, #tpu.memory_space<vmem_shared>>
      tpu.enqueue_dma source(%arg17 : memref<43x64xf32, #tpu.memory_space<vmem>>) target(%dma_start3A_22 : memref<43x64xf32, #tpu.memory_space<vmem_shared>>) target_semaphore(%arg23 : memref<!tpu.dma_semaphore, #tpu.memory_space<semaphore_mem>>)
      %mul3A_23 = arith.constant 1032 : i32
      %mul3A_24 = arith.muli %arg1, %mul3A_23 : i32
      %add3A_25 = arith.constant 43 : i32
      %add3A_26 = arith.addi %mul3A_24, %add3A_25 : i32
      %dma_start3A_27 = arith.constant 0 : i32
      %dma_start3A_28 = tpu.memref_slice %arg18[%add3A_26, %dma_start3A_27] : memref<16512x64xf32, #tpu.memory_space<vmem_shared>> -> memref<43x64xf32, #tpu.memory_space<vmem_shared>>
      %dma_start3A_29 = arith.constant 0 : i32
      %dma_start3A_30 = tpu.memref_slice %arg18[%add3A_26, %dma_start3A_29] : memref<16512x64xf32, #tpu.memory_space<vmem_shared>> -> memref<43x64xf32, #tpu.memory_space<vmem_shared>>
      tpu.enqueue_dma source(%arg17 : memref<43x64xf32, #tpu.memory_space<vmem>>) target(%dma_start3A_30 : memref<43x64xf32, #tpu.memory_space<vmem_shared>>) target_semaphore(%arg23 : memref<!tpu.dma_semaphore, #tpu.memory_space<semaphore_mem>>)
      %mul3A_31 = arith.constant 1032 : i32
      %mul3A_32 = arith.muli %arg1, %mul3A_31 : i32
      %add3A_33 = arith.constant 86 : i32
      %add3A_34 = arith.addi %mul3A_32, %add3A_33 : i32
      %dma_start3A_35 = arith.constant 0 : i32
      %dma_start3A_36 = tpu.memref_slice %arg18[%add3A_34, %dma_start3A_35] : memref<16512x64xf32, #tpu.memory_space<vmem_shared>> -> memref<43x64xf32, #tpu.memory_space<vmem_shared>>
      %dma_start3A_37 = arith.constant 0 : i32
      %dma_start3A_38 = tpu.memref_slice %arg18[%add3A_34, %dma_start3A_37] : memref<16512x64xf32, #tpu.memory_space<vmem_shared>> -> memref<43x64xf32, #tpu.memory_space<vmem_shared>>
      tpu.enqueue_dma source(%arg17 : memref<43x64xf32, #tpu.memory_space<vmem>>) target(%dma_start3A_38 : memref<43x64xf32, #tpu.memory_space<vmem_shared>>) target_semaphore(%arg23 : memref<!tpu.dma_semaphore, #tpu.memory_space<semaphore_mem>>)
      %mul3A_39 = arith.constant 1032 : i32
      %mul3A_40 = arith.muli %arg1, %mul3A_39 : i32
      %add3A_41 = arith.constant 129 : i32
      %add3A_42 = arith.addi %mul3A_40, %add3A_41 : i32
      %dma_start3A_43 = arith.constant 0 : i32
      %dma_start3A_44 = tpu.memref_slice %arg18[%add3A_42, %dma_start3A_43] : memref<16512x64xf32, #tpu.memory_space<vmem_shared>> -> memref<43x64xf32, #tpu.memory_space<vmem_shared>>
      %dma_start3A_45 = arith.constant 0 : i32
      %dma_start3A_46 = tpu.memref_slice %arg18[%add3A_42, %dma_start3A_45] : memref<16512x64xf32, #tpu.memory_space<vmem_shared>> -> memref<43x64xf32, #tpu.memory_space<vmem_shared>>
      tpu.enqueue_dma source(%arg17 : memref<43x64xf32, #tpu.memory_space<vmem>>) target(%dma_start3A_46 : memref<43x64xf32, #tpu.memory_space<vmem_shared>>) target_semaphore(%arg23 : memref<!tpu.dma_semaphore, #tpu.memory_space<semaphore_mem>>)
      %mul3A_47 = arith.constant 1032 : i32
      %mul3A_48 = arith.muli %arg1, %mul3A_47 : i32
      %add3A_49 = arith.constant 172 : i32
      %add3A_50 = arith.addi %mul3A_48, %add3A_49 : i32
      %dma_start3A_51 = arith.constant 0 : i32
      %dma_start3A_52 = tpu.memref_slice %arg18[%add3A_50, %dma_start3A_51] : memref<16512x64xf32, #tpu.memory_space<vmem_shared>> -> memref<43x64xf32, #tpu.memory_space<vmem_shared>>
      %dma_start3A_53 = arith.constant 0 : i32
      %dma_start3A_54 = tpu.memref_slice %arg18[%add3A_50, %dma_start3A_53] : memref<16512x64xf32, #tpu.memory_space<vmem_shared>> -> memref<43x64xf32, #tpu.memory_space<vmem_shared>>
      tpu.enqueue_dma source(%arg17 : memref<43x64xf32, #tpu.memory_space<vmem>>) target(%dma_start3A_54 : memref<43x64xf32, #tpu.memory_space<vmem_shared>>) target_semaphore(%arg23 : memref<!tpu.dma_semaphore, #tpu.memory_space<semaphore_mem>>)
      %mul3A_55 = arith.constant 1032 : i32
      %mul3A_56 = arith.muli %arg1, %mul3A_55 : i32
      %add3A_57 = arith.constant 215 : i32
      %add3A_58 = arith.addi %mul3A_56, %add3A_57 : i32
      %dma_start3A_59 = arith.constant 0 : i32
      %dma_start3A_60 = tpu.memref_slice %arg18[%add3A_58, %dma_start3A_59] : memref<16512x64xf32, #tpu.memory_space<vmem_shared>> -> memref<43x64xf32, #tpu.memory_space<vmem_shared>>
      %dma_start3A_61 = arith.constant 0 : i32
      %dma_start3A_62 = tpu.memref_slice %arg18[%add3A_58, %dma_start3A_61] : memref<16512x64xf32, #tpu.memory_space<vmem_shared>> -> memref<43x64xf32, #tpu.memory_space<vmem_shared>>
      tpu.enqueue_dma source(%arg17 : memref<43x64xf32, #tpu.memory_space<vmem>>) target(%dma_start3A_62 : memref<43x64xf32, #tpu.memory_space<vmem_shared>>) target_semaphore(%arg23 : memref<!tpu.dma_semaphore, #tpu.memory_space<semaphore_mem>>)
      %mul3A_63 = arith.constant 1032 : i32
      %mul3A_64 = arith.muli %arg1, %mul3A_63 : i32
      %add3A_65 = arith.constant 258 : i32
      %add3A_66 = arith.addi %mul3A_64, %add3A_65 : i32
      %dma_start3A_67 = arith.constant 0 : i32
      %dma_start3A_68 = tpu.memref_slice %arg18[%add3A_66, %dma_start3A_67] : memref<16512x64xf32, #tpu.memory_space<vmem_shared>> -> memref<43x64xf32, #tpu.memory_space<vmem_shared>>
      %dma_start3A_69 = arith.constant 0 : i32
      %dma_start3A_70 = tpu.memref_slice %arg18[%add3A_66, %dma_start3A_69] : memref<16512x64xf32, #tpu.memory_space<vmem_shared>> -> memref<43x64xf32, #tpu.memory_space<vmem_shared>>
      tpu.enqueue_dma source(%arg17 : memref<43x64xf32, #tpu.memory_space<vmem>>) target(%dma_start3A_70 : memref<43x64xf32, #tpu.memory_space<vmem_shared>>) target_semaphore(%arg23 : memref<!tpu.dma_semaphore, #tpu.memory_space<semaphore_mem>>)
      %mul3A_71 = arith.constant 1032 : i32
      %mul3A_72 = arith.muli %arg1, %mul3A_71 : i32
      %add3A_73 = arith.constant 301 : i32
      %add3A_74 = arith.addi %mul3A_72, %add3A_73 : i32
      %dma_start3A_75 = arith.constant 0 : i32
      %dma_start3A_76 = tpu.memref_slice %arg18[%add3A_74, %dma_start3A_75] : memref<16512x64xf32, #tpu.memory_space<vmem_shared>> -> memref<43x64xf32, #tpu.memory_space<vmem_shared>>
      %dma_start3A_77 = arith.constant 0 : i32
      %dma_start3A_78 = tpu.memref_slice %arg18[%add3A_74, %dma_start3A_77] : memref<16512x64xf32, #tpu.memory_space<vmem_shared>> -> memref<43x64xf32, #tpu.memory_space<vmem_shared>>
      tpu.enqueue_dma source(%arg17 : memref<43x64xf32, #tpu.memory_space<vmem>>) target(%dma_start3A_78 : memref<43x64xf32, #tpu.memory_space<vmem_shared>>) target_semaphore(%arg23 : memref<!tpu.dma_semaphore, #tpu.memory_space<semaphore_mem>>)
      %mul3A_79 = arith.constant 1032 : i32
      %mul3A_80 = arith.muli %arg1, %mul3A_79 : i32
      %add3A_81 = arith.constant 344 : i32
      %add3A_82 = arith.addi %mul3A_80, %add3A_81 : i32
      %dma_start3A_83 = arith.constant 0 : i32
      %dma_start3A_84 = tpu.memref_slice %arg18[%add3A_82, %dma_start3A_83] : memref<16512x64xf32, #tpu.memory_space<vmem_shared>> -> memref<43x64xf32, #tpu.memory_space<vmem_shared>>
      %dma_start3A_85 = arith.constant 0 : i32
      %dma_start3A_86 = tpu.memref_slice %arg18[%add3A_82, %dma_start3A_85] : memref<16512x64xf32, #tpu.memory_space<vmem_shared>> -> memref<43x64xf32, #tpu.memory_space<vmem_shared>>
      tpu.enqueue_dma source(%arg17 : memref<43x64xf32, #tpu.memory_space<vmem>>) target(%dma_start3A_86 : memref<43x64xf32, #tpu.memory_space<vmem_shared>>) target_semaphore(%arg23 : memref<!tpu.dma_semaphore, #tpu.memory_space<semaphore_mem>>)
      %mul3A_87 = arith.constant 1032 : i32
      %mul3A_88 = arith.muli %arg1, %mul3A_87 : i32
      %add3A_89 = arith.constant 387 : i32
      %add3A_90 = arith.addi %mul3A_88, %add3A_89 : i32
      %dma_start3A_91 = arith.constant 0 : i32
      %dma_start3A_92 = tpu.memref_slice %arg18[%add3A_90, %dma_start3A_91] : memref<16512x64xf32, #tpu.memory_space<vmem_shared>> -> memref<43x64xf32, #tpu.memory_space<vmem_shared>>
      %dma_start3A_93 = arith.constant 0 : i32
      %dma_start3A_94 = tpu.memref_slice %arg18[%add3A_90, %dma_start3A_93] : memref<16512x64xf32, #tpu.memory_space<vmem_shared>> -> memref<43x64xf32, #tpu.memory_space<vmem_shared>>
      tpu.enqueue_dma source(%arg17 : memref<43x64xf32, #tpu.memory_space<vmem>>) target(%dma_start3A_94 : memref<43x64xf32, #tpu.memory_space<vmem_shared>>) target_semaphore(%arg23 : memref<!tpu.dma_semaphore, #tpu.memory_space<semaphore_mem>>)
      %mul3A_95 = arith.constant 1032 : i32
      %mul3A_96 = arith.muli %arg1, %mul3A_95 : i32
      %add3A_97 = arith.constant 430 : i32
      %add3A_98 = arith.addi %mul3A_96, %add3A_97 : i32
      %dma_start3A_99 = arith.constant 0 : i32
      %dma_start3A_100 = tpu.memref_slice %arg18[%add3A_98, %dma_start3A_99] : memref<16512x64xf32, #tpu.memory_space<vmem_shared>> -> memref<43x64xf32, #tpu.memory_space<vmem_shared>>
      %dma_start3A_101 = arith.constant 0 : i32
      %dma_start3A_102 = tpu.memref_slice %arg18[%add3A_98, %dma_start3A_101] : memref<16512x64xf32, #tpu.memory_space<vmem_shared>> -> memref<43x64xf32, #tpu.memory_space<vmem_shared>>
      tpu.enqueue_dma source(%arg17 : memref<43x64xf32, #tpu.memory_space<vmem>>) target(%dma_start3A_102 : memref<43x64xf32, #tpu.memory_space<vmem_shared>>) target_semaphore(%arg23 : memref<!tpu.dma_semaphore, #tpu.memory_space<semaphore_mem>>)
      %mul3A_103 = arith.constant 1032 : i32
      %mul3A_104 = arith.muli %arg1, %mul3A_103 : i32
      %add3A_105 = arith.constant 473 : i32
      %add3A_106 = arith.addi %mul3A_104, %add3A_105 : i32
      %dma_start3A_107 = arith.constant 0 : i32
      %dma_start3A_108 = tpu.memref_slice %arg18[%add3A_106, %dma_start3A_107] : memref<16512x64xf32, #tpu.memory_space<vmem_shared>> -> memref<43x64xf32, #tpu.memory_space<vmem_shared>>
      %dma_start3A_109 = arith.constant 0 : i32
      %dma_start3A_110 = tpu.memref_slice %arg18[%add3A_106, %dma_start3A_109] : memref<16512x64xf32, #tpu.memory_space<vmem_shared>> -> memref<43x64xf32, #tpu.memory_space<vmem_shared>>
      tpu.enqueue_dma source(%arg17 : memref<43x64xf32, #tpu.memory_space<vmem>>) target(%dma_start3A_110 : memref<43x64xf32, #tpu.memory_space<vmem_shared>>) target_semaphore(%arg23 : memref<!tpu.dma_semaphore, #tpu.memory_space<semaphore_mem>>)
      %mul3A_111 = arith.constant 1032 : i32
      %mul3A_112 = arith.muli %arg1, %mul3A_111 : i32
      %add3A_113 = arith.constant 516 : i32
      %add3A_114 = arith.addi %mul3A_112, %add3A_113 : i32
      %dma_start3A_115 = arith.constant 0 : i32
      %dma_start3A_116 = tpu.memref_slice %arg18[%add3A_114, %dma_start3A_115] : memref<16512x64xf32, #tpu.memory_space<vmem_shared>> -> memref<43x64xf32, #tpu.memory_space<vmem_shared>>
      %dma_start3A_117 = arith.constant 0 : i32
      %dma_start3A_118 = tpu.memref_slice %arg18[%add3A_114, %dma_start3A_117] : memref<16512x64xf32, #tpu.memory_space<vmem_shared>> -> memref<43x64xf32, #tpu.memory_space<vmem_shared>>
      tpu.enqueue_dma source(%arg17 : memref<43x64xf32, #tpu.memory_space<vmem>>) target(%dma_start3A_118 : memref<43x64xf32, #tpu.memory_space<vmem_shared>>) target_semaphore(%arg23 : memref<!tpu.dma_semaphore, #tpu.memory_space<semaphore_mem>>)
      %mul3A_119 = arith.constant 1032 : i32
      %mul3A_120 = arith.muli %arg1, %mul3A_119 : i32
      %add3A_121 = arith.constant 559 : i32
      %add3A_122 = arith.addi %mul3A_120, %add3A_121 : i32
      %dma_start3A_123 = arith.constant 0 : i32
      %dma_start3A_124 = tpu.memref_slice %arg18[%add3A_122, %dma_start3A_123] : memref<16512x64xf32, #tpu.memory_space<vmem_shared>> -> memref<43x64xf32, #tpu.memory_space<vmem_shared>>
      %dma_start3A_125 = arith.constant 0 : i32
      %dma_start3A_126 = tpu.memref_slice %arg18[%add3A_122, %dma_start3A_125] : memref<16512x64xf32, #tpu.memory_space<vmem_shared>> -> memref<43x64xf32, #tpu.memory_space<vmem_shared>>
      tpu.enqueue_dma source(%arg17 : memref<43x64xf32, #tpu.memory_space<vmem>>) target(%dma_start3A_126 : memref<43x64xf32, #tpu.memory_space<vmem_shared>>) target_semaphore(%arg23 : memref<!tpu.dma_semaphore, #tpu.memory_space<semaphore_mem>>)
      %mul3A_127 = arith.constant 1032 : i32
      %mul3A_128 = arith.muli %arg1, %mul3A_127 : i32
      %add3A_129 = arith.constant 602 : i32
      %add3A_130 = arith.addi %mul3A_128, %add3A_129 : i32
      %dma_start3A_131 = arith.constant 0 : i32
      %dma_start3A_132 = tpu.memref_slice %arg18[%add3A_130, %dma_start3A_131] : memref<16512x64xf32, #tpu.memory_space<vmem_shared>> -> memref<43x64xf32, #tpu.memory_space<vmem_shared>>
      %dma_start3A_133 = arith.constant 0 : i32
      %dma_start3A_134 = tpu.memref_slice %arg18[%add3A_130, %dma_start3A_133] : memref<16512x64xf32, #tpu.memory_space<vmem_shared>> -> memref<43x64xf32, #tpu.memory_space<vmem_shared>>
      tpu.enqueue_dma source(%arg17 : memref<43x64xf32, #tpu.memory_space<vmem>>) target(%dma_start3A_134 : memref<43x64xf32, #tpu.memory_space<vmem_shared>>) target_semaphore(%arg23 : memref<!tpu.dma_semaphore, #tpu.memory_space<semaphore_mem>>)
      %mul3A_135 = arith.constant 1032 : i32
      %mul3A_136 = arith.muli %arg1, %mul3A_135 : i32
      %add3A_137 = arith.constant 645 : i32
      %add3A_138 = arith.addi %mul3A_136, %add3A_137 : i32
      %dma_start3A_139 = arith.constant 0 : i32
      %dma_start3A_140 = tpu.memref_slice %arg18[%add3A_138, %dma_start3A_139] : memref<16512x64xf32, #tpu.memory_space<vmem_shared>> -> memref<43x64xf32, #tpu.memory_space<vmem_shared>>
      %dma_start3A_141 = arith.constant 0 : i32
      %dma_start3A_142 = tpu.memref_slice %arg18[%add3A_138, %dma_start3A_141] : memref<16512x64xf32, #tpu.memory_space<vmem_shared>> -> memref<43x64xf32, #tpu.memory_space<vmem_shared>>
      tpu.enqueue_dma source(%arg17 : memref<43x64xf32, #tpu.memory_space<vmem>>) target(%dma_start3A_142 : memref<43x64xf32, #tpu.memory_space<vmem_shared>>) target_semaphore(%arg23 : memref<!tpu.dma_semaphore, #tpu.memory_space<semaphore_mem>>)
      %mul3A_143 = arith.constant 1032 : i32
      %mul3A_144 = arith.muli %arg1, %mul3A_143 : i32
      %add3A_145 = arith.constant 688 : i32
      %add3A_146 = arith.addi %mul3A_144, %add3A_145 : i32
      %dma_start3A_147 = arith.constant 0 : i32
      %dma_start3A_148 = tpu.memref_slice %arg18[%add3A_146, %dma_start3A_147] : memref<16512x64xf32, #tpu.memory_space<vmem_shared>> -> memref<43x64xf32, #tpu.memory_space<vmem_shared>>
      %dma_start3A_149 = arith.constant 0 : i32
      %dma_start3A_150 = tpu.memref_slice %arg18[%add3A_146, %dma_start3A_149] : memref<16512x64xf32, #tpu.memory_space<vmem_shared>> -> memref<43x64xf32, #tpu.memory_space<vmem_shared>>
      tpu.enqueue_dma source(%arg17 : memref<43x64xf32, #tpu.memory_space<vmem>>) target(%dma_start3A_150 : memref<43x64xf32, #tpu.memory_space<vmem_shared>>) target_semaphore(%arg23 : memref<!tpu.dma_semaphore, #tpu.memory_space<semaphore_mem>>)
      %mul3A_151 = arith.constant 1032 : i32
      %mul3A_152 = arith.muli %arg1, %mul3A_151 : i32
      %add3A_153 = arith.constant 731 : i32
      %add3A_154 = arith.addi %mul3A_152, %add3A_153 : i32
      %dma_start3A_155 = arith.constant 0 : i32
      %dma_start3A_156 = tpu.memref_slice %arg18[%add3A_154, %dma_start3A_155] : memref<16512x64xf32, #tpu.memory_space<vmem_shared>> -> memref<43x64xf32, #tpu.memory_space<vmem_shared>>
      %dma_start3A_157 = arith.constant 0 : i32
      %dma_start3A_158 = tpu.memref_slice %arg18[%add3A_154, %dma_start3A_157] : memref<16512x64xf32, #tpu.memory_space<vmem_shared>> -> memref<43x64xf32, #tpu.memory_space<vmem_shared>>
      tpu.enqueue_dma source(%arg17 : memref<43x64xf32, #tpu.memory_space<vmem>>) target(%dma_start3A_158 : memref<43x64xf32, #tpu.memory_space<vmem_shared>>) target_semaphore(%arg23 : memref<!tpu.dma_semaphore, #tpu.memory_space<semaphore_mem>>)
      %mul3A_159 = arith.constant 1032 : i32
      %mul3A_160 = arith.muli %arg1, %mul3A_159 : i32
      %add3A_161 = arith.constant 774 : i32
      %add3A_162 = arith.addi %mul3A_160, %add3A_161 : i32
      %dma_start3A_163 = arith.constant 0 : i32
      %dma_start3A_164 = tpu.memref_slice %arg18[%add3A_162, %dma_start3A_163] : memref<16512x64xf32, #tpu.memory_space<vmem_shared>> -> memref<43x64xf32, #tpu.memory_space<vmem_shared>>
      %dma_start3A_165 = arith.constant 0 : i32
      %dma_start3A_166 = tpu.memref_slice %arg18[%add3A_162, %dma_start3A_165] : memref<16512x64xf32, #tpu.memory_space<vmem_shared>> -> memref<43x64xf32, #tpu.memory_space<vmem_shared>>
      tpu.enqueue_dma source(%arg17 : memref<43x64xf32, #tpu.memory_space<vmem>>) target(%dma_start3A_166 : memref<43x64xf32, #tpu.memory_space<vmem_shared>>) target_semaphore(%arg23 : memref<!tpu.dma_semaphore, #tpu.memory_space<semaphore_mem>>)
      %mul3A_167 = arith.constant 1032 : i32
      %mul3A_168 = arith.muli %arg1, %mul3A_167 : i32
      %add3A_169 = arith.constant 817 : i32
      %add3A_170 = arith.addi %mul3A_168, %add3A_169 : i32
      %dma_start3A_171 = arith.constant 0 : i32
      %dma_start3A_172 = tpu.memref_slice %arg18[%add3A_170, %dma_start3A_171] : memref<16512x64xf32, #tpu.memory_space<vmem_shared>> -> memref<43x64xf32, #tpu.memory_space<vmem_shared>>
      %dma_start3A_173 = arith.constant 0 : i32
      %dma_start3A_174 = tpu.memref_slice %arg18[%add3A_170, %dma_start3A_173] : memref<16512x64xf32, #tpu.memory_space<vmem_shared>> -> memref<43x64xf32, #tpu.memory_space<vmem_shared>>
      tpu.enqueue_dma source(%arg17 : memref<43x64xf32, #tpu.memory_space<vmem>>) target(%dma_start3A_174 : memref<43x64xf32, #tpu.memory_space<vmem_shared>>) target_semaphore(%arg23 : memref<!tpu.dma_semaphore, #tpu.memory_space<semaphore_mem>>)
      %mul3A_175 = arith.constant 1032 : i32
      %mul3A_176 = arith.muli %arg1, %mul3A_175 : i32
      %add3A_177 = arith.constant 860 : i32
      %add3A_178 = arith.addi %mul3A_176, %add3A_177 : i32
      %dma_start3A_179 = arith.constant 0 : i32
      %dma_start3A_180 = tpu.memref_slice %arg18[%add3A_178, %dma_start3A_179] : memref<16512x64xf32, #tpu.memory_space<vmem_shared>> -> memref<43x64xf32, #tpu.memory_space<vmem_shared>>
      %dma_start3A_181 = arith.constant 0 : i32
      %dma_start3A_182 = tpu.memref_slice %arg18[%add3A_178, %dma_start3A_181] : memref<16512x64xf32, #tpu.memory_space<vmem_shared>> -> memref<43x64xf32, #tpu.memory_space<vmem_shared>>
      tpu.enqueue_dma source(%arg17 : memref<43x64xf32, #tpu.memory_space<vmem>>) target(%dma_start3A_182 : memref<43x64xf32, #tpu.memory_space<vmem_shared>>) target_semaphore(%arg23 : memref<!tpu.dma_semaphore, #tpu.memory_space<semaphore_mem>>)
      %mul3A_183 = arith.constant 1032 : i32
      %mul3A_184 = arith.muli %arg1, %mul3A_183 : i32
      %add3A_185 = arith.constant 903 : i32
      %add3A_186 = arith.addi %mul3A_184, %add3A_185 : i32
      %dma_start3A_187 = arith.constant 0 : i32
      %dma_start3A_188 = tpu.memref_slice %arg18[%add3A_186, %dma_start3A_187] : memref<16512x64xf32, #tpu.memory_space<vmem_shared>> -> memref<43x64xf32, #tpu.memory_space<vmem_shared>>
      %dma_start3A_189 = arith.constant 0 : i32
      %dma_start3A_190 = tpu.memref_slice %arg18[%add3A_186, %dma_start3A_189] : memref<16512x64xf32, #tpu.memory_space<vmem_shared>> -> memref<43x64xf32, #tpu.memory_space<vmem_shared>>
      tpu.enqueue_dma source(%arg17 : memref<43x64xf32, #tpu.memory_space<vmem>>) target(%dma_start3A_190 : memref<43x64xf32, #tpu.memory_space<vmem_shared>>) target_semaphore(%arg23 : memref<!tpu.dma_semaphore, #tpu.memory_space<semaphore_mem>>)
      %mul3A_191 = arith.constant 1032 : i32
      %mul3A_192 = arith.muli %arg1, %mul3A_191 : i32
      %add3A_193 = arith.constant 946 : i32
      %add3A_194 = arith.addi %mul3A_192, %add3A_193 : i32
      %dma_start3A_195 = arith.constant 0 : i32
      %dma_start3A_196 = tpu.memref_slice %arg18[%add3A_194, %dma_start3A_195] : memref<16512x64xf32, #tpu.memory_space<vmem_shared>> -> memref<43x64xf32, #tpu.memory_space<vmem_shared>>
      %dma_start3A_197 = arith.constant 0 : i32
      %dma_start3A_198 = tpu.memref_slice %arg18[%add3A_194, %dma_start3A_197] : memref<16512x64xf32, #tpu.memory_space<vmem_shared>> -> memref<43x64xf32, #tpu.memory_space<vmem_shared>>
      tpu.enqueue_dma source(%arg17 : memref<43x64xf32, #tpu.memory_space<vmem>>) target(%dma_start3A_198 : memref<43x64xf32, #tpu.memory_space<vmem_shared>>) target_semaphore(%arg23 : memref<!tpu.dma_semaphore, #tpu.memory_space<semaphore_mem>>)
      %mul3A_199 = arith.constant 1032 : i32
      %mul3A_200 = arith.muli %arg1, %mul3A_199 : i32
      %add3A_201 = arith.constant 989 : i32
      %add3A_202 = arith.addi %mul3A_200, %add3A_201 : i32
      %dma_start3A_203 = arith.constant 0 : i32
      %dma_start3A_204 = tpu.memref_slice %arg18[%add3A_202, %dma_start3A_203] : memref<16512x64xf32, #tpu.memory_space<vmem_shared>> -> memref<43x64xf32, #tpu.memory_space<vmem_shared>>
      %dma_start3A_205 = arith.constant 0 : i32
      %dma_start3A_206 = tpu.memref_slice %arg18[%add3A_202, %dma_start3A_205] : memref<16512x64xf32, #tpu.memory_space<vmem_shared>> -> memref<43x64xf32, #tpu.memory_space<vmem_shared>>
      tpu.enqueue_dma source(%arg17 : memref<43x64xf32, #tpu.memory_space<vmem>>) target(%dma_start3A_206 : memref<43x64xf32, #tpu.memory_space<vmem_shared>>) target_semaphore(%arg23 : memref<!tpu.dma_semaphore, #tpu.memory_space<semaphore_mem>>)
      %mul3A_207 = arith.constant 1032 : i32
      %mul3A_208 = arith.muli %arg1, %mul3A_207 : i32
      %add3A_209 = arith.constant 0 : i32
      %add3A_210 = arith.addi %mul3A_208, %add3A_209 : i32
      %dma_wait3A = arith.constant 0 : i32
      %dma_wait3A_211 = tpu.memref_slice %arg18[%add3A_210, %dma_wait3A] : memref<16512x64xf32, #tpu.memory_space<vmem_shared>> -> memref<43x64xf32, #tpu.memory_space<vmem_shared>>
      %dma_wait3A_212 = arith.constant 0 : i32
      %dma_wait3A_213 = tpu.memref_slice %arg18[%add3A_210, %dma_wait3A_212] : memref<16512x64xf32, #tpu.memory_space<vmem_shared>> -> memref<43x64xf32, #tpu.memory_space<vmem_shared>>
      tpu.wait_dma2 semaphore(%arg23 : memref<!tpu.dma_semaphore, #tpu.memory_space<semaphore_mem>>) src(%arg17 : memref<43x64xf32, #tpu.memory_space<vmem>>) dst(%dma_wait3A_213 : memref<43x64xf32, #tpu.memory_space<vmem_shared>>)
      %mul3A_214 = arith.constant 1032 : i32
      %mul3A_215 = arith.muli %arg1, %mul3A_214 : i32
      %add3A_216 = arith.constant 43 : i32
      %add3A_217 = arith.addi %mul3A_215, %add3A_216 : i32
      %dma_wait3A_218 = arith.constant 0 : i32
      %dma_wait3A_219 = tpu.memref_slice %arg18[%add3A_217, %dma_wait3A_218] : memref<16512x64xf32, #tpu.memory_space<vmem_shared>> -> memref<43x64xf32, #tpu.memory_space<vmem_shared>>
      %dma_wait3A_220 = arith.constant 0 : i32
      %dma_wait3A_221 = tpu.memref_slice %arg18[%add3A_217, %dma_wait3A_220] : memref<16512x64xf32, #tpu.memory_space<vmem_shared>> -> memref<43x64xf32, #tpu.memory_space<vmem_shared>>
      tpu.wait_dma2 semaphore(%arg23 : memref<!tpu.dma_semaphore, #tpu.memory_space<semaphore_mem>>) src(%arg17 : memref<43x64xf32, #tpu.memory_space<vmem>>) dst(%dma_wait3A_221 : memref<43x64xf32, #tpu.memory_space<vmem_shared>>)
      %mul3A_222 = arith.constant 1032 : i32
      %mul3A_223 = arith.muli %arg1, %mul3A_222 : i32
      %add3A_224 = arith.constant 86 : i32
      %add3A_225 = arith.addi %mul3A_223, %add3A_224 : i32
      %dma_wait3A_226 = arith.constant 0 : i32
      %dma_wait3A_227 = tpu.memref_slice %arg18[%add3A_225, %dma_wait3A_226] : memref<16512x64xf32, #tpu.memory_space<vmem_shared>> -> memref<43x64xf32, #tpu.memory_space<vmem_shared>>
      %dma_wait3A_228 = arith.constant 0 : i32
      %dma_wait3A_229 = tpu.memref_slice %arg18[%add3A_225, %dma_wait3A_228] : memref<16512x64xf32, #tpu.memory_space<vmem_shared>> -> memref<43x64xf32, #tpu.memory_space<vmem_shared>>
      tpu.wait_dma2 semaphore(%arg23 : memref<!tpu.dma_semaphore, #tpu.memory_space<semaphore_mem>>) src(%arg17 : memref<43x64xf32, #tpu.memory_space<vmem>>) dst(%dma_wait3A_229 : memref<43x64xf32, #tpu.memory_space<vmem_shared>>)
      %mul3A_230 = arith.constant 1032 : i32
      %mul3A_231 = arith.muli %arg1, %mul3A_230 : i32
      %add3A_232 = arith.constant 129 : i32
      %add3A_233 = arith.addi %mul3A_231, %add3A_232 : i32
      %dma_wait3A_234 = arith.constant 0 : i32
      %dma_wait3A_235 = tpu.memref_slice %arg18[%add3A_233, %dma_wait3A_234] : memref<16512x64xf32, #tpu.memory_space<vmem_shared>> -> memref<43x64xf32, #tpu.memory_space<vmem_shared>>
      %dma_wait3A_236 = arith.constant 0 : i32
      %dma_wait3A_237 = tpu.memref_slice %arg18[%add3A_233, %dma_wait3A_236] : memref<16512x64xf32, #tpu.memory_space<vmem_shared>> -> memref<43x64xf32, #tpu.memory_space<vmem_shared>>
      tpu.wait_dma2 semaphore(%arg23 : memref<!tpu.dma_semaphore, #tpu.memory_space<semaphore_mem>>) src(%arg17 : memref<43x64xf32, #tpu.memory_space<vmem>>) dst(%dma_wait3A_237 : memref<43x64xf32, #tpu.memory_space<vmem_shared>>)
      %mul3A_238 = arith.constant 1032 : i32
      %mul3A_239 = arith.muli %arg1, %mul3A_238 : i32
      %add3A_240 = arith.constant 172 : i32
      %add3A_241 = arith.addi %mul3A_239, %add3A_240 : i32
      %dma_wait3A_242 = arith.constant 0 : i32
      %dma_wait3A_243 = tpu.memref_slice %arg18[%add3A_241, %dma_wait3A_242] : memref<16512x64xf32, #tpu.memory_space<vmem_shared>> -> memref<43x64xf32, #tpu.memory_space<vmem_shared>>
      %dma_wait3A_244 = arith.constant 0 : i32
      %dma_wait3A_245 = tpu.memref_slice %arg18[%add3A_241, %dma_wait3A_244] : memref<16512x64xf32, #tpu.memory_space<vmem_shared>> -> memref<43x64xf32, #tpu.memory_space<vmem_shared>>
      tpu.wait_dma2 semaphore(%arg23 : memref<!tpu.dma_semaphore, #tpu.memory_space<semaphore_mem>>) src(%arg17 : memref<43x64xf32, #tpu.memory_space<vmem>>) dst(%dma_wait3A_245 : memref<43x64xf32, #tpu.memory_space<vmem_shared>>)
      %mul3A_246 = arith.constant 1032 : i32
      %mul3A_247 = arith.muli %arg1, %mul3A_246 : i32
      %add3A_248 = arith.constant 215 : i32
      %add3A_249 = arith.addi %mul3A_247, %add3A_248 : i32
      %dma_wait3A_250 = arith.constant 0 : i32
      %dma_wait3A_251 = tpu.memref_slice %arg18[%add3A_249, %dma_wait3A_250] : memref<16512x64xf32, #tpu.memory_space<vmem_shared>> -> memref<43x64xf32, #tpu.memory_space<vmem_shared>>
      %dma_wait3A_252 = arith.constant 0 : i32
      %dma_wait3A_253 = tpu.memref_slice %arg18[%add3A_249, %dma_wait3A_252] : memref<16512x64xf32, #tpu.memory_space<vmem_shared>> -> memref<43x64xf32, #tpu.memory_space<vmem_shared>>
      tpu.wait_dma2 semaphore(%arg23 : memref<!tpu.dma_semaphore, #tpu.memory_space<semaphore_mem>>) src(%arg17 : memref<43x64xf32, #tpu.memory_space<vmem>>) dst(%dma_wait3A_253 : memref<43x64xf32, #tpu.memory_space<vmem_shared>>)
      %mul3A_254 = arith.constant 1032 : i32
      %mul3A_255 = arith.muli %arg1, %mul3A_254 : i32
      %add3A_256 = arith.constant 258 : i32
      %add3A_257 = arith.addi %mul3A_255, %add3A_256 : i32
      %dma_wait3A_258 = arith.constant 0 : i32
      %dma_wait3A_259 = tpu.memref_slice %arg18[%add3A_257, %dma_wait3A_258] : memref<16512x64xf32, #tpu.memory_space<vmem_shared>> -> memref<43x64xf32, #tpu.memory_space<vmem_shared>>
      %dma_wait3A_260 = arith.constant 0 : i32
      %dma_wait3A_261 = tpu.memref_slice %arg18[%add3A_257, %dma_wait3A_260] : memref<16512x64xf32, #tpu.memory_space<vmem_shared>> -> memref<43x64xf32, #tpu.memory_space<vmem_shared>>
      tpu.wait_dma2 semaphore(%arg23 : memref<!tpu.dma_semaphore, #tpu.memory_space<semaphore_mem>>) src(%arg17 : memref<43x64xf32, #tpu.memory_space<vmem>>) dst(%dma_wait3A_261 : memref<43x64xf32, #tpu.memory_space<vmem_shared>>)
      %mul3A_262 = arith.constant 1032 : i32
      %mul3A_263 = arith.muli %arg1, %mul3A_262 : i32
      %add3A_264 = arith.constant 301 : i32
      %add3A_265 = arith.addi %mul3A_263, %add3A_264 : i32
      %dma_wait3A_266 = arith.constant 0 : i32
      %dma_wait3A_267 = tpu.memref_slice %arg18[%add3A_265, %dma_wait3A_266] : memref<16512x64xf32, #tpu.memory_space<vmem_shared>> -> memref<43x64xf32, #tpu.memory_space<vmem_shared>>
      %dma_wait3A_268 = arith.constant 0 : i32
      %dma_wait3A_269 = tpu.memref_slice %arg18[%add3A_265, %dma_wait3A_268] : memref<16512x64xf32, #tpu.memory_space<vmem_shared>> -> memref<43x64xf32, #tpu.memory_space<vmem_shared>>
      tpu.wait_dma2 semaphore(%arg23 : memref<!tpu.dma_semaphore, #tpu.memory_space<semaphore_mem>>) src(%arg17 : memref<43x64xf32, #tpu.memory_space<vmem>>) dst(%dma_wait3A_269 : memref<43x64xf32, #tpu.memory_space<vmem_shared>>)
      %mul3A_270 = arith.constant 1032 : i32
      %mul3A_271 = arith.muli %arg1, %mul3A_270 : i32
      %add3A_272 = arith.constant 344 : i32
      %add3A_273 = arith.addi %mul3A_271, %add3A_272 : i32
      %dma_wait3A_274 = arith.constant 0 : i32
      %dma_wait3A_275 = tpu.memref_slice %arg18[%add3A_273, %dma_wait3A_274] : memref<16512x64xf32, #tpu.memory_space<vmem_shared>> -> memref<43x64xf32, #tpu.memory_space<vmem_shared>>
      %dma_wait3A_276 = arith.constant 0 : i32
      %dma_wait3A_277 = tpu.memref_slice %arg18[%add3A_273, %dma_wait3A_276] : memref<16512x64xf32, #tpu.memory_space<vmem_shared>> -> memref<43x64xf32, #tpu.memory_space<vmem_shared>>
      tpu.wait_dma2 semaphore(%arg23 : memref<!tpu.dma_semaphore, #tpu.memory_space<semaphore_mem>>) src(%arg17 : memref<43x64xf32, #tpu.memory_space<vmem>>) dst(%dma_wait3A_277 : memref<43x64xf32, #tpu.memory_space<vmem_shared>>)
      %mul3A_278 = arith.constant 1032 : i32
      %mul3A_279 = arith.muli %arg1, %mul3A_278 : i32
      %add3A_280 = arith.constant 387 : i32
      %add3A_281 = arith.addi %mul3A_279, %add3A_280 : i32
      %dma_wait3A_282 = arith.constant 0 : i32
      %dma_wait3A_283 = tpu.memref_slice %arg18[%add3A_281, %dma_wait3A_282] : memref<16512x64xf32, #tpu.memory_space<vmem_shared>> -> memref<43x64xf32, #tpu.memory_space<vmem_shared>>
      %dma_wait3A_284 = arith.constant 0 : i32
      %dma_wait3A_285 = tpu.memref_slice %arg18[%add3A_281, %dma_wait3A_284] : memref<16512x64xf32, #tpu.memory_space<vmem_shared>> -> memref<43x64xf32, #tpu.memory_space<vmem_shared>>
      tpu.wait_dma2 semaphore(%arg23 : memref<!tpu.dma_semaphore, #tpu.memory_space<semaphore_mem>>) src(%arg17 : memref<43x64xf32, #tpu.memory_space<vmem>>) dst(%dma_wait3A_285 : memref<43x64xf32, #tpu.memory_space<vmem_shared>>)
      %mul3A_286 = arith.constant 1032 : i32
      %mul3A_287 = arith.muli %arg1, %mul3A_286 : i32
      %add3A_288 = arith.constant 430 : i32
      %add3A_289 = arith.addi %mul3A_287, %add3A_288 : i32
      %dma_wait3A_290 = arith.constant 0 : i32
      %dma_wait3A_291 = tpu.memref_slice %arg18[%add3A_289, %dma_wait3A_290] : memref<16512x64xf32, #tpu.memory_space<vmem_shared>> -> memref<43x64xf32, #tpu.memory_space<vmem_shared>>
      %dma_wait3A_292 = arith.constant 0 : i32
      %dma_wait3A_293 = tpu.memref_slice %arg18[%add3A_289, %dma_wait3A_292] : memref<16512x64xf32, #tpu.memory_space<vmem_shared>> -> memref<43x64xf32, #tpu.memory_space<vmem_shared>>
      tpu.wait_dma2 semaphore(%arg23 : memref<!tpu.dma_semaphore, #tpu.memory_space<semaphore_mem>>) src(%arg17 : memref<43x64xf32, #tpu.memory_space<vmem>>) dst(%dma_wait3A_293 : memref<43x64xf32, #tpu.memory_space<vmem_shared>>)
      %mul3A_294 = arith.constant 1032 : i32
      %mul3A_295 = arith.muli %arg1, %mul3A_294 : i32
      %add3A_296 = arith.constant 473 : i32
      %add3A_297 = arith.addi %mul3A_295, %add3A_296 : i32
      %dma_wait3A_298 = arith.constant 0 : i32
      %dma_wait3A_299 = tpu.memref_slice %arg18[%add3A_297, %dma_wait3A_298] : memref<16512x64xf32, #tpu.memory_space<vmem_shared>> -> memref<43x64xf32, #tpu.memory_space<vmem_shared>>
      %dma_wait3A_300 = arith.constant 0 : i32
      %dma_wait3A_301 = tpu.memref_slice %arg18[%add3A_297, %dma_wait3A_300] : memref<16512x64xf32, #tpu.memory_space<vmem_shared>> -> memref<43x64xf32, #tpu.memory_space<vmem_shared>>
      tpu.wait_dma2 semaphore(%arg23 : memref<!tpu.dma_semaphore, #tpu.memory_space<semaphore_mem>>) src(%arg17 : memref<43x64xf32, #tpu.memory_space<vmem>>) dst(%dma_wait3A_301 : memref<43x64xf32, #tpu.memory_space<vmem_shared>>)
      %mul3A_302 = arith.constant 1032 : i32
      %mul3A_303 = arith.muli %arg1, %mul3A_302 : i32
      %add3A_304 = arith.constant 516 : i32
      %add3A_305 = arith.addi %mul3A_303, %add3A_304 : i32
      %dma_wait3A_306 = arith.constant 0 : i32
      %dma_wait3A_307 = tpu.memref_slice %arg18[%add3A_305, %dma_wait3A_306] : memref<16512x64xf32, #tpu.memory_space<vmem_shared>> -> memref<43x64xf32, #tpu.memory_space<vmem_shared>>
      %dma_wait3A_308 = arith.constant 0 : i32
      %dma_wait3A_309 = tpu.memref_slice %arg18[%add3A_305, %dma_wait3A_308] : memref<16512x64xf32, #tpu.memory_space<vmem_shared>> -> memref<43x64xf32, #tpu.memory_space<vmem_shared>>
      tpu.wait_dma2 semaphore(%arg23 : memref<!tpu.dma_semaphore, #tpu.memory_space<semaphore_mem>>) src(%arg17 : memref<43x64xf32, #tpu.memory_space<vmem>>) dst(%dma_wait3A_309 : memref<43x64xf32, #tpu.memory_space<vmem_shared>>)
      %mul3A_310 = arith.constant 1032 : i32
      %mul3A_311 = arith.muli %arg1, %mul3A_310 : i32
      %add3A_312 = arith.constant 559 : i32
      %add3A_313 = arith.addi %mul3A_311, %add3A_312 : i32
      %dma_wait3A_314 = arith.constant 0 : i32
      %dma_wait3A_315 = tpu.memref_slice %arg18[%add3A_313, %dma_wait3A_314] : memref<16512x64xf32, #tpu.memory_space<vmem_shared>> -> memref<43x64xf32, #tpu.memory_space<vmem_shared>>
      %dma_wait3A_316 = arith.constant 0 : i32
      %dma_wait3A_317 = tpu.memref_slice %arg18[%add3A_313, %dma_wait3A_316] : memref<16512x64xf32, #tpu.memory_space<vmem_shared>> -> memref<43x64xf32, #tpu.memory_space<vmem_shared>>
      tpu.wait_dma2 semaphore(%arg23 : memref<!tpu.dma_semaphore, #tpu.memory_space<semaphore_mem>>) src(%arg17 : memref<43x64xf32, #tpu.memory_space<vmem>>) dst(%dma_wait3A_317 : memref<43x64xf32, #tpu.memory_space<vmem_shared>>)
      %mul3A_318 = arith.constant 1032 : i32
      %mul3A_319 = arith.muli %arg1, %mul3A_318 : i32
      %add3A_320 = arith.constant 602 : i32
      %add3A_321 = arith.addi %mul3A_319, %add3A_320 : i32
      %dma_wait3A_322 = arith.constant 0 : i32
      %dma_wait3A_323 = tpu.memref_slice %arg18[%add3A_321, %dma_wait3A_322] : memref<16512x64xf32, #tpu.memory_space<vmem_shared>> -> memref<43x64xf32, #tpu.memory_space<vmem_shared>>
      %dma_wait3A_324 = arith.constant 0 : i32
      %dma_wait3A_325 = tpu.memref_slice %arg18[%add3A_321, %dma_wait3A_324] : memref<16512x64xf32, #tpu.memory_space<vmem_shared>> -> memref<43x64xf32, #tpu.memory_space<vmem_shared>>
      tpu.wait_dma2 semaphore(%arg23 : memref<!tpu.dma_semaphore, #tpu.memory_space<semaphore_mem>>) src(%arg17 : memref<43x64xf32, #tpu.memory_space<vmem>>) dst(%dma_wait3A_325 : memref<43x64xf32, #tpu.memory_space<vmem_shared>>)
      %mul3A_326 = arith.constant 1032 : i32
      %mul3A_327 = arith.muli %arg1, %mul3A_326 : i32
      %add3A_328 = arith.constant 645 : i32
      %add3A_329 = arith.addi %mul3A_327, %add3A_328 : i32
      %dma_wait3A_330 = arith.constant 0 : i32
      %dma_wait3A_331 = tpu.memref_slice %arg18[%add3A_329, %dma_wait3A_330] : memref<16512x64xf32, #tpu.memory_space<vmem_shared>> -> memref<43x64xf32, #tpu.memory_space<vmem_shared>>
      %dma_wait3A_332 = arith.constant 0 : i32
      %dma_wait3A_333 = tpu.memref_slice %arg18[%add3A_329, %dma_wait3A_332] : memref<16512x64xf32, #tpu.memory_space<vmem_shared>> -> memref<43x64xf32, #tpu.memory_space<vmem_shared>>
      tpu.wait_dma2 semaphore(%arg23 : memref<!tpu.dma_semaphore, #tpu.memory_space<semaphore_mem>>) src(%arg17 : memref<43x64xf32, #tpu.memory_space<vmem>>) dst(%dma_wait3A_333 : memref<43x64xf32, #tpu.memory_space<vmem_shared>>)
      %mul3A_334 = arith.constant 1032 : i32
      %mul3A_335 = arith.muli %arg1, %mul3A_334 : i32
      %add3A_336 = arith.constant 688 : i32
      %add3A_337 = arith.addi %mul3A_335, %add3A_336 : i32
      %dma_wait3A_338 = arith.constant 0 : i32
      %dma_wait3A_339 = tpu.memref_slice %arg18[%add3A_337, %dma_wait3A_338] : memref<16512x64xf32, #tpu.memory_space<vmem_shared>> -> memref<43x64xf32, #tpu.memory_space<vmem_shared>>
      %dma_wait3A_340 = arith.constant 0 : i32
      %dma_wait3A_341 = tpu.memref_slice %arg18[%add3A_337, %dma_wait3A_340] : memref<16512x64xf32, #tpu.memory_space<vmem_shared>> -> memref<43x64xf32, #tpu.memory_space<vmem_shared>>
      tpu.wait_dma2 semaphore(%arg23 : memref<!tpu.dma_semaphore, #tpu.memory_space<semaphore_mem>>) src(%arg17 : memref<43x64xf32, #tpu.memory_space<vmem>>) dst(%dma_wait3A_341 : memref<43x64xf32, #tpu.memory_space<vmem_shared>>)
      %mul3A_342 = arith.constant 1032 : i32
      %mul3A_343 = arith.muli %arg1, %mul3A_342 : i32
      %add3A_344 = arith.constant 731 : i32
      %add3A_345 = arith.addi %mul3A_343, %add3A_344 : i32
      %dma_wait3A_346 = arith.constant 0 : i32
      %dma_wait3A_347 = tpu.memref_slice %arg18[%add3A_345, %dma_wait3A_346] : memref<16512x64xf32, #tpu.memory_space<vmem_shared>> -> memref<43x64xf32, #tpu.memory_space<vmem_shared>>
      %dma_wait3A_348 = arith.constant 0 : i32
      %dma_wait3A_349 = tpu.memref_slice %arg18[%add3A_345, %dma_wait3A_348] : memref<16512x64xf32, #tpu.memory_space<vmem_shared>> -> memref<43x64xf32, #tpu.memory_space<vmem_shared>>
      tpu.wait_dma2 semaphore(%arg23 : memref<!tpu.dma_semaphore, #tpu.memory_space<semaphore_mem>>) src(%arg17 : memref<43x64xf32, #tpu.memory_space<vmem>>) dst(%dma_wait3A_349 : memref<43x64xf32, #tpu.memory_space<vmem_shared>>)
      %mul3A_350 = arith.constant 1032 : i32
      %mul3A_351 = arith.muli %arg1, %mul3A_350 : i32
      %add3A_352 = arith.constant 774 : i32
      %add3A_353 = arith.addi %mul3A_351, %add3A_352 : i32
      %dma_wait3A_354 = arith.constant 0 : i32
      %dma_wait3A_355 = tpu.memref_slice %arg18[%add3A_353, %dma_wait3A_354] : memref<16512x64xf32, #tpu.memory_space<vmem_shared>> -> memref<43x64xf32, #tpu.memory_space<vmem_shared>>
      %dma_wait3A_356 = arith.constant 0 : i32
      %dma_wait3A_357 = tpu.memref_slice %arg18[%add3A_353, %dma_wait3A_356] : memref<16512x64xf32, #tpu.memory_space<vmem_shared>> -> memref<43x64xf32, #tpu.memory_space<vmem_shared>>
      tpu.wait_dma2 semaphore(%arg23 : memref<!tpu.dma_semaphore, #tpu.memory_space<semaphore_mem>>) src(%arg17 : memref<43x64xf32, #tpu.memory_space<vmem>>) dst(%dma_wait3A_357 : memref<43x64xf32, #tpu.memory_space<vmem_shared>>)
      %mul3A_358 = arith.constant 1032 : i32
      %mul3A_359 = arith.muli %arg1, %mul3A_358 : i32
      %add3A_360 = arith.constant 817 : i32
      %add3A_361 = arith.addi %mul3A_359, %add3A_360 : i32
      %dma_wait3A_362 = arith.constant 0 : i32
      %dma_wait3A_363 = tpu.memref_slice %arg18[%add3A_361, %dma_wait3A_362] : memref<16512x64xf32, #tpu.memory_space<vmem_shared>> -> memref<43x64xf32, #tpu.memory_space<vmem_shared>>
      %dma_wait3A_364 = arith.constant 0 : i32
      %dma_wait3A_365 = tpu.memref_slice %arg18[%add3A_361, %dma_wait3A_364] : memref<16512x64xf32, #tpu.memory_space<vmem_shared>> -> memref<43x64xf32, #tpu.memory_space<vmem_shared>>
      tpu.wait_dma2 semaphore(%arg23 : memref<!tpu.dma_semaphore, #tpu.memory_space<semaphore_mem>>) src(%arg17 : memref<43x64xf32, #tpu.memory_space<vmem>>) dst(%dma_wait3A_365 : memref<43x64xf32, #tpu.memory_space<vmem_shared>>)
      %mul3A_366 = arith.constant 1032 : i32
      %mul3A_367 = arith.muli %arg1, %mul3A_366 : i32
      %add3A_368 = arith.constant 860 : i32
      %add3A_369 = arith.addi %mul3A_367, %add3A_368 : i32
      %dma_wait3A_370 = arith.constant 0 : i32
      %dma_wait3A_371 = tpu.memref_slice %arg18[%add3A_369, %dma_wait3A_370] : memref<16512x64xf32, #tpu.memory_space<vmem_shared>> -> memref<43x64xf32, #tpu.memory_space<vmem_shared>>
      %dma_wait3A_372 = arith.constant 0 : i32
      %dma_wait3A_373 = tpu.memref_slice %arg18[%add3A_369, %dma_wait3A_372] : memref<16512x64xf32, #tpu.memory_space<vmem_shared>> -> memref<43x64xf32, #tpu.memory_space<vmem_shared>>
      tpu.wait_dma2 semaphore(%arg23 : memref<!tpu.dma_semaphore, #tpu.memory_space<semaphore_mem>>) src(%arg17 : memref<43x64xf32, #tpu.memory_space<vmem>>) dst(%dma_wait3A_373 : memref<43x64xf32, #tpu.memory_space<vmem_shared>>)
      %mul3A_374 = arith.constant 1032 : i32
      %mul3A_375 = arith.muli %arg1, %mul3A_374 : i32
      %add3A_376 = arith.constant 903 : i32
      %add3A_377 = arith.addi %mul3A_375, %add3A_376 : i32
      %dma_wait3A_378 = arith.constant 0 : i32
      %dma_wait3A_379 = tpu.memref_slice %arg18[%add3A_377, %dma_wait3A_378] : memref<16512x64xf32, #tpu.memory_space<vmem_shared>> -> memref<43x64xf32, #tpu.memory_space<vmem_shared>>
      %dma_wait3A_380 = arith.constant 0 : i32
      %dma_wait3A_381 = tpu.memref_slice %arg18[%add3A_377, %dma_wait3A_380] : memref<16512x64xf32, #tpu.memory_space<vmem_shared>> -> memref<43x64xf32, #tpu.memory_space<vmem_shared>>
      tpu.wait_dma2 semaphore(%arg23 : memref<!tpu.dma_semaphore, #tpu.memory_space<semaphore_mem>>) src(%arg17 : memref<43x64xf32, #tpu.memory_space<vmem>>) dst(%dma_wait3A_381 : memref<43x64xf32, #tpu.memory_space<vmem_shared>>)
      %mul3A_382 = arith.constant 1032 : i32
      %mul3A_383 = arith.muli %arg1, %mul3A_382 : i32
      %add3A_384 = arith.constant 946 : i32
      %add3A_385 = arith.addi %mul3A_383, %add3A_384 : i32
      %dma_wait3A_386 = arith.constant 0 : i32
      %dma_wait3A_387 = tpu.memref_slice %arg18[%add3A_385, %dma_wait3A_386] : memref<16512x64xf32, #tpu.memory_space<vmem_shared>> -> memref<43x64xf32, #tpu.memory_space<vmem_shared>>
      %dma_wait3A_388 = arith.constant 0 : i32
      %dma_wait3A_389 = tpu.memref_slice %arg18[%add3A_385, %dma_wait3A_388] : memref<16512x64xf32, #tpu.memory_space<vmem_shared>> -> memref<43x64xf32, #tpu.memory_space<vmem_shared>>
      tpu.wait_dma2 semaphore(%arg23 : memref<!tpu.dma_semaphore, #tpu.memory_space<semaphore_mem>>) src(%arg17 : memref<43x64xf32, #tpu.memory_space<vmem>>) dst(%dma_wait3A_389 : memref<43x64xf32, #tpu.memory_space<vmem_shared>>)
      %mul3A_390 = arith.constant 1032 : i32
      %mul3A_391 = arith.muli %arg1, %mul3A_390 : i32
      %add3A_392 = arith.constant 989 : i32
      %add3A_393 = arith.addi %mul3A_391, %add3A_392 : i32
      %dma_wait3A_394 = arith.constant 0 : i32
      %dma_wait3A_395 = tpu.memref_slice %arg18[%add3A_393, %dma_wait3A_394] : memref<16512x64xf32, #tpu.memory_space<vmem_shared>> -> memref<43x64xf32, #tpu.memory_space<vmem_shared>>
      %dma_wait3A_396 = arith.constant 0 : i32
      %dma_wait3A_397 = tpu.memref_slice %arg18[%add3A_393, %dma_wait3A_396] : memref<16512x64xf32, #tpu.memory_space<vmem_shared>> -> memref<43x64xf32, #tpu.memory_space<vmem_shared>>
      tpu.wait_dma2 semaphore(%arg23 : memref<!tpu.dma_semaphore, #tpu.memory_space<semaphore_mem>>) src(%arg17 : memref<43x64xf32, #tpu.memory_space<vmem>>) dst(%dma_wait3A_397 : memref<43x64xf32, #tpu.memory_space<vmem_shared>>)
      %barrier3A = arith.constant 0 : index
      tpu.barrier barrier_id(%barrier3A)
      %mul3A_398 = arith.constant 2 : i32
      %mul3A_399 = arith.muli %mul3A_398, %arg1 : i32
      %add3A_400 = arith.constant 0 : i32
      %add3A_401 = arith.addi %add3A_400, %mul3A_399 : i32
      %rem3A = arith.constant 32 : i32
      %rem3A_402 = arith.remsi %add3A_401, %rem3A : i32
      %mul3A_403 = arith.constant 262144 : i32
      %mul3A_404 = arith.muli %arg1, %mul3A_403 : i32
      %mul3A_405 = arith.constant 8192 : i32
      %mul3A_406 = arith.muli %rem3A_402, %mul3A_405 : i32
      %add3A_407 = arith.addi %mul3A_404, %mul3A_406 : i32
      %dma_start3A_408 = tpu.memref_slice %arg2[%add3A_407] : memref<4194304xi32, #tpu.memory_space<hbm>> -> memref<8192xi32, #tpu.memory_space<hbm>>
      %dma_start3A_409 = tpu.memref_slice %arg2[%add3A_407] : memref<4194304xi32, #tpu.memory_space<hbm>> -> memref<8192xi32, #tpu.memory_space<hbm>>
      tpu.enqueue_dma source(%dma_start3A_409 : memref<8192xi32, #tpu.memory_space<hbm>>) target(%arg7 : memref<8192xi32, #tpu.memory_space<vmem>>) target_semaphore(%arg23 : memref<!tpu.dma_semaphore, #tpu.memory_space<semaphore_mem>>)
      %dma_start3A_410 = tpu.memref_slice %arg3[%add3A_407] : memref<4194304xi32, #tpu.memory_space<hbm>> -> memref<8192xi32, #tpu.memory_space<hbm>>
      %dma_start3A_411 = tpu.memref_slice %arg3[%add3A_407] : memref<4194304xi32, #tpu.memory_space<hbm>> -> memref<8192xi32, #tpu.memory_space<hbm>>
      tpu.enqueue_dma source(%dma_start3A_411 : memref<8192xi32, #tpu.memory_space<hbm>>) target(%arg8 : memref<8192xi32, #tpu.memory_space<vmem>>) target_semaphore(%arg23 : memref<!tpu.dma_semaphore, #tpu.memory_space<semaphore_mem>>)
      %dma_start3A_412 = tpu.memref_slice %arg4[%add3A_407] : memref<4194304xf32, #tpu.memory_space<hbm>> -> memref<8192xf32, #tpu.memory_space<hbm>>
      %dma_start3A_413 = tpu.memref_slice %arg4[%add3A_407] : memref<4194304xf32, #tpu.memory_space<hbm>> -> memref<8192xf32, #tpu.memory_space<hbm>>
      tpu.enqueue_dma source(%dma_start3A_413 : memref<8192xf32, #tpu.memory_space<hbm>>) target(%arg9 : memref<8192xf32, #tpu.memory_space<vmem>>) target_semaphore(%arg23 : memref<!tpu.dma_semaphore, #tpu.memory_space<semaphore_mem>>)
      %scan3A_414 = arith.constant 0 : i32
      %scan3A_415 = arith.constant 0 : i32
      %scan3A_416 = arith.constant 0 : i32
      %scan3A_417 = arith.constant 32 : i32
      %scan3A_418 = arith.addi %scan3A_416, %scan3A_417 : i32
      %scan3A_419 = arith.constant 1 : i32
      %scan3A_420:2 = scf.for %scan3A_436 = %scan3A_416 to %scan3A_418 step %scan3A_419 iter_args(%scan3A_437 = %scan3A_414, %scan3A_438 = %scan3A_415) -> (i32, i32)  : i32 {
        %mul3A_439 = arith.constant 2 : i32
        %mul3A_440 = arith.muli %mul3A_439, %arg1 : i32
        %add3A_441 = arith.addi %scan3A_436, %mul3A_440 : i32
        %rem3A_442 = arith.constant 32 : i32
        %rem3A_443 = arith.remsi %add3A_441, %rem3A_442 : i32
        %mul3A_444 = arith.constant 262144 : i32
        %mul3A_445 = arith.muli %arg1, %mul3A_444 : i32
        %mul3A_446 = arith.constant 8192 : i32
        %mul3A_447 = arith.muli %rem3A_443, %mul3A_446 : i32
        %add3A_448 = arith.addi %mul3A_445, %mul3A_447 : i32
        %dma_wait3A_449 = tpu.memref_slice %arg2[%add3A_448] : memref<4194304xi32, #tpu.memory_space<hbm>> -> memref<8192xi32, #tpu.memory_space<hbm>>
        %dma_wait3A_450 = tpu.memref_slice %arg2[%add3A_448] : memref<4194304xi32, #tpu.memory_space<hbm>> -> memref<8192xi32, #tpu.memory_space<hbm>>
        tpu.wait_dma2 semaphore(%arg23 : memref<!tpu.dma_semaphore, #tpu.memory_space<semaphore_mem>>) src(%dma_wait3A_450 : memref<8192xi32, #tpu.memory_space<hbm>>) dst(%arg7 : memref<8192xi32, #tpu.memory_space<vmem>>)
        %dma_wait3A_451 = tpu.memref_slice %arg3[%add3A_448] : memref<4194304xi32, #tpu.memory_space<hbm>> -> memref<8192xi32, #tpu.memory_space<hbm>>
        %dma_wait3A_452 = tpu.memref_slice %arg3[%add3A_448] : memref<4194304xi32, #tpu.memory_space<hbm>> -> memref<8192xi32, #tpu.memory_space<hbm>>
        tpu.wait_dma2 semaphore(%arg23 : memref<!tpu.dma_semaphore, #tpu.memory_space<semaphore_mem>>) src(%dma_wait3A_452 : memref<8192xi32, #tpu.memory_space<hbm>>) dst(%arg8 : memref<8192xi32, #tpu.memory_space<vmem>>)
        %dma_wait3A_453 = tpu.memref_slice %arg4[%add3A_448] : memref<4194304xf32, #tpu.memory_space<hbm>> -> memref<8192xf32, #tpu.memory_space<hbm>>
        %dma_wait3A_454 = tpu.memref_slice %arg4[%add3A_448] : memref<4194304xf32, #tpu.memory_space<hbm>> -> memref<8192xf32, #tpu.memory_space<hbm>>
        tpu.wait_dma2 semaphore(%arg23 : memref<!tpu.dma_semaphore, #tpu.memory_space<semaphore_mem>>) src(%dma_wait3A_454 : memref<8192xf32, #tpu.memory_space<hbm>>) dst(%arg9 : memref<8192xf32, #tpu.memory_space<vmem>>)
        %broadcast_in_dim3A_455 = arith.constant 0 : i32
        %broadcast_in_dim3A_456 = vector.broadcast %broadcast_in_dim3A_455 : i32 to vector<16xi32>
        %parallel_loop3A = arith.constant 0 : i32
        %parallel_loop3A_457 = arith.constant 512 : i32
        %parallel_loop3A_458 = arith.constant 1 : i32
        %parallel_loop3A_459 = scf.for %parallel_loop3A_741 = %parallel_loop3A to %parallel_loop3A_457 step %parallel_loop3A_458 iter_args(%parallel_loop3A_742 = %broadcast_in_dim3A_456) -> (vector<16xi32>)  : i32 {
          %parallel_loop3A_743 = arith.constant 16 : i32
          %parallel_loop3A_744 = arith.muli %parallel_loop3A_741, %parallel_loop3A_743 : i32
          %parallel_loop3A_745 = arith.index_cast %parallel_loop3A_744 : i32 to index
          %parallel_loop3A_746 = tpu.vector_load %arg7[%parallel_loop3A_745] {strides = array<i32>} : memref<8192xi32, #tpu.memory_space<vmem>>, vector<16xi32>,
          %parallel_loop3A_747 = arith.constant 16 : i32
          %parallel_loop3A_748 = arith.muli %parallel_loop3A_741, %parallel_loop3A_747 : i32
          %parallel_loop3A_749 = arith.index_cast %parallel_loop3A_748 : i32 to index
          %parallel_loop3A_750 = tpu.vector_load %arg8[%parallel_loop3A_749] {strides = array<i32>} : memref<8192xi32, #tpu.memory_space<vmem>>, vector<16xi32>,
          %parallel_loop3A_751 = arith.constant 16 : i32
          %parallel_loop3A_752 = arith.muli %parallel_loop3A_741, %parallel_loop3A_751 : i32
          %parallel_loop3A_753 = arith.index_cast %parallel_loop3A_752 : i32 to index
          %parallel_loop3A_754 = tpu.vector_load %arg9[%parallel_loop3A_753] {strides = array<i32>} : memref<8192xf32, #tpu.memory_space<vmem>>, vector<16xf32>,
          %parallel_loop3A_755 = vector.broadcast %mul3A_15 : i32 to vector<16xi32>
          %parallel_loop3A_756 = arith.subi %parallel_loop3A_746, %parallel_loop3A_755 : vector<16xi32>
          %parallel_loop3A_757 = arith.constant 0 : i32
          %parallel_loop3A_758 = vector.broadcast %parallel_loop3A_757 : i32 to vector<16xi32>
          %parallel_loop3A_759 = arith.cmpi sge, %parallel_loop3A_756, %parallel_loop3A_758 : vector<16xi32>
          %parallel_loop3A_760 = arith.constant 16384 : i32
          %parallel_loop3A_761 = vector.broadcast %parallel_loop3A_760 : i32 to vector<16xi32>
          %parallel_loop3A_762 = arith.cmpi slt, %parallel_loop3A_756, %parallel_loop3A_761 : vector<16xi32>
          %parallel_loop3A_763 = arith.andi %parallel_loop3A_759, %parallel_loop3A_762 : vector<16xi1>
          %parallel_loop3A_764 = arith.extui %parallel_loop3A_763 : vector<16xi1> to vector<16xi32>
          %parallel_loop3A_765 = arith.constant true
          %parallel_loop3A_766 = vector.broadcast %parallel_loop3A_765 : i1 to vector<16xi1>
          %parallel_loop3A_767 = tpu.scan <sum>, %parallel_loop3A_764 masked %parallel_loop3A_766 : vector<16xi32>, vector<16xi1> -> vector<16xi32>
          %parallel_loop3A_768 = arith.subi %parallel_loop3A_767, %parallel_loop3A_764 : vector<16xi32>
          %parallel_loop3A_769 = arith.addi %parallel_loop3A_768, %parallel_loop3A_742 : vector<16xi32>
          tpu.vector_store_idx %arg10[%parallel_loop3A_769], %parallel_loop3A_750 masked %parallel_loop3A_763 : memref<4224xi32, #tpu.memory_space<vmem>>[vector<16xi32>], vector<16xi32>, vector<16xi1>
          tpu.vector_store_idx %arg11[%parallel_loop3A_769], %parallel_loop3A_756 masked %parallel_loop3A_763 : memref<4224xi32, #tpu.memory_space<vmem>>[vector<16xi32>], vector<16xi32>, vector<16xi1>
          tpu.vector_store_idx %arg12[%parallel_loop3A_769], %parallel_loop3A_754 masked %parallel_loop3A_763 : memref<4224xf32, #tpu.memory_space<vmem>>[vector<16xi32>], vector<16xf32>, vector<16xi1>
          %parallel_loop3A_770 = tpu.all_reduce %parallel_loop3A_763 {dim = 0 : i64, kind = #tpu.reduction_kind<sum>} : vector<16xi1> -> vector<16xi32>
          %parallel_loop3A_771 = arith.addi %parallel_loop3A_742, %parallel_loop3A_770 : vector<16xi32>
          scf.yield %parallel_loop3A_771 : vector<16xi32>
        } {sc.loop_unroll_factor = 8 : i64, sc.parallel_access}
        %slice3A = vector.extract_strided_slice %parallel_loop3A_459 {offsets = [0], sizes = [1], strides = [1]} : vector<16xi32> to vector<1xi32>
        %squeeze3A = vector.extract %slice3A[0] : i32 from vector<1xi32>
        %add3A_460 = arith.constant 0 : i32
        %add3A_461 = vector.broadcast %add3A_460 : i32 to vector<16xi32>
        %add3A_462 = arith.addi %iota3A, %add3A_461 : vector<16xi32>
        %add3A_463 = arith.constant 0 : i32
        %add3A_464 = arith.addi %squeeze3A, %add3A_463 : i32
        %swap3A = arith.index_cast %add3A_464 : i32 to index
        %swap3A_465 = tpu.vector_load %arg10[%swap3A] {strides = array<i32>} : memref<4224xi32, #tpu.memory_space<vmem>>, vector<16xi32>,
        tpu.vector_store %arg10[%swap3A], %add3A_462 {strides = array<i32>} : memref<4224xi32, #tpu.memory_space<vmem>>, vector<16xi32>,
        %add3A_466 = arith.constant 16384 : i32
        %add3A_467 = vector.broadcast %add3A_466 : i32 to vector<16xi32>
        %add3A_468 = arith.addi %iota3A, %add3A_467 : vector<16xi32>
        %add3A_469 = arith.constant 0 : i32
        %add3A_470 = arith.addi %squeeze3A, %add3A_469 : i32
        %swap3A_471 = arith.index_cast %add3A_470 : i32 to index
        %swap3A_472 = tpu.vector_load %arg11[%swap3A_471] {strides = array<i32>} : memref<4224xi32, #tpu.memory_space<vmem>>, vector<16xi32>,
        tpu.vector_store %arg11[%swap3A_471], %add3A_468 {strides = array<i32>} : memref<4224xi32, #tpu.memory_space<vmem>>, vector<16xi32>,
        %add3A_473 = arith.constant 0 : i32
        %add3A_474 = arith.addi %squeeze3A, %add3A_473 : i32
        %swap3A_475 = arith.index_cast %add3A_474 : i32 to index
        %swap3A_476 = tpu.vector_load %arg12[%swap3A_475] {strides = array<i32>} : memref<4224xf32, #tpu.memory_space<vmem>>, vector<16xf32>,
        tpu.vector_store %arg12[%swap3A_475], %broadcast_in_dim3A_0 {strides = array<i32>} : memref<4224xf32, #tpu.memory_space<vmem>>, vector<16xf32>,
        %add3A_477 = arith.constant 16 : i32
        %add3A_478 = vector.broadcast %add3A_477 : i32 to vector<16xi32>
        %add3A_479 = arith.addi %iota3A, %add3A_478 : vector<16xi32>
        %add3A_480 = arith.constant 16 : i32
        %add3A_481 = arith.addi %squeeze3A, %add3A_480 : i32
        %swap3A_482 = arith.index_cast %add3A_481 : i32 to index
        %swap3A_483 = tpu.vector_load %arg10[%swap3A_482] {strides = array<i32>} : memref<4224xi32, #tpu.memory_space<vmem>>, vector<16xi32>,
        tpu.vector_store %arg10[%swap3A_482], %add3A_479 {strides = array<i32>} : memref<4224xi32, #tpu.memory_space<vmem>>, vector<16xi32>,
        %add3A_484 = arith.constant 16400 : i32
        %add3A_485 = vector.broadcast %add3A_484 : i32 to vector<16xi32>
        %add3A_486 = arith.addi %iota3A, %add3A_485 : vector<16xi32>
        %add3A_487 = arith.constant 16 : i32
        %add3A_488 = arith.addi %squeeze3A, %add3A_487 : i32
        %swap3A_489 = arith.index_cast %add3A_488 : i32 to index
        %swap3A_490 = tpu.vector_load %arg11[%swap3A_489] {strides = array<i32>} : memref<4224xi32, #tpu.memory_space<vmem>>, vector<16xi32>,
        tpu.vector_store %arg11[%swap3A_489], %add3A_486 {strides = array<i32>} : memref<4224xi32, #tpu.memory_space<vmem>>, vector<16xi32>,
        %add3A_491 = arith.constant 16 : i32
        %add3A_492 = arith.addi %squeeze3A, %add3A_491 : i32
        %swap3A_493 = arith.index_cast %add3A_492 : i32 to index
        %swap3A_494 = tpu.vector_load %arg12[%swap3A_493] {strides = array<i32>} : memref<4224xf32, #tpu.memory_space<vmem>>, vector<16xf32>,
        tpu.vector_store %arg12[%swap3A_493], %broadcast_in_dim3A_0 {strides = array<i32>} : memref<4224xf32, #tpu.memory_space<vmem>>, vector<16xf32>,
        %add3A_495 = arith.constant 32 : i32
        %add3A_496 = vector.broadcast %add3A_495 : i32 to vector<16xi32>
        %add3A_497 = arith.addi %iota3A, %add3A_496 : vector<16xi32>
        %add3A_498 = arith.constant 32 : i32
        %add3A_499 = arith.addi %squeeze3A, %add3A_498 : i32
        %swap3A_500 = arith.index_cast %add3A_499 : i32 to index
        %swap3A_501 = tpu.vector_load %arg10[%swap3A_500] {strides = array<i32>} : memref<4224xi32, #tpu.memory_space<vmem>>, vector<16xi32>,
        tpu.vector_store %arg10[%swap3A_500], %add3A_497 {strides = array<i32>} : memref<4224xi32, #tpu.memory_space<vmem>>, vector<16xi32>,
        %add3A_502 = arith.constant 16416 : i32
        %add3A_503 = vector.broadcast %add3A_502 : i32 to vector<16xi32>
        %add3A_504 = arith.addi %iota3A, %add3A_503 : vector<16xi32>
        %add3A_505 = arith.constant 32 : i32
        %add3A_506 = arith.addi %squeeze3A, %add3A_505 : i32
        %swap3A_507 = arith.index_cast %add3A_506 : i32 to index
        %swap3A_508 = tpu.vector_load %arg11[%swap3A_507] {strides = array<i32>} : memref<4224xi32, #tpu.memory_space<vmem>>, vector<16xi32>,
        tpu.vector_store %arg11[%swap3A_507], %add3A_504 {strides = array<i32>} : memref<4224xi32, #tpu.memory_space<vmem>>, vector<16xi32>,
        %add3A_509 = arith.constant 32 : i32
        %add3A_510 = arith.addi %squeeze3A, %add3A_509 : i32
        %swap3A_511 = arith.index_cast %add3A_510 : i32 to index
        %swap3A_512 = tpu.vector_load %arg12[%swap3A_511] {strides = array<i32>} : memref<4224xf32, #tpu.memory_space<vmem>>, vector<16xf32>,
        tpu.vector_store %arg12[%swap3A_511], %broadcast_in_dim3A_0 {strides = array<i32>} : memref<4224xf32, #tpu.memory_space<vmem>>, vector<16xf32>,
        %add3A_513 = arith.constant 48 : i32
        %add3A_514 = vector.broadcast %add3A_513 : i32 to vector<16xi32>
        %add3A_515 = arith.addi %iota3A, %add3A_514 : vector<16xi32>
        %add3A_516 = arith.constant 48 : i32
        %add3A_517 = arith.addi %squeeze3A, %add3A_516 : i32
        %swap3A_518 = arith.index_cast %add3A_517 : i32 to index
        %swap3A_519 = tpu.vector_load %arg10[%swap3A_518] {strides = array<i32>} : memref<4224xi32, #tpu.memory_space<vmem>>, vector<16xi32>,
        tpu.vector_store %arg10[%swap3A_518], %add3A_515 {strides = array<i32>} : memref<4224xi32, #tpu.memory_space<vmem>>, vector<16xi32>,
        %add3A_520 = arith.constant 16432 : i32
        %add3A_521 = vector.broadcast %add3A_520 : i32 to vector<16xi32>
        %add3A_522 = arith.addi %iota3A, %add3A_521 : vector<16xi32>
        %add3A_523 = arith.constant 48 : i32
        %add3A_524 = arith.addi %squeeze3A, %add3A_523 : i32
        %swap3A_525 = arith.index_cast %add3A_524 : i32 to index
        %swap3A_526 = tpu.vector_load %arg11[%swap3A_525] {strides = array<i32>} : memref<4224xi32, #tpu.memory_space<vmem>>, vector<16xi32>,
        tpu.vector_store %arg11[%swap3A_525], %add3A_522 {strides = array<i32>} : memref<4224xi32, #tpu.memory_space<vmem>>, vector<16xi32>,
        %add3A_527 = arith.constant 48 : i32
        %add3A_528 = arith.addi %squeeze3A, %add3A_527 : i32
        %swap3A_529 = arith.index_cast %add3A_528 : i32 to index
        %swap3A_530 = tpu.vector_load %arg12[%swap3A_529] {strides = array<i32>} : memref<4224xf32, #tpu.memory_space<vmem>>, vector<16xf32>,
        tpu.vector_store %arg12[%swap3A_529], %broadcast_in_dim3A_0 {strides = array<i32>} : memref<4224xf32, #tpu.memory_space<vmem>>, vector<16xf32>,
        %add3A_531 = arith.constant 64 : i32
        %add3A_532 = vector.broadcast %add3A_531 : i32 to vector<16xi32>
        %add3A_533 = arith.addi %iota3A, %add3A_532 : vector<16xi32>
        %add3A_534 = arith.constant 64 : i32
        %add3A_535 = arith.addi %squeeze3A, %add3A_534 : i32
        %swap3A_536 = arith.index_cast %add3A_535 : i32 to index
        %swap3A_537 = tpu.vector_load %arg10[%swap3A_536] {strides = array<i32>} : memref<4224xi32, #tpu.memory_space<vmem>>, vector<16xi32>,
        tpu.vector_store %arg10[%swap3A_536], %add3A_533 {strides = array<i32>} : memref<4224xi32, #tpu.memory_space<vmem>>, vector<16xi32>,
        %add3A_538 = arith.constant 16448 : i32
        %add3A_539 = vector.broadcast %add3A_538 : i32 to vector<16xi32>
        %add3A_540 = arith.addi %iota3A, %add3A_539 : vector<16xi32>
        %add3A_541 = arith.constant 64 : i32
        %add3A_542 = arith.addi %squeeze3A, %add3A_541 : i32
        %swap3A_543 = arith.index_cast %add3A_542 : i32 to index
        %swap3A_544 = tpu.vector_load %arg11[%swap3A_543] {strides = array<i32>} : memref<4224xi32, #tpu.memory_space<vmem>>, vector<16xi32>,
        tpu.vector_store %arg11[%swap3A_543], %add3A_540 {strides = array<i32>} : memref<4224xi32, #tpu.memory_space<vmem>>, vector<16xi32>,
        %add3A_545 = arith.constant 64 : i32
        %add3A_546 = arith.addi %squeeze3A, %add3A_545 : i32
        %swap3A_547 = arith.index_cast %add3A_546 : i32 to index
        %swap3A_548 = tpu.vector_load %arg12[%swap3A_547] {strides = array<i32>} : memref<4224xf32, #tpu.memory_space<vmem>>, vector<16xf32>,
        tpu.vector_store %arg12[%swap3A_547], %broadcast_in_dim3A_0 {strides = array<i32>} : memref<4224xf32, #tpu.memory_space<vmem>>, vector<16xf32>,
        %add3A_549 = arith.constant 80 : i32
        %add3A_550 = vector.broadcast %add3A_549 : i32 to vector<16xi32>
        %add3A_551 = arith.addi %iota3A, %add3A_550 : vector<16xi32>
        %add3A_552 = arith.constant 80 : i32
        %add3A_553 = arith.addi %squeeze3A, %add3A_552 : i32
        %swap3A_554 = arith.index_cast %add3A_553 : i32 to index
        %swap3A_555 = tpu.vector_load %arg10[%swap3A_554] {strides = array<i32>} : memref<4224xi32, #tpu.memory_space<vmem>>, vector<16xi32>,
        tpu.vector_store %arg10[%swap3A_554], %add3A_551 {strides = array<i32>} : memref<4224xi32, #tpu.memory_space<vmem>>, vector<16xi32>,
        %add3A_556 = arith.constant 16464 : i32
        %add3A_557 = vector.broadcast %add3A_556 : i32 to vector<16xi32>
        %add3A_558 = arith.addi %iota3A, %add3A_557 : vector<16xi32>
        %add3A_559 = arith.constant 80 : i32
        %add3A_560 = arith.addi %squeeze3A, %add3A_559 : i32
        %swap3A_561 = arith.index_cast %add3A_560 : i32 to index
        %swap3A_562 = tpu.vector_load %arg11[%swap3A_561] {strides = array<i32>} : memref<4224xi32, #tpu.memory_space<vmem>>, vector<16xi32>,
        tpu.vector_store %arg11[%swap3A_561], %add3A_558 {strides = array<i32>} : memref<4224xi32, #tpu.memory_space<vmem>>, vector<16xi32>,
        %add3A_563 = arith.constant 80 : i32
        %add3A_564 = arith.addi %squeeze3A, %add3A_563 : i32
        %swap3A_565 = arith.index_cast %add3A_564 : i32 to index
        %swap3A_566 = tpu.vector_load %arg12[%swap3A_565] {strides = array<i32>} : memref<4224xf32, #tpu.memory_space<vmem>>, vector<16xf32>,
        tpu.vector_store %arg12[%swap3A_565], %broadcast_in_dim3A_0 {strides = array<i32>} : memref<4224xf32, #tpu.memory_space<vmem>>, vector<16xf32>,
        %add3A_567 = arith.constant 96 : i32
        %add3A_568 = vector.broadcast %add3A_567 : i32 to vector<16xi32>
        %add3A_569 = arith.addi %iota3A, %add3A_568 : vector<16xi32>
        %add3A_570 = arith.constant 96 : i32
        %add3A_571 = arith.addi %squeeze3A, %add3A_570 : i32
        %swap3A_572 = arith.index_cast %add3A_571 : i32 to index
        %swap3A_573 = tpu.vector_load %arg10[%swap3A_572] {strides = array<i32>} : memref<4224xi32, #tpu.memory_space<vmem>>, vector<16xi32>,
        tpu.vector_store %arg10[%swap3A_572], %add3A_569 {strides = array<i32>} : memref<4224xi32, #tpu.memory_space<vmem>>, vector<16xi32>,
        %add3A_574 = arith.constant 16480 : i32
        %add3A_575 = vector.broadcast %add3A_574 : i32 to vector<16xi32>
        %add3A_576 = arith.addi %iota3A, %add3A_575 : vector<16xi32>
        %add3A_577 = arith.constant 96 : i32
        %add3A_578 = arith.addi %squeeze3A, %add3A_577 : i32
        %swap3A_579 = arith.index_cast %add3A_578 : i32 to index
        %swap3A_580 = tpu.vector_load %arg11[%swap3A_579] {strides = array<i32>} : memref<4224xi32, #tpu.memory_space<vmem>>, vector<16xi32>,
        tpu.vector_store %arg11[%swap3A_579], %add3A_576 {strides = array<i32>} : memref<4224xi32, #tpu.memory_space<vmem>>, vector<16xi32>,
        %add3A_581 = arith.constant 96 : i32
        %add3A_582 = arith.addi %squeeze3A, %add3A_581 : i32
        %swap3A_583 = arith.index_cast %add3A_582 : i32 to index
        %swap3A_584 = tpu.vector_load %arg12[%swap3A_583] {strides = array<i32>} : memref<4224xf32, #tpu.memory_space<vmem>>, vector<16xf32>,
        tpu.vector_store %arg12[%swap3A_583], %broadcast_in_dim3A_0 {strides = array<i32>} : memref<4224xf32, #tpu.memory_space<vmem>>, vector<16xf32>,
        %add3A_585 = arith.constant 112 : i32
        %add3A_586 = vector.broadcast %add3A_585 : i32 to vector<16xi32>
        %add3A_587 = arith.addi %iota3A, %add3A_586 : vector<16xi32>
        %add3A_588 = arith.constant 112 : i32
        %add3A_589 = arith.addi %squeeze3A, %add3A_588 : i32
        %swap3A_590 = arith.index_cast %add3A_589 : i32 to index
        %swap3A_591 = tpu.vector_load %arg10[%swap3A_590] {strides = array<i32>} : memref<4224xi32, #tpu.memory_space<vmem>>, vector<16xi32>,
        tpu.vector_store %arg10[%swap3A_590], %add3A_587 {strides = array<i32>} : memref<4224xi32, #tpu.memory_space<vmem>>, vector<16xi32>,
        %add3A_592 = arith.constant 16496 : i32
        %add3A_593 = vector.broadcast %add3A_592 : i32 to vector<16xi32>
        %add3A_594 = arith.addi %iota3A, %add3A_593 : vector<16xi32>
        %add3A_595 = arith.constant 112 : i32
        %add3A_596 = arith.addi %squeeze3A, %add3A_595 : i32
        %swap3A_597 = arith.index_cast %add3A_596 : i32 to index
        %swap3A_598 = tpu.vector_load %arg11[%swap3A_597] {strides = array<i32>} : memref<4224xi32, #tpu.memory_space<vmem>>, vector<16xi32>,
        tpu.vector_store %arg11[%swap3A_597], %add3A_594 {strides = array<i32>} : memref<4224xi32, #tpu.memory_space<vmem>>, vector<16xi32>,
        %add3A_599 = arith.constant 112 : i32
        %add3A_600 = arith.addi %squeeze3A, %add3A_599 : i32
        %swap3A_601 = arith.index_cast %add3A_600 : i32 to index
        %swap3A_602 = tpu.vector_load %arg12[%swap3A_601] {strides = array<i32>} : memref<4224xf32, #tpu.memory_space<vmem>>, vector<16xf32>,
        tpu.vector_store %arg12[%swap3A_601], %broadcast_in_dim3A_0 {strides = array<i32>} : memref<4224xf32, #tpu.memory_space<vmem>>, vector<16xf32>,
        %add3A_603 = arith.constant 127 : i32
        %add3A_604 = arith.addi %squeeze3A, %add3A_603 : i32
        %jit3A = arith.constant 128 : i32
        %div3A = arith.divsi %add3A_604, %jit3A : i32
        %sign3A = arith.constant 0 : i32
        %sign3A_605 = arith.cmpi sgt, %add3A_604, %sign3A : i32
        %sign3A_606 = arith.extui %sign3A_605 : i1 to i32
        %sign3A_607 = arith.constant 0 : i32
        %sign3A_608 = arith.cmpi slt, %add3A_604, %sign3A_607 : i32
        %sign3A_609 = arith.extui %sign3A_608 : i1 to i32
        %sign3A_610 = arith.subi %sign3A_606, %sign3A_609 : i32
        %sign3A_611 = arith.constant 0 : i32
        %sign3A_612 = arith.cmpi sgt, %jit3A, %sign3A_611 : i32
        %sign3A_613 = arith.extui %sign3A_612 : i1 to i32
        %sign3A_614 = arith.constant 0 : i32
        %sign3A_615 = arith.cmpi slt, %jit3A, %sign3A_614 : i32
        %sign3A_616 = arith.extui %sign3A_615 : i1 to i32
        %sign3A_617 = arith.subi %sign3A_613, %sign3A_616 : i32
        %ne3A = arith.cmpi ne, %sign3A_610, %sign3A_617 : i32
        %rem3A_618 = arith.remsi %add3A_604, %jit3A : i32
        %ne3A_619 = arith.constant 0 : i32
        %ne3A_620 = arith.cmpi ne, %rem3A_618, %ne3A_619 : i32
        %and3A = arith.andi %ne3A, %ne3A_620 : i1
        %sub3A = arith.constant 1 : i32
        %sub3A_621 = arith.subi %div3A, %sub3A : i32
        %select_n3A = arith.select %and3A, %sub3A_621, %div3A : i32
        %add3A_622 = arith.constant 1 : i32
        %add3A_623 = arith.addi %scan3A_436, %add3A_622 : i32
        %lt3A = arith.constant 32 : i32
        %lt3A_624 = arith.cmpi slt, %add3A_623, %lt3A : i32
        %convert_element_type3A_625 = arith.extui %lt3A_624 : i1 to i32
        %cond3A_626 = arith.constant 0 : i32
        %cond3A_627 = arith.cmpi ne, %convert_element_type3A_625, %cond3A_626 : i32
        scf.if %cond3A_627 {
          %add3A_741 = arith.constant 1 : i32
          %add3A_742 = arith.addi %scan3A_436, %add3A_741 : i32
          %mul3A_743 = arith.constant 2 : i32
          %mul3A_744 = arith.muli %mul3A_743, %arg1 : i32
          %add3A_745 = arith.addi %add3A_742, %mul3A_744 : i32
          %rem3A_746 = arith.constant 32 : i32
          %rem3A_747 = arith.remsi %add3A_745, %rem3A_746 : i32
          %mul3A_748 = arith.constant 262144 : i32
          %mul3A_749 = arith.muli %arg1, %mul3A_748 : i32
          %mul3A_750 = arith.constant 8192 : i32
          %mul3A_751 = arith.muli %rem3A_747, %mul3A_750 : i32
          %add3A_752 = arith.addi %mul3A_749, %mul3A_751 : i32
          %dma_start3A_753 = tpu.memref_slice %arg2[%add3A_752] : memref<4194304xi32, #tpu.memory_space<hbm>> -> memref<8192xi32, #tpu.memory_space<hbm>>
          %dma_start3A_754 = tpu.memref_slice %arg2[%add3A_752] : memref<4194304xi32, #tpu.memory_space<hbm>> -> memref<8192xi32, #tpu.memory_space<hbm>>
          tpu.enqueue_dma source(%dma_start3A_754 : memref<8192xi32, #tpu.memory_space<hbm>>) target(%arg7 : memref<8192xi32, #tpu.memory_space<vmem>>) target_semaphore(%arg23 : memref<!tpu.dma_semaphore, #tpu.memory_space<semaphore_mem>>)
          %dma_start3A_755 = tpu.memref_slice %arg3[%add3A_752] : memref<4194304xi32, #tpu.memory_space<hbm>> -> memref<8192xi32, #tpu.memory_space<hbm>>
          %dma_start3A_756 = tpu.memref_slice %arg3[%add3A_752] : memref<4194304xi32, #tpu.memory_space<hbm>> -> memref<8192xi32, #tpu.memory_space<hbm>>
          tpu.enqueue_dma source(%dma_start3A_756 : memref<8192xi32, #tpu.memory_space<hbm>>) target(%arg8 : memref<8192xi32, #tpu.memory_space<vmem>>) target_semaphore(%arg23 : memref<!tpu.dma_semaphore, #tpu.memory_space<semaphore_mem>>)
          %dma_start3A_757 = tpu.memref_slice %arg4[%add3A_752] : memref<4194304xf32, #tpu.memory_space<hbm>> -> memref<8192xf32, #tpu.memory_space<hbm>>
          %dma_start3A_758 = tpu.memref_slice %arg4[%add3A_752] : memref<4194304xf32, #tpu.memory_space<hbm>> -> memref<8192xf32, #tpu.memory_space<hbm>>
          tpu.enqueue_dma source(%dma_start3A_758 : memref<8192xf32, #tpu.memory_space<hbm>>) target(%arg9 : memref<8192xf32, #tpu.memory_space<vmem>>) target_semaphore(%arg23 : memref<!tpu.dma_semaphore, #tpu.memory_space<semaphore_mem>>)
        } else {
        }
        %gt3A_628 = arith.constant 0 : i32
        %gt3A_629 = arith.cmpi sgt, %scan3A_437, %gt3A_628 : i32
        %convert_element_type3A_630 = arith.extui %gt3A_629 : i1 to i32
        %cond3A_631 = arith.constant 0 : i32
        %cond3A_632 = arith.cmpi ne, %convert_element_type3A_630, %cond3A_631 : i32
        scf.if %cond3A_632 {
          %dma_wait3A_741 = arith.constant 0 : i32
          %dma_wait3A_742 = arith.constant 0 : i32
          %dma_wait3A_743 = tpu.memref_slice %arg18[%dma_wait3A_741, %dma_wait3A_742] : memref<16512x64xf32, #tpu.memory_space<vmem_shared>> -> memref<16512x64xf32, #tpu.memory_space<vmem_shared>>
          tpu.wait_indirect_dma semaphore(%arg21 : memref<!tpu.dma_semaphore, #tpu.memory_space<semaphore_mem>>) src(%arg15 : memref<128x64xf32, #tpu.memory_space<vmem>>) dst(%dma_wait3A_743 : memref<16512x64xf32, #tpu.memory_space<vmem_shared>>)
        } else {
        }
        %gt3A_633 = arith.constant 0 : i32
        %gt3A_634 = arith.cmpi sgt, %scan3A_438, %gt3A_633 : i32
        %convert_element_type3A_635 = arith.extui %gt3A_634 : i1 to i32
        %cond3A_636 = arith.constant 0 : i32
        %cond3A_637 = arith.cmpi ne, %convert_element_type3A_635, %cond3A_636 : i32
        scf.if %cond3A_637 {
          %dma_wait3A_741 = arith.constant 0 : i32
          %dma_wait3A_742 = arith.constant 0 : i32
          %dma_wait3A_743 = tpu.memref_slice %arg18[%dma_wait3A_741, %dma_wait3A_742] : memref<16512x64xf32, #tpu.memory_space<vmem_shared>> -> memref<16512x64xf32, #tpu.memory_space<vmem_shared>>
          tpu.wait_indirect_dma semaphore(%arg22 : memref<!tpu.dma_semaphore, #tpu.memory_space<semaphore_mem>>) src(%arg16 : memref<128x64xf32, #tpu.memory_space<vmem>>) dst(%dma_wait3A_743 : memref<16512x64xf32, #tpu.memory_space<vmem_shared>>)
        } else {
        }
        %ge3A = arith.constant 1 : i32
        %ge3A_638 = arith.cmpi sge, %select_n3A, %ge3A : i32
        %convert_element_type3A_639 = arith.extui %ge3A_638 : i1 to i32
        %cond3A_640 = arith.constant 0 : i32
        %cond3A_641 = arith.cmpi ne, %convert_element_type3A_639, %cond3A_640 : i32
        scf.if %cond3A_641 {
          %get3A = arith.constant 0 : index
          %get3A_741 = tpu.vector_load %arg11[%get3A] {strides = array<i32>} : memref<4224xi32, #tpu.memory_space<vmem>>, vector<16xi32>,
          %swap3A_742 = arith.constant 0 : index
          %swap3A_743 = tpu.vector_load %arg13[%swap3A_742] {strides = array<i32>} : memref<128xi32, #tpu.memory_space<vmem>>, vector<16xi32>,
          tpu.vector_store %arg13[%swap3A_742], %get3A_741 {strides = array<i32>} : memref<128xi32, #tpu.memory_space<vmem>>, vector<16xi32>,
          %get3A_744 = arith.constant 16 : index
          %get3A_745 = tpu.vector_load %arg11[%get3A_744] {strides = array<i32>} : memref<4224xi32, #tpu.memory_space<vmem>>, vector<16xi32>,
          %swap3A_746 = arith.constant 16 : index
          %swap3A_747 = tpu.vector_load %arg13[%swap3A_746] {strides = array<i32>} : memref<128xi32, #tpu.memory_space<vmem>>, vector<16xi32>,
          tpu.vector_store %arg13[%swap3A_746], %get3A_745 {strides = array<i32>} : memref<128xi32, #tpu.memory_space<vmem>>, vector<16xi32>,
          %get3A_748 = arith.constant 32 : index
          %get3A_749 = tpu.vector_load %arg11[%get3A_748] {strides = array<i32>} : memref<4224xi32, #tpu.memory_space<vmem>>, vector<16xi32>,
          %swap3A_750 = arith.constant 32 : index
          %swap3A_751 = tpu.vector_load %arg13[%swap3A_750] {strides = array<i32>} : memref<128xi32, #tpu.memory_space<vmem>>, vector<16xi32>,
          tpu.vector_store %arg13[%swap3A_750], %get3A_749 {strides = array<i32>} : memref<128xi32, #tpu.memory_space<vmem>>, vector<16xi32>,
          %get3A_752 = arith.constant 48 : index
          %get3A_753 = tpu.vector_load %arg11[%get3A_752] {strides = array<i32>} : memref<4224xi32, #tpu.memory_space<vmem>>, vector<16xi32>,
          %swap3A_754 = arith.constant 48 : index
          %swap3A_755 = tpu.vector_load %arg13[%swap3A_754] {strides = array<i32>} : memref<128xi32, #tpu.memory_space<vmem>>, vector<16xi32>,
          tpu.vector_store %arg13[%swap3A_754], %get3A_753 {strides = array<i32>} : memref<128xi32, #tpu.memory_space<vmem>>, vector<16xi32>,
          %get3A_756 = arith.constant 64 : index
          %get3A_757 = tpu.vector_load %arg11[%get3A_756] {strides = array<i32>} : memref<4224xi32, #tpu.memory_space<vmem>>, vector<16xi32>,
          %swap3A_758 = arith.constant 64 : index
          %swap3A_759 = tpu.vector_load %arg13[%swap3A_758] {strides = array<i32>} : memref<128xi32, #tpu.memory_space<vmem>>, vector<16xi32>,
          tpu.vector_store %arg13[%swap3A_758], %get3A_757 {strides = array<i32>} : memref<128xi32, #tpu.memory_space<vmem>>, vector<16xi32>,
          %get3A_760 = arith.constant 80 : index
          %get3A_761 = tpu.vector_load %arg11[%get3A_760] {strides = array<i32>} : memref<4224xi32, #tpu.memory_space<vmem>>, vector<16xi32>,
          %swap3A_762 = arith.constant 80 : index
          %swap3A_763 = tpu.vector_load %arg13[%swap3A_762] {strides = array<i32>} : memref<128xi32, #tpu.memory_space<vmem>>, vector<16xi32>,
          tpu.vector_store %arg13[%swap3A_762], %get3A_761 {strides = array<i32>} : memref<128xi32, #tpu.memory_space<vmem>>, vector<16xi32>,
          %get3A_764 = arith.constant 96 : index
          %get3A_765 = tpu.vector_load %arg11[%get3A_764] {strides = array<i32>} : memref<4224xi32, #tpu.memory_space<vmem>>, vector<16xi32>,
          %swap3A_766 = arith.constant 96 : index
          %swap3A_767 = tpu.vector_load %arg13[%swap3A_766] {strides = array<i32>} : memref<128xi32, #tpu.memory_space<vmem>>, vector<16xi32>,
          tpu.vector_store %arg13[%swap3A_766], %get3A_765 {strides = array<i32>} : memref<128xi32, #tpu.memory_space<vmem>>, vector<16xi32>,
          %get3A_768 = arith.constant 112 : index
          %get3A_769 = tpu.vector_load %arg11[%get3A_768] {strides = array<i32>} : memref<4224xi32, #tpu.memory_space<vmem>>, vector<16xi32>,
          %swap3A_770 = arith.constant 112 : index
          %swap3A_771 = tpu.vector_load %arg13[%swap3A_770] {strides = array<i32>} : memref<128xi32, #tpu.memory_space<vmem>>, vector<16xi32>,
          tpu.vector_store %arg13[%swap3A_770], %get3A_769 {strides = array<i32>} : memref<128xi32, #tpu.memory_space<vmem>>, vector<16xi32>,
          %dma_start3A_772 = arith.constant 0 : i32
          %dma_start3A_773 = tpu.memref_slice %arg10[%dma_start3A_772] : memref<4224xi32, #tpu.memory_space<vmem>> -> memref<128xi32, #tpu.memory_space<vmem>>
          %dma_start3A_774 = arith.constant 0 : i32
          %dma_start3A_775 = arith.constant 0 : i32
          %dma_start3A_776 = tpu.memref_slice %arg5[%dma_start3A_774, %dma_start3A_775] : memref<65536x64xf32, #tpu.memory_space<hbm>> -> memref<65536x64xf32, #tpu.memory_space<hbm>>
          tpu.enqueue_indirect_dma source(%dma_start3A_776 : memref<65536x64xf32, #tpu.memory_space<hbm>>) target(%arg15 : memref<128x64xf32, #tpu.memory_space<vmem>>) offsets(%dma_start3A_773 : memref<128xi32, #tpu.memory_space<vmem>>) semaphore(%arg19 : memref<!tpu.dma_semaphore, #tpu.memory_space<semaphore_mem>>)
        } else {
        }
        %while3A = arith.constant 0 : i32
        %while3A_642 = arith.constant 0 : i32
        %while3A_643 = arith.subi %select_n3A, %while3A_642 : i32
        %while3A_644 = arith.addi %while3A_642, %while3A_643 : i32
        %while3A_645 = arith.constant 1 : i32
        %while3A_646 = arith.divsi %while3A_643, %while3A_645 : i32
        %while3A_647 = arith.muli %while3A_646, %while3A_645 : i32
        %while3A_648 = arith.addi %while3A_642, %while3A_647 : i32
        %while3A_649 = arith.constant 1 : i32
        scf.for %while3A_741 = %while3A_642 to %while3A_648 step %while3A_649  : i32 {
          %jit3A_742 = arith.constant 2 : i32
          %eq3A_743 = arith.constant 0 : i32
          %eq3A_744 = arith.cmpi eq, %jit3A_742, %eq3A_743 : i32
          %jit3A_745 = arith.constant 1 : i32
          %select_n3A_746 = arith.select %eq3A_744, %jit3A_745, %jit3A_742 : i32
          %rem3A_747 = arith.remsi %while3A_741, %select_n3A_746 : i32
          %ne3A_748 = arith.constant 0 : i32
          %ne3A_749 = arith.cmpi ne, %rem3A_747, %ne3A_748 : i32
          %lt3A_750 = arith.constant 0 : i32
          %lt3A_751 = arith.cmpi slt, %rem3A_747, %lt3A_750 : i32
          %lt3A_752 = arith.constant 0 : i32
          %lt3A_753 = arith.cmpi slt, %select_n3A_746, %lt3A_752 : i32
          %ne3A_754 = arith.xori %lt3A_751, %lt3A_753 : i1
          %and3A_755 = arith.andi %ne3A_754, %ne3A_749 : i1
          %add3A_756 = arith.addi %rem3A_747, %select_n3A_746 : i32
          %select_n3A_757 = arith.select %and3A_755, %add3A_756, %rem3A_747 : i32
          %eq3A_758 = arith.constant 0 : i32
          %eq3A_759 = arith.cmpi eq, %select_n3A_757, %eq3A_758 : i32
          %convert_element_type3A_760 = arith.extui %eq3A_759 : i1 to i32
          %cond3A_761 = arith.constant 0 : i32
          %cond3A_762 = arith.cmpi ne, %convert_element_type3A_760, %cond3A_761 : i32
          scf.if %cond3A_762 {
            %mul3A_767 = arith.constant 128 : i32
            %mul3A_768 = arith.muli %while3A_741, %mul3A_767 : i32
            %dma_wait3A_769 = tpu.memref_slice %arg10[%mul3A_768] : memref<4224xi32, #tpu.memory_space<vmem>> -> memref<128xi32, #tpu.memory_space<vmem>>
            %dma_wait3A_770 = arith.constant 0 : i32
            %dma_wait3A_771 = arith.constant 0 : i32
            %dma_wait3A_772 = tpu.memref_slice %arg5[%dma_wait3A_770, %dma_wait3A_771] : memref<65536x64xf32, #tpu.memory_space<hbm>> -> memref<65536x64xf32, #tpu.memory_space<hbm>>
            tpu.wait_indirect_dma semaphore(%arg19 : memref<!tpu.dma_semaphore, #tpu.memory_space<semaphore_mem>>) src(%dma_wait3A_772 : memref<65536x64xf32, #tpu.memory_space<hbm>>) dst(%arg15 : memref<128x64xf32, #tpu.memory_space<vmem>>)
            %add3A_773 = arith.constant 1 : i32
            %add3A_774 = arith.addi %while3A_741, %add3A_773 : i32
            %lt3A_775 = arith.cmpi slt, %add3A_774, %select_n3A : i32
            %convert_element_type3A_776 = arith.extui %lt3A_775 : i1 to i32
            %cond3A_777 = arith.constant 0 : i32
            %cond3A_778 = arith.cmpi ne, %convert_element_type3A_776, %cond3A_777 : i32
            scf.if %cond3A_778 {
              %ge3A_787 = arith.constant 1 : i32
              %ge3A_788 = arith.cmpi sge, %while3A_741, %ge3A_787 : i32
              %convert_element_type3A_789 = arith.extui %ge3A_788 : i1 to i32
              %cond3A_790 = arith.constant 0 : i32
              %cond3A_791 = arith.cmpi ne, %convert_element_type3A_789, %cond3A_790 : i32
              scf.if %cond3A_791 {
                %dma_wait3A_851 = arith.constant 0 : i32
                %dma_wait3A_852 = arith.constant 0 : i32
                %dma_wait3A_853 = tpu.memref_slice %arg18[%dma_wait3A_851, %dma_wait3A_852] : memref<16512x64xf32, #tpu.memory_space<vmem_shared>> -> memref<16512x64xf32, #tpu.memory_space<vmem_shared>>
                tpu.wait_indirect_dma semaphore(%arg22 : memref<!tpu.dma_semaphore, #tpu.memory_space<semaphore_mem>>) src(%arg16 : memref<128x64xf32, #tpu.memory_space<vmem>>) dst(%dma_wait3A_853 : memref<16512x64xf32, #tpu.memory_space<vmem_shared>>)
              } else {
              }
              %add3A_792 = arith.constant 1 : i32
              %add3A_793 = arith.addi %while3A_741, %add3A_792 : i32
              %mul3A_794 = arith.constant 128 : i32
              %mul3A_795 = arith.muli %add3A_793, %mul3A_794 : i32
              %add3A_796 = arith.constant 0 : i32
              %add3A_797 = arith.addi %mul3A_795, %add3A_796 : i32
              %get3A = arith.index_cast %add3A_797 : i32 to index
              %get3A_798 = tpu.vector_load %arg11[%get3A] {strides = array<i32>} : memref<4224xi32, #tpu.memory_space<vmem>>, vector<16xi32>,
              %swap3A_799 = arith.constant 0 : index
              %swap3A_800 = tpu.vector_load %arg14[%swap3A_799] {strides = array<i32>} : memref<128xi32, #tpu.memory_space<vmem>>, vector<16xi32>,
              tpu.vector_store %arg14[%swap3A_799], %get3A_798 {strides = array<i32>} : memref<128xi32, #tpu.memory_space<vmem>>, vector<16xi32>,
              %add3A_801 = arith.constant 16 : i32
              %add3A_802 = arith.addi %mul3A_795, %add3A_801 : i32
              %get3A_803 = arith.index_cast %add3A_802 : i32 to index
              %get3A_804 = tpu.vector_load %arg11[%get3A_803] {strides = array<i32>} : memref<4224xi32, #tpu.memory_space<vmem>>, vector<16xi32>,
              %swap3A_805 = arith.constant 16 : index
              %swap3A_806 = tpu.vector_load %arg14[%swap3A_805] {strides = array<i32>} : memref<128xi32, #tpu.memory_space<vmem>>, vector<16xi32>,
              tpu.vector_store %arg14[%swap3A_805], %get3A_804 {strides = array<i32>} : memref<128xi32, #tpu.memory_space<vmem>>, vector<16xi32>,
              %add3A_807 = arith.constant 32 : i32
              %add3A_808 = arith.addi %mul3A_795, %add3A_807 : i32
              %get3A_809 = arith.index_cast %add3A_808 : i32 to index
              %get3A_810 = tpu.vector_load %arg11[%get3A_809] {strides = array<i32>} : memref<4224xi32, #tpu.memory_space<vmem>>, vector<16xi32>,
              %swap3A_811 = arith.constant 32 : index
              %swap3A_812 = tpu.vector_load %arg14[%swap3A_811] {strides = array<i32>} : memref<128xi32, #tpu.memory_space<vmem>>, vector<16xi32>,
              tpu.vector_store %arg14[%swap3A_811], %get3A_810 {strides = array<i32>} : memref<128xi32, #tpu.memory_space<vmem>>, vector<16xi32>,
              %add3A_813 = arith.constant 48 : i32
              %add3A_814 = arith.addi %mul3A_795, %add3A_813 : i32
              %get3A_815 = arith.index_cast %add3A_814 : i32 to index
              %get3A_816 = tpu.vector_load %arg11[%get3A_815] {strides = array<i32>} : memref<4224xi32, #tpu.memory_space<vmem>>, vector<16xi32>,
              %swap3A_817 = arith.constant 48 : index
              %swap3A_818 = tpu.vector_load %arg14[%swap3A_817] {strides = array<i32>} : memref<128xi32, #tpu.memory_space<vmem>>, vector<16xi32>,
              tpu.vector_store %arg14[%swap3A_817], %get3A_816 {strides = array<i32>} : memref<128xi32, #tpu.memory_space<vmem>>, vector<16xi32>,
              %add3A_819 = arith.constant 64 : i32
              %add3A_820 = arith.addi %mul3A_795, %add3A_819 : i32
              %get3A_821 = arith.index_cast %add3A_820 : i32 to index
              %get3A_822 = tpu.vector_load %arg11[%get3A_821] {strides = array<i32>} : memref<4224xi32, #tpu.memory_space<vmem>>, vector<16xi32>,
              %swap3A_823 = arith.constant 64 : index
              %swap3A_824 = tpu.vector_load %arg14[%swap3A_823] {strides = array<i32>} : memref<128xi32, #tpu.memory_space<vmem>>, vector<16xi32>,
              tpu.vector_store %arg14[%swap3A_823], %get3A_822 {strides = array<i32>} : memref<128xi32, #tpu.memory_space<vmem>>, vector<16xi32>,
              %add3A_825 = arith.constant 80 : i32
              %add3A_826 = arith.addi %mul3A_795, %add3A_825 : i32
              %get3A_827 = arith.index_cast %add3A_826 : i32 to index
              %get3A_828 = tpu.vector_load %arg11[%get3A_827] {strides = array<i32>} : memref<4224xi32, #tpu.memory_space<vmem>>, vector<16xi32>,
              %swap3A_829 = arith.constant 80 : index
              %swap3A_830 = tpu.vector_load %arg14[%swap3A_829] {strides = array<i32>} : memref<128xi32, #tpu.memory_space<vmem>>, vector<16xi32>,
              tpu.vector_store %arg14[%swap3A_829], %get3A_828 {strides = array<i32>} : memref<128xi32, #tpu.memory_space<vmem>>, vector<16xi32>,
              %add3A_831 = arith.constant 96 : i32
              %add3A_832 = arith.addi %mul3A_795, %add3A_831 : i32
              %get3A_833 = arith.index_cast %add3A_832 : i32 to index
              %get3A_834 = tpu.vector_load %arg11[%get3A_833] {strides = array<i32>} : memref<4224xi32, #tpu.memory_space<vmem>>, vector<16xi32>,
              %swap3A_835 = arith.constant 96 : index
              %swap3A_836 = tpu.vector_load %arg14[%swap3A_835] {strides = array<i32>} : memref<128xi32, #tpu.memory_space<vmem>>, vector<16xi32>,
              tpu.vector_store %arg14[%swap3A_835], %get3A_834 {strides = array<i32>} : memref<128xi32, #tpu.memory_space<vmem>>, vector<16xi32>,
              %add3A_837 = arith.constant 112 : i32
              %add3A_838 = arith.addi %mul3A_795, %add3A_837 : i32
              %get3A_839 = arith.index_cast %add3A_838 : i32 to index
              %get3A_840 = tpu.vector_load %arg11[%get3A_839] {strides = array<i32>} : memref<4224xi32, #tpu.memory_space<vmem>>, vector<16xi32>,
              %swap3A_841 = arith.constant 112 : index
              %swap3A_842 = tpu.vector_load %arg14[%swap3A_841] {strides = array<i32>} : memref<128xi32, #tpu.memory_space<vmem>>, vector<16xi32>,
              tpu.vector_store %arg14[%swap3A_841], %get3A_840 {strides = array<i32>} : memref<128xi32, #tpu.memory_space<vmem>>, vector<16xi32>,
              %add3A_843 = arith.constant 1 : i32
              %add3A_844 = arith.addi %while3A_741, %add3A_843 : i32
              %mul3A_845 = arith.constant 128 : i32
              %mul3A_846 = arith.muli %add3A_844, %mul3A_845 : i32
              %dma_start3A_847 = tpu.memref_slice %arg10[%mul3A_846] : memref<4224xi32, #tpu.memory_space<vmem>> -> memref<128xi32, #tpu.memory_space<vmem>>
              %dma_start3A_848 = arith.constant 0 : i32
              %dma_start3A_849 = arith.constant 0 : i32
              %dma_start3A_850 = tpu.memref_slice %arg5[%dma_start3A_848, %dma_start3A_849] : memref<65536x64xf32, #tpu.memory_space<hbm>> -> memref<65536x64xf32, #tpu.memory_space<hbm>>
              tpu.enqueue_indirect_dma source(%dma_start3A_850 : memref<65536x64xf32, #tpu.memory_space<hbm>>) target(%arg16 : memref<128x64xf32, #tpu.memory_space<vmem>>) offsets(%dma_start3A_847 : memref<128xi32, #tpu.memory_space<vmem>>) semaphore(%arg20 : memref<!tpu.dma_semaphore, #tpu.memory_space<semaphore_mem>>)
            } else {
            }
            %mul3A_779 = arith.constant 128 : i32
            %mul3A_780 = arith.muli %while3A_741, %mul3A_779 : i32
            %parallel_loop3A_781 = arith.constant 0 : i32
            %parallel_loop3A_782 = arith.constant 8 : i32
            %parallel_loop3A_783 = arith.constant 1 : i32
            scf.for %parallel_loop3A_787 = %parallel_loop3A_781 to %parallel_loop3A_782 step %parallel_loop3A_783  : i32 {
              %parallel_loop3A_788 = arith.constant 16 : i32
              %parallel_loop3A_789 = arith.muli %parallel_loop3A_787, %parallel_loop3A_788 : i32
              %parallel_loop3A_790 = arith.addi %mul3A_780, %parallel_loop3A_789 : i32
              %parallel_loop3A_791 = arith.index_cast %parallel_loop3A_790 : i32 to index
              %parallel_loop3A_792 = tpu.vector_load %arg12[%parallel_loop3A_791] {strides = array<i32>} : memref<4224xf32, #tpu.memory_space<vmem>>, vector<16xf32>,
              %parallel_loop3A_793 = vector.extract_strided_slice %parallel_loop3A_792 {offsets = [0], sizes = [1], strides = [1]} : vector<16xf32> to vector<1xf32>
              %parallel_loop3A_794 = vector.extract %parallel_loop3A_793[0] : f32 from vector<1xf32>
              %parallel_loop3A_795 = arith.constant 16 : i32
              %parallel_loop3A_796 = arith.muli %parallel_loop3A_787, %parallel_loop3A_795 : i32
              %parallel_loop3A_797 = arith.constant 0 : i32
              %parallel_loop3A_798 = arith.addi %parallel_loop3A_796, %parallel_loop3A_797 : i32
              %parallel_loop3A_799 = arith.index_cast %parallel_loop3A_798 : i32 to index
              %parallel_loop3A_800 = arith.constant 0 : index
              %parallel_loop3A_801 = tpu.vector_load %arg15[%parallel_loop3A_799, %parallel_loop3A_800] {strides = array<i32>} : memref<128x64xf32, #tpu.memory_space<vmem>>, vector<16xf32>,
              %parallel_loop3A_802 = vector.broadcast %parallel_loop3A_794 : f32 to vector<16xf32>
              %parallel_loop3A_803 = arith.mulf %parallel_loop3A_801, %parallel_loop3A_802 : vector<16xf32>
              %parallel_loop3A_804 = arith.index_cast %parallel_loop3A_798 : i32 to index
              %parallel_loop3A_805 = arith.constant 0 : index
              %parallel_loop3A_806 = tpu.vector_load %arg15[%parallel_loop3A_804, %parallel_loop3A_805] {strides = array<i32>} : memref<128x64xf32, #tpu.memory_space<vmem>>, vector<16xf32>,
              tpu.vector_store %arg15[%parallel_loop3A_804, %parallel_loop3A_805], %parallel_loop3A_803 {strides = array<i32>} : memref<128x64xf32, #tpu.memory_space<vmem>>, vector<16xf32>,
              %parallel_loop3A_807 = arith.index_cast %parallel_loop3A_798 : i32 to index
              %parallel_loop3A_808 = arith.constant 16 : index
              %parallel_loop3A_809 = tpu.vector_load %arg15[%parallel_loop3A_807, %parallel_loop3A_808] {strides = array<i32>} : memref<128x64xf32, #tpu.memory_space<vmem>>, vector<16xf32>,
              %parallel_loop3A_810 = vector.broadcast %parallel_loop3A_794 : f32 to vector<16xf32>
              %parallel_loop3A_811 = arith.mulf %parallel_loop3A_809, %parallel_loop3A_810 : vector<16xf32>
              %parallel_loop3A_812 = arith.index_cast %parallel_loop3A_798 : i32 to index
              %parallel_loop3A_813 = arith.constant 16 : index
              %parallel_loop3A_814 = tpu.vector_load %arg15[%parallel_loop3A_812, %parallel_loop3A_813] {strides = array<i32>} : memref<128x64xf32, #tpu.memory_space<vmem>>, vector<16xf32>,
              tpu.vector_store %arg15[%parallel_loop3A_812, %parallel_loop3A_813], %parallel_loop3A_811 {strides = array<i32>} : memref<128x64xf32, #tpu.memory_space<vmem>>, vector<16xf32>,
              %parallel_loop3A_815 = arith.index_cast %parallel_loop3A_798 : i32 to index
              %parallel_loop3A_816 = arith.constant 32 : index
              %parallel_loop3A_817 = tpu.vector_load %arg15[%parallel_loop3A_815, %parallel_loop3A_816] {strides = array<i32>} : memref<128x64xf32, #tpu.memory_space<vmem>>, vector<16xf32>,
              %parallel_loop3A_818 = vector.broadcast %parallel_loop3A_794 : f32 to vector<16xf32>
              %parallel_loop3A_819 = arith.mulf %parallel_loop3A_817, %parallel_loop3A_818 : vector<16xf32>
              %parallel_loop3A_820 = arith.index_cast %parallel_loop3A_798 : i32 to index
              %parallel_loop3A_821 = arith.constant 32 : index
              %parallel_loop3A_822 = tpu.vector_load %arg15[%parallel_loop3A_820, %parallel_loop3A_821] {strides = array<i32>} : memref<128x64xf32, #tpu.memory_space<vmem>>, vector<16xf32>,
              tpu.vector_store %arg15[%parallel_loop3A_820, %parallel_loop3A_821], %parallel_loop3A_819 {strides = array<i32>} : memref<128x64xf32, #tpu.memory_space<vmem>>, vector<16xf32>,
              %parallel_loop3A_823 = arith.index_cast %parallel_loop3A_798 : i32 to index
              %parallel_loop3A_824 = arith.constant 48 : index
              %parallel_loop3A_825 = tpu.vector_load %arg15[%parallel_loop3A_823, %parallel_loop3A_824] {strides = array<i32>} : memref<128x64xf32, #tpu.memory_space<vmem>>, vector<16xf32>,
              %parallel_loop3A_826 = vector.broadcast %parallel_loop3A_794 : f32 to vector<16xf32>
              %parallel_loop3A_827 = arith.mulf %parallel_loop3A_825, %parallel_loop3A_826 : vector<16xf32>
              %parallel_loop3A_828 = arith.index_cast %parallel_loop3A_798 : i32 to index
              %parallel_loop3A_829 = arith.constant 48 : index
              %parallel_loop3A_830 = tpu.vector_load %arg15[%parallel_loop3A_828, %parallel_loop3A_829] {strides = array<i32>} : memref<128x64xf32, #tpu.memory_space<vmem>>, vector<16xf32>,
              tpu.vector_store %arg15[%parallel_loop3A_828, %parallel_loop3A_829], %parallel_loop3A_827 {strides = array<i32>} : memref<128x64xf32, #tpu.memory_space<vmem>>, vector<16xf32>,
              %parallel_loop3A_831 = vector.extract_strided_slice %parallel_loop3A_792 {offsets = [1], sizes = [1], strides = [1]} : vector<16xf32> to vector<1xf32>
              %parallel_loop3A_832 = vector.extract %parallel_loop3A_831[0] : f32 from vector<1xf32>
              %parallel_loop3A_833 = arith.constant 16 : i32
              %parallel_loop3A_834 = arith.muli %parallel_loop3A_787, %parallel_loop3A_833 : i32
              %parallel_loop3A_835 = arith.constant 1 : i32
              %parallel_loop3A_836 = arith.addi %parallel_loop3A_834, %parallel_loop3A_835 : i32
              %parallel_loop3A_837 = arith.index_cast %parallel_loop3A_836 : i32 to index
              %parallel_loop3A_838 = arith.constant 0 : index
              %parallel_loop3A_839 = tpu.vector_load %arg15[%parallel_loop3A_837, %parallel_loop3A_838] {strides = array<i32>} : memref<128x64xf32, #tpu.memory_space<vmem>>, vector<16xf32>,
              %parallel_loop3A_840 = vector.broadcast %parallel_loop3A_832 : f32 to vector<16xf32>
              %parallel_loop3A_841 = arith.mulf %parallel_loop3A_839, %parallel_loop3A_840 : vector<16xf32>
              %parallel_loop3A_842 = arith.index_cast %parallel_loop3A_836 : i32 to index
              %parallel_loop3A_843 = arith.constant 0 : index
              %parallel_loop3A_844 = tpu.vector_load %arg15[%parallel_loop3A_842, %parallel_loop3A_843] {strides = array<i32>} : memref<128x64xf32, #tpu.memory_space<vmem>>, vector<16xf32>,
              tpu.vector_store %arg15[%parallel_loop3A_842, %parallel_loop3A_843], %parallel_loop3A_841 {strides = array<i32>} : memref<128x64xf32, #tpu.memory_space<vmem>>, vector<16xf32>,
              %parallel_loop3A_845 = arith.index_cast %parallel_loop3A_836 : i32 to index
              %parallel_loop3A_846 = arith.constant 16 : index
              %parallel_loop3A_847 = tpu.vector_load %arg15[%parallel_loop3A_845, %parallel_loop3A_846] {strides = array<i32>} : memref<128x64xf32, #tpu.memory_space<vmem>>, vector<16xf32>,
              %parallel_loop3A_848 = vector.broadcast %parallel_loop3A_832 : f32 to vector<16xf32>
              %parallel_loop3A_849 = arith.mulf %parallel_loop3A_847, %parallel_loop3A_848 : vector<16xf32>
              %parallel_loop3A_850 = arith.index_cast %parallel_loop3A_836 : i32 to index
              %parallel_loop3A_851 = arith.constant 16 : index
              %parallel_loop3A_852 = tpu.vector_load %arg15[%parallel_loop3A_850, %parallel_loop3A_851] {strides = array<i32>} : memref<128x64xf32, #tpu.memory_space<vmem>>, vector<16xf32>,
              tpu.vector_store %arg15[%parallel_loop3A_850, %parallel_loop3A_851], %parallel_loop3A_849 {strides = array<i32>} : memref<128x64xf32, #tpu.memory_space<vmem>>, vector<16xf32>,
              %parallel_loop3A_853 = arith.index_cast %parallel_loop3A_836 : i32 to index
              %parallel_loop3A_854 = arith.constant 32 : index
              %parallel_loop3A_855 = tpu.vector_load %arg15[%parallel_loop3A_853, %parallel_loop3A_854] {strides = array<i32>} : memref<128x64xf32, #tpu.memory_space<vmem>>, vector<16xf32>,
              %parallel_loop3A_856 = vector.broadcast %parallel_loop3A_832 : f32 to vector<16xf32>
              %parallel_loop3A_857 = arith.mulf %parallel_loop3A_855, %parallel_loop3A_856 : vector<16xf32>
              %parallel_loop3A_858 = arith.index_cast %parallel_loop3A_836 : i32 to index
              %parallel_loop3A_859 = arith.constant 32 : index
              %parallel_loop3A_860 = tpu.vector_load %arg15[%parallel_loop3A_858, %parallel_loop3A_859] {strides = array<i32>} : memref<128x64xf32, #tpu.memory_space<vmem>>, vector<16xf32>,
              tpu.vector_store %arg15[%parallel_loop3A_858, %parallel_loop3A_859], %parallel_loop3A_857 {strides = array<i32>} : memref<128x64xf32, #tpu.memory_space<vmem>>, vector<16xf32>,
              %parallel_loop3A_861 = arith.index_cast %parallel_loop3A_836 : i32 to index
              %parallel_loop3A_862 = arith.constant 48 : index
              %parallel_loop3A_863 = tpu.vector_load %arg15[%parallel_loop3A_861, %parallel_loop3A_862] {strides = array<i32>} : memref<128x64xf32, #tpu.memory_space<vmem>>, vector<16xf32>,
              %parallel_loop3A_864 = vector.broadcast %parallel_loop3A_832 : f32 to vector<16xf32>
              %parallel_loop3A_865 = arith.mulf %parallel_loop3A_863, %parallel_loop3A_864 : vector<16xf32>
              %parallel_loop3A_866 = arith.index_cast %parallel_loop3A_836 : i32 to index
              %parallel_loop3A_867 = arith.constant 48 : index
              %parallel_loop3A_868 = tpu.vector_load %arg15[%parallel_loop3A_866, %parallel_loop3A_867] {strides = array<i32>} : memref<128x64xf32, #tpu.memory_space<vmem>>, vector<16xf32>,
              tpu.vector_store %arg15[%parallel_loop3A_866, %parallel_loop3A_867], %parallel_loop3A_865 {strides = array<i32>} : memref<128x64xf32, #tpu.memory_space<vmem>>, vector<16xf32>,
              %parallel_loop3A_869 = vector.extract_strided_slice %parallel_loop3A_792 {offsets = [2], sizes = [1], strides = [1]} : vector<16xf32> to vector<1xf32>
              %parallel_loop3A_870 = vector.extract %parallel_loop3A_869[0] : f32 from vector<1xf32>
              %parallel_loop3A_871 = arith.constant 16 : i32
              %parallel_loop3A_872 = arith.muli %parallel_loop3A_787, %parallel_loop3A_871 : i32
              %parallel_loop3A_873 = arith.constant 2 : i32
              %parallel_loop3A_874 = arith.addi %parallel_loop3A_872, %parallel_loop3A_873 : i32
              %parallel_loop3A_875 = arith.index_cast %parallel_loop3A_874 : i32 to index
              %parallel_loop3A_876 = arith.constant 0 : index
              %parallel_loop3A_877 = tpu.vector_load %arg15[%parallel_loop3A_875, %parallel_loop3A_876] {strides = array<i32>} : memref<128x64xf32, #tpu.memory_space<vmem>>, vector<16xf32>,
              %parallel_loop3A_878 = vector.broadcast %parallel_loop3A_870 : f32 to vector<16xf32>
              %parallel_loop3A_879 = arith.mulf %parallel_loop3A_877, %parallel_loop3A_878 : vector<16xf32>
              %parallel_loop3A_880 = arith.index_cast %parallel_loop3A_874 : i32 to index
              %parallel_loop3A_881 = arith.constant 0 : index
              %parallel_loop3A_882 = tpu.vector_load %arg15[%parallel_loop3A_880, %parallel_loop3A_881] {strides = array<i32>} : memref<128x64xf32, #tpu.memory_space<vmem>>, vector<16xf32>,
              tpu.vector_store %arg15[%parallel_loop3A_880, %parallel_loop3A_881], %parallel_loop3A_879 {strides = array<i32>} : memref<128x64xf32, #tpu.memory_space<vmem>>, vector<16xf32>,
              %parallel_loop3A_883 = arith.index_cast %parallel_loop3A_874 : i32 to index
              %parallel_loop3A_884 = arith.constant 16 : index
              %parallel_loop3A_885 = tpu.vector_load %arg15[%parallel_loop3A_883, %parallel_loop3A_884] {strides = array<i32>} : memref<128x64xf32, #tpu.memory_space<vmem>>, vector<16xf32>,
              %parallel_loop3A_886 = vector.broadcast %parallel_loop3A_870 : f32 to vector<16xf32>
              %parallel_loop3A_887 = arith.mulf %parallel_loop3A_885, %parallel_loop3A_886 : vector<16xf32>
              %parallel_loop3A_888 = arith.index_cast %parallel_loop3A_874 : i32 to index
              %parallel_loop3A_889 = arith.constant 16 : index
              %parallel_loop3A_890 = tpu.vector_load %arg15[%parallel_loop3A_888, %parallel_loop3A_889] {strides = array<i32>} : memref<128x64xf32, #tpu.memory_space<vmem>>, vector<16xf32>,
              tpu.vector_store %arg15[%parallel_loop3A_888, %parallel_loop3A_889], %parallel_loop3A_887 {strides = array<i32>} : memref<128x64xf32, #tpu.memory_space<vmem>>, vector<16xf32>,
              %parallel_loop3A_891 = arith.index_cast %parallel_loop3A_874 : i32 to index
              %parallel_loop3A_892 = arith.constant 32 : index
              %parallel_loop3A_893 = tpu.vector_load %arg15[%parallel_loop3A_891, %parallel_loop3A_892] {strides = array<i32>} : memref<128x64xf32, #tpu.memory_space<vmem>>, vector<16xf32>,
              %parallel_loop3A_894 = vector.broadcast %parallel_loop3A_870 : f32 to vector<16xf32>
              %parallel_loop3A_895 = arith.mulf %parallel_loop3A_893, %parallel_loop3A_894 : vector<16xf32>
              %parallel_loop3A_896 = arith.index_cast %parallel_loop3A_874 : i32 to index
              %parallel_loop3A_897 = arith.constant 32 : index
              %parallel_loop3A_898 = tpu.vector_load %arg15[%parallel_loop3A_896, %parallel_loop3A_897] {strides = array<i32>} : memref<128x64xf32, #tpu.memory_space<vmem>>, vector<16xf32>,
              tpu.vector_store %arg15[%parallel_loop3A_896, %parallel_loop3A_897], %parallel_loop3A_895 {strides = array<i32>} : memref<128x64xf32, #tpu.memory_space<vmem>>, vector<16xf32>,
              %parallel_loop3A_899 = arith.index_cast %parallel_loop3A_874 : i32 to index
              %parallel_loop3A_900 = arith.constant 48 : index
              %parallel_loop3A_901 = tpu.vector_load %arg15[%parallel_loop3A_899, %parallel_loop3A_900] {strides = array<i32>} : memref<128x64xf32, #tpu.memory_space<vmem>>, vector<16xf32>,
              %parallel_loop3A_902 = vector.broadcast %parallel_loop3A_870 : f32 to vector<16xf32>
              %parallel_loop3A_903 = arith.mulf %parallel_loop3A_901, %parallel_loop3A_902 : vector<16xf32>
              %parallel_loop3A_904 = arith.index_cast %parallel_loop3A_874 : i32 to index
              %parallel_loop3A_905 = arith.constant 48 : index
              %parallel_loop3A_906 = tpu.vector_load %arg15[%parallel_loop3A_904, %parallel_loop3A_905] {strides = array<i32>} : memref<128x64xf32, #tpu.memory_space<vmem>>, vector<16xf32>,
              tpu.vector_store %arg15[%parallel_loop3A_904, %parallel_loop3A_905], %parallel_loop3A_903 {strides = array<i32>} : memref<128x64xf32, #tpu.memory_space<vmem>>, vector<16xf32>,
              %parallel_loop3A_907 = vector.extract_strided_slice %parallel_loop3A_792 {offsets = [3], sizes = [1], strides = [1]} : vector<16xf32> to vector<1xf32>
              %parallel_loop3A_908 = vector.extract %parallel_loop3A_907[0] : f32 from vector<1xf32>
              %parallel_loop3A_909 = arith.constant 16 : i32
              %parallel_loop3A_910 = arith.muli %parallel_loop3A_787, %parallel_loop3A_909 : i32
              %parallel_loop3A_911 = arith.constant 3 : i32
              %parallel_loop3A_912 = arith.addi %parallel_loop3A_910, %parallel_loop3A_911 : i32
              %parallel_loop3A_913 = arith.index_cast %parallel_loop3A_912 : i32 to index
              %parallel_loop3A_914 = arith.constant 0 : index
              %parallel_loop3A_915 = tpu.vector_load %arg15[%parallel_loop3A_913, %parallel_loop3A_914] {strides = array<i32>} : memref<128x64xf32, #tpu.memory_space<vmem>>, vector<16xf32>,
              %parallel_loop3A_916 = vector.broadcast %parallel_loop3A_908 : f32 to vector<16xf32>
              %parallel_loop3A_917 = arith.mulf %parallel_loop3A_915, %parallel_loop3A_916 : vector<16xf32>
              %parallel_loop3A_918 = arith.index_cast %parallel_loop3A_912 : i32 to index
              %parallel_loop3A_919 = arith.constant 0 : index
              %parallel_loop3A_920 = tpu.vector_load %arg15[%parallel_loop3A_918, %parallel_loop3A_919] {strides = array<i32>} : memref<128x64xf32, #tpu.memory_space<vmem>>, vector<16xf32>,
              tpu.vector_store %arg15[%parallel_loop3A_918, %parallel_loop3A_919], %parallel_loop3A_917 {strides = array<i32>} : memref<128x64xf32, #tpu.memory_space<vmem>>, vector<16xf32>,
              %parallel_loop3A_921 = arith.index_cast %parallel_loop3A_912 : i32 to index
              %parallel_loop3A_922 = arith.constant 16 : index
              %parallel_loop3A_923 = tpu.vector_load %arg15[%parallel_loop3A_921, %parallel_loop3A_922] {strides = array<i32>} : memref<128x64xf32, #tpu.memory_space<vmem>>, vector<16xf32>,
              %parallel_loop3A_924 = vector.broadcast %parallel_loop3A_908 : f32 to vector<16xf32>
              %parallel_loop3A_925 = arith.mulf %parallel_loop3A_923, %parallel_loop3A_924 : vector<16xf32>
              %parallel_loop3A_926 = arith.index_cast %parallel_loop3A_912 : i32 to index
              %parallel_loop3A_927 = arith.constant 16 : index
              %parallel_loop3A_928 = tpu.vector_load %arg15[%parallel_loop3A_926, %parallel_loop3A_927] {strides = array<i32>} : memref<128x64xf32, #tpu.memory_space<vmem>>, vector<16xf32>,
              tpu.vector_store %arg15[%parallel_loop3A_926, %parallel_loop3A_927], %parallel_loop3A_925 {strides = array<i32>} : memref<128x64xf32, #tpu.memory_space<vmem>>, vector<16xf32>,
              %parallel_loop3A_929 = arith.index_cast %parallel_loop3A_912 : i32 to index
              %parallel_loop3A_930 = arith.constant 32 : index
              %parallel_loop3A_931 = tpu.vector_load %arg15[%parallel_loop3A_929, %parallel_loop3A_930] {strides = array<i32>} : memref<128x64xf32, #tpu.memory_space<vmem>>, vector<16xf32>,
              %parallel_loop3A_932 = vector.broadcast %parallel_loop3A_908 : f32 to vector<16xf32>
              %parallel_loop3A_933 = arith.mulf %parallel_loop3A_931, %parallel_loop3A_932 : vector<16xf32>
              %parallel_loop3A_934 = arith.index_cast %parallel_loop3A_912 : i32 to index
              %parallel_loop3A_935 = arith.constant 32 : index
              %parallel_loop3A_936 = tpu.vector_load %arg15[%parallel_loop3A_934, %parallel_loop3A_935] {strides = array<i32>} : memref<128x64xf32, #tpu.memory_space<vmem>>, vector<16xf32>,
              tpu.vector_store %arg15[%parallel_loop3A_934, %parallel_loop3A_935], %parallel_loop3A_933 {strides = array<i32>} : memref<128x64xf32, #tpu.memory_space<vmem>>, vector<16xf32>,
              %parallel_loop3A_937 = arith.index_cast %parallel_loop3A_912 : i32 to index
              %parallel_loop3A_938 = arith.constant 48 : index
              %parallel_loop3A_939 = tpu.vector_load %arg15[%parallel_loop3A_937, %parallel_loop3A_938] {strides = array<i32>} : memref<128x64xf32, #tpu.memory_space<vmem>>, vector<16xf32>,
              %parallel_loop3A_940 = vector.broadcast %parallel_loop3A_908 : f32 to vector<16xf32>
              %parallel_loop3A_941 = arith.mulf %parallel_loop3A_939, %parallel_loop3A_940 : vector<16xf32>
              %parallel_loop3A_942 = arith.index_cast %parallel_loop3A_912 : i32 to index
              %parallel_loop3A_943 = arith.constant 48 : index
              %parallel_loop3A_944 = tpu.vector_load %arg15[%parallel_loop3A_942, %parallel_loop3A_943] {strides = array<i32>} : memref<128x64xf32, #tpu.memory_space<vmem>>, vector<16xf32>,
              tpu.vector_store %arg15[%parallel_loop3A_942, %parallel_loop3A_943], %parallel_loop3A_941 {strides = array<i32>} : memref<128x64xf32, #tpu.memory_space<vmem>>, vector<16xf32>,
              %parallel_loop3A_945 = vector.extract_strided_slice %parallel_loop3A_792 {offsets = [4], sizes = [1], strides = [1]} : vector<16xf32> to vector<1xf32>
              %parallel_loop3A_946 = vector.extract %parallel_loop3A_945[0] : f32 from vector<1xf32>
              %parallel_loop3A_947 = arith.constant 16 : i32
              %parallel_loop3A_948 = arith.muli %parallel_loop3A_787, %parallel_loop3A_947 : i32
              %parallel_loop3A_949 = arith.constant 4 : i32
              %parallel_loop3A_950 = arith.addi %parallel_loop3A_948, %parallel_loop3A_949 : i32
              %parallel_loop3A_951 = arith.index_cast %parallel_loop3A_950 : i32 to index
              %parallel_loop3A_952 = arith.constant 0 : index
              %parallel_loop3A_953 = tpu.vector_load %arg15[%parallel_loop3A_951, %parallel_loop3A_952] {strides = array<i32>} : memref<128x64xf32, #tpu.memory_space<vmem>>, vector<16xf32>,
              %parallel_loop3A_954 = vector.broadcast %parallel_loop3A_946 : f32 to vector<16xf32>
              %parallel_loop3A_955 = arith.mulf %parallel_loop3A_953, %parallel_loop3A_954 : vector<16xf32>
              %parallel_loop3A_956 = arith.index_cast %parallel_loop3A_950 : i32 to index
              %parallel_loop3A_957 = arith.constant 0 : index
              %parallel_loop3A_958 = tpu.vector_load %arg15[%parallel_loop3A_956, %parallel_loop3A_957] {strides = array<i32>} : memref<128x64xf32, #tpu.memory_space<vmem>>, vector<16xf32>,
              tpu.vector_store %arg15[%parallel_loop3A_956, %parallel_loop3A_957], %parallel_loop3A_955 {strides = array<i32>} : memref<128x64xf32, #tpu.memory_space<vmem>>, vector<16xf32>,
              %parallel_loop3A_959 = arith.index_cast %parallel_loop3A_950 : i32 to index
              %parallel_loop3A_960 = arith.constant 16 : index
              %parallel_loop3A_961 = tpu.vector_load %arg15[%parallel_loop3A_959, %parallel_loop3A_960] {strides = array<i32>} : memref<128x64xf32, #tpu.memory_space<vmem>>, vector<16xf32>,
              %parallel_loop3A_962 = vector.broadcast %parallel_loop3A_946 : f32 to vector<16xf32>
              %parallel_loop3A_963 = arith.mulf %parallel_loop3A_961, %parallel_loop3A_962 : vector<16xf32>
              %parallel_loop3A_964 = arith.index_cast %parallel_loop3A_950 : i32 to index
              %parallel_loop3A_965 = arith.constant 16 : index
              %parallel_loop3A_966 = tpu.vector_load %arg15[%parallel_loop3A_964, %parallel_loop3A_965] {strides = array<i32>} : memref<128x64xf32, #tpu.memory_space<vmem>>, vector<16xf32>,
              tpu.vector_store %arg15[%parallel_loop3A_964, %parallel_loop3A_965], %parallel_loop3A_963 {strides = array<i32>} : memref<128x64xf32, #tpu.memory_space<vmem>>, vector<16xf32>,
              %parallel_loop3A_967 = arith.index_cast %parallel_loop3A_950 : i32 to index
              %parallel_loop3A_968 = arith.constant 32 : index
              %parallel_loop3A_969 = tpu.vector_load %arg15[%parallel_loop3A_967, %parallel_loop3A_968] {strides = array<i32>} : memref<128x64xf32, #tpu.memory_space<vmem>>, vector<16xf32>,
              %parallel_loop3A_970 = vector.broadcast %parallel_loop3A_946 : f32 to vector<16xf32>
              %parallel_loop3A_971 = arith.mulf %parallel_loop3A_969, %parallel_loop3A_970 : vector<16xf32>
              %parallel_loop3A_972 = arith.index_cast %parallel_loop3A_950 : i32 to index
              %parallel_loop3A_973 = arith.constant 32 : index
              %parallel_loop3A_974 = tpu.vector_load %arg15[%parallel_loop3A_972, %parallel_loop3A_973] {strides = array<i32>} : memref<128x64xf32, #tpu.memory_space<vmem>>, vector<16xf32>,
              tpu.vector_store %arg15[%parallel_loop3A_972, %parallel_loop3A_973], %parallel_loop3A_971 {strides = array<i32>} : memref<128x64xf32, #tpu.memory_space<vmem>>, vector<16xf32>,
              %parallel_loop3A_975 = arith.index_cast %parallel_loop3A_950 : i32 to index
              %parallel_loop3A_976 = arith.constant 48 : index
              %parallel_loop3A_977 = tpu.vector_load %arg15[%parallel_loop3A_975, %parallel_loop3A_976] {strides = array<i32>} : memref<128x64xf32, #tpu.memory_space<vmem>>, vector<16xf32>,
              %parallel_loop3A_978 = vector.broadcast %parallel_loop3A_946 : f32 to vector<16xf32>
              %parallel_loop3A_979 = arith.mulf %parallel_loop3A_977, %parallel_loop3A_978 : vector<16xf32>
              %parallel_loop3A_980 = arith.index_cast %parallel_loop3A_950 : i32 to index
              %parallel_loop3A_981 = arith.constant 48 : index
              %parallel_loop3A_982 = tpu.vector_load %arg15[%parallel_loop3A_980, %parallel_loop3A_981] {strides = array<i32>} : memref<128x64xf32, #tpu.memory_space<vmem>>, vector<16xf32>,
              tpu.vector_store %arg15[%parallel_loop3A_980, %parallel_loop3A_981], %parallel_loop3A_979 {strides = array<i32>} : memref<128x64xf32, #tpu.memory_space<vmem>>, vector<16xf32>,
              %parallel_loop3A_983 = vector.extract_strided_slice %parallel_loop3A_792 {offsets = [5], sizes = [1], strides = [1]} : vector<16xf32> to vector<1xf32>
              %parallel_loop3A_984 = vector.extract %parallel_loop3A_983[0] : f32 from vector<1xf32>
              %parallel_loop3A_985 = arith.constant 16 : i32
              %parallel_loop3A_986 = arith.muli %parallel_loop3A_787, %parallel_loop3A_985 : i32
              %parallel_loop3A_987 = arith.constant 5 : i32
              %parallel_loop3A_988 = arith.addi %parallel_loop3A_986, %parallel_loop3A_987 : i32
              %parallel_loop3A_989 = arith.index_cast %parallel_loop3A_988 : i32 to index
              %parallel_loop3A_990 = arith.constant 0 : index
              %parallel_loop3A_991 = tpu.vector_load %arg15[%parallel_loop3A_989, %parallel_loop3A_990] {strides = array<i32>} : memref<128x64xf32, #tpu.memory_space<vmem>>, vector<16xf32>,
              %parallel_loop3A_992 = vector.broadcast %parallel_loop3A_984 : f32 to vector<16xf32>
              %parallel_loop3A_993 = arith.mulf %parallel_loop3A_991, %parallel_loop3A_992 : vector<16xf32>
              %parallel_loop3A_994 = arith.index_cast %parallel_loop3A_988 : i32 to index
              %parallel_loop3A_995 = arith.constant 0 : index
              %parallel_loop3A_996 = tpu.vector_load %arg15[%parallel_loop3A_994, %parallel_loop3A_995] {strides = array<i32>} : memref<128x64xf32, #tpu.memory_space<vmem>>, vector<16xf32>,
              tpu.vector_store %arg15[%parallel_loop3A_994, %parallel_loop3A_995], %parallel_loop3A_993 {strides = array<i32>} : memref<128x64xf32, #tpu.memory_space<vmem>>, vector<16xf32>,
              %parallel_loop3A_997 = arith.index_cast %parallel_loop3A_988 : i32 to index
              %parallel_loop3A_998 = arith.constant 16 : index
              %parallel_loop3A_999 = tpu.vector_load %arg15[%parallel_loop3A_997, %parallel_loop3A_998] {strides = array<i32>} : memref<128x64xf32, #tpu.memory_space<vmem>>, vector<16xf32>,
              %parallel_loop3A_1000 = vector.broadcast %parallel_loop3A_984 : f32 to vector<16xf32>
              %parallel_loop3A_1001 = arith.mulf %parallel_loop3A_999, %parallel_loop3A_1000 : vector<16xf32>
              %parallel_loop3A_1002 = arith.index_cast %parallel_loop3A_988 : i32 to index
              %parallel_loop3A_1003 = arith.constant 16 : index
              %parallel_loop3A_1004 = tpu.vector_load %arg15[%parallel_loop3A_1002, %parallel_loop3A_1003] {strides = array<i32>} : memref<128x64xf32, #tpu.memory_space<vmem>>, vector<16xf32>,
              tpu.vector_store %arg15[%parallel_loop3A_1002, %parallel_loop3A_1003], %parallel_loop3A_1001 {strides = array<i32>} : memref<128x64xf32, #tpu.memory_space<vmem>>, vector<16xf32>,
              %parallel_loop3A_1005 = arith.index_cast %parallel_loop3A_988 : i32 to index
              %parallel_loop3A_1006 = arith.constant 32 : index
              %parallel_loop3A_1007 = tpu.vector_load %arg15[%parallel_loop3A_1005, %parallel_loop3A_1006] {strides = array<i32>} : memref<128x64xf32, #tpu.memory_space<vmem>>, vector<16xf32>,
              %parallel_loop3A_1008 = vector.broadcast %parallel_loop3A_984 : f32 to vector<16xf32>
              %parallel_loop3A_1009 = arith.mulf %parallel_loop3A_1007, %parallel_loop3A_1008 : vector<16xf32>
              %parallel_loop3A_1010 = arith.index_cast %parallel_loop3A_988 : i32 to index
              %parallel_loop3A_1011 = arith.constant 32 : index
              %parallel_loop3A_1012 = tpu.vector_load %arg15[%parallel_loop3A_1010, %parallel_loop3A_1011] {strides = array<i32>} : memref<128x64xf32, #tpu.memory_space<vmem>>, vector<16xf32>,
              tpu.vector_store %arg15[%parallel_loop3A_1010, %parallel_loop3A_1011], %parallel_loop3A_1009 {strides = array<i32>} : memref<128x64xf32, #tpu.memory_space<vmem>>, vector<16xf32>,
              %parallel_loop3A_1013 = arith.index_cast %parallel_loop3A_988 : i32 to index
              %parallel_loop3A_1014 = arith.constant 48 : index
              %parallel_loop3A_1015 = tpu.vector_load %arg15[%parallel_loop3A_1013, %parallel_loop3A_1014] {strides = array<i32>} : memref<128x64xf32, #tpu.memory_space<vmem>>, vector<16xf32>,
              %parallel_loop3A_1016 = vector.broadcast %parallel_loop3A_984 : f32 to vector<16xf32>
              %parallel_loop3A_1017 = arith.mulf %parallel_loop3A_1015, %parallel_loop3A_1016 : vector<16xf32>
              %parallel_loop3A_1018 = arith.index_cast %parallel_loop3A_988 : i32 to index
              %parallel_loop3A_1019 = arith.constant 48 : index
              %parallel_loop3A_1020 = tpu.vector_load %arg15[%parallel_loop3A_1018, %parallel_loop3A_1019] {strides = array<i32>} : memref<128x64xf32, #tpu.memory_space<vmem>>, vector<16xf32>,
              tpu.vector_store %arg15[%parallel_loop3A_1018, %parallel_loop3A_1019], %parallel_loop3A_1017 {strides = array<i32>} : memref<128x64xf32, #tpu.memory_space<vmem>>, vector<16xf32>,
              %parallel_loop3A_1021 = vector.extract_strided_slice %parallel_loop3A_792 {offsets = [6], sizes = [1], strides = [1]} : vector<16xf32> to vector<1xf32>
              %parallel_loop3A_1022 = vector.extract %parallel_loop3A_1021[0] : f32 from vector<1xf32>
              %parallel_loop3A_1023 = arith.constant 16 : i32
              %parallel_loop3A_1024 = arith.muli %parallel_loop3A_787, %parallel_loop3A_1023 : i32
              %parallel_loop3A_1025 = arith.constant 6 : i32
              %parallel_loop3A_1026 = arith.addi %parallel_loop3A_1024, %parallel_loop3A_1025 : i32
              %parallel_loop3A_1027 = arith.index_cast %parallel_loop3A_1026 : i32 to index
              %parallel_loop3A_1028 = arith.constant 0 : index
              %parallel_loop3A_1029 = tpu.vector_load %arg15[%parallel_loop3A_1027, %parallel_loop3A_1028] {strides = array<i32>} : memref<128x64xf32, #tpu.memory_space<vmem>>, vector<16xf32>,
              %parallel_loop3A_1030 = vector.broadcast %parallel_loop3A_1022 : f32 to vector<16xf32>
              %parallel_loop3A_1031 = arith.mulf %parallel_loop3A_1029, %parallel_loop3A_1030 : vector<16xf32>
              %parallel_loop3A_1032 = arith.index_cast %parallel_loop3A_1026 : i32 to index
              %parallel_loop3A_1033 = arith.constant 0 : index
              %parallel_loop3A_1034 = tpu.vector_load %arg15[%parallel_loop3A_1032, %parallel_loop3A_1033] {strides = array<i32>} : memref<128x64xf32, #tpu.memory_space<vmem>>, vector<16xf32>,
              tpu.vector_store %arg15[%parallel_loop3A_1032, %parallel_loop3A_1033], %parallel_loop3A_1031 {strides = array<i32>} : memref<128x64xf32, #tpu.memory_space<vmem>>, vector<16xf32>,
              %parallel_loop3A_1035 = arith.index_cast %parallel_loop3A_1026 : i32 to index
              %parallel_loop3A_1036 = arith.constant 16 : index
              %parallel_loop3A_1037 = tpu.vector_load %arg15[%parallel_loop3A_1035, %parallel_loop3A_1036] {strides = array<i32>} : memref<128x64xf32, #tpu.memory_space<vmem>>, vector<16xf32>,
              %parallel_loop3A_1038 = vector.broadcast %parallel_loop3A_1022 : f32 to vector<16xf32>
              %parallel_loop3A_1039 = arith.mulf %parallel_loop3A_1037, %parallel_loop3A_1038 : vector<16xf32>
              %parallel_loop3A_1040 = arith.index_cast %parallel_loop3A_1026 : i32 to index
              %parallel_loop3A_1041 = arith.constant 16 : index
              %parallel_loop3A_1042 = tpu.vector_load %arg15[%parallel_loop3A_1040, %parallel_loop3A_1041] {strides = array<i32>} : memref<128x64xf32, #tpu.memory_space<vmem>>, vector<16xf32>,
              tpu.vector_store %arg15[%parallel_loop3A_1040, %parallel_loop3A_1041], %parallel_loop3A_1039 {strides = array<i32>} : memref<128x64xf32, #tpu.memory_space<vmem>>, vector<16xf32>,
              %parallel_loop3A_1043 = arith.index_cast %parallel_loop3A_1026 : i32 to index
              %parallel_loop3A_1044 = arith.constant 32 : index
              %parallel_loop3A_1045 = tpu.vector_load %arg15[%parallel_loop3A_1043, %parallel_loop3A_1044] {strides = array<i32>} : memref<128x64xf32, #tpu.memory_space<vmem>>, vector<16xf32>,
              %parallel_loop3A_1046 = vector.broadcast %parallel_loop3A_1022 : f32 to vector<16xf32>
              %parallel_loop3A_1047 = arith.mulf %parallel_loop3A_1045, %parallel_loop3A_1046 : vector<16xf32>
              %parallel_loop3A_1048 = arith.index_cast %parallel_loop3A_1026 : i32 to index
              %parallel_loop3A_1049 = arith.constant 32 : index
              %parallel_loop3A_1050 = tpu.vector_load %arg15[%parallel_loop3A_1048, %parallel_loop3A_1049] {strides = array<i32>} : memref<128x64xf32, #tpu.memory_space<vmem>>, vector<16xf32>,
              tpu.vector_store %arg15[%parallel_loop3A_1048, %parallel_loop3A_1049], %parallel_loop3A_1047 {strides = array<i32>} : memref<128x64xf32, #tpu.memory_space<vmem>>, vector<16xf32>,
              %parallel_loop3A_1051 = arith.index_cast %parallel_loop3A_1026 : i32 to index
              %parallel_loop3A_1052 = arith.constant 48 : index
              %parallel_loop3A_1053 = tpu.vector_load %arg15[%parallel_loop3A_1051, %parallel_loop3A_1052] {strides = array<i32>} : memref<128x64xf32, #tpu.memory_space<vmem>>, vector<16xf32>,
              %parallel_loop3A_1054 = vector.broadcast %parallel_loop3A_1022 : f32 to vector<16xf32>
              %parallel_loop3A_1055 = arith.mulf %parallel_loop3A_1053, %parallel_loop3A_1054 : vector<16xf32>
              %parallel_loop3A_1056 = arith.index_cast %parallel_loop3A_1026 : i32 to index
              %parallel_loop3A_1057 = arith.constant 48 : index
              %parallel_loop3A_1058 = tpu.vector_load %arg15[%parallel_loop3A_1056, %parallel_loop3A_1057] {strides = array<i32>} : memref<128x64xf32, #tpu.memory_space<vmem>>, vector<16xf32>,
              tpu.vector_store %arg15[%parallel_loop3A_1056, %parallel_loop3A_1057], %parallel_loop3A_1055 {strides = array<i32>} : memref<128x64xf32, #tpu.memory_space<vmem>>, vector<16xf32>,
              %parallel_loop3A_1059 = vector.extract_strided_slice %parallel_loop3A_792 {offsets = [7], sizes = [1], strides = [1]} : vector<16xf32> to vector<1xf32>
              %parallel_loop3A_1060 = vector.extract %parallel_loop3A_1059[0] : f32 from vector<1xf32>
              %parallel_loop3A_1061 = arith.constant 16 : i32
              %parallel_loop3A_1062 = arith.muli %parallel_loop3A_787, %parallel_loop3A_1061 : i32
              %parallel_loop3A_1063 = arith.constant 7 : i32
              %parallel_loop3A_1064 = arith.addi %parallel_loop3A_1062, %parallel_loop3A_1063 : i32
              %parallel_loop3A_1065 = arith.index_cast %parallel_loop3A_1064 : i32 to index
              %parallel_loop3A_1066 = arith.constant 0 : index
              %parallel_loop3A_1067 = tpu.vector_load %arg15[%parallel_loop3A_1065, %parallel_loop3A_1066] {strides = array<i32>} : memref<128x64xf32, #tpu.memory_space<vmem>>, vector<16xf32>,
              %parallel_loop3A_1068 = vector.broadcast %parallel_loop3A_1060 : f32 to vector<16xf32>
              %parallel_loop3A_1069 = arith.mulf %parallel_loop3A_1067, %parallel_loop3A_1068 : vector<16xf32>
              %parallel_loop3A_1070 = arith.index_cast %parallel_loop3A_1064 : i32 to index
              %parallel_loop3A_1071 = arith.constant 0 : index
              %parallel_loop3A_1072 = tpu.vector_load %arg15[%parallel_loop3A_1070, %parallel_loop3A_1071] {strides = array<i32>} : memref<128x64xf32, #tpu.memory_space<vmem>>, vector<16xf32>,
              tpu.vector_store %arg15[%parallel_loop3A_1070, %parallel_loop3A_1071], %parallel_loop3A_1069 {strides = array<i32>} : memref<128x64xf32, #tpu.memory_space<vmem>>, vector<16xf32>,
              %parallel_loop3A_1073 = arith.index_cast %parallel_loop3A_1064 : i32 to index
              %parallel_loop3A_1074 = arith.constant 16 : index
              %parallel_loop3A_1075 = tpu.vector_load %arg15[%parallel_loop3A_1073, %parallel_loop3A_1074] {strides = array<i32>} : memref<128x64xf32, #tpu.memory_space<vmem>>, vector<16xf32>,
              %parallel_loop3A_1076 = vector.broadcast %parallel_loop3A_1060 : f32 to vector<16xf32>
              %parallel_loop3A_1077 = arith.mulf %parallel_loop3A_1075, %parallel_loop3A_1076 : vector<16xf32>
              %parallel_loop3A_1078 = arith.index_cast %parallel_loop3A_1064 : i32 to index
              %parallel_loop3A_1079 = arith.constant 16 : index
              %parallel_loop3A_1080 = tpu.vector_load %arg15[%parallel_loop3A_1078, %parallel_loop3A_1079] {strides = array<i32>} : memref<128x64xf32, #tpu.memory_space<vmem>>, vector<16xf32>,
              tpu.vector_store %arg15[%parallel_loop3A_1078, %parallel_loop3A_1079], %parallel_loop3A_1077 {strides = array<i32>} : memref<128x64xf32, #tpu.memory_space<vmem>>, vector<16xf32>,
              %parallel_loop3A_1081 = arith.index_cast %parallel_loop3A_1064 : i32 to index
              %parallel_loop3A_1082 = arith.constant 32 : index
              %parallel_loop3A_1083 = tpu.vector_load %arg15[%parallel_loop3A_1081, %parallel_loop3A_1082] {strides = array<i32>} : memref<128x64xf32, #tpu.memory_space<vmem>>, vector<16xf32>,
              %parallel_loop3A_1084 = vector.broadcast %parallel_loop3A_1060 : f32 to vector<16xf32>
              %parallel_loop3A_1085 = arith.mulf %parallel_loop3A_1083, %parallel_loop3A_1084 : vector<16xf32>
              %parallel_loop3A_1086 = arith.index_cast %parallel_loop3A_1064 : i32 to index
              %parallel_loop3A_1087 = arith.constant 32 : index
              %parallel_loop3A_1088 = tpu.vector_load %arg15[%parallel_loop3A_1086, %parallel_loop3A_1087] {strides = array<i32>} : memref<128x64xf32, #tpu.memory_space<vmem>>, vector<16xf32>,
              tpu.vector_store %arg15[%parallel_loop3A_1086, %parallel_loop3A_1087], %parallel_loop3A_1085 {strides = array<i32>} : memref<128x64xf32, #tpu.memory_space<vmem>>, vector<16xf32>,
              %parallel_loop3A_1089 = arith.index_cast %parallel_loop3A_1064 : i32 to index
              %parallel_loop3A_1090 = arith.constant 48 : index
              %parallel_loop3A_1091 = tpu.vector_load %arg15[%parallel_loop3A_1089, %parallel_loop3A_1090] {strides = array<i32>} : memref<128x64xf32, #tpu.memory_space<vmem>>, vector<16xf32>,
              %parallel_loop3A_1092 = vector.broadcast %parallel_loop3A_1060 : f32 to vector<16xf32>
              %parallel_loop3A_1093 = arith.mulf %parallel_loop3A_1091, %parallel_loop3A_1092 : vector<16xf32>
              %parallel_loop3A_1094 = arith.index_cast %parallel_loop3A_1064 : i32 to index
              %parallel_loop3A_1095 = arith.constant 48 : index
              %parallel_loop3A_1096 = tpu.vector_load %arg15[%parallel_loop3A_1094, %parallel_loop3A_1095] {strides = array<i32>} : memref<128x64xf32, #tpu.memory_space<vmem>>, vector<16xf32>,
              tpu.vector_store %arg15[%parallel_loop3A_1094, %parallel_loop3A_1095], %parallel_loop3A_1093 {strides = array<i32>} : memref<128x64xf32, #tpu.memory_space<vmem>>, vector<16xf32>,
              %parallel_loop3A_1097 = vector.extract_strided_slice %parallel_loop3A_792 {offsets = [8], sizes = [1], strides = [1]} : vector<16xf32> to vector<1xf32>
              %parallel_loop3A_1098 = vector.extract %parallel_loop3A_1097[0] : f32 from vector<1xf32>
              %parallel_loop3A_1099 = arith.constant 16 : i32
              %parallel_loop3A_1100 = arith.muli %parallel_loop3A_787, %parallel_loop3A_1099 : i32
              %parallel_loop3A_1101 = arith.constant 8 : i32
              %parallel_loop3A_1102 = arith.addi %parallel_loop3A_1100, %parallel_loop3A_1101 : i32
              %parallel_loop3A_1103 = arith.index_cast %parallel_loop3A_1102 : i32 to index
              %parallel_loop3A_1104 = arith.constant 0 : index
              %parallel_loop3A_1105 = tpu.vector_load %arg15[%parallel_loop3A_1103, %parallel_loop3A_1104] {strides = array<i32>} : memref<128x64xf32, #tpu.memory_space<vmem>>, vector<16xf32>,
              %parallel_loop3A_1106 = vector.broadcast %parallel_loop3A_1098 : f32 to vector<16xf32>
              %parallel_loop3A_1107 = arith.mulf %parallel_loop3A_1105, %parallel_loop3A_1106 : vector<16xf32>
              %parallel_loop3A_1108 = arith.index_cast %parallel_loop3A_1102 : i32 to index
              %parallel_loop3A_1109 = arith.constant 0 : index
              %parallel_loop3A_1110 = tpu.vector_load %arg15[%parallel_loop3A_1108, %parallel_loop3A_1109] {strides = array<i32>} : memref<128x64xf32, #tpu.memory_space<vmem>>, vector<16xf32>,
              tpu.vector_store %arg15[%parallel_loop3A_1108, %parallel_loop3A_1109], %parallel_loop3A_1107 {strides = array<i32>} : memref<128x64xf32, #tpu.memory_space<vmem>>, vector<16xf32>,
              %parallel_loop3A_1111 = arith.index_cast %parallel_loop3A_1102 : i32 to index
              %parallel_loop3A_1112 = arith.constant 16 : index
              %parallel_loop3A_1113 = tpu.vector_load %arg15[%parallel_loop3A_1111, %parallel_loop3A_1112] {strides = array<i32>} : memref<128x64xf32, #tpu.memory_space<vmem>>, vector<16xf32>,
              %parallel_loop3A_1114 = vector.broadcast %parallel_loop3A_1098 : f32 to vector<16xf32>
              %parallel_loop3A_1115 = arith.mulf %parallel_loop3A_1113, %parallel_loop3A_1114 : vector<16xf32>
              %parallel_loop3A_1116 = arith.index_cast %parallel_loop3A_1102 : i32 to index
              %parallel_loop3A_1117 = arith.constant 16 : index
              %parallel_loop3A_1118 = tpu.vector_load %arg15[%parallel_loop3A_1116, %parallel_loop3A_1117] {strides = array<i32>} : memref<128x64xf32, #tpu.memory_space<vmem>>, vector<16xf32>,
              tpu.vector_store %arg15[%parallel_loop3A_1116, %parallel_loop3A_1117], %parallel_loop3A_1115 {strides = array<i32>} : memref<128x64xf32, #tpu.memory_space<vmem>>, vector<16xf32>,
              %parallel_loop3A_1119 = arith.index_cast %parallel_loop3A_1102 : i32 to index
              %parallel_loop3A_1120 = arith.constant 32 : index
              %parallel_loop3A_1121 = tpu.vector_load %arg15[%parallel_loop3A_1119, %parallel_loop3A_1120] {strides = array<i32>} : memref<128x64xf32, #tpu.memory_space<vmem>>, vector<16xf32>,
              %parallel_loop3A_1122 = vector.broadcast %parallel_loop3A_1098 : f32 to vector<16xf32>
              %parallel_loop3A_1123 = arith.mulf %parallel_loop3A_1121, %parallel_loop3A_1122 : vector<16xf32>
              %parallel_loop3A_1124 = arith.index_cast %parallel_loop3A_1102 : i32 to index
              %parallel_loop3A_1125 = arith.constant 32 : index
              %parallel_loop3A_1126 = tpu.vector_load %arg15[%parallel_loop3A_1124, %parallel_loop3A_1125] {strides = array<i32>} : memref<128x64xf32, #tpu.memory_space<vmem>>, vector<16xf32>,
              tpu.vector_store %arg15[%parallel_loop3A_1124, %parallel_loop3A_1125], %parallel_loop3A_1123 {strides = array<i32>} : memref<128x64xf32, #tpu.memory_space<vmem>>, vector<16xf32>,
              %parallel_loop3A_1127 = arith.index_cast %parallel_loop3A_1102 : i32 to index
              %parallel_loop3A_1128 = arith.constant 48 : index
              %parallel_loop3A_1129 = tpu.vector_load %arg15[%parallel_loop3A_1127, %parallel_loop3A_1128] {strides = array<i32>} : memref<128x64xf32, #tpu.memory_space<vmem>>, vector<16xf32>,
              %parallel_loop3A_1130 = vector.broadcast %parallel_loop3A_1098 : f32 to vector<16xf32>
              %parallel_loop3A_1131 = arith.mulf %parallel_loop3A_1129, %parallel_loop3A_1130 : vector<16xf32>
              %parallel_loop3A_1132 = arith.index_cast %parallel_loop3A_1102 : i32 to index
              %parallel_loop3A_1133 = arith.constant 48 : index
              %parallel_loop3A_1134 = tpu.vector_load %arg15[%parallel_loop3A_1132, %parallel_loop3A_1133] {strides = array<i32>} : memref<128x64xf32, #tpu.memory_space<vmem>>, vector<16xf32>,
              tpu.vector_store %arg15[%parallel_loop3A_1132, %parallel_loop3A_1133], %parallel_loop3A_1131 {strides = array<i32>} : memref<128x64xf32, #tpu.memory_space<vmem>>, vector<16xf32>,
              %parallel_loop3A_1135 = vector.extract_strided_slice %parallel_loop3A_792 {offsets = [9], sizes = [1], strides = [1]} : vector<16xf32> to vector<1xf32>
              %parallel_loop3A_1136 = vector.extract %parallel_loop3A_1135[0] : f32 from vector<1xf32>
              %parallel_loop3A_1137 = arith.constant 16 : i32
              %parallel_loop3A_1138 = arith.muli %parallel_loop3A_787, %parallel_loop3A_1137 : i32
              %parallel_loop3A_1139 = arith.constant 9 : i32
              %parallel_loop3A_1140 = arith.addi %parallel_loop3A_1138, %parallel_loop3A_1139 : i32
              %parallel_loop3A_1141 = arith.index_cast %parallel_loop3A_1140 : i32 to index
              %parallel_loop3A_1142 = arith.constant 0 : index
              %parallel_loop3A_1143 = tpu.vector_load %arg15[%parallel_loop3A_1141, %parallel_loop3A_1142] {strides = array<i32>} : memref<128x64xf32, #tpu.memory_space<vmem>>, vector<16xf32>,
              %parallel_loop3A_1144 = vector.broadcast %parallel_loop3A_1136 : f32 to vector<16xf32>
              %parallel_loop3A_1145 = arith.mulf %parallel_loop3A_1143, %parallel_loop3A_1144 : vector<16xf32>
              %parallel_loop3A_1146 = arith.index_cast %parallel_loop3A_1140 : i32 to index
              %parallel_loop3A_1147 = arith.constant 0 : index
              %parallel_loop3A_1148 = tpu.vector_load %arg15[%parallel_loop3A_1146, %parallel_loop3A_1147] {strides = array<i32>} : memref<128x64xf32, #tpu.memory_space<vmem>>, vector<16xf32>,
              tpu.vector_store %arg15[%parallel_loop3A_1146, %parallel_loop3A_1147], %parallel_loop3A_1145 {strides = array<i32>} : memref<128x64xf32, #tpu.memory_space<vmem>>, vector<16xf32>,
              %parallel_loop3A_1149 = arith.index_cast %parallel_loop3A_1140 : i32 to index
              %parallel_loop3A_1150 = arith.constant 16 : index
              %parallel_loop3A_1151 = tpu.vector_load %arg15[%parallel_loop3A_1149, %parallel_loop3A_1150] {strides = array<i32>} : memref<128x64xf32, #tpu.memory_space<vmem>>, vector<16xf32>,
              %parallel_loop3A_1152 = vector.broadcast %parallel_loop3A_1136 : f32 to vector<16xf32>
              %parallel_loop3A_1153 = arith.mulf %parallel_loop3A_1151, %parallel_loop3A_1152 : vector<16xf32>
              %parallel_loop3A_1154 = arith.index_cast %parallel_loop3A_1140 : i32 to index
              %parallel_loop3A_1155 = arith.constant 16 : index
              %parallel_loop3A_1156 = tpu.vector_load %arg15[%parallel_loop3A_1154, %parallel_loop3A_1155] {strides = array<i32>} : memref<128x64xf32, #tpu.memory_space<vmem>>, vector<16xf32>,
              tpu.vector_store %arg15[%parallel_loop3A_1154, %parallel_loop3A_1155], %parallel_loop3A_1153 {strides = array<i32>} : memref<128x64xf32, #tpu.memory_space<vmem>>, vector<16xf32>,
              %parallel_loop3A_1157 = arith.index_cast %parallel_loop3A_1140 : i32 to index
              %parallel_loop3A_1158 = arith.constant 32 : index
              %parallel_loop3A_1159 = tpu.vector_load %arg15[%parallel_loop3A_1157, %parallel_loop3A_1158] {strides = array<i32>} : memref<128x64xf32, #tpu.memory_space<vmem>>, vector<16xf32>,
              %parallel_loop3A_1160 = vector.broadcast %parallel_loop3A_1136 : f32 to vector<16xf32>
              %parallel_loop3A_1161 = arith.mulf %parallel_loop3A_1159, %parallel_loop3A_1160 : vector<16xf32>
              %parallel_loop3A_1162 = arith.index_cast %parallel_loop3A_1140 : i32 to index
              %parallel_loop3A_1163 = arith.constant 32 : index
              %parallel_loop3A_1164 = tpu.vector_load %arg15[%parallel_loop3A_1162, %parallel_loop3A_1163] {strides = array<i32>} : memref<128x64xf32, #tpu.memory_space<vmem>>, vector<16xf32>,
              tpu.vector_store %arg15[%parallel_loop3A_1162, %parallel_loop3A_1163], %parallel_loop3A_1161 {strides = array<i32>} : memref<128x64xf32, #tpu.memory_space<vmem>>, vector<16xf32>,
              %parallel_loop3A_1165 = arith.index_cast %parallel_loop3A_1140 : i32 to index
              %parallel_loop3A_1166 = arith.constant 48 : index
              %parallel_loop3A_1167 = tpu.vector_load %arg15[%parallel_loop3A_1165, %parallel_loop3A_1166] {strides = array<i32>} : memref<128x64xf32, #tpu.memory_space<vmem>>, vector<16xf32>,
              %parallel_loop3A_1168 = vector.broadcast %parallel_loop3A_1136 : f32 to vector<16xf32>
              %parallel_loop3A_1169 = arith.mulf %parallel_loop3A_1167, %parallel_loop3A_1168 : vector<16xf32>
              %parallel_loop3A_1170 = arith.index_cast %parallel_loop3A_1140 : i32 to index
              %parallel_loop3A_1171 = arith.constant 48 : index
              %parallel_loop3A_1172 = tpu.vector_load %arg15[%parallel_loop3A_1170, %parallel_loop3A_1171] {strides = array<i32>} : memref<128x64xf32, #tpu.memory_space<vmem>>, vector<16xf32>,
              tpu.vector_store %arg15[%parallel_loop3A_1170, %parallel_loop3A_1171], %parallel_loop3A_1169 {strides = array<i32>} : memref<128x64xf32, #tpu.memory_space<vmem>>, vector<16xf32>,
              %parallel_loop3A_1173 = vector.extract_strided_slice %parallel_loop3A_792 {offsets = [10], sizes = [1], strides = [1]} : vector<16xf32> to vector<1xf32>
              %parallel_loop3A_1174 = vector.extract %parallel_loop3A_1173[0] : f32 from vector<1xf32>
              %parallel_loop3A_1175 = arith.constant 16 : i32
              %parallel_loop3A_1176 = arith.muli %parallel_loop3A_787, %parallel_loop3A_1175 : i32
              %parallel_loop3A_1177 = arith.constant 10 : i32
              %parallel_loop3A_1178 = arith.addi %parallel_loop3A_1176, %parallel_loop3A_1177 : i32
              %parallel_loop3A_1179 = arith.index_cast %parallel_loop3A_1178 : i32 to index
              %parallel_loop3A_1180 = arith.constant 0 : index
              %parallel_loop3A_1181 = tpu.vector_load %arg15[%parallel_loop3A_1179, %parallel_loop3A_1180] {strides = array<i32>} : memref<128x64xf32, #tpu.memory_space<vmem>>, vector<16xf32>,
              %parallel_loop3A_1182 = vector.broadcast %parallel_loop3A_1174 : f32 to vector<16xf32>
              %parallel_loop3A_1183 = arith.mulf %parallel_loop3A_1181, %parallel_loop3A_1182 : vector<16xf32>
              %parallel_loop3A_1184 = arith.index_cast %parallel_loop3A_1178 : i32 to index
              %parallel_loop3A_1185 = arith.constant 0 : index
              %parallel_loop3A_1186 = tpu.vector_load %arg15[%parallel_loop3A_1184, %parallel_loop3A_1185] {strides = array<i32>} : memref<128x64xf32, #tpu.memory_space<vmem>>, vector<16xf32>,
              tpu.vector_store %arg15[%parallel_loop3A_1184, %parallel_loop3A_1185], %parallel_loop3A_1183 {strides = array<i32>} : memref<128x64xf32, #tpu.memory_space<vmem>>, vector<16xf32>,
              %parallel_loop3A_1187 = arith.index_cast %parallel_loop3A_1178 : i32 to index
              %parallel_loop3A_1188 = arith.constant 16 : index
              %parallel_loop3A_1189 = tpu.vector_load %arg15[%parallel_loop3A_1187, %parallel_loop3A_1188] {strides = array<i32>} : memref<128x64xf32, #tpu.memory_space<vmem>>, vector<16xf32>,
              %parallel_loop3A_1190 = vector.broadcast %parallel_loop3A_1174 : f32 to vector<16xf32>
              %parallel_loop3A_1191 = arith.mulf %parallel_loop3A_1189, %parallel_loop3A_1190 : vector<16xf32>
              %parallel_loop3A_1192 = arith.index_cast %parallel_loop3A_1178 : i32 to index
              %parallel_loop3A_1193 = arith.constant 16 : index
              %parallel_loop3A_1194 = tpu.vector_load %arg15[%parallel_loop3A_1192, %parallel_loop3A_1193] {strides = array<i32>} : memref<128x64xf32, #tpu.memory_space<vmem>>, vector<16xf32>,
              tpu.vector_store %arg15[%parallel_loop3A_1192, %parallel_loop3A_1193], %parallel_loop3A_1191 {strides = array<i32>} : memref<128x64xf32, #tpu.memory_space<vmem>>, vector<16xf32>,
              %parallel_loop3A_1195 = arith.index_cast %parallel_loop3A_1178 : i32 to index
              %parallel_loop3A_1196 = arith.constant 32 : index
              %parallel_loop3A_1197 = tpu.vector_load %arg15[%parallel_loop3A_1195, %parallel_loop3A_1196] {strides = array<i32>} : memref<128x64xf32, #tpu.memory_space<vmem>>, vector<16xf32>,
              %parallel_loop3A_1198 = vector.broadcast %parallel_loop3A_1174 : f32 to vector<16xf32>
              %parallel_loop3A_1199 = arith.mulf %parallel_loop3A_1197, %parallel_loop3A_1198 : vector<16xf32>
              %parallel_loop3A_1200 = arith.index_cast %parallel_loop3A_1178 : i32 to index
              %parallel_loop3A_1201 = arith.constant 32 : index
              %parallel_loop3A_1202 = tpu.vector_load %arg15[%parallel_loop3A_1200, %parallel_loop3A_1201] {strides = array<i32>} : memref<128x64xf32, #tpu.memory_space<vmem>>, vector<16xf32>,
              tpu.vector_store %arg15[%parallel_loop3A_1200, %parallel_loop3A_1201], %parallel_loop3A_1199 {strides = array<i32>} : memref<128x64xf32, #tpu.memory_space<vmem>>, vector<16xf32>,
              %parallel_loop3A_1203 = arith.index_cast %parallel_loop3A_1178 : i32 to index
              %parallel_loop3A_1204 = arith.constant 48 : index
              %parallel_loop3A_1205 = tpu.vector_load %arg15[%parallel_loop3A_1203, %parallel_loop3A_1204] {strides = array<i32>} : memref<128x64xf32, #tpu.memory_space<vmem>>, vector<16xf32>,
              %parallel_loop3A_1206 = vector.broadcast %parallel_loop3A_1174 : f32 to vector<16xf32>
              %parallel_loop3A_1207 = arith.mulf %parallel_loop3A_1205, %parallel_loop3A_1206 : vector<16xf32>
              %parallel_loop3A_1208 = arith.index_cast %parallel_loop3A_1178 : i32 to index
              %parallel_loop3A_1209 = arith.constant 48 : index
              %parallel_loop3A_1210 = tpu.vector_load %arg15[%parallel_loop3A_1208, %parallel_loop3A_1209] {strides = array<i32>} : memref<128x64xf32, #tpu.memory_space<vmem>>, vector<16xf32>,
              tpu.vector_store %arg15[%parallel_loop3A_1208, %parallel_loop3A_1209], %parallel_loop3A_1207 {strides = array<i32>} : memref<128x64xf32, #tpu.memory_space<vmem>>, vector<16xf32>,
              %parallel_loop3A_1211 = vector.extract_strided_slice %parallel_loop3A_792 {offsets = [11], sizes = [1], strides = [1]} : vector<16xf32> to vector<1xf32>
              %parallel_loop3A_1212 = vector.extract %parallel_loop3A_1211[0] : f32 from vector<1xf32>
              %parallel_loop3A_1213 = arith.constant 16 : i32
              %parallel_loop3A_1214 = arith.muli %parallel_loop3A_787, %parallel_loop3A_1213 : i32
              %parallel_loop3A_1215 = arith.constant 11 : i32
              %parallel_loop3A_1216 = arith.addi %parallel_loop3A_1214, %parallel_loop3A_1215 : i32
              %parallel_loop3A_1217 = arith.index_cast %parallel_loop3A_1216 : i32 to index
              %parallel_loop3A_1218 = arith.constant 0 : index
              %parallel_loop3A_1219 = tpu.vector_load %arg15[%parallel_loop3A_1217, %parallel_loop3A_1218] {strides = array<i32>} : memref<128x64xf32, #tpu.memory_space<vmem>>, vector<16xf32>,
              %parallel_loop3A_1220 = vector.broadcast %parallel_loop3A_1212 : f32 to vector<16xf32>
              %parallel_loop3A_1221 = arith.mulf %parallel_loop3A_1219, %parallel_loop3A_1220 : vector<16xf32>
              %parallel_loop3A_1222 = arith.index_cast %parallel_loop3A_1216 : i32 to index
              %parallel_loop3A_1223 = arith.constant 0 : index
              %parallel_loop3A_1224 = tpu.vector_load %arg15[%parallel_loop3A_1222, %parallel_loop3A_1223] {strides = array<i32>} : memref<128x64xf32, #tpu.memory_space<vmem>>, vector<16xf32>,
              tpu.vector_store %arg15[%parallel_loop3A_1222, %parallel_loop3A_1223], %parallel_loop3A_1221 {strides = array<i32>} : memref<128x64xf32, #tpu.memory_space<vmem>>, vector<16xf32>,
              %parallel_loop3A_1225 = arith.index_cast %parallel_loop3A_1216 : i32 to index
              %parallel_loop3A_1226 = arith.constant 16 : index
              %parallel_loop3A_1227 = tpu.vector_load %arg15[%parallel_loop3A_1225, %parallel_loop3A_1226] {strides = array<i32>} : memref<128x64xf32, #tpu.memory_space<vmem>>, vector<16xf32>,
              %parallel_loop3A_1228 = vector.broadcast %parallel_loop3A_1212 : f32 to vector<16xf32>
              %parallel_loop3A_1229 = arith.mulf %parallel_loop3A_1227, %parallel_loop3A_1228 : vector<16xf32>
              %parallel_loop3A_1230 = arith.index_cast %parallel_loop3A_1216 : i32 to index
              %parallel_loop3A_1231 = arith.constant 16 : index
              %parallel_loop3A_1232 = tpu.vector_load %arg15[%parallel_loop3A_1230, %parallel_loop3A_1231] {strides = array<i32>} : memref<128x64xf32, #tpu.memory_space<vmem>>, vector<16xf32>,
              tpu.vector_store %arg15[%parallel_loop3A_1230, %parallel_loop3A_1231], %parallel_loop3A_1229 {strides = array<i32>} : memref<128x64xf32, #tpu.memory_space<vmem>>, vector<16xf32>,
              %parallel_loop3A_1233 = arith.index_cast %parallel_loop3A_1216 : i32 to index
              %parallel_loop3A_1234 = arith.constant 32 : index
              %parallel_loop3A_1235 = tpu.vector_load %arg15[%parallel_loop3A_1233, %parallel_loop3A_1234] {strides = array<i32>} : memref<128x64xf32, #tpu.memory_space<vmem>>, vector<16xf32>,
              %parallel_loop3A_1236 = vector.broadcast %parallel_loop3A_1212 : f32 to vector<16xf32>
              %parallel_loop3A_1237 = arith.mulf %parallel_loop3A_1235, %parallel_loop3A_1236 : vector<16xf32>
              %parallel_loop3A_1238 = arith.index_cast %parallel_loop3A_1216 : i32 to index
              %parallel_loop3A_1239 = arith.constant 32 : index
              %parallel_loop3A_1240 = tpu.vector_load %arg15[%parallel_loop3A_1238, %parallel_loop3A_1239] {strides = array<i32>} : memref<128x64xf32, #tpu.memory_space<vmem>>, vector<16xf32>,
              tpu.vector_store %arg15[%parallel_loop3A_1238, %parallel_loop3A_1239], %parallel_loop3A_1237 {strides = array<i32>} : memref<128x64xf32, #tpu.memory_space<vmem>>, vector<16xf32>,
              %parallel_loop3A_1241 = arith.index_cast %parallel_loop3A_1216 : i32 to index
              %parallel_loop3A_1242 = arith.constant 48 : index
              %parallel_loop3A_1243 = tpu.vector_load %arg15[%parallel_loop3A_1241, %parallel_loop3A_1242] {strides = array<i32>} : memref<128x64xf32, #tpu.memory_space<vmem>>, vector<16xf32>,
              %parallel_loop3A_1244 = vector.broadcast %parallel_loop3A_1212 : f32 to vector<16xf32>
              %parallel_loop3A_1245 = arith.mulf %parallel_loop3A_1243, %parallel_loop3A_1244 : vector<16xf32>
              %parallel_loop3A_1246 = arith.index_cast %parallel_loop3A_1216 : i32 to index
              %parallel_loop3A_1247 = arith.constant 48 : index
              %parallel_loop3A_1248 = tpu.vector_load %arg15[%parallel_loop3A_1246, %parallel_loop3A_1247] {strides = array<i32>} : memref<128x64xf32, #tpu.memory_space<vmem>>, vector<16xf32>,
              tpu.vector_store %arg15[%parallel_loop3A_1246, %parallel_loop3A_1247], %parallel_loop3A_1245 {strides = array<i32>} : memref<128x64xf32, #tpu.memory_space<vmem>>, vector<16xf32>,
              %parallel_loop3A_1249 = vector.extract_strided_slice %parallel_loop3A_792 {offsets = [12], sizes = [1], strides = [1]} : vector<16xf32> to vector<1xf32>
              %parallel_loop3A_1250 = vector.extract %parallel_loop3A_1249[0] : f32 from vector<1xf32>
              %parallel_loop3A_1251 = arith.constant 16 : i32
              %parallel_loop3A_1252 = arith.muli %parallel_loop3A_787, %parallel_loop3A_1251 : i32
              %parallel_loop3A_1253 = arith.constant 12 : i32
              %parallel_loop3A_1254 = arith.addi %parallel_loop3A_1252, %parallel_loop3A_1253 : i32
              %parallel_loop3A_1255 = arith.index_cast %parallel_loop3A_1254 : i32 to index
              %parallel_loop3A_1256 = arith.constant 0 : index
              %parallel_loop3A_1257 = tpu.vector_load %arg15[%parallel_loop3A_1255, %parallel_loop3A_1256] {strides = array<i32>} : memref<128x64xf32, #tpu.memory_space<vmem>>, vector<16xf32>,
              %parallel_loop3A_1258 = vector.broadcast %parallel_loop3A_1250 : f32 to vector<16xf32>
              %parallel_loop3A_1259 = arith.mulf %parallel_loop3A_1257, %parallel_loop3A_1258 : vector<16xf32>
              %parallel_loop3A_1260 = arith.index_cast %parallel_loop3A_1254 : i32 to index
              %parallel_loop3A_1261 = arith.constant 0 : index
              %parallel_loop3A_1262 = tpu.vector_load %arg15[%parallel_loop3A_1260, %parallel_loop3A_1261] {strides = array<i32>} : memref<128x64xf32, #tpu.memory_space<vmem>>, vector<16xf32>,
              tpu.vector_store %arg15[%parallel_loop3A_1260, %parallel_loop3A_1261], %parallel_loop3A_1259 {strides = array<i32>} : memref<128x64xf32, #tpu.memory_space<vmem>>, vector<16xf32>,
              %parallel_loop3A_1263 = arith.index_cast %parallel_loop3A_1254 : i32 to index
              %parallel_loop3A_1264 = arith.constant 16 : index
              %parallel_loop3A_1265 = tpu.vector_load %arg15[%parallel_loop3A_1263, %parallel_loop3A_1264] {strides = array<i32>} : memref<128x64xf32, #tpu.memory_space<vmem>>, vector<16xf32>,
              %parallel_loop3A_1266 = vector.broadcast %parallel_loop3A_1250 : f32 to vector<16xf32>
              %parallel_loop3A_1267 = arith.mulf %parallel_loop3A_1265, %parallel_loop3A_1266 : vector<16xf32>
              %parallel_loop3A_1268 = arith.index_cast %parallel_loop3A_1254 : i32 to index
              %parallel_loop3A_1269 = arith.constant 16 : index
              %parallel_loop3A_1270 = tpu.vector_load %arg15[%parallel_loop3A_1268, %parallel_loop3A_1269] {strides = array<i32>} : memref<128x64xf32, #tpu.memory_space<vmem>>, vector<16xf32>,
              tpu.vector_store %arg15[%parallel_loop3A_1268, %parallel_loop3A_1269], %parallel_loop3A_1267 {strides = array<i32>} : memref<128x64xf32, #tpu.memory_space<vmem>>, vector<16xf32>,
              %parallel_loop3A_1271 = arith.index_cast %parallel_loop3A_1254 : i32 to index
              %parallel_loop3A_1272 = arith.constant 32 : index
              %parallel_loop3A_1273 = tpu.vector_load %arg15[%parallel_loop3A_1271, %parallel_loop3A_1272] {strides = array<i32>} : memref<128x64xf32, #tpu.memory_space<vmem>>, vector<16xf32>,
              %parallel_loop3A_1274 = vector.broadcast %parallel_loop3A_1250 : f32 to vector<16xf32>
              %parallel_loop3A_1275 = arith.mulf %parallel_loop3A_1273, %parallel_loop3A_1274 : vector<16xf32>
              %parallel_loop3A_1276 = arith.index_cast %parallel_loop3A_1254 : i32 to index
              %parallel_loop3A_1277 = arith.constant 32 : index
              %parallel_loop3A_1278 = tpu.vector_load %arg15[%parallel_loop3A_1276, %parallel_loop3A_1277] {strides = array<i32>} : memref<128x64xf32, #tpu.memory_space<vmem>>, vector<16xf32>,
              tpu.vector_store %arg15[%parallel_loop3A_1276, %parallel_loop3A_1277], %parallel_loop3A_1275 {strides = array<i32>} : memref<128x64xf32, #tpu.memory_space<vmem>>, vector<16xf32>,
              %parallel_loop3A_1279 = arith.index_cast %parallel_loop3A_1254 : i32 to index
              %parallel_loop3A_1280 = arith.constant 48 : index
              %parallel_loop3A_1281 = tpu.vector_load %arg15[%parallel_loop3A_1279, %parallel_loop3A_1280] {strides = array<i32>} : memref<128x64xf32, #tpu.memory_space<vmem>>, vector<16xf32>,
              %parallel_loop3A_1282 = vector.broadcast %parallel_loop3A_1250 : f32 to vector<16xf32>
              %parallel_loop3A_1283 = arith.mulf %parallel_loop3A_1281, %parallel_loop3A_1282 : vector<16xf32>
              %parallel_loop3A_1284 = arith.index_cast %parallel_loop3A_1254 : i32 to index
              %parallel_loop3A_1285 = arith.constant 48 : index
              %parallel_loop3A_1286 = tpu.vector_load %arg15[%parallel_loop3A_1284, %parallel_loop3A_1285] {strides = array<i32>} : memref<128x64xf32, #tpu.memory_space<vmem>>, vector<16xf32>,
              tpu.vector_store %arg15[%parallel_loop3A_1284, %parallel_loop3A_1285], %parallel_loop3A_1283 {strides = array<i32>} : memref<128x64xf32, #tpu.memory_space<vmem>>, vector<16xf32>,
              %parallel_loop3A_1287 = vector.extract_strided_slice %parallel_loop3A_792 {offsets = [13], sizes = [1], strides = [1]} : vector<16xf32> to vector<1xf32>
              %parallel_loop3A_1288 = vector.extract %parallel_loop3A_1287[0] : f32 from vector<1xf32>
              %parallel_loop3A_1289 = arith.constant 16 : i32
              %parallel_loop3A_1290 = arith.muli %parallel_loop3A_787, %parallel_loop3A_1289 : i32
              %parallel_loop3A_1291 = arith.constant 13 : i32
              %parallel_loop3A_1292 = arith.addi %parallel_loop3A_1290, %parallel_loop3A_1291 : i32
              %parallel_loop3A_1293 = arith.index_cast %parallel_loop3A_1292 : i32 to index
              %parallel_loop3A_1294 = arith.constant 0 : index
              %parallel_loop3A_1295 = tpu.vector_load %arg15[%parallel_loop3A_1293, %parallel_loop3A_1294] {strides = array<i32>} : memref<128x64xf32, #tpu.memory_space<vmem>>, vector<16xf32>,
              %parallel_loop3A_1296 = vector.broadcast %parallel_loop3A_1288 : f32 to vector<16xf32>
              %parallel_loop3A_1297 = arith.mulf %parallel_loop3A_1295, %parallel_loop3A_1296 : vector<16xf32>
              %parallel_loop3A_1298 = arith.index_cast %parallel_loop3A_1292 : i32 to index
              %parallel_loop3A_1299 = arith.constant 0 : index
              %parallel_loop3A_1300 = tpu.vector_load %arg15[%parallel_loop3A_1298, %parallel_loop3A_1299] {strides = array<i32>} : memref<128x64xf32, #tpu.memory_space<vmem>>, vector<16xf32>,
              tpu.vector_store %arg15[%parallel_loop3A_1298, %parallel_loop3A_1299], %parallel_loop3A_1297 {strides = array<i32>} : memref<128x64xf32, #tpu.memory_space<vmem>>, vector<16xf32>,
              %parallel_loop3A_1301 = arith.index_cast %parallel_loop3A_1292 : i32 to index
              %parallel_loop3A_1302 = arith.constant 16 : index
              %parallel_loop3A_1303 = tpu.vector_load %arg15[%parallel_loop3A_1301, %parallel_loop3A_1302] {strides = array<i32>} : memref<128x64xf32, #tpu.memory_space<vmem>>, vector<16xf32>,
              %parallel_loop3A_1304 = vector.broadcast %parallel_loop3A_1288 : f32 to vector<16xf32>
              %parallel_loop3A_1305 = arith.mulf %parallel_loop3A_1303, %parallel_loop3A_1304 : vector<16xf32>
              %parallel_loop3A_1306 = arith.index_cast %parallel_loop3A_1292 : i32 to index
              %parallel_loop3A_1307 = arith.constant 16 : index
              %parallel_loop3A_1308 = tpu.vector_load %arg15[%parallel_loop3A_1306, %parallel_loop3A_1307] {strides = array<i32>} : memref<128x64xf32, #tpu.memory_space<vmem>>, vector<16xf32>,
              tpu.vector_store %arg15[%parallel_loop3A_1306, %parallel_loop3A_1307], %parallel_loop3A_1305 {strides = array<i32>} : memref<128x64xf32, #tpu.memory_space<vmem>>, vector<16xf32>,
              %parallel_loop3A_1309 = arith.index_cast %parallel_loop3A_1292 : i32 to index
              %parallel_loop3A_1310 = arith.constant 32 : index
              %parallel_loop3A_1311 = tpu.vector_load %arg15[%parallel_loop3A_1309, %parallel_loop3A_1310] {strides = array<i32>} : memref<128x64xf32, #tpu.memory_space<vmem>>, vector<16xf32>,
              %parallel_loop3A_1312 = vector.broadcast %parallel_loop3A_1288 : f32 to vector<16xf32>
              %parallel_loop3A_1313 = arith.mulf %parallel_loop3A_1311, %parallel_loop3A_1312 : vector<16xf32>
              %parallel_loop3A_1314 = arith.index_cast %parallel_loop3A_1292 : i32 to index
              %parallel_loop3A_1315 = arith.constant 32 : index
              %parallel_loop3A_1316 = tpu.vector_load %arg15[%parallel_loop3A_1314, %parallel_loop3A_1315] {strides = array<i32>} : memref<128x64xf32, #tpu.memory_space<vmem>>, vector<16xf32>,
              tpu.vector_store %arg15[%parallel_loop3A_1314, %parallel_loop3A_1315], %parallel_loop3A_1313 {strides = array<i32>} : memref<128x64xf32, #tpu.memory_space<vmem>>, vector<16xf32>,
              %parallel_loop3A_1317 = arith.index_cast %parallel_loop3A_1292 : i32 to index
              %parallel_loop3A_1318 = arith.constant 48 : index
              %parallel_loop3A_1319 = tpu.vector_load %arg15[%parallel_loop3A_1317, %parallel_loop3A_1318] {strides = array<i32>} : memref<128x64xf32, #tpu.memory_space<vmem>>, vector<16xf32>,
              %parallel_loop3A_1320 = vector.broadcast %parallel_loop3A_1288 : f32 to vector<16xf32>
              %parallel_loop3A_1321 = arith.mulf %parallel_loop3A_1319, %parallel_loop3A_1320 : vector<16xf32>
              %parallel_loop3A_1322 = arith.index_cast %parallel_loop3A_1292 : i32 to index
              %parallel_loop3A_1323 = arith.constant 48 : index
              %parallel_loop3A_1324 = tpu.vector_load %arg15[%parallel_loop3A_1322, %parallel_loop3A_1323] {strides = array<i32>} : memref<128x64xf32, #tpu.memory_space<vmem>>, vector<16xf32>,
              tpu.vector_store %arg15[%parallel_loop3A_1322, %parallel_loop3A_1323], %parallel_loop3A_1321 {strides = array<i32>} : memref<128x64xf32, #tpu.memory_space<vmem>>, vector<16xf32>,
              %parallel_loop3A_1325 = vector.extract_strided_slice %parallel_loop3A_792 {offsets = [14], sizes = [1], strides = [1]} : vector<16xf32> to vector<1xf32>
              %parallel_loop3A_1326 = vector.extract %parallel_loop3A_1325[0] : f32 from vector<1xf32>
              %parallel_loop3A_1327 = arith.constant 16 : i32
              %parallel_loop3A_1328 = arith.muli %parallel_loop3A_787, %parallel_loop3A_1327 : i32
              %parallel_loop3A_1329 = arith.constant 14 : i32
              %parallel_loop3A_1330 = arith.addi %parallel_loop3A_1328, %parallel_loop3A_1329 : i32
              %parallel_loop3A_1331 = arith.index_cast %parallel_loop3A_1330 : i32 to index
              %parallel_loop3A_1332 = arith.constant 0 : index
              %parallel_loop3A_1333 = tpu.vector_load %arg15[%parallel_loop3A_1331, %parallel_loop3A_1332] {strides = array<i32>} : memref<128x64xf32, #tpu.memory_space<vmem>>, vector<16xf32>,
              %parallel_loop3A_1334 = vector.broadcast %parallel_loop3A_1326 : f32 to vector<16xf32>
              %parallel_loop3A_1335 = arith.mulf %parallel_loop3A_1333, %parallel_loop3A_1334 : vector<16xf32>
              %parallel_loop3A_1336 = arith.index_cast %parallel_loop3A_1330 : i32 to index
              %parallel_loop3A_1337 = arith.constant 0 : index
              %parallel_loop3A_1338 = tpu.vector_load %arg15[%parallel_loop3A_1336, %parallel_loop3A_1337] {strides = array<i32>} : memref<128x64xf32, #tpu.memory_space<vmem>>, vector<16xf32>,
              tpu.vector_store %arg15[%parallel_loop3A_1336, %parallel_loop3A_1337], %parallel_loop3A_1335 {strides = array<i32>} : memref<128x64xf32, #tpu.memory_space<vmem>>, vector<16xf32>,
              %parallel_loop3A_1339 = arith.index_cast %parallel_loop3A_1330 : i32 to index
              %parallel_loop3A_1340 = arith.constant 16 : index
              %parallel_loop3A_1341 = tpu.vector_load %arg15[%parallel_loop3A_1339, %parallel_loop3A_1340] {strides = array<i32>} : memref<128x64xf32, #tpu.memory_space<vmem>>, vector<16xf32>,
              %parallel_loop3A_1342 = vector.broadcast %parallel_loop3A_1326 : f32 to vector<16xf32>
              %parallel_loop3A_1343 = arith.mulf %parallel_loop3A_1341, %parallel_loop3A_1342 : vector<16xf32>
              %parallel_loop3A_1344 = arith.index_cast %parallel_loop3A_1330 : i32 to index
              %parallel_loop3A_1345 = arith.constant 16 : index
              %parallel_loop3A_1346 = tpu.vector_load %arg15[%parallel_loop3A_1344, %parallel_loop3A_1345] {strides = array<i32>} : memref<128x64xf32, #tpu.memory_space<vmem>>, vector<16xf32>,
              tpu.vector_store %arg15[%parallel_loop3A_1344, %parallel_loop3A_1345], %parallel_loop3A_1343 {strides = array<i32>} : memref<128x64xf32, #tpu.memory_space<vmem>>, vector<16xf32>,
              %parallel_loop3A_1347 = arith.index_cast %parallel_loop3A_1330 : i32 to index
              %parallel_loop3A_1348 = arith.constant 32 : index
              %parallel_loop3A_1349 = tpu.vector_load %arg15[%parallel_loop3A_1347, %parallel_loop3A_1348] {strides = array<i32>} : memref<128x64xf32, #tpu.memory_space<vmem>>, vector<16xf32>,
              %parallel_loop3A_1350 = vector.broadcast %parallel_loop3A_1326 : f32 to vector<16xf32>
              %parallel_loop3A_1351 = arith.mulf %parallel_loop3A_1349, %parallel_loop3A_1350 : vector<16xf32>
              %parallel_loop3A_1352 = arith.index_cast %parallel_loop3A_1330 : i32 to index
              %parallel_loop3A_1353 = arith.constant 32 : index
              %parallel_loop3A_1354 = tpu.vector_load %arg15[%parallel_loop3A_1352, %parallel_loop3A_1353] {strides = array<i32>} : memref<128x64xf32, #tpu.memory_space<vmem>>, vector<16xf32>,
              tpu.vector_store %arg15[%parallel_loop3A_1352, %parallel_loop3A_1353], %parallel_loop3A_1351 {strides = array<i32>} : memref<128x64xf32, #tpu.memory_space<vmem>>, vector<16xf32>,
              %parallel_loop3A_1355 = arith.index_cast %parallel_loop3A_1330 : i32 to index
              %parallel_loop3A_1356 = arith.constant 48 : index
              %parallel_loop3A_1357 = tpu.vector_load %arg15[%parallel_loop3A_1355, %parallel_loop3A_1356] {strides = array<i32>} : memref<128x64xf32, #tpu.memory_space<vmem>>, vector<16xf32>,
              %parallel_loop3A_1358 = vector.broadcast %parallel_loop3A_1326 : f32 to vector<16xf32>
              %parallel_loop3A_1359 = arith.mulf %parallel_loop3A_1357, %parallel_loop3A_1358 : vector<16xf32>
              %parallel_loop3A_1360 = arith.index_cast %parallel_loop3A_1330 : i32 to index
              %parallel_loop3A_1361 = arith.constant 48 : index
              %parallel_loop3A_1362 = tpu.vector_load %arg15[%parallel_loop3A_1360, %parallel_loop3A_1361] {strides = array<i32>} : memref<128x64xf32, #tpu.memory_space<vmem>>, vector<16xf32>,
              tpu.vector_store %arg15[%parallel_loop3A_1360, %parallel_loop3A_1361], %parallel_loop3A_1359 {strides = array<i32>} : memref<128x64xf32, #tpu.memory_space<vmem>>, vector<16xf32>,
              %parallel_loop3A_1363 = vector.extract_strided_slice %parallel_loop3A_792 {offsets = [15], sizes = [1], strides = [1]} : vector<16xf32> to vector<1xf32>
              %parallel_loop3A_1364 = vector.extract %parallel_loop3A_1363[0] : f32 from vector<1xf32>
              %parallel_loop3A_1365 = arith.constant 16 : i32
              %parallel_loop3A_1366 = arith.muli %parallel_loop3A_787, %parallel_loop3A_1365 : i32
              %parallel_loop3A_1367 = arith.constant 15 : i32
              %parallel_loop3A_1368 = arith.addi %parallel_loop3A_1366, %parallel_loop3A_1367 : i32
              %parallel_loop3A_1369 = arith.index_cast %parallel_loop3A_1368 : i32 to index
              %parallel_loop3A_1370 = arith.constant 0 : index
              %parallel_loop3A_1371 = tpu.vector_load %arg15[%parallel_loop3A_1369, %parallel_loop3A_1370] {strides = array<i32>} : memref<128x64xf32, #tpu.memory_space<vmem>>, vector<16xf32>,
              %parallel_loop3A_1372 = vector.broadcast %parallel_loop3A_1364 : f32 to vector<16xf32>
              %parallel_loop3A_1373 = arith.mulf %parallel_loop3A_1371, %parallel_loop3A_1372 : vector<16xf32>
              %parallel_loop3A_1374 = arith.index_cast %parallel_loop3A_1368 : i32 to index
              %parallel_loop3A_1375 = arith.constant 0 : index
              %parallel_loop3A_1376 = tpu.vector_load %arg15[%parallel_loop3A_1374, %parallel_loop3A_1375] {strides = array<i32>} : memref<128x64xf32, #tpu.memory_space<vmem>>, vector<16xf32>,
              tpu.vector_store %arg15[%parallel_loop3A_1374, %parallel_loop3A_1375], %parallel_loop3A_1373 {strides = array<i32>} : memref<128x64xf32, #tpu.memory_space<vmem>>, vector<16xf32>,
              %parallel_loop3A_1377 = arith.index_cast %parallel_loop3A_1368 : i32 to index
              %parallel_loop3A_1378 = arith.constant 16 : index
              %parallel_loop3A_1379 = tpu.vector_load %arg15[%parallel_loop3A_1377, %parallel_loop3A_1378] {strides = array<i32>} : memref<128x64xf32, #tpu.memory_space<vmem>>, vector<16xf32>,
              %parallel_loop3A_1380 = vector.broadcast %parallel_loop3A_1364 : f32 to vector<16xf32>
              %parallel_loop3A_1381 = arith.mulf %parallel_loop3A_1379, %parallel_loop3A_1380 : vector<16xf32>
              %parallel_loop3A_1382 = arith.index_cast %parallel_loop3A_1368 : i32 to index
              %parallel_loop3A_1383 = arith.constant 16 : index
              %parallel_loop3A_1384 = tpu.vector_load %arg15[%parallel_loop3A_1382, %parallel_loop3A_1383] {strides = array<i32>} : memref<128x64xf32, #tpu.memory_space<vmem>>, vector<16xf32>,
              tpu.vector_store %arg15[%parallel_loop3A_1382, %parallel_loop3A_1383], %parallel_loop3A_1381 {strides = array<i32>} : memref<128x64xf32, #tpu.memory_space<vmem>>, vector<16xf32>,
              %parallel_loop3A_1385 = arith.index_cast %parallel_loop3A_1368 : i32 to index
              %parallel_loop3A_1386 = arith.constant 32 : index
              %parallel_loop3A_1387 = tpu.vector_load %arg15[%parallel_loop3A_1385, %parallel_loop3A_1386] {strides = array<i32>} : memref<128x64xf32, #tpu.memory_space<vmem>>, vector<16xf32>,
              %parallel_loop3A_1388 = vector.broadcast %parallel_loop3A_1364 : f32 to vector<16xf32>
              %parallel_loop3A_1389 = arith.mulf %parallel_loop3A_1387, %parallel_loop3A_1388 : vector<16xf32>
              %parallel_loop3A_1390 = arith.index_cast %parallel_loop3A_1368 : i32 to index
              %parallel_loop3A_1391 = arith.constant 32 : index
              %parallel_loop3A_1392 = tpu.vector_load %arg15[%parallel_loop3A_1390, %parallel_loop3A_1391] {strides = array<i32>} : memref<128x64xf32, #tpu.memory_space<vmem>>, vector<16xf32>,
              tpu.vector_store %arg15[%parallel_loop3A_1390, %parallel_loop3A_1391], %parallel_loop3A_1389 {strides = array<i32>} : memref<128x64xf32, #tpu.memory_space<vmem>>, vector<16xf32>,
              %parallel_loop3A_1393 = arith.index_cast %parallel_loop3A_1368 : i32 to index
              %parallel_loop3A_1394 = arith.constant 48 : index
              %parallel_loop3A_1395 = tpu.vector_load %arg15[%parallel_loop3A_1393, %parallel_loop3A_1394] {strides = array<i32>} : memref<128x64xf32, #tpu.memory_space<vmem>>, vector<16xf32>,
              %parallel_loop3A_1396 = vector.broadcast %parallel_loop3A_1364 : f32 to vector<16xf32>
              %parallel_loop3A_1397 = arith.mulf %parallel_loop3A_1395, %parallel_loop3A_1396 : vector<16xf32>
              %parallel_loop3A_1398 = arith.index_cast %parallel_loop3A_1368 : i32 to index
              %parallel_loop3A_1399 = arith.constant 48 : index
              %parallel_loop3A_1400 = tpu.vector_load %arg15[%parallel_loop3A_1398, %parallel_loop3A_1399] {strides = array<i32>} : memref<128x64xf32, #tpu.memory_space<vmem>>, vector<16xf32>,
              tpu.vector_store %arg15[%parallel_loop3A_1398, %parallel_loop3A_1399], %parallel_loop3A_1397 {strides = array<i32>} : memref<128x64xf32, #tpu.memory_space<vmem>>, vector<16xf32>,
            } {sc.loop_unroll_factor = 4 : i64, sc.parallel_access}
            %dma_start3A_784 = arith.constant 0 : i32
            %dma_start3A_785 = arith.constant 0 : i32
            %dma_start3A_786 = tpu.memref_slice %arg18[%dma_start3A_784, %dma_start3A_785] : memref<16512x64xf32, #tpu.memory_space<vmem_shared>> -> memref<16512x64xf32, #tpu.memory_space<vmem_shared>>
            tpu.enqueue_indirect_dma source(%arg15 : memref<128x64xf32, #tpu.memory_space<vmem>>) target(%dma_start3A_786 : memref<16512x64xf32, #tpu.memory_space<vmem_shared>>) offsets(%arg13 : memref<128xi32, #tpu.memory_space<vmem>>) semaphore(%arg21 : memref<!tpu.dma_semaphore, #tpu.memory_space<semaphore_mem>>) {add = true}
          } else {
          }
          %not3A = arith.constant true
          %not3A_763 = arith.xori %eq3A_759, %not3A : i1
          %convert_element_type3A_764 = arith.extui %not3A_763 : i1 to i32
          %cond3A_765 = arith.constant 0 : i32
          %cond3A_766 = arith.cmpi ne, %convert_element_type3A_764, %cond3A_765 : i32
          scf.if %cond3A_766 {
            %mul3A_767 = arith.constant 128 : i32
            %mul3A_768 = arith.muli %while3A_741, %mul3A_767 : i32
            %dma_wait3A_769 = tpu.memref_slice %arg10[%mul3A_768] : memref<4224xi32, #tpu.memory_space<vmem>> -> memref<128xi32, #tpu.memory_space<vmem>>
            %dma_wait3A_770 = arith.constant 0 : i32
            %dma_wait3A_771 = arith.constant 0 : i32
            %dma_wait3A_772 = tpu.memref_slice %arg5[%dma_wait3A_770, %dma_wait3A_771] : memref<65536x64xf32, #tpu.memory_space<hbm>> -> memref<65536x64xf32, #tpu.memory_space<hbm>>
            tpu.wait_indirect_dma semaphore(%arg20 : memref<!tpu.dma_semaphore, #tpu.memory_space<semaphore_mem>>) src(%dma_wait3A_772 : memref<65536x64xf32, #tpu.memory_space<hbm>>) dst(%arg16 : memref<128x64xf32, #tpu.memory_space<vmem>>)
            %add3A_773 = arith.constant 1 : i32
            %add3A_774 = arith.addi %while3A_741, %add3A_773 : i32
            %lt3A_775 = arith.cmpi slt, %add3A_774, %select_n3A : i32
            %convert_element_type3A_776 = arith.extui %lt3A_775 : i1 to i32
            %cond3A_777 = arith.constant 0 : i32
            %cond3A_778 = arith.cmpi ne, %convert_element_type3A_776, %cond3A_777 : i32
            scf.if %cond3A_778 {
              %ge3A_787 = arith.constant 1 : i32
              %ge3A_788 = arith.cmpi sge, %while3A_741, %ge3A_787 : i32
              %convert_element_type3A_789 = arith.extui %ge3A_788 : i1 to i32
              %cond3A_790 = arith.constant 0 : i32
              %cond3A_791 = arith.cmpi ne, %convert_element_type3A_789, %cond3A_790 : i32
              scf.if %cond3A_791 {
                %dma_wait3A_851 = arith.constant 0 : i32
                %dma_wait3A_852 = arith.constant 0 : i32
                %dma_wait3A_853 = tpu.memref_slice %arg18[%dma_wait3A_851, %dma_wait3A_852] : memref<16512x64xf32, #tpu.memory_space<vmem_shared>> -> memref<16512x64xf32, #tpu.memory_space<vmem_shared>>
                tpu.wait_indirect_dma semaphore(%arg21 : memref<!tpu.dma_semaphore, #tpu.memory_space<semaphore_mem>>) src(%arg15 : memref<128x64xf32, #tpu.memory_space<vmem>>) dst(%dma_wait3A_853 : memref<16512x64xf32, #tpu.memory_space<vmem_shared>>)
              } else {
              }
              %add3A_792 = arith.constant 1 : i32
              %add3A_793 = arith.addi %while3A_741, %add3A_792 : i32
              %mul3A_794 = arith.constant 128 : i32
              %mul3A_795 = arith.muli %add3A_793, %mul3A_794 : i32
              %add3A_796 = arith.constant 0 : i32
              %add3A_797 = arith.addi %mul3A_795, %add3A_796 : i32
              %get3A = arith.index_cast %add3A_797 : i32 to index
              %get3A_798 = tpu.vector_load %arg11[%get3A] {strides = array<i32>} : memref<4224xi32, #tpu.memory_space<vmem>>, vector<16xi32>,
              %swap3A_799 = arith.constant 0 : index
              %swap3A_800 = tpu.vector_load %arg13[%swap3A_799] {strides = array<i32>} : memref<128xi32, #tpu.memory_space<vmem>>, vector<16xi32>,
              tpu.vector_store %arg13[%swap3A_799], %get3A_798 {strides = array<i32>} : memref<128xi32, #tpu.memory_space<vmem>>, vector<16xi32>,
              %add3A_801 = arith.constant 16 : i32
              %add3A_802 = arith.addi %mul3A_795, %add3A_801 : i32
              %get3A_803 = arith.index_cast %add3A_802 : i32 to index
              %get3A_804 = tpu.vector_load %arg11[%get3A_803] {strides = array<i32>} : memref<4224xi32, #tpu.memory_space<vmem>>, vector<16xi32>,
              %swap3A_805 = arith.constant 16 : index
              %swap3A_806 = tpu.vector_load %arg13[%swap3A_805] {strides = array<i32>} : memref<128xi32, #tpu.memory_space<vmem>>, vector<16xi32>,
              tpu.vector_store %arg13[%swap3A_805], %get3A_804 {strides = array<i32>} : memref<128xi32, #tpu.memory_space<vmem>>, vector<16xi32>,
              %add3A_807 = arith.constant 32 : i32
              %add3A_808 = arith.addi %mul3A_795, %add3A_807 : i32
              %get3A_809 = arith.index_cast %add3A_808 : i32 to index
              %get3A_810 = tpu.vector_load %arg11[%get3A_809] {strides = array<i32>} : memref<4224xi32, #tpu.memory_space<vmem>>, vector<16xi32>,
              %swap3A_811 = arith.constant 32 : index
              %swap3A_812 = tpu.vector_load %arg13[%swap3A_811] {strides = array<i32>} : memref<128xi32, #tpu.memory_space<vmem>>, vector<16xi32>,
              tpu.vector_store %arg13[%swap3A_811], %get3A_810 {strides = array<i32>} : memref<128xi32, #tpu.memory_space<vmem>>, vector<16xi32>,
              %add3A_813 = arith.constant 48 : i32
              %add3A_814 = arith.addi %mul3A_795, %add3A_813 : i32
              %get3A_815 = arith.index_cast %add3A_814 : i32 to index
              %get3A_816 = tpu.vector_load %arg11[%get3A_815] {strides = array<i32>} : memref<4224xi32, #tpu.memory_space<vmem>>, vector<16xi32>,
              %swap3A_817 = arith.constant 48 : index
              %swap3A_818 = tpu.vector_load %arg13[%swap3A_817] {strides = array<i32>} : memref<128xi32, #tpu.memory_space<vmem>>, vector<16xi32>,
              tpu.vector_store %arg13[%swap3A_817], %get3A_816 {strides = array<i32>} : memref<128xi32, #tpu.memory_space<vmem>>, vector<16xi32>,
              %add3A_819 = arith.constant 64 : i32
              %add3A_820 = arith.addi %mul3A_795, %add3A_819 : i32
              %get3A_821 = arith.index_cast %add3A_820 : i32 to index
              %get3A_822 = tpu.vector_load %arg11[%get3A_821] {strides = array<i32>} : memref<4224xi32, #tpu.memory_space<vmem>>, vector<16xi32>,
              %swap3A_823 = arith.constant 64 : index
              %swap3A_824 = tpu.vector_load %arg13[%swap3A_823] {strides = array<i32>} : memref<128xi32, #tpu.memory_space<vmem>>, vector<16xi32>,
              tpu.vector_store %arg13[%swap3A_823], %get3A_822 {strides = array<i32>} : memref<128xi32, #tpu.memory_space<vmem>>, vector<16xi32>,
              %add3A_825 = arith.constant 80 : i32
              %add3A_826 = arith.addi %mul3A_795, %add3A_825 : i32
              %get3A_827 = arith.index_cast %add3A_826 : i32 to index
              %get3A_828 = tpu.vector_load %arg11[%get3A_827] {strides = array<i32>} : memref<4224xi32, #tpu.memory_space<vmem>>, vector<16xi32>,
              %swap3A_829 = arith.constant 80 : index
              %swap3A_830 = tpu.vector_load %arg13[%swap3A_829] {strides = array<i32>} : memref<128xi32, #tpu.memory_space<vmem>>, vector<16xi32>,
              tpu.vector_store %arg13[%swap3A_829], %get3A_828 {strides = array<i32>} : memref<128xi32, #tpu.memory_space<vmem>>, vector<16xi32>,
              %add3A_831 = arith.constant 96 : i32
              %add3A_832 = arith.addi %mul3A_795, %add3A_831 : i32
              %get3A_833 = arith.index_cast %add3A_832 : i32 to index
              %get3A_834 = tpu.vector_load %arg11[%get3A_833] {strides = array<i32>} : memref<4224xi32, #tpu.memory_space<vmem>>, vector<16xi32>,
              %swap3A_835 = arith.constant 96 : index
              %swap3A_836 = tpu.vector_load %arg13[%swap3A_835] {strides = array<i32>} : memref<128xi32, #tpu.memory_space<vmem>>, vector<16xi32>,
              tpu.vector_store %arg13[%swap3A_835], %get3A_834 {strides = array<i32>} : memref<128xi32, #tpu.memory_space<vmem>>, vector<16xi32>,
              %add3A_837 = arith.constant 112 : i32
              %add3A_838 = arith.addi %mul3A_795, %add3A_837 : i32
              %get3A_839 = arith.index_cast %add3A_838 : i32 to index
              %get3A_840 = tpu.vector_load %arg11[%get3A_839] {strides = array<i32>} : memref<4224xi32, #tpu.memory_space<vmem>>, vector<16xi32>,
              %swap3A_841 = arith.constant 112 : index
              %swap3A_842 = tpu.vector_load %arg13[%swap3A_841] {strides = array<i32>} : memref<128xi32, #tpu.memory_space<vmem>>, vector<16xi32>,
              tpu.vector_store %arg13[%swap3A_841], %get3A_840 {strides = array<i32>} : memref<128xi32, #tpu.memory_space<vmem>>, vector<16xi32>,
              %add3A_843 = arith.constant 1 : i32
              %add3A_844 = arith.addi %while3A_741, %add3A_843 : i32
              %mul3A_845 = arith.constant 128 : i32
              %mul3A_846 = arith.muli %add3A_844, %mul3A_845 : i32
              %dma_start3A_847 = tpu.memref_slice %arg10[%mul3A_846] : memref<4224xi32, #tpu.memory_space<vmem>> -> memref<128xi32, #tpu.memory_space<vmem>>
              %dma_start3A_848 = arith.constant 0 : i32
              %dma_start3A_849 = arith.constant 0 : i32
              %dma_start3A_850 = tpu.memref_slice %arg5[%dma_start3A_848, %dma_start3A_849] : memref<65536x64xf32, #tpu.memory_space<hbm>> -> memref<65536x64xf32, #tpu.memory_space<hbm>>
              tpu.enqueue_indirect_dma source(%dma_start3A_850 : memref<65536x64xf32, #tpu.memory_space<hbm>>) target(%arg15 : memref<128x64xf32, #tpu.memory_space<vmem>>) offsets(%dma_start3A_847 : memref<128xi32, #tpu.memory_space<vmem>>) semaphore(%arg19 : memref<!tpu.dma_semaphore, #tpu.memory_space<semaphore_mem>>)
            } else {
            }
            %mul3A_779 = arith.constant 128 : i32
            %mul3A_780 = arith.muli %while3A_741, %mul3A_779 : i32
            %parallel_loop3A_781 = arith.constant 0 : i32
            %parallel_loop3A_782 = arith.constant 8 : i32
            %parallel_loop3A_783 = arith.constant 1 : i32
            scf.for %parallel_loop3A_787 = %parallel_loop3A_781 to %parallel_loop3A_782 step %parallel_loop3A_783  : i32 {
              %parallel_loop3A_788 = arith.constant 16 : i32
              %parallel_loop3A_789 = arith.muli %parallel_loop3A_787, %parallel_loop3A_788 : i32
              %parallel_loop3A_790 = arith.addi %mul3A_780, %parallel_loop3A_789 : i32
              %parallel_loop3A_791 = arith.index_cast %parallel_loop3A_790 : i32 to index
              %parallel_loop3A_792 = tpu.vector_load %arg12[%parallel_loop3A_791] {strides = array<i32>} : memref<4224xf32, #tpu.memory_space<vmem>>, vector<16xf32>,
              %parallel_loop3A_793 = vector.extract_strided_slice %parallel_loop3A_792 {offsets = [0], sizes = [1], strides = [1]} : vector<16xf32> to vector<1xf32>
              %parallel_loop3A_794 = vector.extract %parallel_loop3A_793[0] : f32 from vector<1xf32>
              %parallel_loop3A_795 = arith.constant 16 : i32
              %parallel_loop3A_796 = arith.muli %parallel_loop3A_787, %parallel_loop3A_795 : i32
              %parallel_loop3A_797 = arith.constant 0 : i32
              %parallel_loop3A_798 = arith.addi %parallel_loop3A_796, %parallel_loop3A_797 : i32
              %parallel_loop3A_799 = arith.index_cast %parallel_loop3A_798 : i32 to index
              %parallel_loop3A_800 = arith.constant 0 : index
              %parallel_loop3A_801 = tpu.vector_load %arg16[%parallel_loop3A_799, %parallel_loop3A_800] {strides = array<i32>} : memref<128x64xf32, #tpu.memory_space<vmem>>, vector<16xf32>,
              %parallel_loop3A_802 = vector.broadcast %parallel_loop3A_794 : f32 to vector<16xf32>
              %parallel_loop3A_803 = arith.mulf %parallel_loop3A_801, %parallel_loop3A_802 : vector<16xf32>
              %parallel_loop3A_804 = arith.index_cast %parallel_loop3A_798 : i32 to index
              %parallel_loop3A_805 = arith.constant 0 : index
              %parallel_loop3A_806 = tpu.vector_load %arg16[%parallel_loop3A_804, %parallel_loop3A_805] {strides = array<i32>} : memref<128x64xf32, #tpu.memory_space<vmem>>, vector<16xf32>,
              tpu.vector_store %arg16[%parallel_loop3A_804, %parallel_loop3A_805], %parallel_loop3A_803 {strides = array<i32>} : memref<128x64xf32, #tpu.memory_space<vmem>>, vector<16xf32>,
              %parallel_loop3A_807 = arith.index_cast %parallel_loop3A_798 : i32 to index
              %parallel_loop3A_808 = arith.constant 16 : index
              %parallel_loop3A_809 = tpu.vector_load %arg16[%parallel_loop3A_807, %parallel_loop3A_808] {strides = array<i32>} : memref<128x64xf32, #tpu.memory_space<vmem>>, vector<16xf32>,
              %parallel_loop3A_810 = vector.broadcast %parallel_loop3A_794 : f32 to vector<16xf32>
              %parallel_loop3A_811 = arith.mulf %parallel_loop3A_809, %parallel_loop3A_810 : vector<16xf32>
              %parallel_loop3A_812 = arith.index_cast %parallel_loop3A_798 : i32 to index
              %parallel_loop3A_813 = arith.constant 16 : index
              %parallel_loop3A_814 = tpu.vector_load %arg16[%parallel_loop3A_812, %parallel_loop3A_813] {strides = array<i32>} : memref<128x64xf32, #tpu.memory_space<vmem>>, vector<16xf32>,
              tpu.vector_store %arg16[%parallel_loop3A_812, %parallel_loop3A_813], %parallel_loop3A_811 {strides = array<i32>} : memref<128x64xf32, #tpu.memory_space<vmem>>, vector<16xf32>,
              %parallel_loop3A_815 = arith.index_cast %parallel_loop3A_798 : i32 to index
              %parallel_loop3A_816 = arith.constant 32 : index
              %parallel_loop3A_817 = tpu.vector_load %arg16[%parallel_loop3A_815, %parallel_loop3A_816] {strides = array<i32>} : memref<128x64xf32, #tpu.memory_space<vmem>>, vector<16xf32>,
              %parallel_loop3A_818 = vector.broadcast %parallel_loop3A_794 : f32 to vector<16xf32>
              %parallel_loop3A_819 = arith.mulf %parallel_loop3A_817, %parallel_loop3A_818 : vector<16xf32>
              %parallel_loop3A_820 = arith.index_cast %parallel_loop3A_798 : i32 to index
              %parallel_loop3A_821 = arith.constant 32 : index
              %parallel_loop3A_822 = tpu.vector_load %arg16[%parallel_loop3A_820, %parallel_loop3A_821] {strides = array<i32>} : memref<128x64xf32, #tpu.memory_space<vmem>>, vector<16xf32>,
              tpu.vector_store %arg16[%parallel_loop3A_820, %parallel_loop3A_821], %parallel_loop3A_819 {strides = array<i32>} : memref<128x64xf32, #tpu.memory_space<vmem>>, vector<16xf32>,
              %parallel_loop3A_823 = arith.index_cast %parallel_loop3A_798 : i32 to index
              %parallel_loop3A_824 = arith.constant 48 : index
              %parallel_loop3A_825 = tpu.vector_load %arg16[%parallel_loop3A_823, %parallel_loop3A_824] {strides = array<i32>} : memref<128x64xf32, #tpu.memory_space<vmem>>, vector<16xf32>,
              %parallel_loop3A_826 = vector.broadcast %parallel_loop3A_794 : f32 to vector<16xf32>
              %parallel_loop3A_827 = arith.mulf %parallel_loop3A_825, %parallel_loop3A_826 : vector<16xf32>
              %parallel_loop3A_828 = arith.index_cast %parallel_loop3A_798 : i32 to index
              %parallel_loop3A_829 = arith.constant 48 : index
              %parallel_loop3A_830 = tpu.vector_load %arg16[%parallel_loop3A_828, %parallel_loop3A_829] {strides = array<i32>} : memref<128x64xf32, #tpu.memory_space<vmem>>, vector<16xf32>,
              tpu.vector_store %arg16[%parallel_loop3A_828, %parallel_loop3A_829], %parallel_loop3A_827 {strides = array<i32>} : memref<128x64xf32, #tpu.memory_space<vmem>>, vector<16xf32>,
              %parallel_loop3A_831 = vector.extract_strided_slice %parallel_loop3A_792 {offsets = [1], sizes = [1], strides = [1]} : vector<16xf32> to vector<1xf32>
              %parallel_loop3A_832 = vector.extract %parallel_loop3A_831[0] : f32 from vector<1xf32>
              %parallel_loop3A_833 = arith.constant 16 : i32
              %parallel_loop3A_834 = arith.muli %parallel_loop3A_787, %parallel_loop3A_833 : i32
              %parallel_loop3A_835 = arith.constant 1 : i32
              %parallel_loop3A_836 = arith.addi %parallel_loop3A_834, %parallel_loop3A_835 : i32
              %parallel_loop3A_837 = arith.index_cast %parallel_loop3A_836 : i32 to index
              %parallel_loop3A_838 = arith.constant 0 : index
              %parallel_loop3A_839 = tpu.vector_load %arg16[%parallel_loop3A_837, %parallel_loop3A_838] {strides = array<i32>} : memref<128x64xf32, #tpu.memory_space<vmem>>, vector<16xf32>,
              %parallel_loop3A_840 = vector.broadcast %parallel_loop3A_832 : f32 to vector<16xf32>
              %parallel_loop3A_841 = arith.mulf %parallel_loop3A_839, %parallel_loop3A_840 : vector<16xf32>
              %parallel_loop3A_842 = arith.index_cast %parallel_loop3A_836 : i32 to index
              %parallel_loop3A_843 = arith.constant 0 : index
              %parallel_loop3A_844 = tpu.vector_load %arg16[%parallel_loop3A_842, %parallel_loop3A_843] {strides = array<i32>} : memref<128x64xf32, #tpu.memory_space<vmem>>, vector<16xf32>,
              tpu.vector_store %arg16[%parallel_loop3A_842, %parallel_loop3A_843], %parallel_loop3A_841 {strides = array<i32>} : memref<128x64xf32, #tpu.memory_space<vmem>>, vector<16xf32>,
              %parallel_loop3A_845 = arith.index_cast %parallel_loop3A_836 : i32 to index
              %parallel_loop3A_846 = arith.constant 16 : index
              %parallel_loop3A_847 = tpu.vector_load %arg16[%parallel_loop3A_845, %parallel_loop3A_846] {strides = array<i32>} : memref<128x64xf32, #tpu.memory_space<vmem>>, vector<16xf32>,
              %parallel_loop3A_848 = vector.broadcast %parallel_loop3A_832 : f32 to vector<16xf32>
              %parallel_loop3A_849 = arith.mulf %parallel_loop3A_847, %parallel_loop3A_848 : vector<16xf32>
              %parallel_loop3A_850 = arith.index_cast %parallel_loop3A_836 : i32 to index
              %parallel_loop3A_851 = arith.constant 16 : index
              %parallel_loop3A_852 = tpu.vector_load %arg16[%parallel_loop3A_850, %parallel_loop3A_851] {strides = array<i32>} : memref<128x64xf32, #tpu.memory_space<vmem>>, vector<16xf32>,
              tpu.vector_store %arg16[%parallel_loop3A_850, %parallel_loop3A_851], %parallel_loop3A_849 {strides = array<i32>} : memref<128x64xf32, #tpu.memory_space<vmem>>, vector<16xf32>,
              %parallel_loop3A_853 = arith.index_cast %parallel_loop3A_836 : i32 to index
              %parallel_loop3A_854 = arith.constant 32 : index
              %parallel_loop3A_855 = tpu.vector_load %arg16[%parallel_loop3A_853, %parallel_loop3A_854] {strides = array<i32>} : memref<128x64xf32, #tpu.memory_space<vmem>>, vector<16xf32>,
              %parallel_loop3A_856 = vector.broadcast %parallel_loop3A_832 : f32 to vector<16xf32>
              %parallel_loop3A_857 = arith.mulf %parallel_loop3A_855, %parallel_loop3A_856 : vector<16xf32>
              %parallel_loop3A_858 = arith.index_cast %parallel_loop3A_836 : i32 to index
              %parallel_loop3A_859 = arith.constant 32 : index
              %parallel_loop3A_860 = tpu.vector_load %arg16[%parallel_loop3A_858, %parallel_loop3A_859] {strides = array<i32>} : memref<128x64xf32, #tpu.memory_space<vmem>>, vector<16xf32>,
              tpu.vector_store %arg16[%parallel_loop3A_858, %parallel_loop3A_859], %parallel_loop3A_857 {strides = array<i32>} : memref<128x64xf32, #tpu.memory_space<vmem>>, vector<16xf32>,
              %parallel_loop3A_861 = arith.index_cast %parallel_loop3A_836 : i32 to index
              %parallel_loop3A_862 = arith.constant 48 : index
              %parallel_loop3A_863 = tpu.vector_load %arg16[%parallel_loop3A_861, %parallel_loop3A_862] {strides = array<i32>} : memref<128x64xf32, #tpu.memory_space<vmem>>, vector<16xf32>,
              %parallel_loop3A_864 = vector.broadcast %parallel_loop3A_832 : f32 to vector<16xf32>
              %parallel_loop3A_865 = arith.mulf %parallel_loop3A_863, %parallel_loop3A_864 : vector<16xf32>
              %parallel_loop3A_866 = arith.index_cast %parallel_loop3A_836 : i32 to index
              %parallel_loop3A_867 = arith.constant 48 : index
              %parallel_loop3A_868 = tpu.vector_load %arg16[%parallel_loop3A_866, %parallel_loop3A_867] {strides = array<i32>} : memref<128x64xf32, #tpu.memory_space<vmem>>, vector<16xf32>,
              tpu.vector_store %arg16[%parallel_loop3A_866, %parallel_loop3A_867], %parallel_loop3A_865 {strides = array<i32>} : memref<128x64xf32, #tpu.memory_space<vmem>>, vector<16xf32>,
              %parallel_loop3A_869 = vector.extract_strided_slice %parallel_loop3A_792 {offsets = [2], sizes = [1], strides = [1]} : vector<16xf32> to vector<1xf32>
              %parallel_loop3A_870 = vector.extract %parallel_loop3A_869[0] : f32 from vector<1xf32>
              %parallel_loop3A_871 = arith.constant 16 : i32
              %parallel_loop3A_872 = arith.muli %parallel_loop3A_787, %parallel_loop3A_871 : i32
              %parallel_loop3A_873 = arith.constant 2 : i32
              %parallel_loop3A_874 = arith.addi %parallel_loop3A_872, %parallel_loop3A_873 : i32
              %parallel_loop3A_875 = arith.index_cast %parallel_loop3A_874 : i32 to index
              %parallel_loop3A_876 = arith.constant 0 : index
              %parallel_loop3A_877 = tpu.vector_load %arg16[%parallel_loop3A_875, %parallel_loop3A_876] {strides = array<i32>} : memref<128x64xf32, #tpu.memory_space<vmem>>, vector<16xf32>,
              %parallel_loop3A_878 = vector.broadcast %parallel_loop3A_870 : f32 to vector<16xf32>
              %parallel_loop3A_879 = arith.mulf %parallel_loop3A_877, %parallel_loop3A_878 : vector<16xf32>
              %parallel_loop3A_880 = arith.index_cast %parallel_loop3A_874 : i32 to index
              %parallel_loop3A_881 = arith.constant 0 : index
              %parallel_loop3A_882 = tpu.vector_load %arg16[%parallel_loop3A_880, %parallel_loop3A_881] {strides = array<i32>} : memref<128x64xf32, #tpu.memory_space<vmem>>, vector<16xf32>,
              tpu.vector_store %arg16[%parallel_loop3A_880, %parallel_loop3A_881], %parallel_loop3A_879 {strides = array<i32>} : memref<128x64xf32, #tpu.memory_space<vmem>>, vector<16xf32>,
              %parallel_loop3A_883 = arith.index_cast %parallel_loop3A_874 : i32 to index
              %parallel_loop3A_884 = arith.constant 16 : index
              %parallel_loop3A_885 = tpu.vector_load %arg16[%parallel_loop3A_883, %parallel_loop3A_884] {strides = array<i32>} : memref<128x64xf32, #tpu.memory_space<vmem>>, vector<16xf32>,
              %parallel_loop3A_886 = vector.broadcast %parallel_loop3A_870 : f32 to vector<16xf32>
              %parallel_loop3A_887 = arith.mulf %parallel_loop3A_885, %parallel_loop3A_886 : vector<16xf32>
              %parallel_loop3A_888 = arith.index_cast %parallel_loop3A_874 : i32 to index
              %parallel_loop3A_889 = arith.constant 16 : index
              %parallel_loop3A_890 = tpu.vector_load %arg16[%parallel_loop3A_888, %parallel_loop3A_889] {strides = array<i32>} : memref<128x64xf32, #tpu.memory_space<vmem>>, vector<16xf32>,
              tpu.vector_store %arg16[%parallel_loop3A_888, %parallel_loop3A_889], %parallel_loop3A_887 {strides = array<i32>} : memref<128x64xf32, #tpu.memory_space<vmem>>, vector<16xf32>,
              %parallel_loop3A_891 = arith.index_cast %parallel_loop3A_874 : i32 to index
              %parallel_loop3A_892 = arith.constant 32 : index
              %parallel_loop3A_893 = tpu.vector_load %arg16[%parallel_loop3A_891, %parallel_loop3A_892] {strides = array<i32>} : memref<128x64xf32, #tpu.memory_space<vmem>>, vector<16xf32>,
              %parallel_loop3A_894 = vector.broadcast %parallel_loop3A_870 : f32 to vector<16xf32>
              %parallel_loop3A_895 = arith.mulf %parallel_loop3A_893, %parallel_loop3A_894 : vector<16xf32>
              %parallel_loop3A_896 = arith.index_cast %parallel_loop3A_874 : i32 to index
              %parallel_loop3A_897 = arith.constant 32 : index
              %parallel_loop3A_898 = tpu.vector_load %arg16[%parallel_loop3A_896, %parallel_loop3A_897] {strides = array<i32>} : memref<128x64xf32, #tpu.memory_space<vmem>>, vector<16xf32>,
              tpu.vector_store %arg16[%parallel_loop3A_896, %parallel_loop3A_897], %parallel_loop3A_895 {strides = array<i32>} : memref<128x64xf32, #tpu.memory_space<vmem>>, vector<16xf32>,
              %parallel_loop3A_899 = arith.index_cast %parallel_loop3A_874 : i32 to index
              %parallel_loop3A_900 = arith.constant 48 : index
              %parallel_loop3A_901 = tpu.vector_load %arg16[%parallel_loop3A_899, %parallel_loop3A_900] {strides = array<i32>} : memref<128x64xf32, #tpu.memory_space<vmem>>, vector<16xf32>,
              %parallel_loop3A_902 = vector.broadcast %parallel_loop3A_870 : f32 to vector<16xf32>
              %parallel_loop3A_903 = arith.mulf %parallel_loop3A_901, %parallel_loop3A_902 : vector<16xf32>
              %parallel_loop3A_904 = arith.index_cast %parallel_loop3A_874 : i32 to index
              %parallel_loop3A_905 = arith.constant 48 : index
              %parallel_loop3A_906 = tpu.vector_load %arg16[%parallel_loop3A_904, %parallel_loop3A_905] {strides = array<i32>} : memref<128x64xf32, #tpu.memory_space<vmem>>, vector<16xf32>,
              tpu.vector_store %arg16[%parallel_loop3A_904, %parallel_loop3A_905], %parallel_loop3A_903 {strides = array<i32>} : memref<128x64xf32, #tpu.memory_space<vmem>>, vector<16xf32>,
              %parallel_loop3A_907 = vector.extract_strided_slice %parallel_loop3A_792 {offsets = [3], sizes = [1], strides = [1]} : vector<16xf32> to vector<1xf32>
              %parallel_loop3A_908 = vector.extract %parallel_loop3A_907[0] : f32 from vector<1xf32>
              %parallel_loop3A_909 = arith.constant 16 : i32
              %parallel_loop3A_910 = arith.muli %parallel_loop3A_787, %parallel_loop3A_909 : i32
              %parallel_loop3A_911 = arith.constant 3 : i32
              %parallel_loop3A_912 = arith.addi %parallel_loop3A_910, %parallel_loop3A_911 : i32
              %parallel_loop3A_913 = arith.index_cast %parallel_loop3A_912 : i32 to index
              %parallel_loop3A_914 = arith.constant 0 : index
              %parallel_loop3A_915 = tpu.vector_load %arg16[%parallel_loop3A_913, %parallel_loop3A_914] {strides = array<i32>} : memref<128x64xf32, #tpu.memory_space<vmem>>, vector<16xf32>,
              %parallel_loop3A_916 = vector.broadcast %parallel_loop3A_908 : f32 to vector<16xf32>
              %parallel_loop3A_917 = arith.mulf %parallel_loop3A_915, %parallel_loop3A_916 : vector<16xf32>
              %parallel_loop3A_918 = arith.index_cast %parallel_loop3A_912 : i32 to index
              %parallel_loop3A_919 = arith.constant 0 : index
              %parallel_loop3A_920 = tpu.vector_load %arg16[%parallel_loop3A_918, %parallel_loop3A_919] {strides = array<i32>} : memref<128x64xf32, #tpu.memory_space<vmem>>, vector<16xf32>,
              tpu.vector_store %arg16[%parallel_loop3A_918, %parallel_loop3A_919], %parallel_loop3A_917 {strides = array<i32>} : memref<128x64xf32, #tpu.memory_space<vmem>>, vector<16xf32>,
              %parallel_loop3A_921 = arith.index_cast %parallel_loop3A_912 : i32 to index
              %parallel_loop3A_922 = arith.constant 16 : index
              %parallel_loop3A_923 = tpu.vector_load %arg16[%parallel_loop3A_921, %parallel_loop3A_922] {strides = array<i32>} : memref<128x64xf32, #tpu.memory_space<vmem>>, vector<16xf32>,
              %parallel_loop3A_924 = vector.broadcast %parallel_loop3A_908 : f32 to vector<16xf32>
              %parallel_loop3A_925 = arith.mulf %parallel_loop3A_923, %parallel_loop3A_924 : vector<16xf32>
              %parallel_loop3A_926 = arith.index_cast %parallel_loop3A_912 : i32 to index
              %parallel_loop3A_927 = arith.constant 16 : index
              %parallel_loop3A_928 = tpu.vector_load %arg16[%parallel_loop3A_926, %parallel_loop3A_927] {strides = array<i32>} : memref<128x64xf32, #tpu.memory_space<vmem>>, vector<16xf32>,
              tpu.vector_store %arg16[%parallel_loop3A_926, %parallel_loop3A_927], %parallel_loop3A_925 {strides = array<i32>} : memref<128x64xf32, #tpu.memory_space<vmem>>, vector<16xf32>,
              %parallel_loop3A_929 = arith.index_cast %parallel_loop3A_912 : i32 to index
              %parallel_loop3A_930 = arith.constant 32 : index
              %parallel_loop3A_931 = tpu.vector_load %arg16[%parallel_loop3A_929, %parallel_loop3A_930] {strides = array<i32>} : memref<128x64xf32, #tpu.memory_space<vmem>>, vector<16xf32>,
              %parallel_loop3A_932 = vector.broadcast %parallel_loop3A_908 : f32 to vector<16xf32>
              %parallel_loop3A_933 = arith.mulf %parallel_loop3A_931, %parallel_loop3A_932 : vector<16xf32>
              %parallel_loop3A_934 = arith.index_cast %parallel_loop3A_912 : i32 to index
              %parallel_loop3A_935 = arith.constant 32 : index
              %parallel_loop3A_936 = tpu.vector_load %arg16[%parallel_loop3A_934, %parallel_loop3A_935] {strides = array<i32>} : memref<128x64xf32, #tpu.memory_space<vmem>>, vector<16xf32>,
              tpu.vector_store %arg16[%parallel_loop3A_934, %parallel_loop3A_935], %parallel_loop3A_933 {strides = array<i32>} : memref<128x64xf32, #tpu.memory_space<vmem>>, vector<16xf32>,
              %parallel_loop3A_937 = arith.index_cast %parallel_loop3A_912 : i32 to index
              %parallel_loop3A_938 = arith.constant 48 : index
              %parallel_loop3A_939 = tpu.vector_load %arg16[%parallel_loop3A_937, %parallel_loop3A_938] {strides = array<i32>} : memref<128x64xf32, #tpu.memory_space<vmem>>, vector<16xf32>,
              %parallel_loop3A_940 = vector.broadcast %parallel_loop3A_908 : f32 to vector<16xf32>
              %parallel_loop3A_941 = arith.mulf %parallel_loop3A_939, %parallel_loop3A_940 : vector<16xf32>
              %parallel_loop3A_942 = arith.index_cast %parallel_loop3A_912 : i32 to index
              %parallel_loop3A_943 = arith.constant 48 : index
              %parallel_loop3A_944 = tpu.vector_load %arg16[%parallel_loop3A_942, %parallel_loop3A_943] {strides = array<i32>} : memref<128x64xf32, #tpu.memory_space<vmem>>, vector<16xf32>,
              tpu.vector_store %arg16[%parallel_loop3A_942, %parallel_loop3A_943], %parallel_loop3A_941 {strides = array<i32>} : memref<128x64xf32, #tpu.memory_space<vmem>>, vector<16xf32>,
              %parallel_loop3A_945 = vector.extract_strided_slice %parallel_loop3A_792 {offsets = [4], sizes = [1], strides = [1]} : vector<16xf32> to vector<1xf32>
              %parallel_loop3A_946 = vector.extract %parallel_loop3A_945[0] : f32 from vector<1xf32>
              %parallel_loop3A_947 = arith.constant 16 : i32
              %parallel_loop3A_948 = arith.muli %parallel_loop3A_787, %parallel_loop3A_947 : i32
              %parallel_loop3A_949 = arith.constant 4 : i32
              %parallel_loop3A_950 = arith.addi %parallel_loop3A_948, %parallel_loop3A_949 : i32
              %parallel_loop3A_951 = arith.index_cast %parallel_loop3A_950 : i32 to index
              %parallel_loop3A_952 = arith.constant 0 : index
              %parallel_loop3A_953 = tpu.vector_load %arg16[%parallel_loop3A_951, %parallel_loop3A_952] {strides = array<i32>} : memref<128x64xf32, #tpu.memory_space<vmem>>, vector<16xf32>,
              %parallel_loop3A_954 = vector.broadcast %parallel_loop3A_946 : f32 to vector<16xf32>
              %parallel_loop3A_955 = arith.mulf %parallel_loop3A_953, %parallel_loop3A_954 : vector<16xf32>
              %parallel_loop3A_956 = arith.index_cast %parallel_loop3A_950 : i32 to index
              %parallel_loop3A_957 = arith.constant 0 : index
              %parallel_loop3A_958 = tpu.vector_load %arg16[%parallel_loop3A_956, %parallel_loop3A_957] {strides = array<i32>} : memref<128x64xf32, #tpu.memory_space<vmem>>, vector<16xf32>,
              tpu.vector_store %arg16[%parallel_loop3A_956, %parallel_loop3A_957], %parallel_loop3A_955 {strides = array<i32>} : memref<128x64xf32, #tpu.memory_space<vmem>>, vector<16xf32>,
              %parallel_loop3A_959 = arith.index_cast %parallel_loop3A_950 : i32 to index
              %parallel_loop3A_960 = arith.constant 16 : index
              %parallel_loop3A_961 = tpu.vector_load %arg16[%parallel_loop3A_959, %parallel_loop3A_960] {strides = array<i32>} : memref<128x64xf32, #tpu.memory_space<vmem>>, vector<16xf32>,
              %parallel_loop3A_962 = vector.broadcast %parallel_loop3A_946 : f32 to vector<16xf32>
              %parallel_loop3A_963 = arith.mulf %parallel_loop3A_961, %parallel_loop3A_962 : vector<16xf32>
              %parallel_loop3A_964 = arith.index_cast %parallel_loop3A_950 : i32 to index
              %parallel_loop3A_965 = arith.constant 16 : index
              %parallel_loop3A_966 = tpu.vector_load %arg16[%parallel_loop3A_964, %parallel_loop3A_965] {strides = array<i32>} : memref<128x64xf32, #tpu.memory_space<vmem>>, vector<16xf32>,
              tpu.vector_store %arg16[%parallel_loop3A_964, %parallel_loop3A_965], %parallel_loop3A_963 {strides = array<i32>} : memref<128x64xf32, #tpu.memory_space<vmem>>, vector<16xf32>,
              %parallel_loop3A_967 = arith.index_cast %parallel_loop3A_950 : i32 to index
              %parallel_loop3A_968 = arith.constant 32 : index
              %parallel_loop3A_969 = tpu.vector_load %arg16[%parallel_loop3A_967, %parallel_loop3A_968] {strides = array<i32>} : memref<128x64xf32, #tpu.memory_space<vmem>>, vector<16xf32>,
              %parallel_loop3A_970 = vector.broadcast %parallel_loop3A_946 : f32 to vector<16xf32>
              %parallel_loop3A_971 = arith.mulf %parallel_loop3A_969, %parallel_loop3A_970 : vector<16xf32>
              %parallel_loop3A_972 = arith.index_cast %parallel_loop3A_950 : i32 to index
              %parallel_loop3A_973 = arith.constant 32 : index
              %parallel_loop3A_974 = tpu.vector_load %arg16[%parallel_loop3A_972, %parallel_loop3A_973] {strides = array<i32>} : memref<128x64xf32, #tpu.memory_space<vmem>>, vector<16xf32>,
              tpu.vector_store %arg16[%parallel_loop3A_972, %parallel_loop3A_973], %parallel_loop3A_971 {strides = array<i32>} : memref<128x64xf32, #tpu.memory_space<vmem>>, vector<16xf32>,
              %parallel_loop3A_975 = arith.index_cast %parallel_loop3A_950 : i32 to index
              %parallel_loop3A_976 = arith.constant 48 : index
              %parallel_loop3A_977 = tpu.vector_load %arg16[%parallel_loop3A_975, %parallel_loop3A_976] {strides = array<i32>} : memref<128x64xf32, #tpu.memory_space<vmem>>, vector<16xf32>,
              %parallel_loop3A_978 = vector.broadcast %parallel_loop3A_946 : f32 to vector<16xf32>
              %parallel_loop3A_979 = arith.mulf %parallel_loop3A_977, %parallel_loop3A_978 : vector<16xf32>
              %parallel_loop3A_980 = arith.index_cast %parallel_loop3A_950 : i32 to index
              %parallel_loop3A_981 = arith.constant 48 : index
              %parallel_loop3A_982 = tpu.vector_load %arg16[%parallel_loop3A_980, %parallel_loop3A_981] {strides = array<i32>} : memref<128x64xf32, #tpu.memory_space<vmem>>, vector<16xf32>,
              tpu.vector_store %arg16[%parallel_loop3A_980, %parallel_loop3A_981], %parallel_loop3A_979 {strides = array<i32>} : memref<128x64xf32, #tpu.memory_space<vmem>>, vector<16xf32>,
              %parallel_loop3A_983 = vector.extract_strided_slice %parallel_loop3A_792 {offsets = [5], sizes = [1], strides = [1]} : vector<16xf32> to vector<1xf32>
              %parallel_loop3A_984 = vector.extract %parallel_loop3A_983[0] : f32 from vector<1xf32>
              %parallel_loop3A_985 = arith.constant 16 : i32
              %parallel_loop3A_986 = arith.muli %parallel_loop3A_787, %parallel_loop3A_985 : i32
              %parallel_loop3A_987 = arith.constant 5 : i32
              %parallel_loop3A_988 = arith.addi %parallel_loop3A_986, %parallel_loop3A_987 : i32
              %parallel_loop3A_989 = arith.index_cast %parallel_loop3A_988 : i32 to index
              %parallel_loop3A_990 = arith.constant 0 : index
              %parallel_loop3A_991 = tpu.vector_load %arg16[%parallel_loop3A_989, %parallel_loop3A_990] {strides = array<i32>} : memref<128x64xf32, #tpu.memory_space<vmem>>, vector<16xf32>,
              %parallel_loop3A_992 = vector.broadcast %parallel_loop3A_984 : f32 to vector<16xf32>
              %parallel_loop3A_993 = arith.mulf %parallel_loop3A_991, %parallel_loop3A_992 : vector<16xf32>
              %parallel_loop3A_994 = arith.index_cast %parallel_loop3A_988 : i32 to index
              %parallel_loop3A_995 = arith.constant 0 : index
              %parallel_loop3A_996 = tpu.vector_load %arg16[%parallel_loop3A_994, %parallel_loop3A_995] {strides = array<i32>} : memref<128x64xf32, #tpu.memory_space<vmem>>, vector<16xf32>,
              tpu.vector_store %arg16[%parallel_loop3A_994, %parallel_loop3A_995], %parallel_loop3A_993 {strides = array<i32>} : memref<128x64xf32, #tpu.memory_space<vmem>>, vector<16xf32>,
              %parallel_loop3A_997 = arith.index_cast %parallel_loop3A_988 : i32 to index
              %parallel_loop3A_998 = arith.constant 16 : index
              %parallel_loop3A_999 = tpu.vector_load %arg16[%parallel_loop3A_997, %parallel_loop3A_998] {strides = array<i32>} : memref<128x64xf32, #tpu.memory_space<vmem>>, vector<16xf32>,
              %parallel_loop3A_1000 = vector.broadcast %parallel_loop3A_984 : f32 to vector<16xf32>
              %parallel_loop3A_1001 = arith.mulf %parallel_loop3A_999, %parallel_loop3A_1000 : vector<16xf32>
              %parallel_loop3A_1002 = arith.index_cast %parallel_loop3A_988 : i32 to index
              %parallel_loop3A_1003 = arith.constant 16 : index
              %parallel_loop3A_1004 = tpu.vector_load %arg16[%parallel_loop3A_1002, %parallel_loop3A_1003] {strides = array<i32>} : memref<128x64xf32, #tpu.memory_space<vmem>>, vector<16xf32>,
              tpu.vector_store %arg16[%parallel_loop3A_1002, %parallel_loop3A_1003], %parallel_loop3A_1001 {strides = array<i32>} : memref<128x64xf32, #tpu.memory_space<vmem>>, vector<16xf32>,
              %parallel_loop3A_1005 = arith.index_cast %parallel_loop3A_988 : i32 to index
              %parallel_loop3A_1006 = arith.constant 32 : index
              %parallel_loop3A_1007 = tpu.vector_load %arg16[%parallel_loop3A_1005, %parallel_loop3A_1006] {strides = array<i32>} : memref<128x64xf32, #tpu.memory_space<vmem>>, vector<16xf32>,
              %parallel_loop3A_1008 = vector.broadcast %parallel_loop3A_984 : f32 to vector<16xf32>
              %parallel_loop3A_1009 = arith.mulf %parallel_loop3A_1007, %parallel_loop3A_1008 : vector<16xf32>
              %parallel_loop3A_1010 = arith.index_cast %parallel_loop3A_988 : i32 to index
              %parallel_loop3A_1011 = arith.constant 32 : index
              %parallel_loop3A_1012 = tpu.vector_load %arg16[%parallel_loop3A_1010, %parallel_loop3A_1011] {strides = array<i32>} : memref<128x64xf32, #tpu.memory_space<vmem>>, vector<16xf32>,
              tpu.vector_store %arg16[%parallel_loop3A_1010, %parallel_loop3A_1011], %parallel_loop3A_1009 {strides = array<i32>} : memref<128x64xf32, #tpu.memory_space<vmem>>, vector<16xf32>,
              %parallel_loop3A_1013 = arith.index_cast %parallel_loop3A_988 : i32 to index
              %parallel_loop3A_1014 = arith.constant 48 : index
              %parallel_loop3A_1015 = tpu.vector_load %arg16[%parallel_loop3A_1013, %parallel_loop3A_1014] {strides = array<i32>} : memref<128x64xf32, #tpu.memory_space<vmem>>, vector<16xf32>,
              %parallel_loop3A_1016 = vector.broadcast %parallel_loop3A_984 : f32 to vector<16xf32>
              %parallel_loop3A_1017 = arith.mulf %parallel_loop3A_1015, %parallel_loop3A_1016 : vector<16xf32>
              %parallel_loop3A_1018 = arith.index_cast %parallel_loop3A_988 : i32 to index
              %parallel_loop3A_1019 = arith.constant 48 : index
              %parallel_loop3A_1020 = tpu.vector_load %arg16[%parallel_loop3A_1018, %parallel_loop3A_1019] {strides = array<i32>} : memref<128x64xf32, #tpu.memory_space<vmem>>, vector<16xf32>,
              tpu.vector_store %arg16[%parallel_loop3A_1018, %parallel_loop3A_1019], %parallel_loop3A_1017 {strides = array<i32>} : memref<128x64xf32, #tpu.memory_space<vmem>>, vector<16xf32>,
              %parallel_loop3A_1021 = vector.extract_strided_slice %parallel_loop3A_792 {offsets = [6], sizes = [1], strides = [1]} : vector<16xf32> to vector<1xf32>
              %parallel_loop3A_1022 = vector.extract %parallel_loop3A_1021[0] : f32 from vector<1xf32>
              %parallel_loop3A_1023 = arith.constant 16 : i32
              %parallel_loop3A_1024 = arith.muli %parallel_loop3A_787, %parallel_loop3A_1023 : i32
              %parallel_loop3A_1025 = arith.constant 6 : i32
              %parallel_loop3A_1026 = arith.addi %parallel_loop3A_1024, %parallel_loop3A_1025 : i32
              %parallel_loop3A_1027 = arith.index_cast %parallel_loop3A_1026 : i32 to index
              %parallel_loop3A_1028 = arith.constant 0 : index
              %parallel_loop3A_1029 = tpu.vector_load %arg16[%parallel_loop3A_1027, %parallel_loop3A_1028] {strides = array<i32>} : memref<128x64xf32, #tpu.memory_space<vmem>>, vector<16xf32>,
              %parallel_loop3A_1030 = vector.broadcast %parallel_loop3A_1022 : f32 to vector<16xf32>
              %parallel_loop3A_1031 = arith.mulf %parallel_loop3A_1029, %parallel_loop3A_1030 : vector<16xf32>
              %parallel_loop3A_1032 = arith.index_cast %parallel_loop3A_1026 : i32 to index
              %parallel_loop3A_1033 = arith.constant 0 : index
              %parallel_loop3A_1034 = tpu.vector_load %arg16[%parallel_loop3A_1032, %parallel_loop3A_1033] {strides = array<i32>} : memref<128x64xf32, #tpu.memory_space<vmem>>, vector<16xf32>,
              tpu.vector_store %arg16[%parallel_loop3A_1032, %parallel_loop3A_1033], %parallel_loop3A_1031 {strides = array<i32>} : memref<128x64xf32, #tpu.memory_space<vmem>>, vector<16xf32>,
              %parallel_loop3A_1035 = arith.index_cast %parallel_loop3A_1026 : i32 to index
              %parallel_loop3A_1036 = arith.constant 16 : index
              %parallel_loop3A_1037 = tpu.vector_load %arg16[%parallel_loop3A_1035, %parallel_loop3A_1036] {strides = array<i32>} : memref<128x64xf32, #tpu.memory_space<vmem>>, vector<16xf32>,
              %parallel_loop3A_1038 = vector.broadcast %parallel_loop3A_1022 : f32 to vector<16xf32>
              %parallel_loop3A_1039 = arith.mulf %parallel_loop3A_1037, %parallel_loop3A_1038 : vector<16xf32>
              %parallel_loop3A_1040 = arith.index_cast %parallel_loop3A_1026 : i32 to index
              %parallel_loop3A_1041 = arith.constant 16 : index
              %parallel_loop3A_1042 = tpu.vector_load %arg16[%parallel_loop3A_1040, %parallel_loop3A_1041] {strides = array<i32>} : memref<128x64xf32, #tpu.memory_space<vmem>>, vector<16xf32>,
              tpu.vector_store %arg16[%parallel_loop3A_1040, %parallel_loop3A_1041], %parallel_loop3A_1039 {strides = array<i32>} : memref<128x64xf32, #tpu.memory_space<vmem>>, vector<16xf32>,
              %parallel_loop3A_1043 = arith.index_cast %parallel_loop3A_1026 : i32 to index
              %parallel_loop3A_1044 = arith.constant 32 : index
              %parallel_loop3A_1045 = tpu.vector_load %arg16[%parallel_loop3A_1043, %parallel_loop3A_1044] {strides = array<i32>} : memref<128x64xf32, #tpu.memory_space<vmem>>, vector<16xf32>,
              %parallel_loop3A_1046 = vector.broadcast %parallel_loop3A_1022 : f32 to vector<16xf32>
              %parallel_loop3A_1047 = arith.mulf %parallel_loop3A_1045, %parallel_loop3A_1046 : vector<16xf32>
              %parallel_loop3A_1048 = arith.index_cast %parallel_loop3A_1026 : i32 to index
              %parallel_loop3A_1049 = arith.constant 32 : index
              %parallel_loop3A_1050 = tpu.vector_load %arg16[%parallel_loop3A_1048, %parallel_loop3A_1049] {strides = array<i32>} : memref<128x64xf32, #tpu.memory_space<vmem>>, vector<16xf32>,
              tpu.vector_store %arg16[%parallel_loop3A_1048, %parallel_loop3A_1049], %parallel_loop3A_1047 {strides = array<i32>} : memref<128x64xf32, #tpu.memory_space<vmem>>, vector<16xf32>,
              %parallel_loop3A_1051 = arith.index_cast %parallel_loop3A_1026 : i32 to index
              %parallel_loop3A_1052 = arith.constant 48 : index
              %parallel_loop3A_1053 = tpu.vector_load %arg16[%parallel_loop3A_1051, %parallel_loop3A_1052] {strides = array<i32>} : memref<128x64xf32, #tpu.memory_space<vmem>>, vector<16xf32>,
              %parallel_loop3A_1054 = vector.broadcast %parallel_loop3A_1022 : f32 to vector<16xf32>
              %parallel_loop3A_1055 = arith.mulf %parallel_loop3A_1053, %parallel_loop3A_1054 : vector<16xf32>
              %parallel_loop3A_1056 = arith.index_cast %parallel_loop3A_1026 : i32 to index
              %parallel_loop3A_1057 = arith.constant 48 : index
              %parallel_loop3A_1058 = tpu.vector_load %arg16[%parallel_loop3A_1056, %parallel_loop3A_1057] {strides = array<i32>} : memref<128x64xf32, #tpu.memory_space<vmem>>, vector<16xf32>,
              tpu.vector_store %arg16[%parallel_loop3A_1056, %parallel_loop3A_1057], %parallel_loop3A_1055 {strides = array<i32>} : memref<128x64xf32, #tpu.memory_space<vmem>>, vector<16xf32>,
              %parallel_loop3A_1059 = vector.extract_strided_slice %parallel_loop3A_792 {offsets = [7], sizes = [1], strides = [1]} : vector<16xf32> to vector<1xf32>
              %parallel_loop3A_1060 = vector.extract %parallel_loop3A_1059[0] : f32 from vector<1xf32>
              %parallel_loop3A_1061 = arith.constant 16 : i32
              %parallel_loop3A_1062 = arith.muli %parallel_loop3A_787, %parallel_loop3A_1061 : i32
              %parallel_loop3A_1063 = arith.constant 7 : i32
              %parallel_loop3A_1064 = arith.addi %parallel_loop3A_1062, %parallel_loop3A_1063 : i32
              %parallel_loop3A_1065 = arith.index_cast %parallel_loop3A_1064 : i32 to index
              %parallel_loop3A_1066 = arith.constant 0 : index
              %parallel_loop3A_1067 = tpu.vector_load %arg16[%parallel_loop3A_1065, %parallel_loop3A_1066] {strides = array<i32>} : memref<128x64xf32, #tpu.memory_space<vmem>>, vector<16xf32>,
              %parallel_loop3A_1068 = vector.broadcast %parallel_loop3A_1060 : f32 to vector<16xf32>
              %parallel_loop3A_1069 = arith.mulf %parallel_loop3A_1067, %parallel_loop3A_1068 : vector<16xf32>
              %parallel_loop3A_1070 = arith.index_cast %parallel_loop3A_1064 : i32 to index
              %parallel_loop3A_1071 = arith.constant 0 : index
              %parallel_loop3A_1072 = tpu.vector_load %arg16[%parallel_loop3A_1070, %parallel_loop3A_1071] {strides = array<i32>} : memref<128x64xf32, #tpu.memory_space<vmem>>, vector<16xf32>,
              tpu.vector_store %arg16[%parallel_loop3A_1070, %parallel_loop3A_1071], %parallel_loop3A_1069 {strides = array<i32>} : memref<128x64xf32, #tpu.memory_space<vmem>>, vector<16xf32>,
              %parallel_loop3A_1073 = arith.index_cast %parallel_loop3A_1064 : i32 to index
              %parallel_loop3A_1074 = arith.constant 16 : index
              %parallel_loop3A_1075 = tpu.vector_load %arg16[%parallel_loop3A_1073, %parallel_loop3A_1074] {strides = array<i32>} : memref<128x64xf32, #tpu.memory_space<vmem>>, vector<16xf32>,
              %parallel_loop3A_1076 = vector.broadcast %parallel_loop3A_1060 : f32 to vector<16xf32>
              %parallel_loop3A_1077 = arith.mulf %parallel_loop3A_1075, %parallel_loop3A_1076 : vector<16xf32>
              %parallel_loop3A_1078 = arith.index_cast %parallel_loop3A_1064 : i32 to index
              %parallel_loop3A_1079 = arith.constant 16 : index
              %parallel_loop3A_1080 = tpu.vector_load %arg16[%parallel_loop3A_1078, %parallel_loop3A_1079] {strides = array<i32>} : memref<128x64xf32, #tpu.memory_space<vmem>>, vector<16xf32>,
              tpu.vector_store %arg16[%parallel_loop3A_1078, %parallel_loop3A_1079], %parallel_loop3A_1077 {strides = array<i32>} : memref<128x64xf32, #tpu.memory_space<vmem>>, vector<16xf32>,
              %parallel_loop3A_1081 = arith.index_cast %parallel_loop3A_1064 : i32 to index
              %parallel_loop3A_1082 = arith.constant 32 : index
              %parallel_loop3A_1083 = tpu.vector_load %arg16[%parallel_loop3A_1081, %parallel_loop3A_1082] {strides = array<i32>} : memref<128x64xf32, #tpu.memory_space<vmem>>, vector<16xf32>,
              %parallel_loop3A_1084 = vector.broadcast %parallel_loop3A_1060 : f32 to vector<16xf32>
              %parallel_loop3A_1085 = arith.mulf %parallel_loop3A_1083, %parallel_loop3A_1084 : vector<16xf32>
              %parallel_loop3A_1086 = arith.index_cast %parallel_loop3A_1064 : i32 to index
              %parallel_loop3A_1087 = arith.constant 32 : index
              %parallel_loop3A_1088 = tpu.vector_load %arg16[%parallel_loop3A_1086, %parallel_loop3A_1087] {strides = array<i32>} : memref<128x64xf32, #tpu.memory_space<vmem>>, vector<16xf32>,
              tpu.vector_store %arg16[%parallel_loop3A_1086, %parallel_loop3A_1087], %parallel_loop3A_1085 {strides = array<i32>} : memref<128x64xf32, #tpu.memory_space<vmem>>, vector<16xf32>,
              %parallel_loop3A_1089 = arith.index_cast %parallel_loop3A_1064 : i32 to index
              %parallel_loop3A_1090 = arith.constant 48 : index
              %parallel_loop3A_1091 = tpu.vector_load %arg16[%parallel_loop3A_1089, %parallel_loop3A_1090] {strides = array<i32>} : memref<128x64xf32, #tpu.memory_space<vmem>>, vector<16xf32>,
              %parallel_loop3A_1092 = vector.broadcast %parallel_loop3A_1060 : f32 to vector<16xf32>
              %parallel_loop3A_1093 = arith.mulf %parallel_loop3A_1091, %parallel_loop3A_1092 : vector<16xf32>
              %parallel_loop3A_1094 = arith.index_cast %parallel_loop3A_1064 : i32 to index
              %parallel_loop3A_1095 = arith.constant 48 : index
              %parallel_loop3A_1096 = tpu.vector_load %arg16[%parallel_loop3A_1094, %parallel_loop3A_1095] {strides = array<i32>} : memref<128x64xf32, #tpu.memory_space<vmem>>, vector<16xf32>,
              tpu.vector_store %arg16[%parallel_loop3A_1094, %parallel_loop3A_1095], %parallel_loop3A_1093 {strides = array<i32>} : memref<128x64xf32, #tpu.memory_space<vmem>>, vector<16xf32>,
              %parallel_loop3A_1097 = vector.extract_strided_slice %parallel_loop3A_792 {offsets = [8], sizes = [1], strides = [1]} : vector<16xf32> to vector<1xf32>
              %parallel_loop3A_1098 = vector.extract %parallel_loop3A_1097[0] : f32 from vector<1xf32>
              %parallel_loop3A_1099 = arith.constant 16 : i32
              %parallel_loop3A_1100 = arith.muli %parallel_loop3A_787, %parallel_loop3A_1099 : i32
              %parallel_loop3A_1101 = arith.constant 8 : i32
              %parallel_loop3A_1102 = arith.addi %parallel_loop3A_1100, %parallel_loop3A_1101 : i32
              %parallel_loop3A_1103 = arith.index_cast %parallel_loop3A_1102 : i32 to index
              %parallel_loop3A_1104 = arith.constant 0 : index
              %parallel_loop3A_1105 = tpu.vector_load %arg16[%parallel_loop3A_1103, %parallel_loop3A_1104] {strides = array<i32>} : memref<128x64xf32, #tpu.memory_space<vmem>>, vector<16xf32>,
              %parallel_loop3A_1106 = vector.broadcast %parallel_loop3A_1098 : f32 to vector<16xf32>
              %parallel_loop3A_1107 = arith.mulf %parallel_loop3A_1105, %parallel_loop3A_1106 : vector<16xf32>
              %parallel_loop3A_1108 = arith.index_cast %parallel_loop3A_1102 : i32 to index
              %parallel_loop3A_1109 = arith.constant 0 : index
              %parallel_loop3A_1110 = tpu.vector_load %arg16[%parallel_loop3A_1108, %parallel_loop3A_1109] {strides = array<i32>} : memref<128x64xf32, #tpu.memory_space<vmem>>, vector<16xf32>,
              tpu.vector_store %arg16[%parallel_loop3A_1108, %parallel_loop3A_1109], %parallel_loop3A_1107 {strides = array<i32>} : memref<128x64xf32, #tpu.memory_space<vmem>>, vector<16xf32>,
              %parallel_loop3A_1111 = arith.index_cast %parallel_loop3A_1102 : i32 to index
              %parallel_loop3A_1112 = arith.constant 16 : index
              %parallel_loop3A_1113 = tpu.vector_load %arg16[%parallel_loop3A_1111, %parallel_loop3A_1112] {strides = array<i32>} : memref<128x64xf32, #tpu.memory_space<vmem>>, vector<16xf32>,
              %parallel_loop3A_1114 = vector.broadcast %parallel_loop3A_1098 : f32 to vector<16xf32>
              %parallel_loop3A_1115 = arith.mulf %parallel_loop3A_1113, %parallel_loop3A_1114 : vector<16xf32>
              %parallel_loop3A_1116 = arith.index_cast %parallel_loop3A_1102 : i32 to index
              %parallel_loop3A_1117 = arith.constant 16 : index
              %parallel_loop3A_1118 = tpu.vector_load %arg16[%parallel_loop3A_1116, %parallel_loop3A_1117] {strides = array<i32>} : memref<128x64xf32, #tpu.memory_space<vmem>>, vector<16xf32>,
              tpu.vector_store %arg16[%parallel_loop3A_1116, %parallel_loop3A_1117], %parallel_loop3A_1115 {strides = array<i32>} : memref<128x64xf32, #tpu.memory_space<vmem>>, vector<16xf32>,
              %parallel_loop3A_1119 = arith.index_cast %parallel_loop3A_1102 : i32 to index
              %parallel_loop3A_1120 = arith.constant 32 : index
              %parallel_loop3A_1121 = tpu.vector_load %arg16[%parallel_loop3A_1119, %parallel_loop3A_1120] {strides = array<i32>} : memref<128x64xf32, #tpu.memory_space<vmem>>, vector<16xf32>,
              %parallel_loop3A_1122 = vector.broadcast %parallel_loop3A_1098 : f32 to vector<16xf32>
              %parallel_loop3A_1123 = arith.mulf %parallel_loop3A_1121, %parallel_loop3A_1122 : vector<16xf32>
              %parallel_loop3A_1124 = arith.index_cast %parallel_loop3A_1102 : i32 to index
              %parallel_loop3A_1125 = arith.constant 32 : index
              %parallel_loop3A_1126 = tpu.vector_load %arg16[%parallel_loop3A_1124, %parallel_loop3A_1125] {strides = array<i32>} : memref<128x64xf32, #tpu.memory_space<vmem>>, vector<16xf32>,
              tpu.vector_store %arg16[%parallel_loop3A_1124, %parallel_loop3A_1125], %parallel_loop3A_1123 {strides = array<i32>} : memref<128x64xf32, #tpu.memory_space<vmem>>, vector<16xf32>,
              %parallel_loop3A_1127 = arith.index_cast %parallel_loop3A_1102 : i32 to index
              %parallel_loop3A_1128 = arith.constant 48 : index
              %parallel_loop3A_1129 = tpu.vector_load %arg16[%parallel_loop3A_1127, %parallel_loop3A_1128] {strides = array<i32>} : memref<128x64xf32, #tpu.memory_space<vmem>>, vector<16xf32>,
              %parallel_loop3A_1130 = vector.broadcast %parallel_loop3A_1098 : f32 to vector<16xf32>
              %parallel_loop3A_1131 = arith.mulf %parallel_loop3A_1129, %parallel_loop3A_1130 : vector<16xf32>
              %parallel_loop3A_1132 = arith.index_cast %parallel_loop3A_1102 : i32 to index
              %parallel_loop3A_1133 = arith.constant 48 : index
              %parallel_loop3A_1134 = tpu.vector_load %arg16[%parallel_loop3A_1132, %parallel_loop3A_1133] {strides = array<i32>} : memref<128x64xf32, #tpu.memory_space<vmem>>, vector<16xf32>,
              tpu.vector_store %arg16[%parallel_loop3A_1132, %parallel_loop3A_1133], %parallel_loop3A_1131 {strides = array<i32>} : memref<128x64xf32, #tpu.memory_space<vmem>>, vector<16xf32>,
              %parallel_loop3A_1135 = vector.extract_strided_slice %parallel_loop3A_792 {offsets = [9], sizes = [1], strides = [1]} : vector<16xf32> to vector<1xf32>
              %parallel_loop3A_1136 = vector.extract %parallel_loop3A_1135[0] : f32 from vector<1xf32>
              %parallel_loop3A_1137 = arith.constant 16 : i32
              %parallel_loop3A_1138 = arith.muli %parallel_loop3A_787, %parallel_loop3A_1137 : i32
              %parallel_loop3A_1139 = arith.constant 9 : i32
              %parallel_loop3A_1140 = arith.addi %parallel_loop3A_1138, %parallel_loop3A_1139 : i32
              %parallel_loop3A_1141 = arith.index_cast %parallel_loop3A_1140 : i32 to index
              %parallel_loop3A_1142 = arith.constant 0 : index
              %parallel_loop3A_1143 = tpu.vector_load %arg16[%parallel_loop3A_1141, %parallel_loop3A_1142] {strides = array<i32>} : memref<128x64xf32, #tpu.memory_space<vmem>>, vector<16xf32>,
              %parallel_loop3A_1144 = vector.broadcast %parallel_loop3A_1136 : f32 to vector<16xf32>
              %parallel_loop3A_1145 = arith.mulf %parallel_loop3A_1143, %parallel_loop3A_1144 : vector<16xf32>
              %parallel_loop3A_1146 = arith.index_cast %parallel_loop3A_1140 : i32 to index
              %parallel_loop3A_1147 = arith.constant 0 : index
              %parallel_loop3A_1148 = tpu.vector_load %arg16[%parallel_loop3A_1146, %parallel_loop3A_1147] {strides = array<i32>} : memref<128x64xf32, #tpu.memory_space<vmem>>, vector<16xf32>,
              tpu.vector_store %arg16[%parallel_loop3A_1146, %parallel_loop3A_1147], %parallel_loop3A_1145 {strides = array<i32>} : memref<128x64xf32, #tpu.memory_space<vmem>>, vector<16xf32>,
              %parallel_loop3A_1149 = arith.index_cast %parallel_loop3A_1140 : i32 to index
              %parallel_loop3A_1150 = arith.constant 16 : index
              %parallel_loop3A_1151 = tpu.vector_load %arg16[%parallel_loop3A_1149, %parallel_loop3A_1150] {strides = array<i32>} : memref<128x64xf32, #tpu.memory_space<vmem>>, vector<16xf32>,
              %parallel_loop3A_1152 = vector.broadcast %parallel_loop3A_1136 : f32 to vector<16xf32>
              %parallel_loop3A_1153 = arith.mulf %parallel_loop3A_1151, %parallel_loop3A_1152 : vector<16xf32>
              %parallel_loop3A_1154 = arith.index_cast %parallel_loop3A_1140 : i32 to index
              %parallel_loop3A_1155 = arith.constant 16 : index
              %parallel_loop3A_1156 = tpu.vector_load %arg16[%parallel_loop3A_1154, %parallel_loop3A_1155] {strides = array<i32>} : memref<128x64xf32, #tpu.memory_space<vmem>>, vector<16xf32>,
              tpu.vector_store %arg16[%parallel_loop3A_1154, %parallel_loop3A_1155], %parallel_loop3A_1153 {strides = array<i32>} : memref<128x64xf32, #tpu.memory_space<vmem>>, vector<16xf32>,
              %parallel_loop3A_1157 = arith.index_cast %parallel_loop3A_1140 : i32 to index
              %parallel_loop3A_1158 = arith.constant 32 : index
              %parallel_loop3A_1159 = tpu.vector_load %arg16[%parallel_loop3A_1157, %parallel_loop3A_1158] {strides = array<i32>} : memref<128x64xf32, #tpu.memory_space<vmem>>, vector<16xf32>,
              %parallel_loop3A_1160 = vector.broadcast %parallel_loop3A_1136 : f32 to vector<16xf32>
              %parallel_loop3A_1161 = arith.mulf %parallel_loop3A_1159, %parallel_loop3A_1160 : vector<16xf32>
              %parallel_loop3A_1162 = arith.index_cast %parallel_loop3A_1140 : i32 to index
              %parallel_loop3A_1163 = arith.constant 32 : index
              %parallel_loop3A_1164 = tpu.vector_load %arg16[%parallel_loop3A_1162, %parallel_loop3A_1163] {strides = array<i32>} : memref<128x64xf32, #tpu.memory_space<vmem>>, vector<16xf32>,
              tpu.vector_store %arg16[%parallel_loop3A_1162, %parallel_loop3A_1163], %parallel_loop3A_1161 {strides = array<i32>} : memref<128x64xf32, #tpu.memory_space<vmem>>, vector<16xf32>,
              %parallel_loop3A_1165 = arith.index_cast %parallel_loop3A_1140 : i32 to index
              %parallel_loop3A_1166 = arith.constant 48 : index
              %parallel_loop3A_1167 = tpu.vector_load %arg16[%parallel_loop3A_1165, %parallel_loop3A_1166] {strides = array<i32>} : memref<128x64xf32, #tpu.memory_space<vmem>>, vector<16xf32>,
              %parallel_loop3A_1168 = vector.broadcast %parallel_loop3A_1136 : f32 to vector<16xf32>
              %parallel_loop3A_1169 = arith.mulf %parallel_loop3A_1167, %parallel_loop3A_1168 : vector<16xf32>
              %parallel_loop3A_1170 = arith.index_cast %parallel_loop3A_1140 : i32 to index
              %parallel_loop3A_1171 = arith.constant 48 : index
              %parallel_loop3A_1172 = tpu.vector_load %arg16[%parallel_loop3A_1170, %parallel_loop3A_1171] {strides = array<i32>} : memref<128x64xf32, #tpu.memory_space<vmem>>, vector<16xf32>,
              tpu.vector_store %arg16[%parallel_loop3A_1170, %parallel_loop3A_1171], %parallel_loop3A_1169 {strides = array<i32>} : memref<128x64xf32, #tpu.memory_space<vmem>>, vector<16xf32>,
              %parallel_loop3A_1173 = vector.extract_strided_slice %parallel_loop3A_792 {offsets = [10], sizes = [1], strides = [1]} : vector<16xf32> to vector<1xf32>
              %parallel_loop3A_1174 = vector.extract %parallel_loop3A_1173[0] : f32 from vector<1xf32>
              %parallel_loop3A_1175 = arith.constant 16 : i32
              %parallel_loop3A_1176 = arith.muli %parallel_loop3A_787, %parallel_loop3A_1175 : i32
              %parallel_loop3A_1177 = arith.constant 10 : i32
              %parallel_loop3A_1178 = arith.addi %parallel_loop3A_1176, %parallel_loop3A_1177 : i32
              %parallel_loop3A_1179 = arith.index_cast %parallel_loop3A_1178 : i32 to index
              %parallel_loop3A_1180 = arith.constant 0 : index
              %parallel_loop3A_1181 = tpu.vector_load %arg16[%parallel_loop3A_1179, %parallel_loop3A_1180] {strides = array<i32>} : memref<128x64xf32, #tpu.memory_space<vmem>>, vector<16xf32>,
              %parallel_loop3A_1182 = vector.broadcast %parallel_loop3A_1174 : f32 to vector<16xf32>
              %parallel_loop3A_1183 = arith.mulf %parallel_loop3A_1181, %parallel_loop3A_1182 : vector<16xf32>
              %parallel_loop3A_1184 = arith.index_cast %parallel_loop3A_1178 : i32 to index
              %parallel_loop3A_1185 = arith.constant 0 : index
              %parallel_loop3A_1186 = tpu.vector_load %arg16[%parallel_loop3A_1184, %parallel_loop3A_1185] {strides = array<i32>} : memref<128x64xf32, #tpu.memory_space<vmem>>, vector<16xf32>,
              tpu.vector_store %arg16[%parallel_loop3A_1184, %parallel_loop3A_1185], %parallel_loop3A_1183 {strides = array<i32>} : memref<128x64xf32, #tpu.memory_space<vmem>>, vector<16xf32>,
              %parallel_loop3A_1187 = arith.index_cast %parallel_loop3A_1178 : i32 to index
              %parallel_loop3A_1188 = arith.constant 16 : index
              %parallel_loop3A_1189 = tpu.vector_load %arg16[%parallel_loop3A_1187, %parallel_loop3A_1188] {strides = array<i32>} : memref<128x64xf32, #tpu.memory_space<vmem>>, vector<16xf32>,
              %parallel_loop3A_1190 = vector.broadcast %parallel_loop3A_1174 : f32 to vector<16xf32>
              %parallel_loop3A_1191 = arith.mulf %parallel_loop3A_1189, %parallel_loop3A_1190 : vector<16xf32>
              %parallel_loop3A_1192 = arith.index_cast %parallel_loop3A_1178 : i32 to index
              %parallel_loop3A_1193 = arith.constant 16 : index
              %parallel_loop3A_1194 = tpu.vector_load %arg16[%parallel_loop3A_1192, %parallel_loop3A_1193] {strides = array<i32>} : memref<128x64xf32, #tpu.memory_space<vmem>>, vector<16xf32>,
              tpu.vector_store %arg16[%parallel_loop3A_1192, %parallel_loop3A_1193], %parallel_loop3A_1191 {strides = array<i32>} : memref<128x64xf32, #tpu.memory_space<vmem>>, vector<16xf32>,
              %parallel_loop3A_1195 = arith.index_cast %parallel_loop3A_1178 : i32 to index
              %parallel_loop3A_1196 = arith.constant 32 : index
              %parallel_loop3A_1197 = tpu.vector_load %arg16[%parallel_loop3A_1195, %parallel_loop3A_1196] {strides = array<i32>} : memref<128x64xf32, #tpu.memory_space<vmem>>, vector<16xf32>,
              %parallel_loop3A_1198 = vector.broadcast %parallel_loop3A_1174 : f32 to vector<16xf32>
              %parallel_loop3A_1199 = arith.mulf %parallel_loop3A_1197, %parallel_loop3A_1198 : vector<16xf32>
              %parallel_loop3A_1200 = arith.index_cast %parallel_loop3A_1178 : i32 to index
              %parallel_loop3A_1201 = arith.constant 32 : index
              %parallel_loop3A_1202 = tpu.vector_load %arg16[%parallel_loop3A_1200, %parallel_loop3A_1201] {strides = array<i32>} : memref<128x64xf32, #tpu.memory_space<vmem>>, vector<16xf32>,
              tpu.vector_store %arg16[%parallel_loop3A_1200, %parallel_loop3A_1201], %parallel_loop3A_1199 {strides = array<i32>} : memref<128x64xf32, #tpu.memory_space<vmem>>, vector<16xf32>,
              %parallel_loop3A_1203 = arith.index_cast %parallel_loop3A_1178 : i32 to index
              %parallel_loop3A_1204 = arith.constant 48 : index
              %parallel_loop3A_1205 = tpu.vector_load %arg16[%parallel_loop3A_1203, %parallel_loop3A_1204] {strides = array<i32>} : memref<128x64xf32, #tpu.memory_space<vmem>>, vector<16xf32>,
              %parallel_loop3A_1206 = vector.broadcast %parallel_loop3A_1174 : f32 to vector<16xf32>
              %parallel_loop3A_1207 = arith.mulf %parallel_loop3A_1205, %parallel_loop3A_1206 : vector<16xf32>
              %parallel_loop3A_1208 = arith.index_cast %parallel_loop3A_1178 : i32 to index
              %parallel_loop3A_1209 = arith.constant 48 : index
              %parallel_loop3A_1210 = tpu.vector_load %arg16[%parallel_loop3A_1208, %parallel_loop3A_1209] {strides = array<i32>} : memref<128x64xf32, #tpu.memory_space<vmem>>, vector<16xf32>,
              tpu.vector_store %arg16[%parallel_loop3A_1208, %parallel_loop3A_1209], %parallel_loop3A_1207 {strides = array<i32>} : memref<128x64xf32, #tpu.memory_space<vmem>>, vector<16xf32>,
              %parallel_loop3A_1211 = vector.extract_strided_slice %parallel_loop3A_792 {offsets = [11], sizes = [1], strides = [1]} : vector<16xf32> to vector<1xf32>
              %parallel_loop3A_1212 = vector.extract %parallel_loop3A_1211[0] : f32 from vector<1xf32>
              %parallel_loop3A_1213 = arith.constant 16 : i32
              %parallel_loop3A_1214 = arith.muli %parallel_loop3A_787, %parallel_loop3A_1213 : i32
              %parallel_loop3A_1215 = arith.constant 11 : i32
              %parallel_loop3A_1216 = arith.addi %parallel_loop3A_1214, %parallel_loop3A_1215 : i32
              %parallel_loop3A_1217 = arith.index_cast %parallel_loop3A_1216 : i32 to index
              %parallel_loop3A_1218 = arith.constant 0 : index
              %parallel_loop3A_1219 = tpu.vector_load %arg16[%parallel_loop3A_1217, %parallel_loop3A_1218] {strides = array<i32>} : memref<128x64xf32, #tpu.memory_space<vmem>>, vector<16xf32>,
              %parallel_loop3A_1220 = vector.broadcast %parallel_loop3A_1212 : f32 to vector<16xf32>
              %parallel_loop3A_1221 = arith.mulf %parallel_loop3A_1219, %parallel_loop3A_1220 : vector<16xf32>
              %parallel_loop3A_1222 = arith.index_cast %parallel_loop3A_1216 : i32 to index
              %parallel_loop3A_1223 = arith.constant 0 : index
              %parallel_loop3A_1224 = tpu.vector_load %arg16[%parallel_loop3A_1222, %parallel_loop3A_1223] {strides = array<i32>} : memref<128x64xf32, #tpu.memory_space<vmem>>, vector<16xf32>,
              tpu.vector_store %arg16[%parallel_loop3A_1222, %parallel_loop3A_1223], %parallel_loop3A_1221 {strides = array<i32>} : memref<128x64xf32, #tpu.memory_space<vmem>>, vector<16xf32>,
              %parallel_loop3A_1225 = arith.index_cast %parallel_loop3A_1216 : i32 to index
              %parallel_loop3A_1226 = arith.constant 16 : index
              %parallel_loop3A_1227 = tpu.vector_load %arg16[%parallel_loop3A_1225, %parallel_loop3A_1226] {strides = array<i32>} : memref<128x64xf32, #tpu.memory_space<vmem>>, vector<16xf32>,
              %parallel_loop3A_1228 = vector.broadcast %parallel_loop3A_1212 : f32 to vector<16xf32>
              %parallel_loop3A_1229 = arith.mulf %parallel_loop3A_1227, %parallel_loop3A_1228 : vector<16xf32>
              %parallel_loop3A_1230 = arith.index_cast %parallel_loop3A_1216 : i32 to index
              %parallel_loop3A_1231 = arith.constant 16 : index
              %parallel_loop3A_1232 = tpu.vector_load %arg16[%parallel_loop3A_1230, %parallel_loop3A_1231] {strides = array<i32>} : memref<128x64xf32, #tpu.memory_space<vmem>>, vector<16xf32>,
              tpu.vector_store %arg16[%parallel_loop3A_1230, %parallel_loop3A_1231], %parallel_loop3A_1229 {strides = array<i32>} : memref<128x64xf32, #tpu.memory_space<vmem>>, vector<16xf32>,
              %parallel_loop3A_1233 = arith.index_cast %parallel_loop3A_1216 : i32 to index
              %parallel_loop3A_1234 = arith.constant 32 : index
              %parallel_loop3A_1235 = tpu.vector_load %arg16[%parallel_loop3A_1233, %parallel_loop3A_1234] {strides = array<i32>} : memref<128x64xf32, #tpu.memory_space<vmem>>, vector<16xf32>,
              %parallel_loop3A_1236 = vector.broadcast %parallel_loop3A_1212 : f32 to vector<16xf32>
              %parallel_loop3A_1237 = arith.mulf %parallel_loop3A_1235, %parallel_loop3A_1236 : vector<16xf32>
              %parallel_loop3A_1238 = arith.index_cast %parallel_loop3A_1216 : i32 to index
              %parallel_loop3A_1239 = arith.constant 32 : index
              %parallel_loop3A_1240 = tpu.vector_load %arg16[%parallel_loop3A_1238, %parallel_loop3A_1239] {strides = array<i32>} : memref<128x64xf32, #tpu.memory_space<vmem>>, vector<16xf32>,
              tpu.vector_store %arg16[%parallel_loop3A_1238, %parallel_loop3A_1239], %parallel_loop3A_1237 {strides = array<i32>} : memref<128x64xf32, #tpu.memory_space<vmem>>, vector<16xf32>,
              %parallel_loop3A_1241 = arith.index_cast %parallel_loop3A_1216 : i32 to index
              %parallel_loop3A_1242 = arith.constant 48 : index
              %parallel_loop3A_1243 = tpu.vector_load %arg16[%parallel_loop3A_1241, %parallel_loop3A_1242] {strides = array<i32>} : memref<128x64xf32, #tpu.memory_space<vmem>>, vector<16xf32>,
              %parallel_loop3A_1244 = vector.broadcast %parallel_loop3A_1212 : f32 to vector<16xf32>
              %parallel_loop3A_1245 = arith.mulf %parallel_loop3A_1243, %parallel_loop3A_1244 : vector<16xf32>
              %parallel_loop3A_1246 = arith.index_cast %parallel_loop3A_1216 : i32 to index
              %parallel_loop3A_1247 = arith.constant 48 : index
              %parallel_loop3A_1248 = tpu.vector_load %arg16[%parallel_loop3A_1246, %parallel_loop3A_1247] {strides = array<i32>} : memref<128x64xf32, #tpu.memory_space<vmem>>, vector<16xf32>,
              tpu.vector_store %arg16[%parallel_loop3A_1246, %parallel_loop3A_1247], %parallel_loop3A_1245 {strides = array<i32>} : memref<128x64xf32, #tpu.memory_space<vmem>>, vector<16xf32>,
              %parallel_loop3A_1249 = vector.extract_strided_slice %parallel_loop3A_792 {offsets = [12], sizes = [1], strides = [1]} : vector<16xf32> to vector<1xf32>
              %parallel_loop3A_1250 = vector.extract %parallel_loop3A_1249[0] : f32 from vector<1xf32>
              %parallel_loop3A_1251 = arith.constant 16 : i32
              %parallel_loop3A_1252 = arith.muli %parallel_loop3A_787, %parallel_loop3A_1251 : i32
              %parallel_loop3A_1253 = arith.constant 12 : i32
              %parallel_loop3A_1254 = arith.addi %parallel_loop3A_1252, %parallel_loop3A_1253 : i32
              %parallel_loop3A_1255 = arith.index_cast %parallel_loop3A_1254 : i32 to index
              %parallel_loop3A_1256 = arith.constant 0 : index
              %parallel_loop3A_1257 = tpu.vector_load %arg16[%parallel_loop3A_1255, %parallel_loop3A_1256] {strides = array<i32>} : memref<128x64xf32, #tpu.memory_space<vmem>>, vector<16xf32>,
              %parallel_loop3A_1258 = vector.broadcast %parallel_loop3A_1250 : f32 to vector<16xf32>
              %parallel_loop3A_1259 = arith.mulf %parallel_loop3A_1257, %parallel_loop3A_1258 : vector<16xf32>
              %parallel_loop3A_1260 = arith.index_cast %parallel_loop3A_1254 : i32 to index
              %parallel_loop3A_1261 = arith.constant 0 : index
              %parallel_loop3A_1262 = tpu.vector_load %arg16[%parallel_loop3A_1260, %parallel_loop3A_1261] {strides = array<i32>} : memref<128x64xf32, #tpu.memory_space<vmem>>, vector<16xf32>,
              tpu.vector_store %arg16[%parallel_loop3A_1260, %parallel_loop3A_1261], %parallel_loop3A_1259 {strides = array<i32>} : memref<128x64xf32, #tpu.memory_space<vmem>>, vector<16xf32>,
              %parallel_loop3A_1263 = arith.index_cast %parallel_loop3A_1254 : i32 to index
              %parallel_loop3A_1264 = arith.constant 16 : index
              %parallel_loop3A_1265 = tpu.vector_load %arg16[%parallel_loop3A_1263, %parallel_loop3A_1264] {strides = array<i32>} : memref<128x64xf32, #tpu.memory_space<vmem>>, vector<16xf32>,
              %parallel_loop3A_1266 = vector.broadcast %parallel_loop3A_1250 : f32 to vector<16xf32>
              %parallel_loop3A_1267 = arith.mulf %parallel_loop3A_1265, %parallel_loop3A_1266 : vector<16xf32>
              %parallel_loop3A_1268 = arith.index_cast %parallel_loop3A_1254 : i32 to index
              %parallel_loop3A_1269 = arith.constant 16 : index
              %parallel_loop3A_1270 = tpu.vector_load %arg16[%parallel_loop3A_1268, %parallel_loop3A_1269] {strides = array<i32>} : memref<128x64xf32, #tpu.memory_space<vmem>>, vector<16xf32>,
              tpu.vector_store %arg16[%parallel_loop3A_1268, %parallel_loop3A_1269], %parallel_loop3A_1267 {strides = array<i32>} : memref<128x64xf32, #tpu.memory_space<vmem>>, vector<16xf32>,
              %parallel_loop3A_1271 = arith.index_cast %parallel_loop3A_1254 : i32 to index
              %parallel_loop3A_1272 = arith.constant 32 : index
              %parallel_loop3A_1273 = tpu.vector_load %arg16[%parallel_loop3A_1271, %parallel_loop3A_1272] {strides = array<i32>} : memref<128x64xf32, #tpu.memory_space<vmem>>, vector<16xf32>,
              %parallel_loop3A_1274 = vector.broadcast %parallel_loop3A_1250 : f32 to vector<16xf32>
              %parallel_loop3A_1275 = arith.mulf %parallel_loop3A_1273, %parallel_loop3A_1274 : vector<16xf32>
              %parallel_loop3A_1276 = arith.index_cast %parallel_loop3A_1254 : i32 to index
              %parallel_loop3A_1277 = arith.constant 32 : index
              %parallel_loop3A_1278 = tpu.vector_load %arg16[%parallel_loop3A_1276, %parallel_loop3A_1277] {strides = array<i32>} : memref<128x64xf32, #tpu.memory_space<vmem>>, vector<16xf32>,
              tpu.vector_store %arg16[%parallel_loop3A_1276, %parallel_loop3A_1277], %parallel_loop3A_1275 {strides = array<i32>} : memref<128x64xf32, #tpu.memory_space<vmem>>, vector<16xf32>,
              %parallel_loop3A_1279 = arith.index_cast %parallel_loop3A_1254 : i32 to index
              %parallel_loop3A_1280 = arith.constant 48 : index
              %parallel_loop3A_1281 = tpu.vector_load %arg16[%parallel_loop3A_1279, %parallel_loop3A_1280] {strides = array<i32>} : memref<128x64xf32, #tpu.memory_space<vmem>>, vector<16xf32>,
              %parallel_loop3A_1282 = vector.broadcast %parallel_loop3A_1250 : f32 to vector<16xf32>
              %parallel_loop3A_1283 = arith.mulf %parallel_loop3A_1281, %parallel_loop3A_1282 : vector<16xf32>
              %parallel_loop3A_1284 = arith.index_cast %parallel_loop3A_1254 : i32 to index
              %parallel_loop3A_1285 = arith.constant 48 : index
              %parallel_loop3A_1286 = tpu.vector_load %arg16[%parallel_loop3A_1284, %parallel_loop3A_1285] {strides = array<i32>} : memref<128x64xf32, #tpu.memory_space<vmem>>, vector<16xf32>,
              tpu.vector_store %arg16[%parallel_loop3A_1284, %parallel_loop3A_1285], %parallel_loop3A_1283 {strides = array<i32>} : memref<128x64xf32, #tpu.memory_space<vmem>>, vector<16xf32>,
              %parallel_loop3A_1287 = vector.extract_strided_slice %parallel_loop3A_792 {offsets = [13], sizes = [1], strides = [1]} : vector<16xf32> to vector<1xf32>
              %parallel_loop3A_1288 = vector.extract %parallel_loop3A_1287[0] : f32 from vector<1xf32>
              %parallel_loop3A_1289 = arith.constant 16 : i32
              %parallel_loop3A_1290 = arith.muli %parallel_loop3A_787, %parallel_loop3A_1289 : i32
              %parallel_loop3A_1291 = arith.constant 13 : i32
              %parallel_loop3A_1292 = arith.addi %parallel_loop3A_1290, %parallel_loop3A_1291 : i32
              %parallel_loop3A_1293 = arith.index_cast %parallel_loop3A_1292 : i32 to index
              %parallel_loop3A_1294 = arith.constant 0 : index
              %parallel_loop3A_1295 = tpu.vector_load %arg16[%parallel_loop3A_1293, %parallel_loop3A_1294] {strides = array<i32>} : memref<128x64xf32, #tpu.memory_space<vmem>>, vector<16xf32>,
              %parallel_loop3A_1296 = vector.broadcast %parallel_loop3A_1288 : f32 to vector<16xf32>
              %parallel_loop3A_1297 = arith.mulf %parallel_loop3A_1295, %parallel_loop3A_1296 : vector<16xf32>
              %parallel_loop3A_1298 = arith.index_cast %parallel_loop3A_1292 : i32 to index
              %parallel_loop3A_1299 = arith.constant 0 : index
              %parallel_loop3A_1300 = tpu.vector_load %arg16[%parallel_loop3A_1298, %parallel_loop3A_1299] {strides = array<i32>} : memref<128x64xf32, #tpu.memory_space<vmem>>, vector<16xf32>,
              tpu.vector_store %arg16[%parallel_loop3A_1298, %parallel_loop3A_1299], %parallel_loop3A_1297 {strides = array<i32>} : memref<128x64xf32, #tpu.memory_space<vmem>>, vector<16xf32>,
              %parallel_loop3A_1301 = arith.index_cast %parallel_loop3A_1292 : i32 to index
              %parallel_loop3A_1302 = arith.constant 16 : index
              %parallel_loop3A_1303 = tpu.vector_load %arg16[%parallel_loop3A_1301, %parallel_loop3A_1302] {strides = array<i32>} : memref<128x64xf32, #tpu.memory_space<vmem>>, vector<16xf32>,
              %parallel_loop3A_1304 = vector.broadcast %parallel_loop3A_1288 : f32 to vector<16xf32>
              %parallel_loop3A_1305 = arith.mulf %parallel_loop3A_1303, %parallel_loop3A_1304 : vector<16xf32>
              %parallel_loop3A_1306 = arith.index_cast %parallel_loop3A_1292 : i32 to index
              %parallel_loop3A_1307 = arith.constant 16 : index
              %parallel_loop3A_1308 = tpu.vector_load %arg16[%parallel_loop3A_1306, %parallel_loop3A_1307] {strides = array<i32>} : memref<128x64xf32, #tpu.memory_space<vmem>>, vector<16xf32>,
              tpu.vector_store %arg16[%parallel_loop3A_1306, %parallel_loop3A_1307], %parallel_loop3A_1305 {strides = array<i32>} : memref<128x64xf32, #tpu.memory_space<vmem>>, vector<16xf32>,
              %parallel_loop3A_1309 = arith.index_cast %parallel_loop3A_1292 : i32 to index
              %parallel_loop3A_1310 = arith.constant 32 : index
              %parallel_loop3A_1311 = tpu.vector_load %arg16[%parallel_loop3A_1309, %parallel_loop3A_1310] {strides = array<i32>} : memref<128x64xf32, #tpu.memory_space<vmem>>, vector<16xf32>,
              %parallel_loop3A_1312 = vector.broadcast %parallel_loop3A_1288 : f32 to vector<16xf32>
              %parallel_loop3A_1313 = arith.mulf %parallel_loop3A_1311, %parallel_loop3A_1312 : vector<16xf32>
              %parallel_loop3A_1314 = arith.index_cast %parallel_loop3A_1292 : i32 to index
              %parallel_loop3A_1315 = arith.constant 32 : index
              %parallel_loop3A_1316 = tpu.vector_load %arg16[%parallel_loop3A_1314, %parallel_loop3A_1315] {strides = array<i32>} : memref<128x64xf32, #tpu.memory_space<vmem>>, vector<16xf32>,
              tpu.vector_store %arg16[%parallel_loop3A_1314, %parallel_loop3A_1315], %parallel_loop3A_1313 {strides = array<i32>} : memref<128x64xf32, #tpu.memory_space<vmem>>, vector<16xf32>,
              %parallel_loop3A_1317 = arith.index_cast %parallel_loop3A_1292 : i32 to index
              %parallel_loop3A_1318 = arith.constant 48 : index
              %parallel_loop3A_1319 = tpu.vector_load %arg16[%parallel_loop3A_1317, %parallel_loop3A_1318] {strides = array<i32>} : memref<128x64xf32, #tpu.memory_space<vmem>>, vector<16xf32>,
              %parallel_loop3A_1320 = vector.broadcast %parallel_loop3A_1288 : f32 to vector<16xf32>
              %parallel_loop3A_1321 = arith.mulf %parallel_loop3A_1319, %parallel_loop3A_1320 : vector<16xf32>
              %parallel_loop3A_1322 = arith.index_cast %parallel_loop3A_1292 : i32 to index
              %parallel_loop3A_1323 = arith.constant 48 : index
              %parallel_loop3A_1324 = tpu.vector_load %arg16[%parallel_loop3A_1322, %parallel_loop3A_1323] {strides = array<i32>} : memref<128x64xf32, #tpu.memory_space<vmem>>, vector<16xf32>,
              tpu.vector_store %arg16[%parallel_loop3A_1322, %parallel_loop3A_1323], %parallel_loop3A_1321 {strides = array<i32>} : memref<128x64xf32, #tpu.memory_space<vmem>>, vector<16xf32>,
              %parallel_loop3A_1325 = vector.extract_strided_slice %parallel_loop3A_792 {offsets = [14], sizes = [1], strides = [1]} : vector<16xf32> to vector<1xf32>
              %parallel_loop3A_1326 = vector.extract %parallel_loop3A_1325[0] : f32 from vector<1xf32>
              %parallel_loop3A_1327 = arith.constant 16 : i32
              %parallel_loop3A_1328 = arith.muli %parallel_loop3A_787, %parallel_loop3A_1327 : i32
              %parallel_loop3A_1329 = arith.constant 14 : i32
              %parallel_loop3A_1330 = arith.addi %parallel_loop3A_1328, %parallel_loop3A_1329 : i32
              %parallel_loop3A_1331 = arith.index_cast %parallel_loop3A_1330 : i32 to index
              %parallel_loop3A_1332 = arith.constant 0 : index
              %parallel_loop3A_1333 = tpu.vector_load %arg16[%parallel_loop3A_1331, %parallel_loop3A_1332] {strides = array<i32>} : memref<128x64xf32, #tpu.memory_space<vmem>>, vector<16xf32>,
              %parallel_loop3A_1334 = vector.broadcast %parallel_loop3A_1326 : f32 to vector<16xf32>
              %parallel_loop3A_1335 = arith.mulf %parallel_loop3A_1333, %parallel_loop3A_1334 : vector<16xf32>
              %parallel_loop3A_1336 = arith.index_cast %parallel_loop3A_1330 : i32 to index
              %parallel_loop3A_1337 = arith.constant 0 : index
              %parallel_loop3A_1338 = tpu.vector_load %arg16[%parallel_loop3A_1336, %parallel_loop3A_1337] {strides = array<i32>} : memref<128x64xf32, #tpu.memory_space<vmem>>, vector<16xf32>,
              tpu.vector_store %arg16[%parallel_loop3A_1336, %parallel_loop3A_1337], %parallel_loop3A_1335 {strides = array<i32>} : memref<128x64xf32, #tpu.memory_space<vmem>>, vector<16xf32>,
              %parallel_loop3A_1339 = arith.index_cast %parallel_loop3A_1330 : i32 to index
              %parallel_loop3A_1340 = arith.constant 16 : index
              %parallel_loop3A_1341 = tpu.vector_load %arg16[%parallel_loop3A_1339, %parallel_loop3A_1340] {strides = array<i32>} : memref<128x64xf32, #tpu.memory_space<vmem>>, vector<16xf32>,
              %parallel_loop3A_1342 = vector.broadcast %parallel_loop3A_1326 : f32 to vector<16xf32>
              %parallel_loop3A_1343 = arith.mulf %parallel_loop3A_1341, %parallel_loop3A_1342 : vector<16xf32>
              %parallel_loop3A_1344 = arith.index_cast %parallel_loop3A_1330 : i32 to index
              %parallel_loop3A_1345 = arith.constant 16 : index
              %parallel_loop3A_1346 = tpu.vector_load %arg16[%parallel_loop3A_1344, %parallel_loop3A_1345] {strides = array<i32>} : memref<128x64xf32, #tpu.memory_space<vmem>>, vector<16xf32>,
              tpu.vector_store %arg16[%parallel_loop3A_1344, %parallel_loop3A_1345], %parallel_loop3A_1343 {strides = array<i32>} : memref<128x64xf32, #tpu.memory_space<vmem>>, vector<16xf32>,
              %parallel_loop3A_1347 = arith.index_cast %parallel_loop3A_1330 : i32 to index
              %parallel_loop3A_1348 = arith.constant 32 : index
              %parallel_loop3A_1349 = tpu.vector_load %arg16[%parallel_loop3A_1347, %parallel_loop3A_1348] {strides = array<i32>} : memref<128x64xf32, #tpu.memory_space<vmem>>, vector<16xf32>,
              %parallel_loop3A_1350 = vector.broadcast %parallel_loop3A_1326 : f32 to vector<16xf32>
              %parallel_loop3A_1351 = arith.mulf %parallel_loop3A_1349, %parallel_loop3A_1350 : vector<16xf32>
              %parallel_loop3A_1352 = arith.index_cast %parallel_loop3A_1330 : i32 to index
              %parallel_loop3A_1353 = arith.constant 32 : index
              %parallel_loop3A_1354 = tpu.vector_load %arg16[%parallel_loop3A_1352, %parallel_loop3A_1353] {strides = array<i32>} : memref<128x64xf32, #tpu.memory_space<vmem>>, vector<16xf32>,
              tpu.vector_store %arg16[%parallel_loop3A_1352, %parallel_loop3A_1353], %parallel_loop3A_1351 {strides = array<i32>} : memref<128x64xf32, #tpu.memory_space<vmem>>, vector<16xf32>,
              %parallel_loop3A_1355 = arith.index_cast %parallel_loop3A_1330 : i32 to index
              %parallel_loop3A_1356 = arith.constant 48 : index
              %parallel_loop3A_1357 = tpu.vector_load %arg16[%parallel_loop3A_1355, %parallel_loop3A_1356] {strides = array<i32>} : memref<128x64xf32, #tpu.memory_space<vmem>>, vector<16xf32>,
              %parallel_loop3A_1358 = vector.broadcast %parallel_loop3A_1326 : f32 to vector<16xf32>
              %parallel_loop3A_1359 = arith.mulf %parallel_loop3A_1357, %parallel_loop3A_1358 : vector<16xf32>
              %parallel_loop3A_1360 = arith.index_cast %parallel_loop3A_1330 : i32 to index
              %parallel_loop3A_1361 = arith.constant 48 : index
              %parallel_loop3A_1362 = tpu.vector_load %arg16[%parallel_loop3A_1360, %parallel_loop3A_1361] {strides = array<i32>} : memref<128x64xf32, #tpu.memory_space<vmem>>, vector<16xf32>,
              tpu.vector_store %arg16[%parallel_loop3A_1360, %parallel_loop3A_1361], %parallel_loop3A_1359 {strides = array<i32>} : memref<128x64xf32, #tpu.memory_space<vmem>>, vector<16xf32>,
              %parallel_loop3A_1363 = vector.extract_strided_slice %parallel_loop3A_792 {offsets = [15], sizes = [1], strides = [1]} : vector<16xf32> to vector<1xf32>
              %parallel_loop3A_1364 = vector.extract %parallel_loop3A_1363[0] : f32 from vector<1xf32>
              %parallel_loop3A_1365 = arith.constant 16 : i32
              %parallel_loop3A_1366 = arith.muli %parallel_loop3A_787, %parallel_loop3A_1365 : i32
              %parallel_loop3A_1367 = arith.constant 15 : i32
              %parallel_loop3A_1368 = arith.addi %parallel_loop3A_1366, %parallel_loop3A_1367 : i32
              %parallel_loop3A_1369 = arith.index_cast %parallel_loop3A_1368 : i32 to index
              %parallel_loop3A_1370 = arith.constant 0 : index
              %parallel_loop3A_1371 = tpu.vector_load %arg16[%parallel_loop3A_1369, %parallel_loop3A_1370] {strides = array<i32>} : memref<128x64xf32, #tpu.memory_space<vmem>>, vector<16xf32>,
              %parallel_loop3A_1372 = vector.broadcast %parallel_loop3A_1364 : f32 to vector<16xf32>
              %parallel_loop3A_1373 = arith.mulf %parallel_loop3A_1371, %parallel_loop3A_1372 : vector<16xf32>
              %parallel_loop3A_1374 = arith.index_cast %parallel_loop3A_1368 : i32 to index
              %parallel_loop3A_1375 = arith.constant 0 : index
              %parallel_loop3A_1376 = tpu.vector_load %arg16[%parallel_loop3A_1374, %parallel_loop3A_1375] {strides = array<i32>} : memref<128x64xf32, #tpu.memory_space<vmem>>, vector<16xf32>,
              tpu.vector_store %arg16[%parallel_loop3A_1374, %parallel_loop3A_1375], %parallel_loop3A_1373 {strides = array<i32>} : memref<128x64xf32, #tpu.memory_space<vmem>>, vector<16xf32>,
              %parallel_loop3A_1377 = arith.index_cast %parallel_loop3A_1368 : i32 to index
              %parallel_loop3A_1378 = arith.constant 16 : index
              %parallel_loop3A_1379 = tpu.vector_load %arg16[%parallel_loop3A_1377, %parallel_loop3A_1378] {strides = array<i32>} : memref<128x64xf32, #tpu.memory_space<vmem>>, vector<16xf32>,
              %parallel_loop3A_1380 = vector.broadcast %parallel_loop3A_1364 : f32 to vector<16xf32>
              %parallel_loop3A_1381 = arith.mulf %parallel_loop3A_1379, %parallel_loop3A_1380 : vector<16xf32>
              %parallel_loop3A_1382 = arith.index_cast %parallel_loop3A_1368 : i32 to index
              %parallel_loop3A_1383 = arith.constant 16 : index
              %parallel_loop3A_1384 = tpu.vector_load %arg16[%parallel_loop3A_1382, %parallel_loop3A_1383] {strides = array<i32>} : memref<128x64xf32, #tpu.memory_space<vmem>>, vector<16xf32>,
              tpu.vector_store %arg16[%parallel_loop3A_1382, %parallel_loop3A_1383], %parallel_loop3A_1381 {strides = array<i32>} : memref<128x64xf32, #tpu.memory_space<vmem>>, vector<16xf32>,
              %parallel_loop3A_1385 = arith.index_cast %parallel_loop3A_1368 : i32 to index
              %parallel_loop3A_1386 = arith.constant 32 : index
              %parallel_loop3A_1387 = tpu.vector_load %arg16[%parallel_loop3A_1385, %parallel_loop3A_1386] {strides = array<i32>} : memref<128x64xf32, #tpu.memory_space<vmem>>, vector<16xf32>,
              %parallel_loop3A_1388 = vector.broadcast %parallel_loop3A_1364 : f32 to vector<16xf32>
              %parallel_loop3A_1389 = arith.mulf %parallel_loop3A_1387, %parallel_loop3A_1388 : vector<16xf32>
              %parallel_loop3A_1390 = arith.index_cast %parallel_loop3A_1368 : i32 to index
              %parallel_loop3A_1391 = arith.constant 32 : index
              %parallel_loop3A_1392 = tpu.vector_load %arg16[%parallel_loop3A_1390, %parallel_loop3A_1391] {strides = array<i32>} : memref<128x64xf32, #tpu.memory_space<vmem>>, vector<16xf32>,
              tpu.vector_store %arg16[%parallel_loop3A_1390, %parallel_loop3A_1391], %parallel_loop3A_1389 {strides = array<i32>} : memref<128x64xf32, #tpu.memory_space<vmem>>, vector<16xf32>,
              %parallel_loop3A_1393 = arith.index_cast %parallel_loop3A_1368 : i32 to index
              %parallel_loop3A_1394 = arith.constant 48 : index
              %parallel_loop3A_1395 = tpu.vector_load %arg16[%parallel_loop3A_1393, %parallel_loop3A_1394] {strides = array<i32>} : memref<128x64xf32, #tpu.memory_space<vmem>>, vector<16xf32>,
              %parallel_loop3A_1396 = vector.broadcast %parallel_loop3A_1364 : f32 to vector<16xf32>
              %parallel_loop3A_1397 = arith.mulf %parallel_loop3A_1395, %parallel_loop3A_1396 : vector<16xf32>
              %parallel_loop3A_1398 = arith.index_cast %parallel_loop3A_1368 : i32 to index
              %parallel_loop3A_1399 = arith.constant 48 : index
              %parallel_loop3A_1400 = tpu.vector_load %arg16[%parallel_loop3A_1398, %parallel_loop3A_1399] {strides = array<i32>} : memref<128x64xf32, #tpu.memory_space<vmem>>, vector<16xf32>,
              tpu.vector_store %arg16[%parallel_loop3A_1398, %parallel_loop3A_1399], %parallel_loop3A_1397 {strides = array<i32>} : memref<128x64xf32, #tpu.memory_space<vmem>>, vector<16xf32>,
            } {sc.loop_unroll_factor = 4 : i64, sc.parallel_access}
            %dma_start3A_784 = arith.constant 0 : i32
            %dma_start3A_785 = arith.constant 0 : i32
            %dma_start3A_786 = tpu.memref_slice %arg18[%dma_start3A_784, %dma_start3A_785] : memref<16512x64xf32, #tpu.memory_space<vmem_shared>> -> memref<16512x64xf32, #tpu.memory_space<vmem_shared>>
            tpu.enqueue_indirect_dma source(%arg16 : memref<128x64xf32, #tpu.memory_space<vmem>>) target(%dma_start3A_786 : memref<16512x64xf32, #tpu.memory_space<vmem_shared>>) offsets(%arg14 : memref<128xi32, #tpu.memory_space<vmem>>) semaphore(%arg22 : memref<!tpu.dma_semaphore, #tpu.memory_space<semaphore_mem>>) {add = true}
          } else {
          }
        }
        %while3A_650 = arith.constant 1 : i32
        scf.for %while3A_741 = %while3A_648 to %while3A_644 step %while3A_650  : i32 {
          %jit3A_742 = arith.constant 2 : i32
          %eq3A_743 = arith.constant 0 : i32
          %eq3A_744 = arith.cmpi eq, %jit3A_742, %eq3A_743 : i32
          %jit3A_745 = arith.constant 1 : i32
          %select_n3A_746 = arith.select %eq3A_744, %jit3A_745, %jit3A_742 : i32
          %rem3A_747 = arith.remsi %while3A_741, %select_n3A_746 : i32
          %ne3A_748 = arith.constant 0 : i32
          %ne3A_749 = arith.cmpi ne, %rem3A_747, %ne3A_748 : i32
          %lt3A_750 = arith.constant 0 : i32
          %lt3A_751 = arith.cmpi slt, %rem3A_747, %lt3A_750 : i32
          %lt3A_752 = arith.constant 0 : i32
          %lt3A_753 = arith.cmpi slt, %select_n3A_746, %lt3A_752 : i32
          %ne3A_754 = arith.xori %lt3A_751, %lt3A_753 : i1
          %and3A_755 = arith.andi %ne3A_754, %ne3A_749 : i1
          %add3A_756 = arith.addi %rem3A_747, %select_n3A_746 : i32
          %select_n3A_757 = arith.select %and3A_755, %add3A_756, %rem3A_747 : i32
          %eq3A_758 = arith.constant 0 : i32
          %eq3A_759 = arith.cmpi eq, %select_n3A_757, %eq3A_758 : i32
          %convert_element_type3A_760 = arith.extui %eq3A_759 : i1 to i32
          %cond3A_761 = arith.constant 0 : i32
          %cond3A_762 = arith.cmpi ne, %convert_element_type3A_760, %cond3A_761 : i32
          scf.if %cond3A_762 {
            %mul3A_767 = arith.constant 128 : i32
            %mul3A_768 = arith.muli %while3A_741, %mul3A_767 : i32
            %dma_wait3A_769 = tpu.memref_slice %arg10[%mul3A_768] : memref<4224xi32, #tpu.memory_space<vmem>> -> memref<128xi32, #tpu.memory_space<vmem>>
            %dma_wait3A_770 = arith.constant 0 : i32
            %dma_wait3A_771 = arith.constant 0 : i32
            %dma_wait3A_772 = tpu.memref_slice %arg5[%dma_wait3A_770, %dma_wait3A_771] : memref<65536x64xf32, #tpu.memory_space<hbm>> -> memref<65536x64xf32, #tpu.memory_space<hbm>>
            tpu.wait_indirect_dma semaphore(%arg19 : memref<!tpu.dma_semaphore, #tpu.memory_space<semaphore_mem>>) src(%dma_wait3A_772 : memref<65536x64xf32, #tpu.memory_space<hbm>>) dst(%arg15 : memref<128x64xf32, #tpu.memory_space<vmem>>)
            %add3A_773 = arith.constant 1 : i32
            %add3A_774 = arith.addi %while3A_741, %add3A_773 : i32
            %lt3A_775 = arith.cmpi slt, %add3A_774, %select_n3A : i32
            %convert_element_type3A_776 = arith.extui %lt3A_775 : i1 to i32
            %cond3A_777 = arith.constant 0 : i32
            %cond3A_778 = arith.cmpi ne, %convert_element_type3A_776, %cond3A_777 : i32
            scf.if %cond3A_778 {
              %ge3A_787 = arith.constant 1 : i32
              %ge3A_788 = arith.cmpi sge, %while3A_741, %ge3A_787 : i32
              %convert_element_type3A_789 = arith.extui %ge3A_788 : i1 to i32
              %cond3A_790 = arith.constant 0 : i32
              %cond3A_791 = arith.cmpi ne, %convert_element_type3A_789, %cond3A_790 : i32
              scf.if %cond3A_791 {
                %dma_wait3A_851 = arith.constant 0 : i32
                %dma_wait3A_852 = arith.constant 0 : i32
                %dma_wait3A_853 = tpu.memref_slice %arg18[%dma_wait3A_851, %dma_wait3A_852] : memref<16512x64xf32, #tpu.memory_space<vmem_shared>> -> memref<16512x64xf32, #tpu.memory_space<vmem_shared>>
                tpu.wait_indirect_dma semaphore(%arg22 : memref<!tpu.dma_semaphore, #tpu.memory_space<semaphore_mem>>) src(%arg16 : memref<128x64xf32, #tpu.memory_space<vmem>>) dst(%dma_wait3A_853 : memref<16512x64xf32, #tpu.memory_space<vmem_shared>>)
              } else {
              }
              %add3A_792 = arith.constant 1 : i32
              %add3A_793 = arith.addi %while3A_741, %add3A_792 : i32
              %mul3A_794 = arith.constant 128 : i32
              %mul3A_795 = arith.muli %add3A_793, %mul3A_794 : i32
              %add3A_796 = arith.constant 0 : i32
              %add3A_797 = arith.addi %mul3A_795, %add3A_796 : i32
              %get3A = arith.index_cast %add3A_797 : i32 to index
              %get3A_798 = tpu.vector_load %arg11[%get3A] {strides = array<i32>} : memref<4224xi32, #tpu.memory_space<vmem>>, vector<16xi32>,
              %swap3A_799 = arith.constant 0 : index
              %swap3A_800 = tpu.vector_load %arg14[%swap3A_799] {strides = array<i32>} : memref<128xi32, #tpu.memory_space<vmem>>, vector<16xi32>,
              tpu.vector_store %arg14[%swap3A_799], %get3A_798 {strides = array<i32>} : memref<128xi32, #tpu.memory_space<vmem>>, vector<16xi32>,
              %add3A_801 = arith.constant 16 : i32
              %add3A_802 = arith.addi %mul3A_795, %add3A_801 : i32
              %get3A_803 = arith.index_cast %add3A_802 : i32 to index
              %get3A_804 = tpu.vector_load %arg11[%get3A_803] {strides = array<i32>} : memref<4224xi32, #tpu.memory_space<vmem>>, vector<16xi32>,
              %swap3A_805 = arith.constant 16 : index
              %swap3A_806 = tpu.vector_load %arg14[%swap3A_805] {strides = array<i32>} : memref<128xi32, #tpu.memory_space<vmem>>, vector<16xi32>,
              tpu.vector_store %arg14[%swap3A_805], %get3A_804 {strides = array<i32>} : memref<128xi32, #tpu.memory_space<vmem>>, vector<16xi32>,
              %add3A_807 = arith.constant 32 : i32
              %add3A_808 = arith.addi %mul3A_795, %add3A_807 : i32
              %get3A_809 = arith.index_cast %add3A_808 : i32 to index
              %get3A_810 = tpu.vector_load %arg11[%get3A_809] {strides = array<i32>} : memref<4224xi32, #tpu.memory_space<vmem>>, vector<16xi32>,
              %swap3A_811 = arith.constant 32 : index
              %swap3A_812 = tpu.vector_load %arg14[%swap3A_811] {strides = array<i32>} : memref<128xi32, #tpu.memory_space<vmem>>, vector<16xi32>,
              tpu.vector_store %arg14[%swap3A_811], %get3A_810 {strides = array<i32>} : memref<128xi32, #tpu.memory_space<vmem>>, vector<16xi32>,
              %add3A_813 = arith.constant 48 : i32
              %add3A_814 = arith.addi %mul3A_795, %add3A_813 : i32
              %get3A_815 = arith.index_cast %add3A_814 : i32 to index
              %get3A_816 = tpu.vector_load %arg11[%get3A_815] {strides = array<i32>} : memref<4224xi32, #tpu.memory_space<vmem>>, vector<16xi32>,
              %swap3A_817 = arith.constant 48 : index
              %swap3A_818 = tpu.vector_load %arg14[%swap3A_817] {strides = array<i32>} : memref<128xi32, #tpu.memory_space<vmem>>, vector<16xi32>,
              tpu.vector_store %arg14[%swap3A_817], %get3A_816 {strides = array<i32>} : memref<128xi32, #tpu.memory_space<vmem>>, vector<16xi32>,
              %add3A_819 = arith.constant 64 : i32
              %add3A_820 = arith.addi %mul3A_795, %add3A_819 : i32
              %get3A_821 = arith.index_cast %add3A_820 : i32 to index
              %get3A_822 = tpu.vector_load %arg11[%get3A_821] {strides = array<i32>} : memref<4224xi32, #tpu.memory_space<vmem>>, vector<16xi32>,
              %swap3A_823 = arith.constant 64 : index
              %swap3A_824 = tpu.vector_load %arg14[%swap3A_823] {strides = array<i32>} : memref<128xi32, #tpu.memory_space<vmem>>, vector<16xi32>,
              tpu.vector_store %arg14[%swap3A_823], %get3A_822 {strides = array<i32>} : memref<128xi32, #tpu.memory_space<vmem>>, vector<16xi32>,
              %add3A_825 = arith.constant 80 : i32
              %add3A_826 = arith.addi %mul3A_795, %add3A_825 : i32
              %get3A_827 = arith.index_cast %add3A_826 : i32 to index
              %get3A_828 = tpu.vector_load %arg11[%get3A_827] {strides = array<i32>} : memref<4224xi32, #tpu.memory_space<vmem>>, vector<16xi32>,
              %swap3A_829 = arith.constant 80 : index
              %swap3A_830 = tpu.vector_load %arg14[%swap3A_829] {strides = array<i32>} : memref<128xi32, #tpu.memory_space<vmem>>, vector<16xi32>,
              tpu.vector_store %arg14[%swap3A_829], %get3A_828 {strides = array<i32>} : memref<128xi32, #tpu.memory_space<vmem>>, vector<16xi32>,
              %add3A_831 = arith.constant 96 : i32
              %add3A_832 = arith.addi %mul3A_795, %add3A_831 : i32
              %get3A_833 = arith.index_cast %add3A_832 : i32 to index
              %get3A_834 = tpu.vector_load %arg11[%get3A_833] {strides = array<i32>} : memref<4224xi32, #tpu.memory_space<vmem>>, vector<16xi32>,
              %swap3A_835 = arith.constant 96 : index
              %swap3A_836 = tpu.vector_load %arg14[%swap3A_835] {strides = array<i32>} : memref<128xi32, #tpu.memory_space<vmem>>, vector<16xi32>,
              tpu.vector_store %arg14[%swap3A_835], %get3A_834 {strides = array<i32>} : memref<128xi32, #tpu.memory_space<vmem>>, vector<16xi32>,
              %add3A_837 = arith.constant 112 : i32
              %add3A_838 = arith.addi %mul3A_795, %add3A_837 : i32
              %get3A_839 = arith.index_cast %add3A_838 : i32 to index
              %get3A_840 = tpu.vector_load %arg11[%get3A_839] {strides = array<i32>} : memref<4224xi32, #tpu.memory_space<vmem>>, vector<16xi32>,
              %swap3A_841 = arith.constant 112 : index
              %swap3A_842 = tpu.vector_load %arg14[%swap3A_841] {strides = array<i32>} : memref<128xi32, #tpu.memory_space<vmem>>, vector<16xi32>,
              tpu.vector_store %arg14[%swap3A_841], %get3A_840 {strides = array<i32>} : memref<128xi32, #tpu.memory_space<vmem>>, vector<16xi32>,
              %add3A_843 = arith.constant 1 : i32
              %add3A_844 = arith.addi %while3A_741, %add3A_843 : i32
              %mul3A_845 = arith.constant 128 : i32
              %mul3A_846 = arith.muli %add3A_844, %mul3A_845 : i32
              %dma_start3A_847 = tpu.memref_slice %arg10[%mul3A_846] : memref<4224xi32, #tpu.memory_space<vmem>> -> memref<128xi32, #tpu.memory_space<vmem>>
              %dma_start3A_848 = arith.constant 0 : i32
              %dma_start3A_849 = arith.constant 0 : i32
              %dma_start3A_850 = tpu.memref_slice %arg5[%dma_start3A_848, %dma_start3A_849] : memref<65536x64xf32, #tpu.memory_space<hbm>> -> memref<65536x64xf32, #tpu.memory_space<hbm>>
              tpu.enqueue_indirect_dma source(%dma_start3A_850 : memref<65536x64xf32, #tpu.memory_space<hbm>>) target(%arg16 : memref<128x64xf32, #tpu.memory_space<vmem>>) offsets(%dma_start3A_847 : memref<128xi32, #tpu.memory_space<vmem>>) semaphore(%arg20 : memref<!tpu.dma_semaphore, #tpu.memory_space<semaphore_mem>>)
            } else {
            }
            %mul3A_779 = arith.constant 128 : i32
            %mul3A_780 = arith.muli %while3A_741, %mul3A_779 : i32
            %parallel_loop3A_781 = arith.constant 0 : i32
            %parallel_loop3A_782 = arith.constant 8 : i32
            %parallel_loop3A_783 = arith.constant 1 : i32
            scf.for %parallel_loop3A_787 = %parallel_loop3A_781 to %parallel_loop3A_782 step %parallel_loop3A_783  : i32 {
              %parallel_loop3A_788 = arith.constant 16 : i32
              %parallel_loop3A_789 = arith.muli %parallel_loop3A_787, %parallel_loop3A_788 : i32
              %parallel_loop3A_790 = arith.addi %mul3A_780, %parallel_loop3A_789 : i32
              %parallel_loop3A_791 = arith.index_cast %parallel_loop3A_790 : i32 to index
              %parallel_loop3A_792 = tpu.vector_load %arg12[%parallel_loop3A_791] {strides = array<i32>} : memref<4224xf32, #tpu.memory_space<vmem>>, vector<16xf32>,
              %parallel_loop3A_793 = vector.extract_strided_slice %parallel_loop3A_792 {offsets = [0], sizes = [1], strides = [1]} : vector<16xf32> to vector<1xf32>
              %parallel_loop3A_794 = vector.extract %parallel_loop3A_793[0] : f32 from vector<1xf32>
              %parallel_loop3A_795 = arith.constant 16 : i32
              %parallel_loop3A_796 = arith.muli %parallel_loop3A_787, %parallel_loop3A_795 : i32
              %parallel_loop3A_797 = arith.constant 0 : i32
              %parallel_loop3A_798 = arith.addi %parallel_loop3A_796, %parallel_loop3A_797 : i32
              %parallel_loop3A_799 = arith.index_cast %parallel_loop3A_798 : i32 to index
              %parallel_loop3A_800 = arith.constant 0 : index
              %parallel_loop3A_801 = tpu.vector_load %arg15[%parallel_loop3A_799, %parallel_loop3A_800] {strides = array<i32>} : memref<128x64xf32, #tpu.memory_space<vmem>>, vector<16xf32>,
              %parallel_loop3A_802 = vector.broadcast %parallel_loop3A_794 : f32 to vector<16xf32>
              %parallel_loop3A_803 = arith.mulf %parallel_loop3A_801, %parallel_loop3A_802 : vector<16xf32>
              %parallel_loop3A_804 = arith.index_cast %parallel_loop3A_798 : i32 to index
              %parallel_loop3A_805 = arith.constant 0 : index
              %parallel_loop3A_806 = tpu.vector_load %arg15[%parallel_loop3A_804, %parallel_loop3A_805] {strides = array<i32>} : memref<128x64xf32, #tpu.memory_space<vmem>>, vector<16xf32>,
              tpu.vector_store %arg15[%parallel_loop3A_804, %parallel_loop3A_805], %parallel_loop3A_803 {strides = array<i32>} : memref<128x64xf32, #tpu.memory_space<vmem>>, vector<16xf32>,
              %parallel_loop3A_807 = arith.index_cast %parallel_loop3A_798 : i32 to index
              %parallel_loop3A_808 = arith.constant 16 : index
              %parallel_loop3A_809 = tpu.vector_load %arg15[%parallel_loop3A_807, %parallel_loop3A_808] {strides = array<i32>} : memref<128x64xf32, #tpu.memory_space<vmem>>, vector<16xf32>,
              %parallel_loop3A_810 = vector.broadcast %parallel_loop3A_794 : f32 to vector<16xf32>
              %parallel_loop3A_811 = arith.mulf %parallel_loop3A_809, %parallel_loop3A_810 : vector<16xf32>
              %parallel_loop3A_812 = arith.index_cast %parallel_loop3A_798 : i32 to index
              %parallel_loop3A_813 = arith.constant 16 : index
              %parallel_loop3A_814 = tpu.vector_load %arg15[%parallel_loop3A_812, %parallel_loop3A_813] {strides = array<i32>} : memref<128x64xf32, #tpu.memory_space<vmem>>, vector<16xf32>,
              tpu.vector_store %arg15[%parallel_loop3A_812, %parallel_loop3A_813], %parallel_loop3A_811 {strides = array<i32>} : memref<128x64xf32, #tpu.memory_space<vmem>>, vector<16xf32>,
              %parallel_loop3A_815 = arith.index_cast %parallel_loop3A_798 : i32 to index
              %parallel_loop3A_816 = arith.constant 32 : index
              %parallel_loop3A_817 = tpu.vector_load %arg15[%parallel_loop3A_815, %parallel_loop3A_816] {strides = array<i32>} : memref<128x64xf32, #tpu.memory_space<vmem>>, vector<16xf32>,
              %parallel_loop3A_818 = vector.broadcast %parallel_loop3A_794 : f32 to vector<16xf32>
              %parallel_loop3A_819 = arith.mulf %parallel_loop3A_817, %parallel_loop3A_818 : vector<16xf32>
              %parallel_loop3A_820 = arith.index_cast %parallel_loop3A_798 : i32 to index
              %parallel_loop3A_821 = arith.constant 32 : index
              %parallel_loop3A_822 = tpu.vector_load %arg15[%parallel_loop3A_820, %parallel_loop3A_821] {strides = array<i32>} : memref<128x64xf32, #tpu.memory_space<vmem>>, vector<16xf32>,
              tpu.vector_store %arg15[%parallel_loop3A_820, %parallel_loop3A_821], %parallel_loop3A_819 {strides = array<i32>} : memref<128x64xf32, #tpu.memory_space<vmem>>, vector<16xf32>,
              %parallel_loop3A_823 = arith.index_cast %parallel_loop3A_798 : i32 to index
              %parallel_loop3A_824 = arith.constant 48 : index
              %parallel_loop3A_825 = tpu.vector_load %arg15[%parallel_loop3A_823, %parallel_loop3A_824] {strides = array<i32>} : memref<128x64xf32, #tpu.memory_space<vmem>>, vector<16xf32>,
              %parallel_loop3A_826 = vector.broadcast %parallel_loop3A_794 : f32 to vector<16xf32>
              %parallel_loop3A_827 = arith.mulf %parallel_loop3A_825, %parallel_loop3A_826 : vector<16xf32>
              %parallel_loop3A_828 = arith.index_cast %parallel_loop3A_798 : i32 to index
              %parallel_loop3A_829 = arith.constant 48 : index
              %parallel_loop3A_830 = tpu.vector_load %arg15[%parallel_loop3A_828, %parallel_loop3A_829] {strides = array<i32>} : memref<128x64xf32, #tpu.memory_space<vmem>>, vector<16xf32>,
              tpu.vector_store %arg15[%parallel_loop3A_828, %parallel_loop3A_829], %parallel_loop3A_827 {strides = array<i32>} : memref<128x64xf32, #tpu.memory_space<vmem>>, vector<16xf32>,
              %parallel_loop3A_831 = vector.extract_strided_slice %parallel_loop3A_792 {offsets = [1], sizes = [1], strides = [1]} : vector<16xf32> to vector<1xf32>
              %parallel_loop3A_832 = vector.extract %parallel_loop3A_831[0] : f32 from vector<1xf32>
              %parallel_loop3A_833 = arith.constant 16 : i32
              %parallel_loop3A_834 = arith.muli %parallel_loop3A_787, %parallel_loop3A_833 : i32
              %parallel_loop3A_835 = arith.constant 1 : i32
              %parallel_loop3A_836 = arith.addi %parallel_loop3A_834, %parallel_loop3A_835 : i32
              %parallel_loop3A_837 = arith.index_cast %parallel_loop3A_836 : i32 to index
              %parallel_loop3A_838 = arith.constant 0 : index
              %parallel_loop3A_839 = tpu.vector_load %arg15[%parallel_loop3A_837, %parallel_loop3A_838] {strides = array<i32>} : memref<128x64xf32, #tpu.memory_space<vmem>>, vector<16xf32>,
              %parallel_loop3A_840 = vector.broadcast %parallel_loop3A_832 : f32 to vector<16xf32>
              %parallel_loop3A_841 = arith.mulf %parallel_loop3A_839, %parallel_loop3A_840 : vector<16xf32>
              %parallel_loop3A_842 = arith.index_cast %parallel_loop3A_836 : i32 to index
              %parallel_loop3A_843 = arith.constant 0 : index
              %parallel_loop3A_844 = tpu.vector_load %arg15[%parallel_loop3A_842, %parallel_loop3A_843] {strides = array<i32>} : memref<128x64xf32, #tpu.memory_space<vmem>>, vector<16xf32>,
              tpu.vector_store %arg15[%parallel_loop3A_842, %parallel_loop3A_843], %parallel_loop3A_841 {strides = array<i32>} : memref<128x64xf32, #tpu.memory_space<vmem>>, vector<16xf32>,
              %parallel_loop3A_845 = arith.index_cast %parallel_loop3A_836 : i32 to index
              %parallel_loop3A_846 = arith.constant 16 : index
              %parallel_loop3A_847 = tpu.vector_load %arg15[%parallel_loop3A_845, %parallel_loop3A_846] {strides = array<i32>} : memref<128x64xf32, #tpu.memory_space<vmem>>, vector<16xf32>,
              %parallel_loop3A_848 = vector.broadcast %parallel_loop3A_832 : f32 to vector<16xf32>
              %parallel_loop3A_849 = arith.mulf %parallel_loop3A_847, %parallel_loop3A_848 : vector<16xf32>
              %parallel_loop3A_850 = arith.index_cast %parallel_loop3A_836 : i32 to index
              %parallel_loop3A_851 = arith.constant 16 : index
              %parallel_loop3A_852 = tpu.vector_load %arg15[%parallel_loop3A_850, %parallel_loop3A_851] {strides = array<i32>} : memref<128x64xf32, #tpu.memory_space<vmem>>, vector<16xf32>,
              tpu.vector_store %arg15[%parallel_loop3A_850, %parallel_loop3A_851], %parallel_loop3A_849 {strides = array<i32>} : memref<128x64xf32, #tpu.memory_space<vmem>>, vector<16xf32>,
              %parallel_loop3A_853 = arith.index_cast %parallel_loop3A_836 : i32 to index
              %parallel_loop3A_854 = arith.constant 32 : index
              %parallel_loop3A_855 = tpu.vector_load %arg15[%parallel_loop3A_853, %parallel_loop3A_854] {strides = array<i32>} : memref<128x64xf32, #tpu.memory_space<vmem>>, vector<16xf32>,
              %parallel_loop3A_856 = vector.broadcast %parallel_loop3A_832 : f32 to vector<16xf32>
              %parallel_loop3A_857 = arith.mulf %parallel_loop3A_855, %parallel_loop3A_856 : vector<16xf32>
              %parallel_loop3A_858 = arith.index_cast %parallel_loop3A_836 : i32 to index
              %parallel_loop3A_859 = arith.constant 32 : index
              %parallel_loop3A_860 = tpu.vector_load %arg15[%parallel_loop3A_858, %parallel_loop3A_859] {strides = array<i32>} : memref<128x64xf32, #tpu.memory_space<vmem>>, vector<16xf32>,
              tpu.vector_store %arg15[%parallel_loop3A_858, %parallel_loop3A_859], %parallel_loop3A_857 {strides = array<i32>} : memref<128x64xf32, #tpu.memory_space<vmem>>, vector<16xf32>,
              %parallel_loop3A_861 = arith.index_cast %parallel_loop3A_836 : i32 to index
              %parallel_loop3A_862 = arith.constant 48 : index
              %parallel_loop3A_863 = tpu.vector_load %arg15[%parallel_loop3A_861, %parallel_loop3A_862] {strides = array<i32>} : memref<128x64xf32, #tpu.memory_space<vmem>>, vector<16xf32>,
              %parallel_loop3A_864 = vector.broadcast %parallel_loop3A_832 : f32 to vector<16xf32>
              %parallel_loop3A_865 = arith.mulf %parallel_loop3A_863, %parallel_loop3A_864 : vector<16xf32>
              %parallel_loop3A_866 = arith.index_cast %parallel_loop3A_836 : i32 to index
              %parallel_loop3A_867 = arith.constant 48 : index
              %parallel_loop3A_868 = tpu.vector_load %arg15[%parallel_loop3A_866, %parallel_loop3A_867] {strides = array<i32>} : memref<128x64xf32, #tpu.memory_space<vmem>>, vector<16xf32>,
              tpu.vector_store %arg15[%parallel_loop3A_866, %parallel_loop3A_867], %parallel_loop3A_865 {strides = array<i32>} : memref<128x64xf32, #tpu.memory_space<vmem>>, vector<16xf32>,
              %parallel_loop3A_869 = vector.extract_strided_slice %parallel_loop3A_792 {offsets = [2], sizes = [1], strides = [1]} : vector<16xf32> to vector<1xf32>
              %parallel_loop3A_870 = vector.extract %parallel_loop3A_869[0] : f32 from vector<1xf32>
              %parallel_loop3A_871 = arith.constant 16 : i32
              %parallel_loop3A_872 = arith.muli %parallel_loop3A_787, %parallel_loop3A_871 : i32
              %parallel_loop3A_873 = arith.constant 2 : i32
              %parallel_loop3A_874 = arith.addi %parallel_loop3A_872, %parallel_loop3A_873 : i32
              %parallel_loop3A_875 = arith.index_cast %parallel_loop3A_874 : i32 to index
              %parallel_loop3A_876 = arith.constant 0 : index
              %parallel_loop3A_877 = tpu.vector_load %arg15[%parallel_loop3A_875, %parallel_loop3A_876] {strides = array<i32>} : memref<128x64xf32, #tpu.memory_space<vmem>>, vector<16xf32>,
              %parallel_loop3A_878 = vector.broadcast %parallel_loop3A_870 : f32 to vector<16xf32>
              %parallel_loop3A_879 = arith.mulf %parallel_loop3A_877, %parallel_loop3A_878 : vector<16xf32>
              %parallel_loop3A_880 = arith.index_cast %parallel_loop3A_874 : i32 to index
              %parallel_loop3A_881 = arith.constant 0 : index
              %parallel_loop3A_882 = tpu.vector_load %arg15[%parallel_loop3A_880, %parallel_loop3A_881] {strides = array<i32>} : memref<128x64xf32, #tpu.memory_space<vmem>>, vector<16xf32>,
              tpu.vector_store %arg15[%parallel_loop3A_880, %parallel_loop3A_881], %parallel_loop3A_879 {strides = array<i32>} : memref<128x64xf32, #tpu.memory_space<vmem>>, vector<16xf32>,
              %parallel_loop3A_883 = arith.index_cast %parallel_loop3A_874 : i32 to index
              %parallel_loop3A_884 = arith.constant 16 : index
              %parallel_loop3A_885 = tpu.vector_load %arg15[%parallel_loop3A_883, %parallel_loop3A_884] {strides = array<i32>} : memref<128x64xf32, #tpu.memory_space<vmem>>, vector<16xf32>,
              %parallel_loop3A_886 = vector.broadcast %parallel_loop3A_870 : f32 to vector<16xf32>
              %parallel_loop3A_887 = arith.mulf %parallel_loop3A_885, %parallel_loop3A_886 : vector<16xf32>
              %parallel_loop3A_888 = arith.index_cast %parallel_loop3A_874 : i32 to index
              %parallel_loop3A_889 = arith.constant 16 : index
              %parallel_loop3A_890 = tpu.vector_load %arg15[%parallel_loop3A_888, %parallel_loop3A_889] {strides = array<i32>} : memref<128x64xf32, #tpu.memory_space<vmem>>, vector<16xf32>,
              tpu.vector_store %arg15[%parallel_loop3A_888, %parallel_loop3A_889], %parallel_loop3A_887 {strides = array<i32>} : memref<128x64xf32, #tpu.memory_space<vmem>>, vector<16xf32>,
              %parallel_loop3A_891 = arith.index_cast %parallel_loop3A_874 : i32 to index
              %parallel_loop3A_892 = arith.constant 32 : index
              %parallel_loop3A_893 = tpu.vector_load %arg15[%parallel_loop3A_891, %parallel_loop3A_892] {strides = array<i32>} : memref<128x64xf32, #tpu.memory_space<vmem>>, vector<16xf32>,
              %parallel_loop3A_894 = vector.broadcast %parallel_loop3A_870 : f32 to vector<16xf32>
              %parallel_loop3A_895 = arith.mulf %parallel_loop3A_893, %parallel_loop3A_894 : vector<16xf32>
              %parallel_loop3A_896 = arith.index_cast %parallel_loop3A_874 : i32 to index
              %parallel_loop3A_897 = arith.constant 32 : index
              %parallel_loop3A_898 = tpu.vector_load %arg15[%parallel_loop3A_896, %parallel_loop3A_897] {strides = array<i32>} : memref<128x64xf32, #tpu.memory_space<vmem>>, vector<16xf32>,
              tpu.vector_store %arg15[%parallel_loop3A_896, %parallel_loop3A_897], %parallel_loop3A_895 {strides = array<i32>} : memref<128x64xf32, #tpu.memory_space<vmem>>, vector<16xf32>,
              %parallel_loop3A_899 = arith.index_cast %parallel_loop3A_874 : i32 to index
              %parallel_loop3A_900 = arith.constant 48 : index
              %parallel_loop3A_901 = tpu.vector_load %arg15[%parallel_loop3A_899, %parallel_loop3A_900] {strides = array<i32>} : memref<128x64xf32, #tpu.memory_space<vmem>>, vector<16xf32>,
              %parallel_loop3A_902 = vector.broadcast %parallel_loop3A_870 : f32 to vector<16xf32>
              %parallel_loop3A_903 = arith.mulf %parallel_loop3A_901, %parallel_loop3A_902 : vector<16xf32>
              %parallel_loop3A_904 = arith.index_cast %parallel_loop3A_874 : i32 to index
              %parallel_loop3A_905 = arith.constant 48 : index
              %parallel_loop3A_906 = tpu.vector_load %arg15[%parallel_loop3A_904, %parallel_loop3A_905] {strides = array<i32>} : memref<128x64xf32, #tpu.memory_space<vmem>>, vector<16xf32>,
              tpu.vector_store %arg15[%parallel_loop3A_904, %parallel_loop3A_905], %parallel_loop3A_903 {strides = array<i32>} : memref<128x64xf32, #tpu.memory_space<vmem>>, vector<16xf32>,
              %parallel_loop3A_907 = vector.extract_strided_slice %parallel_loop3A_792 {offsets = [3], sizes = [1], strides = [1]} : vector<16xf32> to vector<1xf32>
              %parallel_loop3A_908 = vector.extract %parallel_loop3A_907[0] : f32 from vector<1xf32>
              %parallel_loop3A_909 = arith.constant 16 : i32
              %parallel_loop3A_910 = arith.muli %parallel_loop3A_787, %parallel_loop3A_909 : i32
              %parallel_loop3A_911 = arith.constant 3 : i32
              %parallel_loop3A_912 = arith.addi %parallel_loop3A_910, %parallel_loop3A_911 : i32
              %parallel_loop3A_913 = arith.index_cast %parallel_loop3A_912 : i32 to index
              %parallel_loop3A_914 = arith.constant 0 : index
              %parallel_loop3A_915 = tpu.vector_load %arg15[%parallel_loop3A_913, %parallel_loop3A_914] {strides = array<i32>} : memref<128x64xf32, #tpu.memory_space<vmem>>, vector<16xf32>,
              %parallel_loop3A_916 = vector.broadcast %parallel_loop3A_908 : f32 to vector<16xf32>
              %parallel_loop3A_917 = arith.mulf %parallel_loop3A_915, %parallel_loop3A_916 : vector<16xf32>
              %parallel_loop3A_918 = arith.index_cast %parallel_loop3A_912 : i32 to index
              %parallel_loop3A_919 = arith.constant 0 : index
              %parallel_loop3A_920 = tpu.vector_load %arg15[%parallel_loop3A_918, %parallel_loop3A_919] {strides = array<i32>} : memref<128x64xf32, #tpu.memory_space<vmem>>, vector<16xf32>,
              tpu.vector_store %arg15[%parallel_loop3A_918, %parallel_loop3A_919], %parallel_loop3A_917 {strides = array<i32>} : memref<128x64xf32, #tpu.memory_space<vmem>>, vector<16xf32>,
              %parallel_loop3A_921 = arith.index_cast %parallel_loop3A_912 : i32 to index
              %parallel_loop3A_922 = arith.constant 16 : index
              %parallel_loop3A_923 = tpu.vector_load %arg15[%parallel_loop3A_921, %parallel_loop3A_922] {strides = array<i32>} : memref<128x64xf32, #tpu.memory_space<vmem>>, vector<16xf32>,
              %parallel_loop3A_924 = vector.broadcast %parallel_loop3A_908 : f32 to vector<16xf32>
              %parallel_loop3A_925 = arith.mulf %parallel_loop3A_923, %parallel_loop3A_924 : vector<16xf32>
              %parallel_loop3A_926 = arith.index_cast %parallel_loop3A_912 : i32 to index
              %parallel_loop3A_927 = arith.constant 16 : index
              %parallel_loop3A_928 = tpu.vector_load %arg15[%parallel_loop3A_926, %parallel_loop3A_927] {strides = array<i32>} : memref<128x64xf32, #tpu.memory_space<vmem>>, vector<16xf32>,
              tpu.vector_store %arg15[%parallel_loop3A_926, %parallel_loop3A_927], %parallel_loop3A_925 {strides = array<i32>} : memref<128x64xf32, #tpu.memory_space<vmem>>, vector<16xf32>,
              %parallel_loop3A_929 = arith.index_cast %parallel_loop3A_912 : i32 to index
              %parallel_loop3A_930 = arith.constant 32 : index
              %parallel_loop3A_931 = tpu.vector_load %arg15[%parallel_loop3A_929, %parallel_loop3A_930] {strides = array<i32>} : memref<128x64xf32, #tpu.memory_space<vmem>>, vector<16xf32>,
              %parallel_loop3A_932 = vector.broadcast %parallel_loop3A_908 : f32 to vector<16xf32>
              %parallel_loop3A_933 = arith.mulf %parallel_loop3A_931, %parallel_loop3A_932 : vector<16xf32>
              %parallel_loop3A_934 = arith.index_cast %parallel_loop3A_912 : i32 to index
              %parallel_loop3A_935 = arith.constant 32 : index
              %parallel_loop3A_936 = tpu.vector_load %arg15[%parallel_loop3A_934, %parallel_loop3A_935] {strides = array<i32>} : memref<128x64xf32, #tpu.memory_space<vmem>>, vector<16xf32>,
              tpu.vector_store %arg15[%parallel_loop3A_934, %parallel_loop3A_935], %parallel_loop3A_933 {strides = array<i32>} : memref<128x64xf32, #tpu.memory_space<vmem>>, vector<16xf32>,
              %parallel_loop3A_937 = arith.index_cast %parallel_loop3A_912 : i32 to index
              %parallel_loop3A_938 = arith.constant 48 : index
              %parallel_loop3A_939 = tpu.vector_load %arg15[%parallel_loop3A_937, %parallel_loop3A_938] {strides = array<i32>} : memref<128x64xf32, #tpu.memory_space<vmem>>, vector<16xf32>,
              %parallel_loop3A_940 = vector.broadcast %parallel_loop3A_908 : f32 to vector<16xf32>
              %parallel_loop3A_941 = arith.mulf %parallel_loop3A_939, %parallel_loop3A_940 : vector<16xf32>
              %parallel_loop3A_942 = arith.index_cast %parallel_loop3A_912 : i32 to index
              %parallel_loop3A_943 = arith.constant 48 : index
              %parallel_loop3A_944 = tpu.vector_load %arg15[%parallel_loop3A_942, %parallel_loop3A_943] {strides = array<i32>} : memref<128x64xf32, #tpu.memory_space<vmem>>, vector<16xf32>,
              tpu.vector_store %arg15[%parallel_loop3A_942, %parallel_loop3A_943], %parallel_loop3A_941 {strides = array<i32>} : memref<128x64xf32, #tpu.memory_space<vmem>>, vector<16xf32>,
              %parallel_loop3A_945 = vector.extract_strided_slice %parallel_loop3A_792 {offsets = [4], sizes = [1], strides = [1]} : vector<16xf32> to vector<1xf32>
              %parallel_loop3A_946 = vector.extract %parallel_loop3A_945[0] : f32 from vector<1xf32>
              %parallel_loop3A_947 = arith.constant 16 : i32
              %parallel_loop3A_948 = arith.muli %parallel_loop3A_787, %parallel_loop3A_947 : i32
              %parallel_loop3A_949 = arith.constant 4 : i32
              %parallel_loop3A_950 = arith.addi %parallel_loop3A_948, %parallel_loop3A_949 : i32
              %parallel_loop3A_951 = arith.index_cast %parallel_loop3A_950 : i32 to index
              %parallel_loop3A_952 = arith.constant 0 : index
              %parallel_loop3A_953 = tpu.vector_load %arg15[%parallel_loop3A_951, %parallel_loop3A_952] {strides = array<i32>} : memref<128x64xf32, #tpu.memory_space<vmem>>, vector<16xf32>,
              %parallel_loop3A_954 = vector.broadcast %parallel_loop3A_946 : f32 to vector<16xf32>
              %parallel_loop3A_955 = arith.mulf %parallel_loop3A_953, %parallel_loop3A_954 : vector<16xf32>
              %parallel_loop3A_956 = arith.index_cast %parallel_loop3A_950 : i32 to index
              %parallel_loop3A_957 = arith.constant 0 : index
              %parallel_loop3A_958 = tpu.vector_load %arg15[%parallel_loop3A_956, %parallel_loop3A_957] {strides = array<i32>} : memref<128x64xf32, #tpu.memory_space<vmem>>, vector<16xf32>,
              tpu.vector_store %arg15[%parallel_loop3A_956, %parallel_loop3A_957], %parallel_loop3A_955 {strides = array<i32>} : memref<128x64xf32, #tpu.memory_space<vmem>>, vector<16xf32>,
              %parallel_loop3A_959 = arith.index_cast %parallel_loop3A_950 : i32 to index
              %parallel_loop3A_960 = arith.constant 16 : index
              %parallel_loop3A_961 = tpu.vector_load %arg15[%parallel_loop3A_959, %parallel_loop3A_960] {strides = array<i32>} : memref<128x64xf32, #tpu.memory_space<vmem>>, vector<16xf32>,
              %parallel_loop3A_962 = vector.broadcast %parallel_loop3A_946 : f32 to vector<16xf32>
              %parallel_loop3A_963 = arith.mulf %parallel_loop3A_961, %parallel_loop3A_962 : vector<16xf32>
              %parallel_loop3A_964 = arith.index_cast %parallel_loop3A_950 : i32 to index
              %parallel_loop3A_965 = arith.constant 16 : index
              %parallel_loop3A_966 = tpu.vector_load %arg15[%parallel_loop3A_964, %parallel_loop3A_965] {strides = array<i32>} : memref<128x64xf32, #tpu.memory_space<vmem>>, vector<16xf32>,
              tpu.vector_store %arg15[%parallel_loop3A_964, %parallel_loop3A_965], %parallel_loop3A_963 {strides = array<i32>} : memref<128x64xf32, #tpu.memory_space<vmem>>, vector<16xf32>,
              %parallel_loop3A_967 = arith.index_cast %parallel_loop3A_950 : i32 to index
              %parallel_loop3A_968 = arith.constant 32 : index
              %parallel_loop3A_969 = tpu.vector_load %arg15[%parallel_loop3A_967, %parallel_loop3A_968] {strides = array<i32>} : memref<128x64xf32, #tpu.memory_space<vmem>>, vector<16xf32>,
              %parallel_loop3A_970 = vector.broadcast %parallel_loop3A_946 : f32 to vector<16xf32>
              %parallel_loop3A_971 = arith.mulf %parallel_loop3A_969, %parallel_loop3A_970 : vector<16xf32>
              %parallel_loop3A_972 = arith.index_cast %parallel_loop3A_950 : i32 to index
              %parallel_loop3A_973 = arith.constant 32 : index
              %parallel_loop3A_974 = tpu.vector_load %arg15[%parallel_loop3A_972, %parallel_loop3A_973] {strides = array<i32>} : memref<128x64xf32, #tpu.memory_space<vmem>>, vector<16xf32>,
              tpu.vector_store %arg15[%parallel_loop3A_972, %parallel_loop3A_973], %parallel_loop3A_971 {strides = array<i32>} : memref<128x64xf32, #tpu.memory_space<vmem>>, vector<16xf32>,
              %parallel_loop3A_975 = arith.index_cast %parallel_loop3A_950 : i32 to index
              %parallel_loop3A_976 = arith.constant 48 : index
              %parallel_loop3A_977 = tpu.vector_load %arg15[%parallel_loop3A_975, %parallel_loop3A_976] {strides = array<i32>} : memref<128x64xf32, #tpu.memory_space<vmem>>, vector<16xf32>,
              %parallel_loop3A_978 = vector.broadcast %parallel_loop3A_946 : f32 to vector<16xf32>
              %parallel_loop3A_979 = arith.mulf %parallel_loop3A_977, %parallel_loop3A_978 : vector<16xf32>
              %parallel_loop3A_980 = arith.index_cast %parallel_loop3A_950 : i32 to index
              %parallel_loop3A_981 = arith.constant 48 : index
              %parallel_loop3A_982 = tpu.vector_load %arg15[%parallel_loop3A_980, %parallel_loop3A_981] {strides = array<i32>} : memref<128x64xf32, #tpu.memory_space<vmem>>, vector<16xf32>,
              tpu.vector_store %arg15[%parallel_loop3A_980, %parallel_loop3A_981], %parallel_loop3A_979 {strides = array<i32>} : memref<128x64xf32, #tpu.memory_space<vmem>>, vector<16xf32>,
              %parallel_loop3A_983 = vector.extract_strided_slice %parallel_loop3A_792 {offsets = [5], sizes = [1], strides = [1]} : vector<16xf32> to vector<1xf32>
              %parallel_loop3A_984 = vector.extract %parallel_loop3A_983[0] : f32 from vector<1xf32>
              %parallel_loop3A_985 = arith.constant 16 : i32
              %parallel_loop3A_986 = arith.muli %parallel_loop3A_787, %parallel_loop3A_985 : i32
              %parallel_loop3A_987 = arith.constant 5 : i32
              %parallel_loop3A_988 = arith.addi %parallel_loop3A_986, %parallel_loop3A_987 : i32
              %parallel_loop3A_989 = arith.index_cast %parallel_loop3A_988 : i32 to index
              %parallel_loop3A_990 = arith.constant 0 : index
              %parallel_loop3A_991 = tpu.vector_load %arg15[%parallel_loop3A_989, %parallel_loop3A_990] {strides = array<i32>} : memref<128x64xf32, #tpu.memory_space<vmem>>, vector<16xf32>,
              %parallel_loop3A_992 = vector.broadcast %parallel_loop3A_984 : f32 to vector<16xf32>
              %parallel_loop3A_993 = arith.mulf %parallel_loop3A_991, %parallel_loop3A_992 : vector<16xf32>
              %parallel_loop3A_994 = arith.index_cast %parallel_loop3A_988 : i32 to index
              %parallel_loop3A_995 = arith.constant 0 : index
              %parallel_loop3A_996 = tpu.vector_load %arg15[%parallel_loop3A_994, %parallel_loop3A_995] {strides = array<i32>} : memref<128x64xf32, #tpu.memory_space<vmem>>, vector<16xf32>,
              tpu.vector_store %arg15[%parallel_loop3A_994, %parallel_loop3A_995], %parallel_loop3A_993 {strides = array<i32>} : memref<128x64xf32, #tpu.memory_space<vmem>>, vector<16xf32>,
              %parallel_loop3A_997 = arith.index_cast %parallel_loop3A_988 : i32 to index
              %parallel_loop3A_998 = arith.constant 16 : index
              %parallel_loop3A_999 = tpu.vector_load %arg15[%parallel_loop3A_997, %parallel_loop3A_998] {strides = array<i32>} : memref<128x64xf32, #tpu.memory_space<vmem>>, vector<16xf32>,
              %parallel_loop3A_1000 = vector.broadcast %parallel_loop3A_984 : f32 to vector<16xf32>
              %parallel_loop3A_1001 = arith.mulf %parallel_loop3A_999, %parallel_loop3A_1000 : vector<16xf32>
              %parallel_loop3A_1002 = arith.index_cast %parallel_loop3A_988 : i32 to index
              %parallel_loop3A_1003 = arith.constant 16 : index
              %parallel_loop3A_1004 = tpu.vector_load %arg15[%parallel_loop3A_1002, %parallel_loop3A_1003] {strides = array<i32>} : memref<128x64xf32, #tpu.memory_space<vmem>>, vector<16xf32>,
              tpu.vector_store %arg15[%parallel_loop3A_1002, %parallel_loop3A_1003], %parallel_loop3A_1001 {strides = array<i32>} : memref<128x64xf32, #tpu.memory_space<vmem>>, vector<16xf32>,
              %parallel_loop3A_1005 = arith.index_cast %parallel_loop3A_988 : i32 to index
              %parallel_loop3A_1006 = arith.constant 32 : index
              %parallel_loop3A_1007 = tpu.vector_load %arg15[%parallel_loop3A_1005, %parallel_loop3A_1006] {strides = array<i32>} : memref<128x64xf32, #tpu.memory_space<vmem>>, vector<16xf32>,
              %parallel_loop3A_1008 = vector.broadcast %parallel_loop3A_984 : f32 to vector<16xf32>
              %parallel_loop3A_1009 = arith.mulf %parallel_loop3A_1007, %parallel_loop3A_1008 : vector<16xf32>
              %parallel_loop3A_1010 = arith.index_cast %parallel_loop3A_988 : i32 to index
              %parallel_loop3A_1011 = arith.constant 32 : index
              %parallel_loop3A_1012 = tpu.vector_load %arg15[%parallel_loop3A_1010, %parallel_loop3A_1011] {strides = array<i32>} : memref<128x64xf32, #tpu.memory_space<vmem>>, vector<16xf32>,
              tpu.vector_store %arg15[%parallel_loop3A_1010, %parallel_loop3A_1011], %parallel_loop3A_1009 {strides = array<i32>} : memref<128x64xf32, #tpu.memory_space<vmem>>, vector<16xf32>,
              %parallel_loop3A_1013 = arith.index_cast %parallel_loop3A_988 : i32 to index
              %parallel_loop3A_1014 = arith.constant 48 : index
              %parallel_loop3A_1015 = tpu.vector_load %arg15[%parallel_loop3A_1013, %parallel_loop3A_1014] {strides = array<i32>} : memref<128x64xf32, #tpu.memory_space<vmem>>, vector<16xf32>,
              %parallel_loop3A_1016 = vector.broadcast %parallel_loop3A_984 : f32 to vector<16xf32>
              %parallel_loop3A_1017 = arith.mulf %parallel_loop3A_1015, %parallel_loop3A_1016 : vector<16xf32>
              %parallel_loop3A_1018 = arith.index_cast %parallel_loop3A_988 : i32 to index
              %parallel_loop3A_1019 = arith.constant 48 : index
              %parallel_loop3A_1020 = tpu.vector_load %arg15[%parallel_loop3A_1018, %parallel_loop3A_1019] {strides = array<i32>} : memref<128x64xf32, #tpu.memory_space<vmem>>, vector<16xf32>,
              tpu.vector_store %arg15[%parallel_loop3A_1018, %parallel_loop3A_1019], %parallel_loop3A_1017 {strides = array<i32>} : memref<128x64xf32, #tpu.memory_space<vmem>>, vector<16xf32>,
              %parallel_loop3A_1021 = vector.extract_strided_slice %parallel_loop3A_792 {offsets = [6], sizes = [1], strides = [1]} : vector<16xf32> to vector<1xf32>
              %parallel_loop3A_1022 = vector.extract %parallel_loop3A_1021[0] : f32 from vector<1xf32>
              %parallel_loop3A_1023 = arith.constant 16 : i32
              %parallel_loop3A_1024 = arith.muli %parallel_loop3A_787, %parallel_loop3A_1023 : i32
              %parallel_loop3A_1025 = arith.constant 6 : i32
              %parallel_loop3A_1026 = arith.addi %parallel_loop3A_1024, %parallel_loop3A_1025 : i32
              %parallel_loop3A_1027 = arith.index_cast %parallel_loop3A_1026 : i32 to index
              %parallel_loop3A_1028 = arith.constant 0 : index
              %parallel_loop3A_1029 = tpu.vector_load %arg15[%parallel_loop3A_1027, %parallel_loop3A_1028] {strides = array<i32>} : memref<128x64xf32, #tpu.memory_space<vmem>>, vector<16xf32>,
              %parallel_loop3A_1030 = vector.broadcast %parallel_loop3A_1022 : f32 to vector<16xf32>
              %parallel_loop3A_1031 = arith.mulf %parallel_loop3A_1029, %parallel_loop3A_1030 : vector<16xf32>
              %parallel_loop3A_1032 = arith.index_cast %parallel_loop3A_1026 : i32 to index
              %parallel_loop3A_1033 = arith.constant 0 : index
              %parallel_loop3A_1034 = tpu.vector_load %arg15[%parallel_loop3A_1032, %parallel_loop3A_1033] {strides = array<i32>} : memref<128x64xf32, #tpu.memory_space<vmem>>, vector<16xf32>,
              tpu.vector_store %arg15[%parallel_loop3A_1032, %parallel_loop3A_1033], %parallel_loop3A_1031 {strides = array<i32>} : memref<128x64xf32, #tpu.memory_space<vmem>>, vector<16xf32>,
              %parallel_loop3A_1035 = arith.index_cast %parallel_loop3A_1026 : i32 to index
              %parallel_loop3A_1036 = arith.constant 16 : index
              %parallel_loop3A_1037 = tpu.vector_load %arg15[%parallel_loop3A_1035, %parallel_loop3A_1036] {strides = array<i32>} : memref<128x64xf32, #tpu.memory_space<vmem>>, vector<16xf32>,
              %parallel_loop3A_1038 = vector.broadcast %parallel_loop3A_1022 : f32 to vector<16xf32>
              %parallel_loop3A_1039 = arith.mulf %parallel_loop3A_1037, %parallel_loop3A_1038 : vector<16xf32>
              %parallel_loop3A_1040 = arith.index_cast %parallel_loop3A_1026 : i32 to index
              %parallel_loop3A_1041 = arith.constant 16 : index
              %parallel_loop3A_1042 = tpu.vector_load %arg15[%parallel_loop3A_1040, %parallel_loop3A_1041] {strides = array<i32>} : memref<128x64xf32, #tpu.memory_space<vmem>>, vector<16xf32>,
              tpu.vector_store %arg15[%parallel_loop3A_1040, %parallel_loop3A_1041], %parallel_loop3A_1039 {strides = array<i32>} : memref<128x64xf32, #tpu.memory_space<vmem>>, vector<16xf32>,
              %parallel_loop3A_1043 = arith.index_cast %parallel_loop3A_1026 : i32 to index
              %parallel_loop3A_1044 = arith.constant 32 : index
              %parallel_loop3A_1045 = tpu.vector_load %arg15[%parallel_loop3A_1043, %parallel_loop3A_1044] {strides = array<i32>} : memref<128x64xf32, #tpu.memory_space<vmem>>, vector<16xf32>,
              %parallel_loop3A_1046 = vector.broadcast %parallel_loop3A_1022 : f32 to vector<16xf32>
              %parallel_loop3A_1047 = arith.mulf %parallel_loop3A_1045, %parallel_loop3A_1046 : vector<16xf32>
              %parallel_loop3A_1048 = arith.index_cast %parallel_loop3A_1026 : i32 to index
              %parallel_loop3A_1049 = arith.constant 32 : index
              %parallel_loop3A_1050 = tpu.vector_load %arg15[%parallel_loop3A_1048, %parallel_loop3A_1049] {strides = array<i32>} : memref<128x64xf32, #tpu.memory_space<vmem>>, vector<16xf32>,
              tpu.vector_store %arg15[%parallel_loop3A_1048, %parallel_loop3A_1049], %parallel_loop3A_1047 {strides = array<i32>} : memref<128x64xf32, #tpu.memory_space<vmem>>, vector<16xf32>,
              %parallel_loop3A_1051 = arith.index_cast %parallel_loop3A_1026 : i32 to index
              %parallel_loop3A_1052 = arith.constant 48 : index
              %parallel_loop3A_1053 = tpu.vector_load %arg15[%parallel_loop3A_1051, %parallel_loop3A_1052] {strides = array<i32>} : memref<128x64xf32, #tpu.memory_space<vmem>>, vector<16xf32>,
              %parallel_loop3A_1054 = vector.broadcast %parallel_loop3A_1022 : f32 to vector<16xf32>
              %parallel_loop3A_1055 = arith.mulf %parallel_loop3A_1053, %parallel_loop3A_1054 : vector<16xf32>
              %parallel_loop3A_1056 = arith.index_cast %parallel_loop3A_1026 : i32 to index
              %parallel_loop3A_1057 = arith.constant 48 : index
              %parallel_loop3A_1058 = tpu.vector_load %arg15[%parallel_loop3A_1056, %parallel_loop3A_1057] {strides = array<i32>} : memref<128x64xf32, #tpu.memory_space<vmem>>, vector<16xf32>,
              tpu.vector_store %arg15[%parallel_loop3A_1056, %parallel_loop3A_1057], %parallel_loop3A_1055 {strides = array<i32>} : memref<128x64xf32, #tpu.memory_space<vmem>>, vector<16xf32>,
              %parallel_loop3A_1059 = vector.extract_strided_slice %parallel_loop3A_792 {offsets = [7], sizes = [1], strides = [1]} : vector<16xf32> to vector<1xf32>
              %parallel_loop3A_1060 = vector.extract %parallel_loop3A_1059[0] : f32 from vector<1xf32>
              %parallel_loop3A_1061 = arith.constant 16 : i32
              %parallel_loop3A_1062 = arith.muli %parallel_loop3A_787, %parallel_loop3A_1061 : i32
              %parallel_loop3A_1063 = arith.constant 7 : i32
              %parallel_loop3A_1064 = arith.addi %parallel_loop3A_1062, %parallel_loop3A_1063 : i32
              %parallel_loop3A_1065 = arith.index_cast %parallel_loop3A_1064 : i32 to index
              %parallel_loop3A_1066 = arith.constant 0 : index
              %parallel_loop3A_1067 = tpu.vector_load %arg15[%parallel_loop3A_1065, %parallel_loop3A_1066] {strides = array<i32>} : memref<128x64xf32, #tpu.memory_space<vmem>>, vector<16xf32>,
              %parallel_loop3A_1068 = vector.broadcast %parallel_loop3A_1060 : f32 to vector<16xf32>
              %parallel_loop3A_1069 = arith.mulf %parallel_loop3A_1067, %parallel_loop3A_1068 : vector<16xf32>
              %parallel_loop3A_1070 = arith.index_cast %parallel_loop3A_1064 : i32 to index
              %parallel_loop3A_1071 = arith.constant 0 : index
              %parallel_loop3A_1072 = tpu.vector_load %arg15[%parallel_loop3A_1070, %parallel_loop3A_1071] {strides = array<i32>} : memref<128x64xf32, #tpu.memory_space<vmem>>, vector<16xf32>,
              tpu.vector_store %arg15[%parallel_loop3A_1070, %parallel_loop3A_1071], %parallel_loop3A_1069 {strides = array<i32>} : memref<128x64xf32, #tpu.memory_space<vmem>>, vector<16xf32>,
              %parallel_loop3A_1073 = arith.index_cast %parallel_loop3A_1064 : i32 to index
              %parallel_loop3A_1074 = arith.constant 16 : index
              %parallel_loop3A_1075 = tpu.vector_load %arg15[%parallel_loop3A_1073, %parallel_loop3A_1074] {strides = array<i32>} : memref<128x64xf32, #tpu.memory_space<vmem>>, vector<16xf32>,
              %parallel_loop3A_1076 = vector.broadcast %parallel_loop3A_1060 : f32 to vector<16xf32>
              %parallel_loop3A_1077 = arith.mulf %parallel_loop3A_1075, %parallel_loop3A_1076 : vector<16xf32>
              %parallel_loop3A_1078 = arith.index_cast %parallel_loop3A_1064 : i32 to index
              %parallel_loop3A_1079 = arith.constant 16 : index
              %parallel_loop3A_1080 = tpu.vector_load %arg15[%parallel_loop3A_1078, %parallel_loop3A_1079] {strides = array<i32>} : memref<128x64xf32, #tpu.memory_space<vmem>>, vector<16xf32>,
              tpu.vector_store %arg15[%parallel_loop3A_1078, %parallel_loop3A_1079], %parallel_loop3A_1077 {strides = array<i32>} : memref<128x64xf32, #tpu.memory_space<vmem>>, vector<16xf32>,
              %parallel_loop3A_1081 = arith.index_cast %parallel_loop3A_1064 : i32 to index
              %parallel_loop3A_1082 = arith.constant 32 : index
              %parallel_loop3A_1083 = tpu.vector_load %arg15[%parallel_loop3A_1081, %parallel_loop3A_1082] {strides = array<i32>} : memref<128x64xf32, #tpu.memory_space<vmem>>, vector<16xf32>,
              %parallel_loop3A_1084 = vector.broadcast %parallel_loop3A_1060 : f32 to vector<16xf32>
              %parallel_loop3A_1085 = arith.mulf %parallel_loop3A_1083, %parallel_loop3A_1084 : vector<16xf32>
              %parallel_loop3A_1086 = arith.index_cast %parallel_loop3A_1064 : i32 to index
              %parallel_loop3A_1087 = arith.constant 32 : index
              %parallel_loop3A_1088 = tpu.vector_load %arg15[%parallel_loop3A_1086, %parallel_loop3A_1087] {strides = array<i32>} : memref<128x64xf32, #tpu.memory_space<vmem>>, vector<16xf32>,
              tpu.vector_store %arg15[%parallel_loop3A_1086, %parallel_loop3A_1087], %parallel_loop3A_1085 {strides = array<i32>} : memref<128x64xf32, #tpu.memory_space<vmem>>, vector<16xf32>,
              %parallel_loop3A_1089 = arith.index_cast %parallel_loop3A_1064 : i32 to index
              %parallel_loop3A_1090 = arith.constant 48 : index
              %parallel_loop3A_1091 = tpu.vector_load %arg15[%parallel_loop3A_1089, %parallel_loop3A_1090] {strides = array<i32>} : memref<128x64xf32, #tpu.memory_space<vmem>>, vector<16xf32>,
              %parallel_loop3A_1092 = vector.broadcast %parallel_loop3A_1060 : f32 to vector<16xf32>
              %parallel_loop3A_1093 = arith.mulf %parallel_loop3A_1091, %parallel_loop3A_1092 : vector<16xf32>
              %parallel_loop3A_1094 = arith.index_cast %parallel_loop3A_1064 : i32 to index
              %parallel_loop3A_1095 = arith.constant 48 : index
              %parallel_loop3A_1096 = tpu.vector_load %arg15[%parallel_loop3A_1094, %parallel_loop3A_1095] {strides = array<i32>} : memref<128x64xf32, #tpu.memory_space<vmem>>, vector<16xf32>,
              tpu.vector_store %arg15[%parallel_loop3A_1094, %parallel_loop3A_1095], %parallel_loop3A_1093 {strides = array<i32>} : memref<128x64xf32, #tpu.memory_space<vmem>>, vector<16xf32>,
              %parallel_loop3A_1097 = vector.extract_strided_slice %parallel_loop3A_792 {offsets = [8], sizes = [1], strides = [1]} : vector<16xf32> to vector<1xf32>
              %parallel_loop3A_1098 = vector.extract %parallel_loop3A_1097[0] : f32 from vector<1xf32>
              %parallel_loop3A_1099 = arith.constant 16 : i32
              %parallel_loop3A_1100 = arith.muli %parallel_loop3A_787, %parallel_loop3A_1099 : i32
              %parallel_loop3A_1101 = arith.constant 8 : i32
              %parallel_loop3A_1102 = arith.addi %parallel_loop3A_1100, %parallel_loop3A_1101 : i32
              %parallel_loop3A_1103 = arith.index_cast %parallel_loop3A_1102 : i32 to index
              %parallel_loop3A_1104 = arith.constant 0 : index
              %parallel_loop3A_1105 = tpu.vector_load %arg15[%parallel_loop3A_1103, %parallel_loop3A_1104] {strides = array<i32>} : memref<128x64xf32, #tpu.memory_space<vmem>>, vector<16xf32>,
              %parallel_loop3A_1106 = vector.broadcast %parallel_loop3A_1098 : f32 to vector<16xf32>
              %parallel_loop3A_1107 = arith.mulf %parallel_loop3A_1105, %parallel_loop3A_1106 : vector<16xf32>
              %parallel_loop3A_1108 = arith.index_cast %parallel_loop3A_1102 : i32 to index
              %parallel_loop3A_1109 = arith.constant 0 : index
              %parallel_loop3A_1110 = tpu.vector_load %arg15[%parallel_loop3A_1108, %parallel_loop3A_1109] {strides = array<i32>} : memref<128x64xf32, #tpu.memory_space<vmem>>, vector<16xf32>,
              tpu.vector_store %arg15[%parallel_loop3A_1108, %parallel_loop3A_1109], %parallel_loop3A_1107 {strides = array<i32>} : memref<128x64xf32, #tpu.memory_space<vmem>>, vector<16xf32>,
              %parallel_loop3A_1111 = arith.index_cast %parallel_loop3A_1102 : i32 to index
              %parallel_loop3A_1112 = arith.constant 16 : index
              %parallel_loop3A_1113 = tpu.vector_load %arg15[%parallel_loop3A_1111, %parallel_loop3A_1112] {strides = array<i32>} : memref<128x64xf32, #tpu.memory_space<vmem>>, vector<16xf32>,
              %parallel_loop3A_1114 = vector.broadcast %parallel_loop3A_1098 : f32 to vector<16xf32>
              %parallel_loop3A_1115 = arith.mulf %parallel_loop3A_1113, %parallel_loop3A_1114 : vector<16xf32>
              %parallel_loop3A_1116 = arith.index_cast %parallel_loop3A_1102 : i32 to index
              %parallel_loop3A_1117 = arith.constant 16 : index
              %parallel_loop3A_1118 = tpu.vector_load %arg15[%parallel_loop3A_1116, %parallel_loop3A_1117] {strides = array<i32>} : memref<128x64xf32, #tpu.memory_space<vmem>>, vector<16xf32>,
              tpu.vector_store %arg15[%parallel_loop3A_1116, %parallel_loop3A_1117], %parallel_loop3A_1115 {strides = array<i32>} : memref<128x64xf32, #tpu.memory_space<vmem>>, vector<16xf32>,
              %parallel_loop3A_1119 = arith.index_cast %parallel_loop3A_1102 : i32 to index
              %parallel_loop3A_1120 = arith.constant 32 : index
              %parallel_loop3A_1121 = tpu.vector_load %arg15[%parallel_loop3A_1119, %parallel_loop3A_1120] {strides = array<i32>} : memref<128x64xf32, #tpu.memory_space<vmem>>, vector<16xf32>,
              %parallel_loop3A_1122 = vector.broadcast %parallel_loop3A_1098 : f32 to vector<16xf32>
              %parallel_loop3A_1123 = arith.mulf %parallel_loop3A_1121, %parallel_loop3A_1122 : vector<16xf32>
              %parallel_loop3A_1124 = arith.index_cast %parallel_loop3A_1102 : i32 to index
              %parallel_loop3A_1125 = arith.constant 32 : index
              %parallel_loop3A_1126 = tpu.vector_load %arg15[%parallel_loop3A_1124, %parallel_loop3A_1125] {strides = array<i32>} : memref<128x64xf32, #tpu.memory_space<vmem>>, vector<16xf32>,
              tpu.vector_store %arg15[%parallel_loop3A_1124, %parallel_loop3A_1125], %parallel_loop3A_1123 {strides = array<i32>} : memref<128x64xf32, #tpu.memory_space<vmem>>, vector<16xf32>,
              %parallel_loop3A_1127 = arith.index_cast %parallel_loop3A_1102 : i32 to index
              %parallel_loop3A_1128 = arith.constant 48 : index
              %parallel_loop3A_1129 = tpu.vector_load %arg15[%parallel_loop3A_1127, %parallel_loop3A_1128] {strides = array<i32>} : memref<128x64xf32, #tpu.memory_space<vmem>>, vector<16xf32>,
              %parallel_loop3A_1130 = vector.broadcast %parallel_loop3A_1098 : f32 to vector<16xf32>
              %parallel_loop3A_1131 = arith.mulf %parallel_loop3A_1129, %parallel_loop3A_1130 : vector<16xf32>
              %parallel_loop3A_1132 = arith.index_cast %parallel_loop3A_1102 : i32 to index
              %parallel_loop3A_1133 = arith.constant 48 : index
              %parallel_loop3A_1134 = tpu.vector_load %arg15[%parallel_loop3A_1132, %parallel_loop3A_1133] {strides = array<i32>} : memref<128x64xf32, #tpu.memory_space<vmem>>, vector<16xf32>,
              tpu.vector_store %arg15[%parallel_loop3A_1132, %parallel_loop3A_1133], %parallel_loop3A_1131 {strides = array<i32>} : memref<128x64xf32, #tpu.memory_space<vmem>>, vector<16xf32>,
              %parallel_loop3A_1135 = vector.extract_strided_slice %parallel_loop3A_792 {offsets = [9], sizes = [1], strides = [1]} : vector<16xf32> to vector<1xf32>
              %parallel_loop3A_1136 = vector.extract %parallel_loop3A_1135[0] : f32 from vector<1xf32>
              %parallel_loop3A_1137 = arith.constant 16 : i32
              %parallel_loop3A_1138 = arith.muli %parallel_loop3A_787, %parallel_loop3A_1137 : i32
              %parallel_loop3A_1139 = arith.constant 9 : i32
              %parallel_loop3A_1140 = arith.addi %parallel_loop3A_1138, %parallel_loop3A_1139 : i32
              %parallel_loop3A_1141 = arith.index_cast %parallel_loop3A_1140 : i32 to index
              %parallel_loop3A_1142 = arith.constant 0 : index
              %parallel_loop3A_1143 = tpu.vector_load %arg15[%parallel_loop3A_1141, %parallel_loop3A_1142] {strides = array<i32>} : memref<128x64xf32, #tpu.memory_space<vmem>>, vector<16xf32>,
              %parallel_loop3A_1144 = vector.broadcast %parallel_loop3A_1136 : f32 to vector<16xf32>
              %parallel_loop3A_1145 = arith.mulf %parallel_loop3A_1143, %parallel_loop3A_1144 : vector<16xf32>
              %parallel_loop3A_1146 = arith.index_cast %parallel_loop3A_1140 : i32 to index
              %parallel_loop3A_1147 = arith.constant 0 : index
              %parallel_loop3A_1148 = tpu.vector_load %arg15[%parallel_loop3A_1146, %parallel_loop3A_1147] {strides = array<i32>} : memref<128x64xf32, #tpu.memory_space<vmem>>, vector<16xf32>,
              tpu.vector_store %arg15[%parallel_loop3A_1146, %parallel_loop3A_1147], %parallel_loop3A_1145 {strides = array<i32>} : memref<128x64xf32, #tpu.memory_space<vmem>>, vector<16xf32>,
              %parallel_loop3A_1149 = arith.index_cast %parallel_loop3A_1140 : i32 to index
              %parallel_loop3A_1150 = arith.constant 16 : index
              %parallel_loop3A_1151 = tpu.vector_load %arg15[%parallel_loop3A_1149, %parallel_loop3A_1150] {strides = array<i32>} : memref<128x64xf32, #tpu.memory_space<vmem>>, vector<16xf32>,
              %parallel_loop3A_1152 = vector.broadcast %parallel_loop3A_1136 : f32 to vector<16xf32>
              %parallel_loop3A_1153 = arith.mulf %parallel_loop3A_1151, %parallel_loop3A_1152 : vector<16xf32>
              %parallel_loop3A_1154 = arith.index_cast %parallel_loop3A_1140 : i32 to index
              %parallel_loop3A_1155 = arith.constant 16 : index
              %parallel_loop3A_1156 = tpu.vector_load %arg15[%parallel_loop3A_1154, %parallel_loop3A_1155] {strides = array<i32>} : memref<128x64xf32, #tpu.memory_space<vmem>>, vector<16xf32>,
              tpu.vector_store %arg15[%parallel_loop3A_1154, %parallel_loop3A_1155], %parallel_loop3A_1153 {strides = array<i32>} : memref<128x64xf32, #tpu.memory_space<vmem>>, vector<16xf32>,
              %parallel_loop3A_1157 = arith.index_cast %parallel_loop3A_1140 : i32 to index
              %parallel_loop3A_1158 = arith.constant 32 : index
              %parallel_loop3A_1159 = tpu.vector_load %arg15[%parallel_loop3A_1157, %parallel_loop3A_1158] {strides = array<i32>} : memref<128x64xf32, #tpu.memory_space<vmem>>, vector<16xf32>,
              %parallel_loop3A_1160 = vector.broadcast %parallel_loop3A_1136 : f32 to vector<16xf32>
              %parallel_loop3A_1161 = arith.mulf %parallel_loop3A_1159, %parallel_loop3A_1160 : vector<16xf32>
              %parallel_loop3A_1162 = arith.index_cast %parallel_loop3A_1140 : i32 to index
              %parallel_loop3A_1163 = arith.constant 32 : index
              %parallel_loop3A_1164 = tpu.vector_load %arg15[%parallel_loop3A_1162, %parallel_loop3A_1163] {strides = array<i32>} : memref<128x64xf32, #tpu.memory_space<vmem>>, vector<16xf32>,
              tpu.vector_store %arg15[%parallel_loop3A_1162, %parallel_loop3A_1163], %parallel_loop3A_1161 {strides = array<i32>} : memref<128x64xf32, #tpu.memory_space<vmem>>, vector<16xf32>,
              %parallel_loop3A_1165 = arith.index_cast %parallel_loop3A_1140 : i32 to index
              %parallel_loop3A_1166 = arith.constant 48 : index
              %parallel_loop3A_1167 = tpu.vector_load %arg15[%parallel_loop3A_1165, %parallel_loop3A_1166] {strides = array<i32>} : memref<128x64xf32, #tpu.memory_space<vmem>>, vector<16xf32>,
              %parallel_loop3A_1168 = vector.broadcast %parallel_loop3A_1136 : f32 to vector<16xf32>
              %parallel_loop3A_1169 = arith.mulf %parallel_loop3A_1167, %parallel_loop3A_1168 : vector<16xf32>
              %parallel_loop3A_1170 = arith.index_cast %parallel_loop3A_1140 : i32 to index
              %parallel_loop3A_1171 = arith.constant 48 : index
              %parallel_loop3A_1172 = tpu.vector_load %arg15[%parallel_loop3A_1170, %parallel_loop3A_1171] {strides = array<i32>} : memref<128x64xf32, #tpu.memory_space<vmem>>, vector<16xf32>,
              tpu.vector_store %arg15[%parallel_loop3A_1170, %parallel_loop3A_1171], %parallel_loop3A_1169 {strides = array<i32>} : memref<128x64xf32, #tpu.memory_space<vmem>>, vector<16xf32>,
              %parallel_loop3A_1173 = vector.extract_strided_slice %parallel_loop3A_792 {offsets = [10], sizes = [1], strides = [1]} : vector<16xf32> to vector<1xf32>
              %parallel_loop3A_1174 = vector.extract %parallel_loop3A_1173[0] : f32 from vector<1xf32>
              %parallel_loop3A_1175 = arith.constant 16 : i32
              %parallel_loop3A_1176 = arith.muli %parallel_loop3A_787, %parallel_loop3A_1175 : i32
              %parallel_loop3A_1177 = arith.constant 10 : i32
              %parallel_loop3A_1178 = arith.addi %parallel_loop3A_1176, %parallel_loop3A_1177 : i32
              %parallel_loop3A_1179 = arith.index_cast %parallel_loop3A_1178 : i32 to index
              %parallel_loop3A_1180 = arith.constant 0 : index
              %parallel_loop3A_1181 = tpu.vector_load %arg15[%parallel_loop3A_1179, %parallel_loop3A_1180] {strides = array<i32>} : memref<128x64xf32, #tpu.memory_space<vmem>>, vector<16xf32>,
              %parallel_loop3A_1182 = vector.broadcast %parallel_loop3A_1174 : f32 to vector<16xf32>
              %parallel_loop3A_1183 = arith.mulf %parallel_loop3A_1181, %parallel_loop3A_1182 : vector<16xf32>
              %parallel_loop3A_1184 = arith.index_cast %parallel_loop3A_1178 : i32 to index
              %parallel_loop3A_1185 = arith.constant 0 : index
              %parallel_loop3A_1186 = tpu.vector_load %arg15[%parallel_loop3A_1184, %parallel_loop3A_1185] {strides = array<i32>} : memref<128x64xf32, #tpu.memory_space<vmem>>, vector<16xf32>,
              tpu.vector_store %arg15[%parallel_loop3A_1184, %parallel_loop3A_1185], %parallel_loop3A_1183 {strides = array<i32>} : memref<128x64xf32, #tpu.memory_space<vmem>>, vector<16xf32>,
              %parallel_loop3A_1187 = arith.index_cast %parallel_loop3A_1178 : i32 to index
              %parallel_loop3A_1188 = arith.constant 16 : index
              %parallel_loop3A_1189 = tpu.vector_load %arg15[%parallel_loop3A_1187, %parallel_loop3A_1188] {strides = array<i32>} : memref<128x64xf32, #tpu.memory_space<vmem>>, vector<16xf32>,
              %parallel_loop3A_1190 = vector.broadcast %parallel_loop3A_1174 : f32 to vector<16xf32>
              %parallel_loop3A_1191 = arith.mulf %parallel_loop3A_1189, %parallel_loop3A_1190 : vector<16xf32>
              %parallel_loop3A_1192 = arith.index_cast %parallel_loop3A_1178 : i32 to index
              %parallel_loop3A_1193 = arith.constant 16 : index
              %parallel_loop3A_1194 = tpu.vector_load %arg15[%parallel_loop3A_1192, %parallel_loop3A_1193] {strides = array<i32>} : memref<128x64xf32, #tpu.memory_space<vmem>>, vector<16xf32>,
              tpu.vector_store %arg15[%parallel_loop3A_1192, %parallel_loop3A_1193], %parallel_loop3A_1191 {strides = array<i32>} : memref<128x64xf32, #tpu.memory_space<vmem>>, vector<16xf32>,
              %parallel_loop3A_1195 = arith.index_cast %parallel_loop3A_1178 : i32 to index
              %parallel_loop3A_1196 = arith.constant 32 : index
              %parallel_loop3A_1197 = tpu.vector_load %arg15[%parallel_loop3A_1195, %parallel_loop3A_1196] {strides = array<i32>} : memref<128x64xf32, #tpu.memory_space<vmem>>, vector<16xf32>,
              %parallel_loop3A_1198 = vector.broadcast %parallel_loop3A_1174 : f32 to vector<16xf32>
              %parallel_loop3A_1199 = arith.mulf %parallel_loop3A_1197, %parallel_loop3A_1198 : vector<16xf32>
              %parallel_loop3A_1200 = arith.index_cast %parallel_loop3A_1178 : i32 to index
              %parallel_loop3A_1201 = arith.constant 32 : index
              %parallel_loop3A_1202 = tpu.vector_load %arg15[%parallel_loop3A_1200, %parallel_loop3A_1201] {strides = array<i32>} : memref<128x64xf32, #tpu.memory_space<vmem>>, vector<16xf32>,
              tpu.vector_store %arg15[%parallel_loop3A_1200, %parallel_loop3A_1201], %parallel_loop3A_1199 {strides = array<i32>} : memref<128x64xf32, #tpu.memory_space<vmem>>, vector<16xf32>,
              %parallel_loop3A_1203 = arith.index_cast %parallel_loop3A_1178 : i32 to index
              %parallel_loop3A_1204 = arith.constant 48 : index
              %parallel_loop3A_1205 = tpu.vector_load %arg15[%parallel_loop3A_1203, %parallel_loop3A_1204] {strides = array<i32>} : memref<128x64xf32, #tpu.memory_space<vmem>>, vector<16xf32>,
              %parallel_loop3A_1206 = vector.broadcast %parallel_loop3A_1174 : f32 to vector<16xf32>
              %parallel_loop3A_1207 = arith.mulf %parallel_loop3A_1205, %parallel_loop3A_1206 : vector<16xf32>
              %parallel_loop3A_1208 = arith.index_cast %parallel_loop3A_1178 : i32 to index
              %parallel_loop3A_1209 = arith.constant 48 : index
              %parallel_loop3A_1210 = tpu.vector_load %arg15[%parallel_loop3A_1208, %parallel_loop3A_1209] {strides = array<i32>} : memref<128x64xf32, #tpu.memory_space<vmem>>, vector<16xf32>,
              tpu.vector_store %arg15[%parallel_loop3A_1208, %parallel_loop3A_1209], %parallel_loop3A_1207 {strides = array<i32>} : memref<128x64xf32, #tpu.memory_space<vmem>>, vector<16xf32>,
              %parallel_loop3A_1211 = vector.extract_strided_slice %parallel_loop3A_792 {offsets = [11], sizes = [1], strides = [1]} : vector<16xf32> to vector<1xf32>
              %parallel_loop3A_1212 = vector.extract %parallel_loop3A_1211[0] : f32 from vector<1xf32>
              %parallel_loop3A_1213 = arith.constant 16 : i32
              %parallel_loop3A_1214 = arith.muli %parallel_loop3A_787, %parallel_loop3A_1213 : i32
              %parallel_loop3A_1215 = arith.constant 11 : i32
              %parallel_loop3A_1216 = arith.addi %parallel_loop3A_1214, %parallel_loop3A_1215 : i32
              %parallel_loop3A_1217 = arith.index_cast %parallel_loop3A_1216 : i32 to index
              %parallel_loop3A_1218 = arith.constant 0 : index
              %parallel_loop3A_1219 = tpu.vector_load %arg15[%parallel_loop3A_1217, %parallel_loop3A_1218] {strides = array<i32>} : memref<128x64xf32, #tpu.memory_space<vmem>>, vector<16xf32>,
              %parallel_loop3A_1220 = vector.broadcast %parallel_loop3A_1212 : f32 to vector<16xf32>
              %parallel_loop3A_1221 = arith.mulf %parallel_loop3A_1219, %parallel_loop3A_1220 : vector<16xf32>
              %parallel_loop3A_1222 = arith.index_cast %parallel_loop3A_1216 : i32 to index
              %parallel_loop3A_1223 = arith.constant 0 : index
              %parallel_loop3A_1224 = tpu.vector_load %arg15[%parallel_loop3A_1222, %parallel_loop3A_1223] {strides = array<i32>} : memref<128x64xf32, #tpu.memory_space<vmem>>, vector<16xf32>,
              tpu.vector_store %arg15[%parallel_loop3A_1222, %parallel_loop3A_1223], %parallel_loop3A_1221 {strides = array<i32>} : memref<128x64xf32, #tpu.memory_space<vmem>>, vector<16xf32>,
              %parallel_loop3A_1225 = arith.index_cast %parallel_loop3A_1216 : i32 to index
              %parallel_loop3A_1226 = arith.constant 16 : index
              %parallel_loop3A_1227 = tpu.vector_load %arg15[%parallel_loop3A_1225, %parallel_loop3A_1226] {strides = array<i32>} : memref<128x64xf32, #tpu.memory_space<vmem>>, vector<16xf32>,
              %parallel_loop3A_1228 = vector.broadcast %parallel_loop3A_1212 : f32 to vector<16xf32>
              %parallel_loop3A_1229 = arith.mulf %parallel_loop3A_1227, %parallel_loop3A_1228 : vector<16xf32>
              %parallel_loop3A_1230 = arith.index_cast %parallel_loop3A_1216 : i32 to index
              %parallel_loop3A_1231 = arith.constant 16 : index
              %parallel_loop3A_1232 = tpu.vector_load %arg15[%parallel_loop3A_1230, %parallel_loop3A_1231] {strides = array<i32>} : memref<128x64xf32, #tpu.memory_space<vmem>>, vector<16xf32>,
              tpu.vector_store %arg15[%parallel_loop3A_1230, %parallel_loop3A_1231], %parallel_loop3A_1229 {strides = array<i32>} : memref<128x64xf32, #tpu.memory_space<vmem>>, vector<16xf32>,
              %parallel_loop3A_1233 = arith.index_cast %parallel_loop3A_1216 : i32 to index
              %parallel_loop3A_1234 = arith.constant 32 : index
              %parallel_loop3A_1235 = tpu.vector_load %arg15[%parallel_loop3A_1233, %parallel_loop3A_1234] {strides = array<i32>} : memref<128x64xf32, #tpu.memory_space<vmem>>, vector<16xf32>,
              %parallel_loop3A_1236 = vector.broadcast %parallel_loop3A_1212 : f32 to vector<16xf32>
              %parallel_loop3A_1237 = arith.mulf %parallel_loop3A_1235, %parallel_loop3A_1236 : vector<16xf32>
              %parallel_loop3A_1238 = arith.index_cast %parallel_loop3A_1216 : i32 to index
              %parallel_loop3A_1239 = arith.constant 32 : index
              %parallel_loop3A_1240 = tpu.vector_load %arg15[%parallel_loop3A_1238, %parallel_loop3A_1239] {strides = array<i32>} : memref<128x64xf32, #tpu.memory_space<vmem>>, vector<16xf32>,
              tpu.vector_store %arg15[%parallel_loop3A_1238, %parallel_loop3A_1239], %parallel_loop3A_1237 {strides = array<i32>} : memref<128x64xf32, #tpu.memory_space<vmem>>, vector<16xf32>,
              %parallel_loop3A_1241 = arith.index_cast %parallel_loop3A_1216 : i32 to index
              %parallel_loop3A_1242 = arith.constant 48 : index
              %parallel_loop3A_1243 = tpu.vector_load %arg15[%parallel_loop3A_1241, %parallel_loop3A_1242] {strides = array<i32>} : memref<128x64xf32, #tpu.memory_space<vmem>>, vector<16xf32>,
              %parallel_loop3A_1244 = vector.broadcast %parallel_loop3A_1212 : f32 to vector<16xf32>
              %parallel_loop3A_1245 = arith.mulf %parallel_loop3A_1243, %parallel_loop3A_1244 : vector<16xf32>
              %parallel_loop3A_1246 = arith.index_cast %parallel_loop3A_1216 : i32 to index
              %parallel_loop3A_1247 = arith.constant 48 : index
              %parallel_loop3A_1248 = tpu.vector_load %arg15[%parallel_loop3A_1246, %parallel_loop3A_1247] {strides = array<i32>} : memref<128x64xf32, #tpu.memory_space<vmem>>, vector<16xf32>,
              tpu.vector_store %arg15[%parallel_loop3A_1246, %parallel_loop3A_1247], %parallel_loop3A_1245 {strides = array<i32>} : memref<128x64xf32, #tpu.memory_space<vmem>>, vector<16xf32>,
              %parallel_loop3A_1249 = vector.extract_strided_slice %parallel_loop3A_792 {offsets = [12], sizes = [1], strides = [1]} : vector<16xf32> to vector<1xf32>
              %parallel_loop3A_1250 = vector.extract %parallel_loop3A_1249[0] : f32 from vector<1xf32>
              %parallel_loop3A_1251 = arith.constant 16 : i32
              %parallel_loop3A_1252 = arith.muli %parallel_loop3A_787, %parallel_loop3A_1251 : i32
              %parallel_loop3A_1253 = arith.constant 12 : i32
              %parallel_loop3A_1254 = arith.addi %parallel_loop3A_1252, %parallel_loop3A_1253 : i32
              %parallel_loop3A_1255 = arith.index_cast %parallel_loop3A_1254 : i32 to index
              %parallel_loop3A_1256 = arith.constant 0 : index
              %parallel_loop3A_1257 = tpu.vector_load %arg15[%parallel_loop3A_1255, %parallel_loop3A_1256] {strides = array<i32>} : memref<128x64xf32, #tpu.memory_space<vmem>>, vector<16xf32>,
              %parallel_loop3A_1258 = vector.broadcast %parallel_loop3A_1250 : f32 to vector<16xf32>
              %parallel_loop3A_1259 = arith.mulf %parallel_loop3A_1257, %parallel_loop3A_1258 : vector<16xf32>
              %parallel_loop3A_1260 = arith.index_cast %parallel_loop3A_1254 : i32 to index
              %parallel_loop3A_1261 = arith.constant 0 : index
              %parallel_loop3A_1262 = tpu.vector_load %arg15[%parallel_loop3A_1260, %parallel_loop3A_1261] {strides = array<i32>} : memref<128x64xf32, #tpu.memory_space<vmem>>, vector<16xf32>,
              tpu.vector_store %arg15[%parallel_loop3A_1260, %parallel_loop3A_1261], %parallel_loop3A_1259 {strides = array<i32>} : memref<128x64xf32, #tpu.memory_space<vmem>>, vector<16xf32>,
              %parallel_loop3A_1263 = arith.index_cast %parallel_loop3A_1254 : i32 to index
              %parallel_loop3A_1264 = arith.constant 16 : index
              %parallel_loop3A_1265 = tpu.vector_load %arg15[%parallel_loop3A_1263, %parallel_loop3A_1264] {strides = array<i32>} : memref<128x64xf32, #tpu.memory_space<vmem>>, vector<16xf32>,
              %parallel_loop3A_1266 = vector.broadcast %parallel_loop3A_1250 : f32 to vector<16xf32>
              %parallel_loop3A_1267 = arith.mulf %parallel_loop3A_1265, %parallel_loop3A_1266 : vector<16xf32>
              %parallel_loop3A_1268 = arith.index_cast %parallel_loop3A_1254 : i32 to index
              %parallel_loop3A_1269 = arith.constant 16 : index
              %parallel_loop3A_1270 = tpu.vector_load %arg15[%parallel_loop3A_1268, %parallel_loop3A_1269] {strides = array<i32>} : memref<128x64xf32, #tpu.memory_space<vmem>>, vector<16xf32>,
              tpu.vector_store %arg15[%parallel_loop3A_1268, %parallel_loop3A_1269], %parallel_loop3A_1267 {strides = array<i32>} : memref<128x64xf32, #tpu.memory_space<vmem>>, vector<16xf32>,
              %parallel_loop3A_1271 = arith.index_cast %parallel_loop3A_1254 : i32 to index
              %parallel_loop3A_1272 = arith.constant 32 : index
              %parallel_loop3A_1273 = tpu.vector_load %arg15[%parallel_loop3A_1271, %parallel_loop3A_1272] {strides = array<i32>} : memref<128x64xf32, #tpu.memory_space<vmem>>, vector<16xf32>,
              %parallel_loop3A_1274 = vector.broadcast %parallel_loop3A_1250 : f32 to vector<16xf32>
              %parallel_loop3A_1275 = arith.mulf %parallel_loop3A_1273, %parallel_loop3A_1274 : vector<16xf32>
              %parallel_loop3A_1276 = arith.index_cast %parallel_loop3A_1254 : i32 to index
              %parallel_loop3A_1277 = arith.constant 32 : index
              %parallel_loop3A_1278 = tpu.vector_load %arg15[%parallel_loop3A_1276, %parallel_loop3A_1277] {strides = array<i32>} : memref<128x64xf32, #tpu.memory_space<vmem>>, vector<16xf32>,
              tpu.vector_store %arg15[%parallel_loop3A_1276, %parallel_loop3A_1277], %parallel_loop3A_1275 {strides = array<i32>} : memref<128x64xf32, #tpu.memory_space<vmem>>, vector<16xf32>,
              %parallel_loop3A_1279 = arith.index_cast %parallel_loop3A_1254 : i32 to index
              %parallel_loop3A_1280 = arith.constant 48 : index
              %parallel_loop3A_1281 = tpu.vector_load %arg15[%parallel_loop3A_1279, %parallel_loop3A_1280] {strides = array<i32>} : memref<128x64xf32, #tpu.memory_space<vmem>>, vector<16xf32>,
              %parallel_loop3A_1282 = vector.broadcast %parallel_loop3A_1250 : f32 to vector<16xf32>
              %parallel_loop3A_1283 = arith.mulf %parallel_loop3A_1281, %parallel_loop3A_1282 : vector<16xf32>
              %parallel_loop3A_1284 = arith.index_cast %parallel_loop3A_1254 : i32 to index
              %parallel_loop3A_1285 = arith.constant 48 : index
              %parallel_loop3A_1286 = tpu.vector_load %arg15[%parallel_loop3A_1284, %parallel_loop3A_1285] {strides = array<i32>} : memref<128x64xf32, #tpu.memory_space<vmem>>, vector<16xf32>,
              tpu.vector_store %arg15[%parallel_loop3A_1284, %parallel_loop3A_1285], %parallel_loop3A_1283 {strides = array<i32>} : memref<128x64xf32, #tpu.memory_space<vmem>>, vector<16xf32>,
              %parallel_loop3A_1287 = vector.extract_strided_slice %parallel_loop3A_792 {offsets = [13], sizes = [1], strides = [1]} : vector<16xf32> to vector<1xf32>
              %parallel_loop3A_1288 = vector.extract %parallel_loop3A_1287[0] : f32 from vector<1xf32>
              %parallel_loop3A_1289 = arith.constant 16 : i32
              %parallel_loop3A_1290 = arith.muli %parallel_loop3A_787, %parallel_loop3A_1289 : i32
              %parallel_loop3A_1291 = arith.constant 13 : i32
              %parallel_loop3A_1292 = arith.addi %parallel_loop3A_1290, %parallel_loop3A_1291 : i32
              %parallel_loop3A_1293 = arith.index_cast %parallel_loop3A_1292 : i32 to index
              %parallel_loop3A_1294 = arith.constant 0 : index
              %parallel_loop3A_1295 = tpu.vector_load %arg15[%parallel_loop3A_1293, %parallel_loop3A_1294] {strides = array<i32>} : memref<128x64xf32, #tpu.memory_space<vmem>>, vector<16xf32>,
              %parallel_loop3A_1296 = vector.broadcast %parallel_loop3A_1288 : f32 to vector<16xf32>
              %parallel_loop3A_1297 = arith.mulf %parallel_loop3A_1295, %parallel_loop3A_1296 : vector<16xf32>
              %parallel_loop3A_1298 = arith.index_cast %parallel_loop3A_1292 : i32 to index
              %parallel_loop3A_1299 = arith.constant 0 : index
              %parallel_loop3A_1300 = tpu.vector_load %arg15[%parallel_loop3A_1298, %parallel_loop3A_1299] {strides = array<i32>} : memref<128x64xf32, #tpu.memory_space<vmem>>, vector<16xf32>,
              tpu.vector_store %arg15[%parallel_loop3A_1298, %parallel_loop3A_1299], %parallel_loop3A_1297 {strides = array<i32>} : memref<128x64xf32, #tpu.memory_space<vmem>>, vector<16xf32>,
              %parallel_loop3A_1301 = arith.index_cast %parallel_loop3A_1292 : i32 to index
              %parallel_loop3A_1302 = arith.constant 16 : index
              %parallel_loop3A_1303 = tpu.vector_load %arg15[%parallel_loop3A_1301, %parallel_loop3A_1302] {strides = array<i32>} : memref<128x64xf32, #tpu.memory_space<vmem>>, vector<16xf32>,
              %parallel_loop3A_1304 = vector.broadcast %parallel_loop3A_1288 : f32 to vector<16xf32>
              %parallel_loop3A_1305 = arith.mulf %parallel_loop3A_1303, %parallel_loop3A_1304 : vector<16xf32>
              %parallel_loop3A_1306 = arith.index_cast %parallel_loop3A_1292 : i32 to index
              %parallel_loop3A_1307 = arith.constant 16 : index
              %parallel_loop3A_1308 = tpu.vector_load %arg15[%parallel_loop3A_1306, %parallel_loop3A_1307] {strides = array<i32>} : memref<128x64xf32, #tpu.memory_space<vmem>>, vector<16xf32>,
              tpu.vector_store %arg15[%parallel_loop3A_1306, %parallel_loop3A_1307], %parallel_loop3A_1305 {strides = array<i32>} : memref<128x64xf32, #tpu.memory_space<vmem>>, vector<16xf32>,
              %parallel_loop3A_1309 = arith.index_cast %parallel_loop3A_1292 : i32 to index
              %parallel_loop3A_1310 = arith.constant 32 : index
              %parallel_loop3A_1311 = tpu.vector_load %arg15[%parallel_loop3A_1309, %parallel_loop3A_1310] {strides = array<i32>} : memref<128x64xf32, #tpu.memory_space<vmem>>, vector<16xf32>,
              %parallel_loop3A_1312 = vector.broadcast %parallel_loop3A_1288 : f32 to vector<16xf32>
              %parallel_loop3A_1313 = arith.mulf %parallel_loop3A_1311, %parallel_loop3A_1312 : vector<16xf32>
              %parallel_loop3A_1314 = arith.index_cast %parallel_loop3A_1292 : i32 to index
              %parallel_loop3A_1315 = arith.constant 32 : index
              %parallel_loop3A_1316 = tpu.vector_load %arg15[%parallel_loop3A_1314, %parallel_loop3A_1315] {strides = array<i32>} : memref<128x64xf32, #tpu.memory_space<vmem>>, vector<16xf32>,
              tpu.vector_store %arg15[%parallel_loop3A_1314, %parallel_loop3A_1315], %parallel_loop3A_1313 {strides = array<i32>} : memref<128x64xf32, #tpu.memory_space<vmem>>, vector<16xf32>,
              %parallel_loop3A_1317 = arith.index_cast %parallel_loop3A_1292 : i32 to index
              %parallel_loop3A_1318 = arith.constant 48 : index
              %parallel_loop3A_1319 = tpu.vector_load %arg15[%parallel_loop3A_1317, %parallel_loop3A_1318] {strides = array<i32>} : memref<128x64xf32, #tpu.memory_space<vmem>>, vector<16xf32>,
              %parallel_loop3A_1320 = vector.broadcast %parallel_loop3A_1288 : f32 to vector<16xf32>
              %parallel_loop3A_1321 = arith.mulf %parallel_loop3A_1319, %parallel_loop3A_1320 : vector<16xf32>
              %parallel_loop3A_1322 = arith.index_cast %parallel_loop3A_1292 : i32 to index
              %parallel_loop3A_1323 = arith.constant 48 : index
              %parallel_loop3A_1324 = tpu.vector_load %arg15[%parallel_loop3A_1322, %parallel_loop3A_1323] {strides = array<i32>} : memref<128x64xf32, #tpu.memory_space<vmem>>, vector<16xf32>,
              tpu.vector_store %arg15[%parallel_loop3A_1322, %parallel_loop3A_1323], %parallel_loop3A_1321 {strides = array<i32>} : memref<128x64xf32, #tpu.memory_space<vmem>>, vector<16xf32>,
              %parallel_loop3A_1325 = vector.extract_strided_slice %parallel_loop3A_792 {offsets = [14], sizes = [1], strides = [1]} : vector<16xf32> to vector<1xf32>
              %parallel_loop3A_1326 = vector.extract %parallel_loop3A_1325[0] : f32 from vector<1xf32>
              %parallel_loop3A_1327 = arith.constant 16 : i32
              %parallel_loop3A_1328 = arith.muli %parallel_loop3A_787, %parallel_loop3A_1327 : i32
              %parallel_loop3A_1329 = arith.constant 14 : i32
              %parallel_loop3A_1330 = arith.addi %parallel_loop3A_1328, %parallel_loop3A_1329 : i32
              %parallel_loop3A_1331 = arith.index_cast %parallel_loop3A_1330 : i32 to index
              %parallel_loop3A_1332 = arith.constant 0 : index
              %parallel_loop3A_1333 = tpu.vector_load %arg15[%parallel_loop3A_1331, %parallel_loop3A_1332] {strides = array<i32>} : memref<128x64xf32, #tpu.memory_space<vmem>>, vector<16xf32>,
              %parallel_loop3A_1334 = vector.broadcast %parallel_loop3A_1326 : f32 to vector<16xf32>
              %parallel_loop3A_1335 = arith.mulf %parallel_loop3A_1333, %parallel_loop3A_1334 : vector<16xf32>
              %parallel_loop3A_1336 = arith.index_cast %parallel_loop3A_1330 : i32 to index
              %parallel_loop3A_1337 = arith.constant 0 : index
              %parallel_loop3A_1338 = tpu.vector_load %arg15[%parallel_loop3A_1336, %parallel_loop3A_1337] {strides = array<i32>} : memref<128x64xf32, #tpu.memory_space<vmem>>, vector<16xf32>,
              tpu.vector_store %arg15[%parallel_loop3A_1336, %parallel_loop3A_1337], %parallel_loop3A_1335 {strides = array<i32>} : memref<128x64xf32, #tpu.memory_space<vmem>>, vector<16xf32>,
              %parallel_loop3A_1339 = arith.index_cast %parallel_loop3A_1330 : i32 to index
              %parallel_loop3A_1340 = arith.constant 16 : index
              %parallel_loop3A_1341 = tpu.vector_load %arg15[%parallel_loop3A_1339, %parallel_loop3A_1340] {strides = array<i32>} : memref<128x64xf32, #tpu.memory_space<vmem>>, vector<16xf32>,
              %parallel_loop3A_1342 = vector.broadcast %parallel_loop3A_1326 : f32 to vector<16xf32>
              %parallel_loop3A_1343 = arith.mulf %parallel_loop3A_1341, %parallel_loop3A_1342 : vector<16xf32>
              %parallel_loop3A_1344 = arith.index_cast %parallel_loop3A_1330 : i32 to index
              %parallel_loop3A_1345 = arith.constant 16 : index
              %parallel_loop3A_1346 = tpu.vector_load %arg15[%parallel_loop3A_1344, %parallel_loop3A_1345] {strides = array<i32>} : memref<128x64xf32, #tpu.memory_space<vmem>>, vector<16xf32>,
              tpu.vector_store %arg15[%parallel_loop3A_1344, %parallel_loop3A_1345], %parallel_loop3A_1343 {strides = array<i32>} : memref<128x64xf32, #tpu.memory_space<vmem>>, vector<16xf32>,
              %parallel_loop3A_1347 = arith.index_cast %parallel_loop3A_1330 : i32 to index
              %parallel_loop3A_1348 = arith.constant 32 : index
              %parallel_loop3A_1349 = tpu.vector_load %arg15[%parallel_loop3A_1347, %parallel_loop3A_1348] {strides = array<i32>} : memref<128x64xf32, #tpu.memory_space<vmem>>, vector<16xf32>,
              %parallel_loop3A_1350 = vector.broadcast %parallel_loop3A_1326 : f32 to vector<16xf32>
              %parallel_loop3A_1351 = arith.mulf %parallel_loop3A_1349, %parallel_loop3A_1350 : vector<16xf32>
              %parallel_loop3A_1352 = arith.index_cast %parallel_loop3A_1330 : i32 to index
              %parallel_loop3A_1353 = arith.constant 32 : index
              %parallel_loop3A_1354 = tpu.vector_load %arg15[%parallel_loop3A_1352, %parallel_loop3A_1353] {strides = array<i32>} : memref<128x64xf32, #tpu.memory_space<vmem>>, vector<16xf32>,
              tpu.vector_store %arg15[%parallel_loop3A_1352, %parallel_loop3A_1353], %parallel_loop3A_1351 {strides = array<i32>} : memref<128x64xf32, #tpu.memory_space<vmem>>, vector<16xf32>,
              %parallel_loop3A_1355 = arith.index_cast %parallel_loop3A_1330 : i32 to index
              %parallel_loop3A_1356 = arith.constant 48 : index
              %parallel_loop3A_1357 = tpu.vector_load %arg15[%parallel_loop3A_1355, %parallel_loop3A_1356] {strides = array<i32>} : memref<128x64xf32, #tpu.memory_space<vmem>>, vector<16xf32>,
              %parallel_loop3A_1358 = vector.broadcast %parallel_loop3A_1326 : f32 to vector<16xf32>
              %parallel_loop3A_1359 = arith.mulf %parallel_loop3A_1357, %parallel_loop3A_1358 : vector<16xf32>
              %parallel_loop3A_1360 = arith.index_cast %parallel_loop3A_1330 : i32 to index
              %parallel_loop3A_1361 = arith.constant 48 : index
              %parallel_loop3A_1362 = tpu.vector_load %arg15[%parallel_loop3A_1360, %parallel_loop3A_1361] {strides = array<i32>} : memref<128x64xf32, #tpu.memory_space<vmem>>, vector<16xf32>,
              tpu.vector_store %arg15[%parallel_loop3A_1360, %parallel_loop3A_1361], %parallel_loop3A_1359 {strides = array<i32>} : memref<128x64xf32, #tpu.memory_space<vmem>>, vector<16xf32>,
              %parallel_loop3A_1363 = vector.extract_strided_slice %parallel_loop3A_792 {offsets = [15], sizes = [1], strides = [1]} : vector<16xf32> to vector<1xf32>
              %parallel_loop3A_1364 = vector.extract %parallel_loop3A_1363[0] : f32 from vector<1xf32>
              %parallel_loop3A_1365 = arith.constant 16 : i32
              %parallel_loop3A_1366 = arith.muli %parallel_loop3A_787, %parallel_loop3A_1365 : i32
              %parallel_loop3A_1367 = arith.constant 15 : i32
              %parallel_loop3A_1368 = arith.addi %parallel_loop3A_1366, %parallel_loop3A_1367 : i32
              %parallel_loop3A_1369 = arith.index_cast %parallel_loop3A_1368 : i32 to index
              %parallel_loop3A_1370 = arith.constant 0 : index
              %parallel_loop3A_1371 = tpu.vector_load %arg15[%parallel_loop3A_1369, %parallel_loop3A_1370] {strides = array<i32>} : memref<128x64xf32, #tpu.memory_space<vmem>>, vector<16xf32>,
              %parallel_loop3A_1372 = vector.broadcast %parallel_loop3A_1364 : f32 to vector<16xf32>
              %parallel_loop3A_1373 = arith.mulf %parallel_loop3A_1371, %parallel_loop3A_1372 : vector<16xf32>
              %parallel_loop3A_1374 = arith.index_cast %parallel_loop3A_1368 : i32 to index
              %parallel_loop3A_1375 = arith.constant 0 : index
              %parallel_loop3A_1376 = tpu.vector_load %arg15[%parallel_loop3A_1374, %parallel_loop3A_1375] {strides = array<i32>} : memref<128x64xf32, #tpu.memory_space<vmem>>, vector<16xf32>,
              tpu.vector_store %arg15[%parallel_loop3A_1374, %parallel_loop3A_1375], %parallel_loop3A_1373 {strides = array<i32>} : memref<128x64xf32, #tpu.memory_space<vmem>>, vector<16xf32>,
              %parallel_loop3A_1377 = arith.index_cast %parallel_loop3A_1368 : i32 to index
              %parallel_loop3A_1378 = arith.constant 16 : index
              %parallel_loop3A_1379 = tpu.vector_load %arg15[%parallel_loop3A_1377, %parallel_loop3A_1378] {strides = array<i32>} : memref<128x64xf32, #tpu.memory_space<vmem>>, vector<16xf32>,
              %parallel_loop3A_1380 = vector.broadcast %parallel_loop3A_1364 : f32 to vector<16xf32>
              %parallel_loop3A_1381 = arith.mulf %parallel_loop3A_1379, %parallel_loop3A_1380 : vector<16xf32>
              %parallel_loop3A_1382 = arith.index_cast %parallel_loop3A_1368 : i32 to index
              %parallel_loop3A_1383 = arith.constant 16 : index
              %parallel_loop3A_1384 = tpu.vector_load %arg15[%parallel_loop3A_1382, %parallel_loop3A_1383] {strides = array<i32>} : memref<128x64xf32, #tpu.memory_space<vmem>>, vector<16xf32>,
              tpu.vector_store %arg15[%parallel_loop3A_1382, %parallel_loop3A_1383], %parallel_loop3A_1381 {strides = array<i32>} : memref<128x64xf32, #tpu.memory_space<vmem>>, vector<16xf32>,
              %parallel_loop3A_1385 = arith.index_cast %parallel_loop3A_1368 : i32 to index
              %parallel_loop3A_1386 = arith.constant 32 : index
              %parallel_loop3A_1387 = tpu.vector_load %arg15[%parallel_loop3A_1385, %parallel_loop3A_1386] {strides = array<i32>} : memref<128x64xf32, #tpu.memory_space<vmem>>, vector<16xf32>,
              %parallel_loop3A_1388 = vector.broadcast %parallel_loop3A_1364 : f32 to vector<16xf32>
              %parallel_loop3A_1389 = arith.mulf %parallel_loop3A_1387, %parallel_loop3A_1388 : vector<16xf32>
              %parallel_loop3A_1390 = arith.index_cast %parallel_loop3A_1368 : i32 to index
              %parallel_loop3A_1391 = arith.constant 32 : index
              %parallel_loop3A_1392 = tpu.vector_load %arg15[%parallel_loop3A_1390, %parallel_loop3A_1391] {strides = array<i32>} : memref<128x64xf32, #tpu.memory_space<vmem>>, vector<16xf32>,
              tpu.vector_store %arg15[%parallel_loop3A_1390, %parallel_loop3A_1391], %parallel_loop3A_1389 {strides = array<i32>} : memref<128x64xf32, #tpu.memory_space<vmem>>, vector<16xf32>,
              %parallel_loop3A_1393 = arith.index_cast %parallel_loop3A_1368 : i32 to index
              %parallel_loop3A_1394 = arith.constant 48 : index
              %parallel_loop3A_1395 = tpu.vector_load %arg15[%parallel_loop3A_1393, %parallel_loop3A_1394] {strides = array<i32>} : memref<128x64xf32, #tpu.memory_space<vmem>>, vector<16xf32>,
              %parallel_loop3A_1396 = vector.broadcast %parallel_loop3A_1364 : f32 to vector<16xf32>
              %parallel_loop3A_1397 = arith.mulf %parallel_loop3A_1395, %parallel_loop3A_1396 : vector<16xf32>
              %parallel_loop3A_1398 = arith.index_cast %parallel_loop3A_1368 : i32 to index
              %parallel_loop3A_1399 = arith.constant 48 : index
              %parallel_loop3A_1400 = tpu.vector_load %arg15[%parallel_loop3A_1398, %parallel_loop3A_1399] {strides = array<i32>} : memref<128x64xf32, #tpu.memory_space<vmem>>, vector<16xf32>,
              tpu.vector_store %arg15[%parallel_loop3A_1398, %parallel_loop3A_1399], %parallel_loop3A_1397 {strides = array<i32>} : memref<128x64xf32, #tpu.memory_space<vmem>>, vector<16xf32>,
            } {sc.loop_unroll_factor = 4 : i64, sc.parallel_access}
            %dma_start3A_784 = arith.constant 0 : i32
            %dma_start3A_785 = arith.constant 0 : i32
            %dma_start3A_786 = tpu.memref_slice %arg18[%dma_start3A_784, %dma_start3A_785] : memref<16512x64xf32, #tpu.memory_space<vmem_shared>> -> memref<16512x64xf32, #tpu.memory_space<vmem_shared>>
            tpu.enqueue_indirect_dma source(%arg15 : memref<128x64xf32, #tpu.memory_space<vmem>>) target(%dma_start3A_786 : memref<16512x64xf32, #tpu.memory_space<vmem_shared>>) offsets(%arg13 : memref<128xi32, #tpu.memory_space<vmem>>) semaphore(%arg21 : memref<!tpu.dma_semaphore, #tpu.memory_space<semaphore_mem>>) {add = true}
          } else {
          }
          %not3A = arith.constant true
          %not3A_763 = arith.xori %eq3A_759, %not3A : i1
          %convert_element_type3A_764 = arith.extui %not3A_763 : i1 to i32
          %cond3A_765 = arith.constant 0 : i32
          %cond3A_766 = arith.cmpi ne, %convert_element_type3A_764, %cond3A_765 : i32
          scf.if %cond3A_766 {
            %mul3A_767 = arith.constant 128 : i32
            %mul3A_768 = arith.muli %while3A_741, %mul3A_767 : i32
            %dma_wait3A_769 = tpu.memref_slice %arg10[%mul3A_768] : memref<4224xi32, #tpu.memory_space<vmem>> -> memref<128xi32, #tpu.memory_space<vmem>>
            %dma_wait3A_770 = arith.constant 0 : i32
            %dma_wait3A_771 = arith.constant 0 : i32
            %dma_wait3A_772 = tpu.memref_slice %arg5[%dma_wait3A_770, %dma_wait3A_771] : memref<65536x64xf32, #tpu.memory_space<hbm>> -> memref<65536x64xf32, #tpu.memory_space<hbm>>
            tpu.wait_indirect_dma semaphore(%arg20 : memref<!tpu.dma_semaphore, #tpu.memory_space<semaphore_mem>>) src(%dma_wait3A_772 : memref<65536x64xf32, #tpu.memory_space<hbm>>) dst(%arg16 : memref<128x64xf32, #tpu.memory_space<vmem>>)
            %add3A_773 = arith.constant 1 : i32
            %add3A_774 = arith.addi %while3A_741, %add3A_773 : i32
            %lt3A_775 = arith.cmpi slt, %add3A_774, %select_n3A : i32
            %convert_element_type3A_776 = arith.extui %lt3A_775 : i1 to i32
            %cond3A_777 = arith.constant 0 : i32
            %cond3A_778 = arith.cmpi ne, %convert_element_type3A_776, %cond3A_777 : i32
            scf.if %cond3A_778 {
              %ge3A_787 = arith.constant 1 : i32
              %ge3A_788 = arith.cmpi sge, %while3A_741, %ge3A_787 : i32
              %convert_element_type3A_789 = arith.extui %ge3A_788 : i1 to i32
              %cond3A_790 = arith.constant 0 : i32
              %cond3A_791 = arith.cmpi ne, %convert_element_type3A_789, %cond3A_790 : i32
              scf.if %cond3A_791 {
                %dma_wait3A_851 = arith.constant 0 : i32
                %dma_wait3A_852 = arith.constant 0 : i32
                %dma_wait3A_853 = tpu.memref_slice %arg18[%dma_wait3A_851, %dma_wait3A_852] : memref<16512x64xf32, #tpu.memory_space<vmem_shared>> -> memref<16512x64xf32, #tpu.memory_space<vmem_shared>>
                tpu.wait_indirect_dma semaphore(%arg21 : memref<!tpu.dma_semaphore, #tpu.memory_space<semaphore_mem>>) src(%arg15 : memref<128x64xf32, #tpu.memory_space<vmem>>) dst(%dma_wait3A_853 : memref<16512x64xf32, #tpu.memory_space<vmem_shared>>)
              } else {
              }
              %add3A_792 = arith.constant 1 : i32
              %add3A_793 = arith.addi %while3A_741, %add3A_792 : i32
              %mul3A_794 = arith.constant 128 : i32
              %mul3A_795 = arith.muli %add3A_793, %mul3A_794 : i32
              %add3A_796 = arith.constant 0 : i32
              %add3A_797 = arith.addi %mul3A_795, %add3A_796 : i32
              %get3A = arith.index_cast %add3A_797 : i32 to index
              %get3A_798 = tpu.vector_load %arg11[%get3A] {strides = array<i32>} : memref<4224xi32, #tpu.memory_space<vmem>>, vector<16xi32>,
              %swap3A_799 = arith.constant 0 : index
              %swap3A_800 = tpu.vector_load %arg13[%swap3A_799] {strides = array<i32>} : memref<128xi32, #tpu.memory_space<vmem>>, vector<16xi32>,
              tpu.vector_store %arg13[%swap3A_799], %get3A_798 {strides = array<i32>} : memref<128xi32, #tpu.memory_space<vmem>>, vector<16xi32>,
              %add3A_801 = arith.constant 16 : i32
              %add3A_802 = arith.addi %mul3A_795, %add3A_801 : i32
              %get3A_803 = arith.index_cast %add3A_802 : i32 to index
              %get3A_804 = tpu.vector_load %arg11[%get3A_803] {strides = array<i32>} : memref<4224xi32, #tpu.memory_space<vmem>>, vector<16xi32>,
              %swap3A_805 = arith.constant 16 : index
              %swap3A_806 = tpu.vector_load %arg13[%swap3A_805] {strides = array<i32>} : memref<128xi32, #tpu.memory_space<vmem>>, vector<16xi32>,
              tpu.vector_store %arg13[%swap3A_805], %get3A_804 {strides = array<i32>} : memref<128xi32, #tpu.memory_space<vmem>>, vector<16xi32>,
              %add3A_807 = arith.constant 32 : i32
              %add3A_808 = arith.addi %mul3A_795, %add3A_807 : i32
              %get3A_809 = arith.index_cast %add3A_808 : i32 to index
              %get3A_810 = tpu.vector_load %arg11[%get3A_809] {strides = array<i32>} : memref<4224xi32, #tpu.memory_space<vmem>>, vector<16xi32>,
              %swap3A_811 = arith.constant 32 : index
              %swap3A_812 = tpu.vector_load %arg13[%swap3A_811] {strides = array<i32>} : memref<128xi32, #tpu.memory_space<vmem>>, vector<16xi32>,
              tpu.vector_store %arg13[%swap3A_811], %get3A_810 {strides = array<i32>} : memref<128xi32, #tpu.memory_space<vmem>>, vector<16xi32>,
              %add3A_813 = arith.constant 48 : i32
              %add3A_814 = arith.addi %mul3A_795, %add3A_813 : i32
              %get3A_815 = arith.index_cast %add3A_814 : i32 to index
              %get3A_816 = tpu.vector_load %arg11[%get3A_815] {strides = array<i32>} : memref<4224xi32, #tpu.memory_space<vmem>>, vector<16xi32>,
              %swap3A_817 = arith.constant 48 : index
              %swap3A_818 = tpu.vector_load %arg13[%swap3A_817] {strides = array<i32>} : memref<128xi32, #tpu.memory_space<vmem>>, vector<16xi32>,
              tpu.vector_store %arg13[%swap3A_817], %get3A_816 {strides = array<i32>} : memref<128xi32, #tpu.memory_space<vmem>>, vector<16xi32>,
              %add3A_819 = arith.constant 64 : i32
              %add3A_820 = arith.addi %mul3A_795, %add3A_819 : i32
              %get3A_821 = arith.index_cast %add3A_820 : i32 to index
              %get3A_822 = tpu.vector_load %arg11[%get3A_821] {strides = array<i32>} : memref<4224xi32, #tpu.memory_space<vmem>>, vector<16xi32>,
              %swap3A_823 = arith.constant 64 : index
              %swap3A_824 = tpu.vector_load %arg13[%swap3A_823] {strides = array<i32>} : memref<128xi32, #tpu.memory_space<vmem>>, vector<16xi32>,
              tpu.vector_store %arg13[%swap3A_823], %get3A_822 {strides = array<i32>} : memref<128xi32, #tpu.memory_space<vmem>>, vector<16xi32>,
              %add3A_825 = arith.constant 80 : i32
              %add3A_826 = arith.addi %mul3A_795, %add3A_825 : i32
              %get3A_827 = arith.index_cast %add3A_826 : i32 to index
              %get3A_828 = tpu.vector_load %arg11[%get3A_827] {strides = array<i32>} : memref<4224xi32, #tpu.memory_space<vmem>>, vector<16xi32>,
              %swap3A_829 = arith.constant 80 : index
              %swap3A_830 = tpu.vector_load %arg13[%swap3A_829] {strides = array<i32>} : memref<128xi32, #tpu.memory_space<vmem>>, vector<16xi32>,
              tpu.vector_store %arg13[%swap3A_829], %get3A_828 {strides = array<i32>} : memref<128xi32, #tpu.memory_space<vmem>>, vector<16xi32>,
              %add3A_831 = arith.constant 96 : i32
              %add3A_832 = arith.addi %mul3A_795, %add3A_831 : i32
              %get3A_833 = arith.index_cast %add3A_832 : i32 to index
              %get3A_834 = tpu.vector_load %arg11[%get3A_833] {strides = array<i32>} : memref<4224xi32, #tpu.memory_space<vmem>>, vector<16xi32>,
              %swap3A_835 = arith.constant 96 : index
              %swap3A_836 = tpu.vector_load %arg13[%swap3A_835] {strides = array<i32>} : memref<128xi32, #tpu.memory_space<vmem>>, vector<16xi32>,
              tpu.vector_store %arg13[%swap3A_835], %get3A_834 {strides = array<i32>} : memref<128xi32, #tpu.memory_space<vmem>>, vector<16xi32>,
              %add3A_837 = arith.constant 112 : i32
              %add3A_838 = arith.addi %mul3A_795, %add3A_837 : i32
              %get3A_839 = arith.index_cast %add3A_838 : i32 to index
              %get3A_840 = tpu.vector_load %arg11[%get3A_839] {strides = array<i32>} : memref<4224xi32, #tpu.memory_space<vmem>>, vector<16xi32>,
              %swap3A_841 = arith.constant 112 : index
              %swap3A_842 = tpu.vector_load %arg13[%swap3A_841] {strides = array<i32>} : memref<128xi32, #tpu.memory_space<vmem>>, vector<16xi32>,
              tpu.vector_store %arg13[%swap3A_841], %get3A_840 {strides = array<i32>} : memref<128xi32, #tpu.memory_space<vmem>>, vector<16xi32>,
              %add3A_843 = arith.constant 1 : i32
              %add3A_844 = arith.addi %while3A_741, %add3A_843 : i32
              %mul3A_845 = arith.constant 128 : i32
              %mul3A_846 = arith.muli %add3A_844, %mul3A_845 : i32
              %dma_start3A_847 = tpu.memref_slice %arg10[%mul3A_846] : memref<4224xi32, #tpu.memory_space<vmem>> -> memref<128xi32, #tpu.memory_space<vmem>>
              %dma_start3A_848 = arith.constant 0 : i32
              %dma_start3A_849 = arith.constant 0 : i32
              %dma_start3A_850 = tpu.memref_slice %arg5[%dma_start3A_848, %dma_start3A_849] : memref<65536x64xf32, #tpu.memory_space<hbm>> -> memref<65536x64xf32, #tpu.memory_space<hbm>>
              tpu.enqueue_indirect_dma source(%dma_start3A_850 : memref<65536x64xf32, #tpu.memory_space<hbm>>) target(%arg15 : memref<128x64xf32, #tpu.memory_space<vmem>>) offsets(%dma_start3A_847 : memref<128xi32, #tpu.memory_space<vmem>>) semaphore(%arg19 : memref<!tpu.dma_semaphore, #tpu.memory_space<semaphore_mem>>)
            } else {
            }
            %mul3A_779 = arith.constant 128 : i32
            %mul3A_780 = arith.muli %while3A_741, %mul3A_779 : i32
            %parallel_loop3A_781 = arith.constant 0 : i32
            %parallel_loop3A_782 = arith.constant 8 : i32
            %parallel_loop3A_783 = arith.constant 1 : i32
            scf.for %parallel_loop3A_787 = %parallel_loop3A_781 to %parallel_loop3A_782 step %parallel_loop3A_783  : i32 {
              %parallel_loop3A_788 = arith.constant 16 : i32
              %parallel_loop3A_789 = arith.muli %parallel_loop3A_787, %parallel_loop3A_788 : i32
              %parallel_loop3A_790 = arith.addi %mul3A_780, %parallel_loop3A_789 : i32
              %parallel_loop3A_791 = arith.index_cast %parallel_loop3A_790 : i32 to index
              %parallel_loop3A_792 = tpu.vector_load %arg12[%parallel_loop3A_791] {strides = array<i32>} : memref<4224xf32, #tpu.memory_space<vmem>>, vector<16xf32>,
              %parallel_loop3A_793 = vector.extract_strided_slice %parallel_loop3A_792 {offsets = [0], sizes = [1], strides = [1]} : vector<16xf32> to vector<1xf32>
              %parallel_loop3A_794 = vector.extract %parallel_loop3A_793[0] : f32 from vector<1xf32>
              %parallel_loop3A_795 = arith.constant 16 : i32
              %parallel_loop3A_796 = arith.muli %parallel_loop3A_787, %parallel_loop3A_795 : i32
              %parallel_loop3A_797 = arith.constant 0 : i32
              %parallel_loop3A_798 = arith.addi %parallel_loop3A_796, %parallel_loop3A_797 : i32
              %parallel_loop3A_799 = arith.index_cast %parallel_loop3A_798 : i32 to index
              %parallel_loop3A_800 = arith.constant 0 : index
              %parallel_loop3A_801 = tpu.vector_load %arg16[%parallel_loop3A_799, %parallel_loop3A_800] {strides = array<i32>} : memref<128x64xf32, #tpu.memory_space<vmem>>, vector<16xf32>,
              %parallel_loop3A_802 = vector.broadcast %parallel_loop3A_794 : f32 to vector<16xf32>
              %parallel_loop3A_803 = arith.mulf %parallel_loop3A_801, %parallel_loop3A_802 : vector<16xf32>
              %parallel_loop3A_804 = arith.index_cast %parallel_loop3A_798 : i32 to index
              %parallel_loop3A_805 = arith.constant 0 : index
              %parallel_loop3A_806 = tpu.vector_load %arg16[%parallel_loop3A_804, %parallel_loop3A_805] {strides = array<i32>} : memref<128x64xf32, #tpu.memory_space<vmem>>, vector<16xf32>,
              tpu.vector_store %arg16[%parallel_loop3A_804, %parallel_loop3A_805], %parallel_loop3A_803 {strides = array<i32>} : memref<128x64xf32, #tpu.memory_space<vmem>>, vector<16xf32>,
              %parallel_loop3A_807 = arith.index_cast %parallel_loop3A_798 : i32 to index
              %parallel_loop3A_808 = arith.constant 16 : index
              %parallel_loop3A_809 = tpu.vector_load %arg16[%parallel_loop3A_807, %parallel_loop3A_808] {strides = array<i32>} : memref<128x64xf32, #tpu.memory_space<vmem>>, vector<16xf32>,
              %parallel_loop3A_810 = vector.broadcast %parallel_loop3A_794 : f32 to vector<16xf32>
              %parallel_loop3A_811 = arith.mulf %parallel_loop3A_809, %parallel_loop3A_810 : vector<16xf32>
              %parallel_loop3A_812 = arith.index_cast %parallel_loop3A_798 : i32 to index
              %parallel_loop3A_813 = arith.constant 16 : index
              %parallel_loop3A_814 = tpu.vector_load %arg16[%parallel_loop3A_812, %parallel_loop3A_813] {strides = array<i32>} : memref<128x64xf32, #tpu.memory_space<vmem>>, vector<16xf32>,
              tpu.vector_store %arg16[%parallel_loop3A_812, %parallel_loop3A_813], %parallel_loop3A_811 {strides = array<i32>} : memref<128x64xf32, #tpu.memory_space<vmem>>, vector<16xf32>,
              %parallel_loop3A_815 = arith.index_cast %parallel_loop3A_798 : i32 to index
              %parallel_loop3A_816 = arith.constant 32 : index
              %parallel_loop3A_817 = tpu.vector_load %arg16[%parallel_loop3A_815, %parallel_loop3A_816] {strides = array<i32>} : memref<128x64xf32, #tpu.memory_space<vmem>>, vector<16xf32>,
              %parallel_loop3A_818 = vector.broadcast %parallel_loop3A_794 : f32 to vector<16xf32>
              %parallel_loop3A_819 = arith.mulf %parallel_loop3A_817, %parallel_loop3A_818 : vector<16xf32>
              %parallel_loop3A_820 = arith.index_cast %parallel_loop3A_798 : i32 to index
              %parallel_loop3A_821 = arith.constant 32 : index
              %parallel_loop3A_822 = tpu.vector_load %arg16[%parallel_loop3A_820, %parallel_loop3A_821] {strides = array<i32>} : memref<128x64xf32, #tpu.memory_space<vmem>>, vector<16xf32>,
              tpu.vector_store %arg16[%parallel_loop3A_820, %parallel_loop3A_821], %parallel_loop3A_819 {strides = array<i32>} : memref<128x64xf32, #tpu.memory_space<vmem>>, vector<16xf32>,
              %parallel_loop3A_823 = arith.index_cast %parallel_loop3A_798 : i32 to index
              %parallel_loop3A_824 = arith.constant 48 : index
              %parallel_loop3A_825 = tpu.vector_load %arg16[%parallel_loop3A_823, %parallel_loop3A_824] {strides = array<i32>} : memref<128x64xf32, #tpu.memory_space<vmem>>, vector<16xf32>,
              %parallel_loop3A_826 = vector.broadcast %parallel_loop3A_794 : f32 to vector<16xf32>
              %parallel_loop3A_827 = arith.mulf %parallel_loop3A_825, %parallel_loop3A_826 : vector<16xf32>
              %parallel_loop3A_828 = arith.index_cast %parallel_loop3A_798 : i32 to index
              %parallel_loop3A_829 = arith.constant 48 : index
              %parallel_loop3A_830 = tpu.vector_load %arg16[%parallel_loop3A_828, %parallel_loop3A_829] {strides = array<i32>} : memref<128x64xf32, #tpu.memory_space<vmem>>, vector<16xf32>,
              tpu.vector_store %arg16[%parallel_loop3A_828, %parallel_loop3A_829], %parallel_loop3A_827 {strides = array<i32>} : memref<128x64xf32, #tpu.memory_space<vmem>>, vector<16xf32>,
              %parallel_loop3A_831 = vector.extract_strided_slice %parallel_loop3A_792 {offsets = [1], sizes = [1], strides = [1]} : vector<16xf32> to vector<1xf32>
              %parallel_loop3A_832 = vector.extract %parallel_loop3A_831[0] : f32 from vector<1xf32>
              %parallel_loop3A_833 = arith.constant 16 : i32
              %parallel_loop3A_834 = arith.muli %parallel_loop3A_787, %parallel_loop3A_833 : i32
              %parallel_loop3A_835 = arith.constant 1 : i32
              %parallel_loop3A_836 = arith.addi %parallel_loop3A_834, %parallel_loop3A_835 : i32
              %parallel_loop3A_837 = arith.index_cast %parallel_loop3A_836 : i32 to index
              %parallel_loop3A_838 = arith.constant 0 : index
              %parallel_loop3A_839 = tpu.vector_load %arg16[%parallel_loop3A_837, %parallel_loop3A_838] {strides = array<i32>} : memref<128x64xf32, #tpu.memory_space<vmem>>, vector<16xf32>,
              %parallel_loop3A_840 = vector.broadcast %parallel_loop3A_832 : f32 to vector<16xf32>
              %parallel_loop3A_841 = arith.mulf %parallel_loop3A_839, %parallel_loop3A_840 : vector<16xf32>
              %parallel_loop3A_842 = arith.index_cast %parallel_loop3A_836 : i32 to index
              %parallel_loop3A_843 = arith.constant 0 : index
              %parallel_loop3A_844 = tpu.vector_load %arg16[%parallel_loop3A_842, %parallel_loop3A_843] {strides = array<i32>} : memref<128x64xf32, #tpu.memory_space<vmem>>, vector<16xf32>,
              tpu.vector_store %arg16[%parallel_loop3A_842, %parallel_loop3A_843], %parallel_loop3A_841 {strides = array<i32>} : memref<128x64xf32, #tpu.memory_space<vmem>>, vector<16xf32>,
              %parallel_loop3A_845 = arith.index_cast %parallel_loop3A_836 : i32 to index
              %parallel_loop3A_846 = arith.constant 16 : index
              %parallel_loop3A_847 = tpu.vector_load %arg16[%parallel_loop3A_845, %parallel_loop3A_846] {strides = array<i32>} : memref<128x64xf32, #tpu.memory_space<vmem>>, vector<16xf32>,
              %parallel_loop3A_848 = vector.broadcast %parallel_loop3A_832 : f32 to vector<16xf32>
              %parallel_loop3A_849 = arith.mulf %parallel_loop3A_847, %parallel_loop3A_848 : vector<16xf32>
              %parallel_loop3A_850 = arith.index_cast %parallel_loop3A_836 : i32 to index
              %parallel_loop3A_851 = arith.constant 16 : index
              %parallel_loop3A_852 = tpu.vector_load %arg16[%parallel_loop3A_850, %parallel_loop3A_851] {strides = array<i32>} : memref<128x64xf32, #tpu.memory_space<vmem>>, vector<16xf32>,
              tpu.vector_store %arg16[%parallel_loop3A_850, %parallel_loop3A_851], %parallel_loop3A_849 {strides = array<i32>} : memref<128x64xf32, #tpu.memory_space<vmem>>, vector<16xf32>,
              %parallel_loop3A_853 = arith.index_cast %parallel_loop3A_836 : i32 to index
              %parallel_loop3A_854 = arith.constant 32 : index
              %parallel_loop3A_855 = tpu.vector_load %arg16[%parallel_loop3A_853, %parallel_loop3A_854] {strides = array<i32>} : memref<128x64xf32, #tpu.memory_space<vmem>>, vector<16xf32>,
              %parallel_loop3A_856 = vector.broadcast %parallel_loop3A_832 : f32 to vector<16xf32>
              %parallel_loop3A_857 = arith.mulf %parallel_loop3A_855, %parallel_loop3A_856 : vector<16xf32>
              %parallel_loop3A_858 = arith.index_cast %parallel_loop3A_836 : i32 to index
              %parallel_loop3A_859 = arith.constant 32 : index
              %parallel_loop3A_860 = tpu.vector_load %arg16[%parallel_loop3A_858, %parallel_loop3A_859] {strides = array<i32>} : memref<128x64xf32, #tpu.memory_space<vmem>>, vector<16xf32>,
              tpu.vector_store %arg16[%parallel_loop3A_858, %parallel_loop3A_859], %parallel_loop3A_857 {strides = array<i32>} : memref<128x64xf32, #tpu.memory_space<vmem>>, vector<16xf32>,
              %parallel_loop3A_861 = arith.index_cast %parallel_loop3A_836 : i32 to index
              %parallel_loop3A_862 = arith.constant 48 : index
              %parallel_loop3A_863 = tpu.vector_load %arg16[%parallel_loop3A_861, %parallel_loop3A_862] {strides = array<i32>} : memref<128x64xf32, #tpu.memory_space<vmem>>, vector<16xf32>,
              %parallel_loop3A_864 = vector.broadcast %parallel_loop3A_832 : f32 to vector<16xf32>
              %parallel_loop3A_865 = arith.mulf %parallel_loop3A_863, %parallel_loop3A_864 : vector<16xf32>
              %parallel_loop3A_866 = arith.index_cast %parallel_loop3A_836 : i32 to index
              %parallel_loop3A_867 = arith.constant 48 : index
              %parallel_loop3A_868 = tpu.vector_load %arg16[%parallel_loop3A_866, %parallel_loop3A_867] {strides = array<i32>} : memref<128x64xf32, #tpu.memory_space<vmem>>, vector<16xf32>,
              tpu.vector_store %arg16[%parallel_loop3A_866, %parallel_loop3A_867], %parallel_loop3A_865 {strides = array<i32>} : memref<128x64xf32, #tpu.memory_space<vmem>>, vector<16xf32>,
              %parallel_loop3A_869 = vector.extract_strided_slice %parallel_loop3A_792 {offsets = [2], sizes = [1], strides = [1]} : vector<16xf32> to vector<1xf32>
              %parallel_loop3A_870 = vector.extract %parallel_loop3A_869[0] : f32 from vector<1xf32>
              %parallel_loop3A_871 = arith.constant 16 : i32
              %parallel_loop3A_872 = arith.muli %parallel_loop3A_787, %parallel_loop3A_871 : i32
              %parallel_loop3A_873 = arith.constant 2 : i32
              %parallel_loop3A_874 = arith.addi %parallel_loop3A_872, %parallel_loop3A_873 : i32
              %parallel_loop3A_875 = arith.index_cast %parallel_loop3A_874 : i32 to index
              %parallel_loop3A_876 = arith.constant 0 : index
              %parallel_loop3A_877 = tpu.vector_load %arg16[%parallel_loop3A_875, %parallel_loop3A_876] {strides = array<i32>} : memref<128x64xf32, #tpu.memory_space<vmem>>, vector<16xf32>,
              %parallel_loop3A_878 = vector.broadcast %parallel_loop3A_870 : f32 to vector<16xf32>
              %parallel_loop3A_879 = arith.mulf %parallel_loop3A_877, %parallel_loop3A_878 : vector<16xf32>
              %parallel_loop3A_880 = arith.index_cast %parallel_loop3A_874 : i32 to index
              %parallel_loop3A_881 = arith.constant 0 : index
              %parallel_loop3A_882 = tpu.vector_load %arg16[%parallel_loop3A_880, %parallel_loop3A_881] {strides = array<i32>} : memref<128x64xf32, #tpu.memory_space<vmem>>, vector<16xf32>,
              tpu.vector_store %arg16[%parallel_loop3A_880, %parallel_loop3A_881], %parallel_loop3A_879 {strides = array<i32>} : memref<128x64xf32, #tpu.memory_space<vmem>>, vector<16xf32>,
              %parallel_loop3A_883 = arith.index_cast %parallel_loop3A_874 : i32 to index
              %parallel_loop3A_884 = arith.constant 16 : index
              %parallel_loop3A_885 = tpu.vector_load %arg16[%parallel_loop3A_883, %parallel_loop3A_884] {strides = array<i32>} : memref<128x64xf32, #tpu.memory_space<vmem>>, vector<16xf32>,
              %parallel_loop3A_886 = vector.broadcast %parallel_loop3A_870 : f32 to vector<16xf32>
              %parallel_loop3A_887 = arith.mulf %parallel_loop3A_885, %parallel_loop3A_886 : vector<16xf32>
              %parallel_loop3A_888 = arith.index_cast %parallel_loop3A_874 : i32 to index
              %parallel_loop3A_889 = arith.constant 16 : index
              %parallel_loop3A_890 = tpu.vector_load %arg16[%parallel_loop3A_888, %parallel_loop3A_889] {strides = array<i32>} : memref<128x64xf32, #tpu.memory_space<vmem>>, vector<16xf32>,
              tpu.vector_store %arg16[%parallel_loop3A_888, %parallel_loop3A_889], %parallel_loop3A_887 {strides = array<i32>} : memref<128x64xf32, #tpu.memory_space<vmem>>, vector<16xf32>,
              %parallel_loop3A_891 = arith.index_cast %parallel_loop3A_874 : i32 to index
              %parallel_loop3A_892 = arith.constant 32 : index
              %parallel_loop3A_893 = tpu.vector_load %arg16[%parallel_loop3A_891, %parallel_loop3A_892] {strides = array<i32>} : memref<128x64xf32, #tpu.memory_space<vmem>>, vector<16xf32>,
              %parallel_loop3A_894 = vector.broadcast %parallel_loop3A_870 : f32 to vector<16xf32>
              %parallel_loop3A_895 = arith.mulf %parallel_loop3A_893, %parallel_loop3A_894 : vector<16xf32>
              %parallel_loop3A_896 = arith.index_cast %parallel_loop3A_874 : i32 to index
              %parallel_loop3A_897 = arith.constant 32 : index
              %parallel_loop3A_898 = tpu.vector_load %arg16[%parallel_loop3A_896, %parallel_loop3A_897] {strides = array<i32>} : memref<128x64xf32, #tpu.memory_space<vmem>>, vector<16xf32>,
              tpu.vector_store %arg16[%parallel_loop3A_896, %parallel_loop3A_897], %parallel_loop3A_895 {strides = array<i32>} : memref<128x64xf32, #tpu.memory_space<vmem>>, vector<16xf32>,
              %parallel_loop3A_899 = arith.index_cast %parallel_loop3A_874 : i32 to index
              %parallel_loop3A_900 = arith.constant 48 : index
              %parallel_loop3A_901 = tpu.vector_load %arg16[%parallel_loop3A_899, %parallel_loop3A_900] {strides = array<i32>} : memref<128x64xf32, #tpu.memory_space<vmem>>, vector<16xf32>,
              %parallel_loop3A_902 = vector.broadcast %parallel_loop3A_870 : f32 to vector<16xf32>
              %parallel_loop3A_903 = arith.mulf %parallel_loop3A_901, %parallel_loop3A_902 : vector<16xf32>
              %parallel_loop3A_904 = arith.index_cast %parallel_loop3A_874 : i32 to index
              %parallel_loop3A_905 = arith.constant 48 : index
              %parallel_loop3A_906 = tpu.vector_load %arg16[%parallel_loop3A_904, %parallel_loop3A_905] {strides = array<i32>} : memref<128x64xf32, #tpu.memory_space<vmem>>, vector<16xf32>,
              tpu.vector_store %arg16[%parallel_loop3A_904, %parallel_loop3A_905], %parallel_loop3A_903 {strides = array<i32>} : memref<128x64xf32, #tpu.memory_space<vmem>>, vector<16xf32>,
              %parallel_loop3A_907 = vector.extract_strided_slice %parallel_loop3A_792 {offsets = [3], sizes = [1], strides = [1]} : vector<16xf32> to vector<1xf32>
              %parallel_loop3A_908 = vector.extract %parallel_loop3A_907[0] : f32 from vector<1xf32>
              %parallel_loop3A_909 = arith.constant 16 : i32
              %parallel_loop3A_910 = arith.muli %parallel_loop3A_787, %parallel_loop3A_909 : i32
              %parallel_loop3A_911 = arith.constant 3 : i32
              %parallel_loop3A_912 = arith.addi %parallel_loop3A_910, %parallel_loop3A_911 : i32
              %parallel_loop3A_913 = arith.index_cast %parallel_loop3A_912 : i32 to index
              %parallel_loop3A_914 = arith.constant 0 : index
              %parallel_loop3A_915 = tpu.vector_load %arg16[%parallel_loop3A_913, %parallel_loop3A_914] {strides = array<i32>} : memref<128x64xf32, #tpu.memory_space<vmem>>, vector<16xf32>,
              %parallel_loop3A_916 = vector.broadcast %parallel_loop3A_908 : f32 to vector<16xf32>
              %parallel_loop3A_917 = arith.mulf %parallel_loop3A_915, %parallel_loop3A_916 : vector<16xf32>
              %parallel_loop3A_918 = arith.index_cast %parallel_loop3A_912 : i32 to index
              %parallel_loop3A_919 = arith.constant 0 : index
              %parallel_loop3A_920 = tpu.vector_load %arg16[%parallel_loop3A_918, %parallel_loop3A_919] {strides = array<i32>} : memref<128x64xf32, #tpu.memory_space<vmem>>, vector<16xf32>,
              tpu.vector_store %arg16[%parallel_loop3A_918, %parallel_loop3A_919], %parallel_loop3A_917 {strides = array<i32>} : memref<128x64xf32, #tpu.memory_space<vmem>>, vector<16xf32>,
              %parallel_loop3A_921 = arith.index_cast %parallel_loop3A_912 : i32 to index
              %parallel_loop3A_922 = arith.constant 16 : index
              %parallel_loop3A_923 = tpu.vector_load %arg16[%parallel_loop3A_921, %parallel_loop3A_922] {strides = array<i32>} : memref<128x64xf32, #tpu.memory_space<vmem>>, vector<16xf32>,
              %parallel_loop3A_924 = vector.broadcast %parallel_loop3A_908 : f32 to vector<16xf32>
              %parallel_loop3A_925 = arith.mulf %parallel_loop3A_923, %parallel_loop3A_924 : vector<16xf32>
              %parallel_loop3A_926 = arith.index_cast %parallel_loop3A_912 : i32 to index
              %parallel_loop3A_927 = arith.constant 16 : index
              %parallel_loop3A_928 = tpu.vector_load %arg16[%parallel_loop3A_926, %parallel_loop3A_927] {strides = array<i32>} : memref<128x64xf32, #tpu.memory_space<vmem>>, vector<16xf32>,
              tpu.vector_store %arg16[%parallel_loop3A_926, %parallel_loop3A_927], %parallel_loop3A_925 {strides = array<i32>} : memref<128x64xf32, #tpu.memory_space<vmem>>, vector<16xf32>,
              %parallel_loop3A_929 = arith.index_cast %parallel_loop3A_912 : i32 to index
              %parallel_loop3A_930 = arith.constant 32 : index
              %parallel_loop3A_931 = tpu.vector_load %arg16[%parallel_loop3A_929, %parallel_loop3A_930] {strides = array<i32>} : memref<128x64xf32, #tpu.memory_space<vmem>>, vector<16xf32>,
              %parallel_loop3A_932 = vector.broadcast %parallel_loop3A_908 : f32 to vector<16xf32>
              %parallel_loop3A_933 = arith.mulf %parallel_loop3A_931, %parallel_loop3A_932 : vector<16xf32>
              %parallel_loop3A_934 = arith.index_cast %parallel_loop3A_912 : i32 to index
              %parallel_loop3A_935 = arith.constant 32 : index
              %parallel_loop3A_936 = tpu.vector_load %arg16[%parallel_loop3A_934, %parallel_loop3A_935] {strides = array<i32>} : memref<128x64xf32, #tpu.memory_space<vmem>>, vector<16xf32>,
              tpu.vector_store %arg16[%parallel_loop3A_934, %parallel_loop3A_935], %parallel_loop3A_933 {strides = array<i32>} : memref<128x64xf32, #tpu.memory_space<vmem>>, vector<16xf32>,
              %parallel_loop3A_937 = arith.index_cast %parallel_loop3A_912 : i32 to index
              %parallel_loop3A_938 = arith.constant 48 : index
              %parallel_loop3A_939 = tpu.vector_load %arg16[%parallel_loop3A_937, %parallel_loop3A_938] {strides = array<i32>} : memref<128x64xf32, #tpu.memory_space<vmem>>, vector<16xf32>,
              %parallel_loop3A_940 = vector.broadcast %parallel_loop3A_908 : f32 to vector<16xf32>
              %parallel_loop3A_941 = arith.mulf %parallel_loop3A_939, %parallel_loop3A_940 : vector<16xf32>
              %parallel_loop3A_942 = arith.index_cast %parallel_loop3A_912 : i32 to index
              %parallel_loop3A_943 = arith.constant 48 : index
              %parallel_loop3A_944 = tpu.vector_load %arg16[%parallel_loop3A_942, %parallel_loop3A_943] {strides = array<i32>} : memref<128x64xf32, #tpu.memory_space<vmem>>, vector<16xf32>,
              tpu.vector_store %arg16[%parallel_loop3A_942, %parallel_loop3A_943], %parallel_loop3A_941 {strides = array<i32>} : memref<128x64xf32, #tpu.memory_space<vmem>>, vector<16xf32>,
              %parallel_loop3A_945 = vector.extract_strided_slice %parallel_loop3A_792 {offsets = [4], sizes = [1], strides = [1]} : vector<16xf32> to vector<1xf32>
              %parallel_loop3A_946 = vector.extract %parallel_loop3A_945[0] : f32 from vector<1xf32>
              %parallel_loop3A_947 = arith.constant 16 : i32
              %parallel_loop3A_948 = arith.muli %parallel_loop3A_787, %parallel_loop3A_947 : i32
              %parallel_loop3A_949 = arith.constant 4 : i32
              %parallel_loop3A_950 = arith.addi %parallel_loop3A_948, %parallel_loop3A_949 : i32
              %parallel_loop3A_951 = arith.index_cast %parallel_loop3A_950 : i32 to index
              %parallel_loop3A_952 = arith.constant 0 : index
              %parallel_loop3A_953 = tpu.vector_load %arg16[%parallel_loop3A_951, %parallel_loop3A_952] {strides = array<i32>} : memref<128x64xf32, #tpu.memory_space<vmem>>, vector<16xf32>,
              %parallel_loop3A_954 = vector.broadcast %parallel_loop3A_946 : f32 to vector<16xf32>
              %parallel_loop3A_955 = arith.mulf %parallel_loop3A_953, %parallel_loop3A_954 : vector<16xf32>
              %parallel_loop3A_956 = arith.index_cast %parallel_loop3A_950 : i32 to index
              %parallel_loop3A_957 = arith.constant 0 : index
              %parallel_loop3A_958 = tpu.vector_load %arg16[%parallel_loop3A_956, %parallel_loop3A_957] {strides = array<i32>} : memref<128x64xf32, #tpu.memory_space<vmem>>, vector<16xf32>,
              tpu.vector_store %arg16[%parallel_loop3A_956, %parallel_loop3A_957], %parallel_loop3A_955 {strides = array<i32>} : memref<128x64xf32, #tpu.memory_space<vmem>>, vector<16xf32>,
              %parallel_loop3A_959 = arith.index_cast %parallel_loop3A_950 : i32 to index
              %parallel_loop3A_960 = arith.constant 16 : index
              %parallel_loop3A_961 = tpu.vector_load %arg16[%parallel_loop3A_959, %parallel_loop3A_960] {strides = array<i32>} : memref<128x64xf32, #tpu.memory_space<vmem>>, vector<16xf32>,
              %parallel_loop3A_962 = vector.broadcast %parallel_loop3A_946 : f32 to vector<16xf32>
              %parallel_loop3A_963 = arith.mulf %parallel_loop3A_961, %parallel_loop3A_962 : vector<16xf32>
              %parallel_loop3A_964 = arith.index_cast %parallel_loop3A_950 : i32 to index
              %parallel_loop3A_965 = arith.constant 16 : index
              %parallel_loop3A_966 = tpu.vector_load %arg16[%parallel_loop3A_964, %parallel_loop3A_965] {strides = array<i32>} : memref<128x64xf32, #tpu.memory_space<vmem>>, vector<16xf32>,
              tpu.vector_store %arg16[%parallel_loop3A_964, %parallel_loop3A_965], %parallel_loop3A_963 {strides = array<i32>} : memref<128x64xf32, #tpu.memory_space<vmem>>, vector<16xf32>,
              %parallel_loop3A_967 = arith.index_cast %parallel_loop3A_950 : i32 to index
              %parallel_loop3A_968 = arith.constant 32 : index
              %parallel_loop3A_969 = tpu.vector_load %arg16[%parallel_loop3A_967, %parallel_loop3A_968] {strides = array<i32>} : memref<128x64xf32, #tpu.memory_space<vmem>>, vector<16xf32>,
              %parallel_loop3A_970 = vector.broadcast %parallel_loop3A_946 : f32 to vector<16xf32>
              %parallel_loop3A_971 = arith.mulf %parallel_loop3A_969, %parallel_loop3A_970 : vector<16xf32>
              %parallel_loop3A_972 = arith.index_cast %parallel_loop3A_950 : i32 to index
              %parallel_loop3A_973 = arith.constant 32 : index
              %parallel_loop3A_974 = tpu.vector_load %arg16[%parallel_loop3A_972, %parallel_loop3A_973] {strides = array<i32>} : memref<128x64xf32, #tpu.memory_space<vmem>>, vector<16xf32>,
              tpu.vector_store %arg16[%parallel_loop3A_972, %parallel_loop3A_973], %parallel_loop3A_971 {strides = array<i32>} : memref<128x64xf32, #tpu.memory_space<vmem>>, vector<16xf32>,
              %parallel_loop3A_975 = arith.index_cast %parallel_loop3A_950 : i32 to index
              %parallel_loop3A_976 = arith.constant 48 : index
              %parallel_loop3A_977 = tpu.vector_load %arg16[%parallel_loop3A_975, %parallel_loop3A_976] {strides = array<i32>} : memref<128x64xf32, #tpu.memory_space<vmem>>, vector<16xf32>,
              %parallel_loop3A_978 = vector.broadcast %parallel_loop3A_946 : f32 to vector<16xf32>
              %parallel_loop3A_979 = arith.mulf %parallel_loop3A_977, %parallel_loop3A_978 : vector<16xf32>
              %parallel_loop3A_980 = arith.index_cast %parallel_loop3A_950 : i32 to index
              %parallel_loop3A_981 = arith.constant 48 : index
              %parallel_loop3A_982 = tpu.vector_load %arg16[%parallel_loop3A_980, %parallel_loop3A_981] {strides = array<i32>} : memref<128x64xf32, #tpu.memory_space<vmem>>, vector<16xf32>,
              tpu.vector_store %arg16[%parallel_loop3A_980, %parallel_loop3A_981], %parallel_loop3A_979 {strides = array<i32>} : memref<128x64xf32, #tpu.memory_space<vmem>>, vector<16xf32>,
              %parallel_loop3A_983 = vector.extract_strided_slice %parallel_loop3A_792 {offsets = [5], sizes = [1], strides = [1]} : vector<16xf32> to vector<1xf32>
              %parallel_loop3A_984 = vector.extract %parallel_loop3A_983[0] : f32 from vector<1xf32>
              %parallel_loop3A_985 = arith.constant 16 : i32
              %parallel_loop3A_986 = arith.muli %parallel_loop3A_787, %parallel_loop3A_985 : i32
              %parallel_loop3A_987 = arith.constant 5 : i32
              %parallel_loop3A_988 = arith.addi %parallel_loop3A_986, %parallel_loop3A_987 : i32
              %parallel_loop3A_989 = arith.index_cast %parallel_loop3A_988 : i32 to index
              %parallel_loop3A_990 = arith.constant 0 : index
              %parallel_loop3A_991 = tpu.vector_load %arg16[%parallel_loop3A_989, %parallel_loop3A_990] {strides = array<i32>} : memref<128x64xf32, #tpu.memory_space<vmem>>, vector<16xf32>,
              %parallel_loop3A_992 = vector.broadcast %parallel_loop3A_984 : f32 to vector<16xf32>
              %parallel_loop3A_993 = arith.mulf %parallel_loop3A_991, %parallel_loop3A_992 : vector<16xf32>
              %parallel_loop3A_994 = arith.index_cast %parallel_loop3A_988 : i32 to index
              %parallel_loop3A_995 = arith.constant 0 : index
              %parallel_loop3A_996 = tpu.vector_load %arg16[%parallel_loop3A_994, %parallel_loop3A_995] {strides = array<i32>} : memref<128x64xf32, #tpu.memory_space<vmem>>, vector<16xf32>,
              tpu.vector_store %arg16[%parallel_loop3A_994, %parallel_loop3A_995], %parallel_loop3A_993 {strides = array<i32>} : memref<128x64xf32, #tpu.memory_space<vmem>>, vector<16xf32>,
              %parallel_loop3A_997 = arith.index_cast %parallel_loop3A_988 : i32 to index
              %parallel_loop3A_998 = arith.constant 16 : index
              %parallel_loop3A_999 = tpu.vector_load %arg16[%parallel_loop3A_997, %parallel_loop3A_998] {strides = array<i32>} : memref<128x64xf32, #tpu.memory_space<vmem>>, vector<16xf32>,
              %parallel_loop3A_1000 = vector.broadcast %parallel_loop3A_984 : f32 to vector<16xf32>
              %parallel_loop3A_1001 = arith.mulf %parallel_loop3A_999, %parallel_loop3A_1000 : vector<16xf32>
              %parallel_loop3A_1002 = arith.index_cast %parallel_loop3A_988 : i32 to index
              %parallel_loop3A_1003 = arith.constant 16 : index
              %parallel_loop3A_1004 = tpu.vector_load %arg16[%parallel_loop3A_1002, %parallel_loop3A_1003] {strides = array<i32>} : memref<128x64xf32, #tpu.memory_space<vmem>>, vector<16xf32>,
              tpu.vector_store %arg16[%parallel_loop3A_1002, %parallel_loop3A_1003], %parallel_loop3A_1001 {strides = array<i32>} : memref<128x64xf32, #tpu.memory_space<vmem>>, vector<16xf32>,
              %parallel_loop3A_1005 = arith.index_cast %parallel_loop3A_988 : i32 to index
              %parallel_loop3A_1006 = arith.constant 32 : index
              %parallel_loop3A_1007 = tpu.vector_load %arg16[%parallel_loop3A_1005, %parallel_loop3A_1006] {strides = array<i32>} : memref<128x64xf32, #tpu.memory_space<vmem>>, vector<16xf32>,
              %parallel_loop3A_1008 = vector.broadcast %parallel_loop3A_984 : f32 to vector<16xf32>
              %parallel_loop3A_1009 = arith.mulf %parallel_loop3A_1007, %parallel_loop3A_1008 : vector<16xf32>
              %parallel_loop3A_1010 = arith.index_cast %parallel_loop3A_988 : i32 to index
              %parallel_loop3A_1011 = arith.constant 32 : index
              %parallel_loop3A_1012 = tpu.vector_load %arg16[%parallel_loop3A_1010, %parallel_loop3A_1011] {strides = array<i32>} : memref<128x64xf32, #tpu.memory_space<vmem>>, vector<16xf32>,
              tpu.vector_store %arg16[%parallel_loop3A_1010, %parallel_loop3A_1011], %parallel_loop3A_1009 {strides = array<i32>} : memref<128x64xf32, #tpu.memory_space<vmem>>, vector<16xf32>,
              %parallel_loop3A_1013 = arith.index_cast %parallel_loop3A_988 : i32 to index
              %parallel_loop3A_1014 = arith.constant 48 : index
              %parallel_loop3A_1015 = tpu.vector_load %arg16[%parallel_loop3A_1013, %parallel_loop3A_1014] {strides = array<i32>} : memref<128x64xf32, #tpu.memory_space<vmem>>, vector<16xf32>,
              %parallel_loop3A_1016 = vector.broadcast %parallel_loop3A_984 : f32 to vector<16xf32>
              %parallel_loop3A_1017 = arith.mulf %parallel_loop3A_1015, %parallel_loop3A_1016 : vector<16xf32>
              %parallel_loop3A_1018 = arith.index_cast %parallel_loop3A_988 : i32 to index
              %parallel_loop3A_1019 = arith.constant 48 : index
              %parallel_loop3A_1020 = tpu.vector_load %arg16[%parallel_loop3A_1018, %parallel_loop3A_1019] {strides = array<i32>} : memref<128x64xf32, #tpu.memory_space<vmem>>, vector<16xf32>,
              tpu.vector_store %arg16[%parallel_loop3A_1018, %parallel_loop3A_1019], %parallel_loop3A_1017 {strides = array<i32>} : memref<128x64xf32, #tpu.memory_space<vmem>>, vector<16xf32>,
              %parallel_loop3A_1021 = vector.extract_strided_slice %parallel_loop3A_792 {offsets = [6], sizes = [1], strides = [1]} : vector<16xf32> to vector<1xf32>
              %parallel_loop3A_1022 = vector.extract %parallel_loop3A_1021[0] : f32 from vector<1xf32>
              %parallel_loop3A_1023 = arith.constant 16 : i32
              %parallel_loop3A_1024 = arith.muli %parallel_loop3A_787, %parallel_loop3A_1023 : i32
              %parallel_loop3A_1025 = arith.constant 6 : i32
              %parallel_loop3A_1026 = arith.addi %parallel_loop3A_1024, %parallel_loop3A_1025 : i32
              %parallel_loop3A_1027 = arith.index_cast %parallel_loop3A_1026 : i32 to index
              %parallel_loop3A_1028 = arith.constant 0 : index
              %parallel_loop3A_1029 = tpu.vector_load %arg16[%parallel_loop3A_1027, %parallel_loop3A_1028] {strides = array<i32>} : memref<128x64xf32, #tpu.memory_space<vmem>>, vector<16xf32>,
              %parallel_loop3A_1030 = vector.broadcast %parallel_loop3A_1022 : f32 to vector<16xf32>
              %parallel_loop3A_1031 = arith.mulf %parallel_loop3A_1029, %parallel_loop3A_1030 : vector<16xf32>
              %parallel_loop3A_1032 = arith.index_cast %parallel_loop3A_1026 : i32 to index
              %parallel_loop3A_1033 = arith.constant 0 : index
              %parallel_loop3A_1034 = tpu.vector_load %arg16[%parallel_loop3A_1032, %parallel_loop3A_1033] {strides = array<i32>} : memref<128x64xf32, #tpu.memory_space<vmem>>, vector<16xf32>,
              tpu.vector_store %arg16[%parallel_loop3A_1032, %parallel_loop3A_1033], %parallel_loop3A_1031 {strides = array<i32>} : memref<128x64xf32, #tpu.memory_space<vmem>>, vector<16xf32>,
              %parallel_loop3A_1035 = arith.index_cast %parallel_loop3A_1026 : i32 to index
              %parallel_loop3A_1036 = arith.constant 16 : index
              %parallel_loop3A_1037 = tpu.vector_load %arg16[%parallel_loop3A_1035, %parallel_loop3A_1036] {strides = array<i32>} : memref<128x64xf32, #tpu.memory_space<vmem>>, vector<16xf32>,
              %parallel_loop3A_1038 = vector.broadcast %parallel_loop3A_1022 : f32 to vector<16xf32>
              %parallel_loop3A_1039 = arith.mulf %parallel_loop3A_1037, %parallel_loop3A_1038 : vector<16xf32>
              %parallel_loop3A_1040 = arith.index_cast %parallel_loop3A_1026 : i32 to index
              %parallel_loop3A_1041 = arith.constant 16 : index
              %parallel_loop3A_1042 = tpu.vector_load %arg16[%parallel_loop3A_1040, %parallel_loop3A_1041] {strides = array<i32>} : memref<128x64xf32, #tpu.memory_space<vmem>>, vector<16xf32>,
              tpu.vector_store %arg16[%parallel_loop3A_1040, %parallel_loop3A_1041], %parallel_loop3A_1039 {strides = array<i32>} : memref<128x64xf32, #tpu.memory_space<vmem>>, vector<16xf32>,
              %parallel_loop3A_1043 = arith.index_cast %parallel_loop3A_1026 : i32 to index
              %parallel_loop3A_1044 = arith.constant 32 : index
              %parallel_loop3A_1045 = tpu.vector_load %arg16[%parallel_loop3A_1043, %parallel_loop3A_1044] {strides = array<i32>} : memref<128x64xf32, #tpu.memory_space<vmem>>, vector<16xf32>,
              %parallel_loop3A_1046 = vector.broadcast %parallel_loop3A_1022 : f32 to vector<16xf32>
              %parallel_loop3A_1047 = arith.mulf %parallel_loop3A_1045, %parallel_loop3A_1046 : vector<16xf32>
              %parallel_loop3A_1048 = arith.index_cast %parallel_loop3A_1026 : i32 to index
              %parallel_loop3A_1049 = arith.constant 32 : index
              %parallel_loop3A_1050 = tpu.vector_load %arg16[%parallel_loop3A_1048, %parallel_loop3A_1049] {strides = array<i32>} : memref<128x64xf32, #tpu.memory_space<vmem>>, vector<16xf32>,
              tpu.vector_store %arg16[%parallel_loop3A_1048, %parallel_loop3A_1049], %parallel_loop3A_1047 {strides = array<i32>} : memref<128x64xf32, #tpu.memory_space<vmem>>, vector<16xf32>,
              %parallel_loop3A_1051 = arith.index_cast %parallel_loop3A_1026 : i32 to index
              %parallel_loop3A_1052 = arith.constant 48 : index
              %parallel_loop3A_1053 = tpu.vector_load %arg16[%parallel_loop3A_1051, %parallel_loop3A_1052] {strides = array<i32>} : memref<128x64xf32, #tpu.memory_space<vmem>>, vector<16xf32>,
              %parallel_loop3A_1054 = vector.broadcast %parallel_loop3A_1022 : f32 to vector<16xf32>
              %parallel_loop3A_1055 = arith.mulf %parallel_loop3A_1053, %parallel_loop3A_1054 : vector<16xf32>
              %parallel_loop3A_1056 = arith.index_cast %parallel_loop3A_1026 : i32 to index
              %parallel_loop3A_1057 = arith.constant 48 : index
              %parallel_loop3A_1058 = tpu.vector_load %arg16[%parallel_loop3A_1056, %parallel_loop3A_1057] {strides = array<i32>} : memref<128x64xf32, #tpu.memory_space<vmem>>, vector<16xf32>,
              tpu.vector_store %arg16[%parallel_loop3A_1056, %parallel_loop3A_1057], %parallel_loop3A_1055 {strides = array<i32>} : memref<128x64xf32, #tpu.memory_space<vmem>>, vector<16xf32>,
              %parallel_loop3A_1059 = vector.extract_strided_slice %parallel_loop3A_792 {offsets = [7], sizes = [1], strides = [1]} : vector<16xf32> to vector<1xf32>
              %parallel_loop3A_1060 = vector.extract %parallel_loop3A_1059[0] : f32 from vector<1xf32>
              %parallel_loop3A_1061 = arith.constant 16 : i32
              %parallel_loop3A_1062 = arith.muli %parallel_loop3A_787, %parallel_loop3A_1061 : i32
              %parallel_loop3A_1063 = arith.constant 7 : i32
              %parallel_loop3A_1064 = arith.addi %parallel_loop3A_1062, %parallel_loop3A_1063 : i32
              %parallel_loop3A_1065 = arith.index_cast %parallel_loop3A_1064 : i32 to index
              %parallel_loop3A_1066 = arith.constant 0 : index
              %parallel_loop3A_1067 = tpu.vector_load %arg16[%parallel_loop3A_1065, %parallel_loop3A_1066] {strides = array<i32>} : memref<128x64xf32, #tpu.memory_space<vmem>>, vector<16xf32>,
              %parallel_loop3A_1068 = vector.broadcast %parallel_loop3A_1060 : f32 to vector<16xf32>
              %parallel_loop3A_1069 = arith.mulf %parallel_loop3A_1067, %parallel_loop3A_1068 : vector<16xf32>
              %parallel_loop3A_1070 = arith.index_cast %parallel_loop3A_1064 : i32 to index
              %parallel_loop3A_1071 = arith.constant 0 : index
              %parallel_loop3A_1072 = tpu.vector_load %arg16[%parallel_loop3A_1070, %parallel_loop3A_1071] {strides = array<i32>} : memref<128x64xf32, #tpu.memory_space<vmem>>, vector<16xf32>,
              tpu.vector_store %arg16[%parallel_loop3A_1070, %parallel_loop3A_1071], %parallel_loop3A_1069 {strides = array<i32>} : memref<128x64xf32, #tpu.memory_space<vmem>>, vector<16xf32>,
              %parallel_loop3A_1073 = arith.index_cast %parallel_loop3A_1064 : i32 to index
              %parallel_loop3A_1074 = arith.constant 16 : index
              %parallel_loop3A_1075 = tpu.vector_load %arg16[%parallel_loop3A_1073, %parallel_loop3A_1074] {strides = array<i32>} : memref<128x64xf32, #tpu.memory_space<vmem>>, vector<16xf32>,
              %parallel_loop3A_1076 = vector.broadcast %parallel_loop3A_1060 : f32 to vector<16xf32>
              %parallel_loop3A_1077 = arith.mulf %parallel_loop3A_1075, %parallel_loop3A_1076 : vector<16xf32>
              %parallel_loop3A_1078 = arith.index_cast %parallel_loop3A_1064 : i32 to index
              %parallel_loop3A_1079 = arith.constant 16 : index
              %parallel_loop3A_1080 = tpu.vector_load %arg16[%parallel_loop3A_1078, %parallel_loop3A_1079] {strides = array<i32>} : memref<128x64xf32, #tpu.memory_space<vmem>>, vector<16xf32>,
              tpu.vector_store %arg16[%parallel_loop3A_1078, %parallel_loop3A_1079], %parallel_loop3A_1077 {strides = array<i32>} : memref<128x64xf32, #tpu.memory_space<vmem>>, vector<16xf32>,
              %parallel_loop3A_1081 = arith.index_cast %parallel_loop3A_1064 : i32 to index
              %parallel_loop3A_1082 = arith.constant 32 : index
              %parallel_loop3A_1083 = tpu.vector_load %arg16[%parallel_loop3A_1081, %parallel_loop3A_1082] {strides = array<i32>} : memref<128x64xf32, #tpu.memory_space<vmem>>, vector<16xf32>,
              %parallel_loop3A_1084 = vector.broadcast %parallel_loop3A_1060 : f32 to vector<16xf32>
              %parallel_loop3A_1085 = arith.mulf %parallel_loop3A_1083, %parallel_loop3A_1084 : vector<16xf32>
              %parallel_loop3A_1086 = arith.index_cast %parallel_loop3A_1064 : i32 to index
              %parallel_loop3A_1087 = arith.constant 32 : index
              %parallel_loop3A_1088 = tpu.vector_load %arg16[%parallel_loop3A_1086, %parallel_loop3A_1087] {strides = array<i32>} : memref<128x64xf32, #tpu.memory_space<vmem>>, vector<16xf32>,
              tpu.vector_store %arg16[%parallel_loop3A_1086, %parallel_loop3A_1087], %parallel_loop3A_1085 {strides = array<i32>} : memref<128x64xf32, #tpu.memory_space<vmem>>, vector<16xf32>,
              %parallel_loop3A_1089 = arith.index_cast %parallel_loop3A_1064 : i32 to index
              %parallel_loop3A_1090 = arith.constant 48 : index
              %parallel_loop3A_1091 = tpu.vector_load %arg16[%parallel_loop3A_1089, %parallel_loop3A_1090] {strides = array<i32>} : memref<128x64xf32, #tpu.memory_space<vmem>>, vector<16xf32>,
              %parallel_loop3A_1092 = vector.broadcast %parallel_loop3A_1060 : f32 to vector<16xf32>
              %parallel_loop3A_1093 = arith.mulf %parallel_loop3A_1091, %parallel_loop3A_1092 : vector<16xf32>
              %parallel_loop3A_1094 = arith.index_cast %parallel_loop3A_1064 : i32 to index
              %parallel_loop3A_1095 = arith.constant 48 : index
              %parallel_loop3A_1096 = tpu.vector_load %arg16[%parallel_loop3A_1094, %parallel_loop3A_1095] {strides = array<i32>} : memref<128x64xf32, #tpu.memory_space<vmem>>, vector<16xf32>,
              tpu.vector_store %arg16[%parallel_loop3A_1094, %parallel_loop3A_1095], %parallel_loop3A_1093 {strides = array<i32>} : memref<128x64xf32, #tpu.memory_space<vmem>>, vector<16xf32>,
              %parallel_loop3A_1097 = vector.extract_strided_slice %parallel_loop3A_792 {offsets = [8], sizes = [1], strides = [1]} : vector<16xf32> to vector<1xf32>
              %parallel_loop3A_1098 = vector.extract %parallel_loop3A_1097[0] : f32 from vector<1xf32>
              %parallel_loop3A_1099 = arith.constant 16 : i32
              %parallel_loop3A_1100 = arith.muli %parallel_loop3A_787, %parallel_loop3A_1099 : i32
              %parallel_loop3A_1101 = arith.constant 8 : i32
              %parallel_loop3A_1102 = arith.addi %parallel_loop3A_1100, %parallel_loop3A_1101 : i32
              %parallel_loop3A_1103 = arith.index_cast %parallel_loop3A_1102 : i32 to index
              %parallel_loop3A_1104 = arith.constant 0 : index
              %parallel_loop3A_1105 = tpu.vector_load %arg16[%parallel_loop3A_1103, %parallel_loop3A_1104] {strides = array<i32>} : memref<128x64xf32, #tpu.memory_space<vmem>>, vector<16xf32>,
              %parallel_loop3A_1106 = vector.broadcast %parallel_loop3A_1098 : f32 to vector<16xf32>
              %parallel_loop3A_1107 = arith.mulf %parallel_loop3A_1105, %parallel_loop3A_1106 : vector<16xf32>
              %parallel_loop3A_1108 = arith.index_cast %parallel_loop3A_1102 : i32 to index
              %parallel_loop3A_1109 = arith.constant 0 : index
              %parallel_loop3A_1110 = tpu.vector_load %arg16[%parallel_loop3A_1108, %parallel_loop3A_1109] {strides = array<i32>} : memref<128x64xf32, #tpu.memory_space<vmem>>, vector<16xf32>,
              tpu.vector_store %arg16[%parallel_loop3A_1108, %parallel_loop3A_1109], %parallel_loop3A_1107 {strides = array<i32>} : memref<128x64xf32, #tpu.memory_space<vmem>>, vector<16xf32>,
              %parallel_loop3A_1111 = arith.index_cast %parallel_loop3A_1102 : i32 to index
              %parallel_loop3A_1112 = arith.constant 16 : index
              %parallel_loop3A_1113 = tpu.vector_load %arg16[%parallel_loop3A_1111, %parallel_loop3A_1112] {strides = array<i32>} : memref<128x64xf32, #tpu.memory_space<vmem>>, vector<16xf32>,
              %parallel_loop3A_1114 = vector.broadcast %parallel_loop3A_1098 : f32 to vector<16xf32>
              %parallel_loop3A_1115 = arith.mulf %parallel_loop3A_1113, %parallel_loop3A_1114 : vector<16xf32>
              %parallel_loop3A_1116 = arith.index_cast %parallel_loop3A_1102 : i32 to index
              %parallel_loop3A_1117 = arith.constant 16 : index
              %parallel_loop3A_1118 = tpu.vector_load %arg16[%parallel_loop3A_1116, %parallel_loop3A_1117] {strides = array<i32>} : memref<128x64xf32, #tpu.memory_space<vmem>>, vector<16xf32>,
              tpu.vector_store %arg16[%parallel_loop3A_1116, %parallel_loop3A_1117], %parallel_loop3A_1115 {strides = array<i32>} : memref<128x64xf32, #tpu.memory_space<vmem>>, vector<16xf32>,
              %parallel_loop3A_1119 = arith.index_cast %parallel_loop3A_1102 : i32 to index
              %parallel_loop3A_1120 = arith.constant 32 : index
              %parallel_loop3A_1121 = tpu.vector_load %arg16[%parallel_loop3A_1119, %parallel_loop3A_1120] {strides = array<i32>} : memref<128x64xf32, #tpu.memory_space<vmem>>, vector<16xf32>,
              %parallel_loop3A_1122 = vector.broadcast %parallel_loop3A_1098 : f32 to vector<16xf32>
              %parallel_loop3A_1123 = arith.mulf %parallel_loop3A_1121, %parallel_loop3A_1122 : vector<16xf32>
              %parallel_loop3A_1124 = arith.index_cast %parallel_loop3A_1102 : i32 to index
              %parallel_loop3A_1125 = arith.constant 32 : index
              %parallel_loop3A_1126 = tpu.vector_load %arg16[%parallel_loop3A_1124, %parallel_loop3A_1125] {strides = array<i32>} : memref<128x64xf32, #tpu.memory_space<vmem>>, vector<16xf32>,
              tpu.vector_store %arg16[%parallel_loop3A_1124, %parallel_loop3A_1125], %parallel_loop3A_1123 {strides = array<i32>} : memref<128x64xf32, #tpu.memory_space<vmem>>, vector<16xf32>,
              %parallel_loop3A_1127 = arith.index_cast %parallel_loop3A_1102 : i32 to index
              %parallel_loop3A_1128 = arith.constant 48 : index
              %parallel_loop3A_1129 = tpu.vector_load %arg16[%parallel_loop3A_1127, %parallel_loop3A_1128] {strides = array<i32>} : memref<128x64xf32, #tpu.memory_space<vmem>>, vector<16xf32>,
              %parallel_loop3A_1130 = vector.broadcast %parallel_loop3A_1098 : f32 to vector<16xf32>
              %parallel_loop3A_1131 = arith.mulf %parallel_loop3A_1129, %parallel_loop3A_1130 : vector<16xf32>
              %parallel_loop3A_1132 = arith.index_cast %parallel_loop3A_1102 : i32 to index
              %parallel_loop3A_1133 = arith.constant 48 : index
              %parallel_loop3A_1134 = tpu.vector_load %arg16[%parallel_loop3A_1132, %parallel_loop3A_1133] {strides = array<i32>} : memref<128x64xf32, #tpu.memory_space<vmem>>, vector<16xf32>,
              tpu.vector_store %arg16[%parallel_loop3A_1132, %parallel_loop3A_1133], %parallel_loop3A_1131 {strides = array<i32>} : memref<128x64xf32, #tpu.memory_space<vmem>>, vector<16xf32>,
              %parallel_loop3A_1135 = vector.extract_strided_slice %parallel_loop3A_792 {offsets = [9], sizes = [1], strides = [1]} : vector<16xf32> to vector<1xf32>
              %parallel_loop3A_1136 = vector.extract %parallel_loop3A_1135[0] : f32 from vector<1xf32>
              %parallel_loop3A_1137 = arith.constant 16 : i32
              %parallel_loop3A_1138 = arith.muli %parallel_loop3A_787, %parallel_loop3A_1137 : i32
              %parallel_loop3A_1139 = arith.constant 9 : i32
              %parallel_loop3A_1140 = arith.addi %parallel_loop3A_1138, %parallel_loop3A_1139 : i32
              %parallel_loop3A_1141 = arith.index_cast %parallel_loop3A_1140 : i32 to index
              %parallel_loop3A_1142 = arith.constant 0 : index
              %parallel_loop3A_1143 = tpu.vector_load %arg16[%parallel_loop3A_1141, %parallel_loop3A_1142] {strides = array<i32>} : memref<128x64xf32, #tpu.memory_space<vmem>>, vector<16xf32>,
              %parallel_loop3A_1144 = vector.broadcast %parallel_loop3A_1136 : f32 to vector<16xf32>
              %parallel_loop3A_1145 = arith.mulf %parallel_loop3A_1143, %parallel_loop3A_1144 : vector<16xf32>
              %parallel_loop3A_1146 = arith.index_cast %parallel_loop3A_1140 : i32 to index
              %parallel_loop3A_1147 = arith.constant 0 : index
              %parallel_loop3A_1148 = tpu.vector_load %arg16[%parallel_loop3A_1146, %parallel_loop3A_1147] {strides = array<i32>} : memref<128x64xf32, #tpu.memory_space<vmem>>, vector<16xf32>,
              tpu.vector_store %arg16[%parallel_loop3A_1146, %parallel_loop3A_1147], %parallel_loop3A_1145 {strides = array<i32>} : memref<128x64xf32, #tpu.memory_space<vmem>>, vector<16xf32>,
              %parallel_loop3A_1149 = arith.index_cast %parallel_loop3A_1140 : i32 to index
              %parallel_loop3A_1150 = arith.constant 16 : index
              %parallel_loop3A_1151 = tpu.vector_load %arg16[%parallel_loop3A_1149, %parallel_loop3A_1150] {strides = array<i32>} : memref<128x64xf32, #tpu.memory_space<vmem>>, vector<16xf32>,
              %parallel_loop3A_1152 = vector.broadcast %parallel_loop3A_1136 : f32 to vector<16xf32>
              %parallel_loop3A_1153 = arith.mulf %parallel_loop3A_1151, %parallel_loop3A_1152 : vector<16xf32>
              %parallel_loop3A_1154 = arith.index_cast %parallel_loop3A_1140 : i32 to index
              %parallel_loop3A_1155 = arith.constant 16 : index
              %parallel_loop3A_1156 = tpu.vector_load %arg16[%parallel_loop3A_1154, %parallel_loop3A_1155] {strides = array<i32>} : memref<128x64xf32, #tpu.memory_space<vmem>>, vector<16xf32>,
              tpu.vector_store %arg16[%parallel_loop3A_1154, %parallel_loop3A_1155], %parallel_loop3A_1153 {strides = array<i32>} : memref<128x64xf32, #tpu.memory_space<vmem>>, vector<16xf32>,
              %parallel_loop3A_1157 = arith.index_cast %parallel_loop3A_1140 : i32 to index
              %parallel_loop3A_1158 = arith.constant 32 : index
              %parallel_loop3A_1159 = tpu.vector_load %arg16[%parallel_loop3A_1157, %parallel_loop3A_1158] {strides = array<i32>} : memref<128x64xf32, #tpu.memory_space<vmem>>, vector<16xf32>,
              %parallel_loop3A_1160 = vector.broadcast %parallel_loop3A_1136 : f32 to vector<16xf32>
              %parallel_loop3A_1161 = arith.mulf %parallel_loop3A_1159, %parallel_loop3A_1160 : vector<16xf32>
              %parallel_loop3A_1162 = arith.index_cast %parallel_loop3A_1140 : i32 to index
              %parallel_loop3A_1163 = arith.constant 32 : index
              %parallel_loop3A_1164 = tpu.vector_load %arg16[%parallel_loop3A_1162, %parallel_loop3A_1163] {strides = array<i32>} : memref<128x64xf32, #tpu.memory_space<vmem>>, vector<16xf32>,
              tpu.vector_store %arg16[%parallel_loop3A_1162, %parallel_loop3A_1163], %parallel_loop3A_1161 {strides = array<i32>} : memref<128x64xf32, #tpu.memory_space<vmem>>, vector<16xf32>,
              %parallel_loop3A_1165 = arith.index_cast %parallel_loop3A_1140 : i32 to index
              %parallel_loop3A_1166 = arith.constant 48 : index
              %parallel_loop3A_1167 = tpu.vector_load %arg16[%parallel_loop3A_1165, %parallel_loop3A_1166] {strides = array<i32>} : memref<128x64xf32, #tpu.memory_space<vmem>>, vector<16xf32>,
              %parallel_loop3A_1168 = vector.broadcast %parallel_loop3A_1136 : f32 to vector<16xf32>
              %parallel_loop3A_1169 = arith.mulf %parallel_loop3A_1167, %parallel_loop3A_1168 : vector<16xf32>
              %parallel_loop3A_1170 = arith.index_cast %parallel_loop3A_1140 : i32 to index
              %parallel_loop3A_1171 = arith.constant 48 : index
              %parallel_loop3A_1172 = tpu.vector_load %arg16[%parallel_loop3A_1170, %parallel_loop3A_1171] {strides = array<i32>} : memref<128x64xf32, #tpu.memory_space<vmem>>, vector<16xf32>,
              tpu.vector_store %arg16[%parallel_loop3A_1170, %parallel_loop3A_1171], %parallel_loop3A_1169 {strides = array<i32>} : memref<128x64xf32, #tpu.memory_space<vmem>>, vector<16xf32>,
              %parallel_loop3A_1173 = vector.extract_strided_slice %parallel_loop3A_792 {offsets = [10], sizes = [1], strides = [1]} : vector<16xf32> to vector<1xf32>
              %parallel_loop3A_1174 = vector.extract %parallel_loop3A_1173[0] : f32 from vector<1xf32>
              %parallel_loop3A_1175 = arith.constant 16 : i32
              %parallel_loop3A_1176 = arith.muli %parallel_loop3A_787, %parallel_loop3A_1175 : i32
              %parallel_loop3A_1177 = arith.constant 10 : i32
              %parallel_loop3A_1178 = arith.addi %parallel_loop3A_1176, %parallel_loop3A_1177 : i32
              %parallel_loop3A_1179 = arith.index_cast %parallel_loop3A_1178 : i32 to index
              %parallel_loop3A_1180 = arith.constant 0 : index
              %parallel_loop3A_1181 = tpu.vector_load %arg16[%parallel_loop3A_1179, %parallel_loop3A_1180] {strides = array<i32>} : memref<128x64xf32, #tpu.memory_space<vmem>>, vector<16xf32>,
              %parallel_loop3A_1182 = vector.broadcast %parallel_loop3A_1174 : f32 to vector<16xf32>
              %parallel_loop3A_1183 = arith.mulf %parallel_loop3A_1181, %parallel_loop3A_1182 : vector<16xf32>
              %parallel_loop3A_1184 = arith.index_cast %parallel_loop3A_1178 : i32 to index
              %parallel_loop3A_1185 = arith.constant 0 : index
              %parallel_loop3A_1186 = tpu.vector_load %arg16[%parallel_loop3A_1184, %parallel_loop3A_1185] {strides = array<i32>} : memref<128x64xf32, #tpu.memory_space<vmem>>, vector<16xf32>,
              tpu.vector_store %arg16[%parallel_loop3A_1184, %parallel_loop3A_1185], %parallel_loop3A_1183 {strides = array<i32>} : memref<128x64xf32, #tpu.memory_space<vmem>>, vector<16xf32>,
              %parallel_loop3A_1187 = arith.index_cast %parallel_loop3A_1178 : i32 to index
              %parallel_loop3A_1188 = arith.constant 16 : index
              %parallel_loop3A_1189 = tpu.vector_load %arg16[%parallel_loop3A_1187, %parallel_loop3A_1188] {strides = array<i32>} : memref<128x64xf32, #tpu.memory_space<vmem>>, vector<16xf32>,
              %parallel_loop3A_1190 = vector.broadcast %parallel_loop3A_1174 : f32 to vector<16xf32>
              %parallel_loop3A_1191 = arith.mulf %parallel_loop3A_1189, %parallel_loop3A_1190 : vector<16xf32>
              %parallel_loop3A_1192 = arith.index_cast %parallel_loop3A_1178 : i32 to index
              %parallel_loop3A_1193 = arith.constant 16 : index
              %parallel_loop3A_1194 = tpu.vector_load %arg16[%parallel_loop3A_1192, %parallel_loop3A_1193] {strides = array<i32>} : memref<128x64xf32, #tpu.memory_space<vmem>>, vector<16xf32>,
              tpu.vector_store %arg16[%parallel_loop3A_1192, %parallel_loop3A_1193], %parallel_loop3A_1191 {strides = array<i32>} : memref<128x64xf32, #tpu.memory_space<vmem>>, vector<16xf32>,
              %parallel_loop3A_1195 = arith.index_cast %parallel_loop3A_1178 : i32 to index
              %parallel_loop3A_1196 = arith.constant 32 : index
              %parallel_loop3A_1197 = tpu.vector_load %arg16[%parallel_loop3A_1195, %parallel_loop3A_1196] {strides = array<i32>} : memref<128x64xf32, #tpu.memory_space<vmem>>, vector<16xf32>,
              %parallel_loop3A_1198 = vector.broadcast %parallel_loop3A_1174 : f32 to vector<16xf32>
              %parallel_loop3A_1199 = arith.mulf %parallel_loop3A_1197, %parallel_loop3A_1198 : vector<16xf32>
              %parallel_loop3A_1200 = arith.index_cast %parallel_loop3A_1178 : i32 to index
              %parallel_loop3A_1201 = arith.constant 32 : index
              %parallel_loop3A_1202 = tpu.vector_load %arg16[%parallel_loop3A_1200, %parallel_loop3A_1201] {strides = array<i32>} : memref<128x64xf32, #tpu.memory_space<vmem>>, vector<16xf32>,
              tpu.vector_store %arg16[%parallel_loop3A_1200, %parallel_loop3A_1201], %parallel_loop3A_1199 {strides = array<i32>} : memref<128x64xf32, #tpu.memory_space<vmem>>, vector<16xf32>,
              %parallel_loop3A_1203 = arith.index_cast %parallel_loop3A_1178 : i32 to index
              %parallel_loop3A_1204 = arith.constant 48 : index
              %parallel_loop3A_1205 = tpu.vector_load %arg16[%parallel_loop3A_1203, %parallel_loop3A_1204] {strides = array<i32>} : memref<128x64xf32, #tpu.memory_space<vmem>>, vector<16xf32>,
              %parallel_loop3A_1206 = vector.broadcast %parallel_loop3A_1174 : f32 to vector<16xf32>
              %parallel_loop3A_1207 = arith.mulf %parallel_loop3A_1205, %parallel_loop3A_1206 : vector<16xf32>
              %parallel_loop3A_1208 = arith.index_cast %parallel_loop3A_1178 : i32 to index
              %parallel_loop3A_1209 = arith.constant 48 : index
              %parallel_loop3A_1210 = tpu.vector_load %arg16[%parallel_loop3A_1208, %parallel_loop3A_1209] {strides = array<i32>} : memref<128x64xf32, #tpu.memory_space<vmem>>, vector<16xf32>,
              tpu.vector_store %arg16[%parallel_loop3A_1208, %parallel_loop3A_1209], %parallel_loop3A_1207 {strides = array<i32>} : memref<128x64xf32, #tpu.memory_space<vmem>>, vector<16xf32>,
              %parallel_loop3A_1211 = vector.extract_strided_slice %parallel_loop3A_792 {offsets = [11], sizes = [1], strides = [1]} : vector<16xf32> to vector<1xf32>
              %parallel_loop3A_1212 = vector.extract %parallel_loop3A_1211[0] : f32 from vector<1xf32>
              %parallel_loop3A_1213 = arith.constant 16 : i32
              %parallel_loop3A_1214 = arith.muli %parallel_loop3A_787, %parallel_loop3A_1213 : i32
              %parallel_loop3A_1215 = arith.constant 11 : i32
              %parallel_loop3A_1216 = arith.addi %parallel_loop3A_1214, %parallel_loop3A_1215 : i32
              %parallel_loop3A_1217 = arith.index_cast %parallel_loop3A_1216 : i32 to index
              %parallel_loop3A_1218 = arith.constant 0 : index
              %parallel_loop3A_1219 = tpu.vector_load %arg16[%parallel_loop3A_1217, %parallel_loop3A_1218] {strides = array<i32>} : memref<128x64xf32, #tpu.memory_space<vmem>>, vector<16xf32>,
              %parallel_loop3A_1220 = vector.broadcast %parallel_loop3A_1212 : f32 to vector<16xf32>
              %parallel_loop3A_1221 = arith.mulf %parallel_loop3A_1219, %parallel_loop3A_1220 : vector<16xf32>
              %parallel_loop3A_1222 = arith.index_cast %parallel_loop3A_1216 : i32 to index
              %parallel_loop3A_1223 = arith.constant 0 : index
              %parallel_loop3A_1224 = tpu.vector_load %arg16[%parallel_loop3A_1222, %parallel_loop3A_1223] {strides = array<i32>} : memref<128x64xf32, #tpu.memory_space<vmem>>, vector<16xf32>,
              tpu.vector_store %arg16[%parallel_loop3A_1222, %parallel_loop3A_1223], %parallel_loop3A_1221 {strides = array<i32>} : memref<128x64xf32, #tpu.memory_space<vmem>>, vector<16xf32>,
              %parallel_loop3A_1225 = arith.index_cast %parallel_loop3A_1216 : i32 to index
              %parallel_loop3A_1226 = arith.constant 16 : index
              %parallel_loop3A_1227 = tpu.vector_load %arg16[%parallel_loop3A_1225, %parallel_loop3A_1226] {strides = array<i32>} : memref<128x64xf32, #tpu.memory_space<vmem>>, vector<16xf32>,
              %parallel_loop3A_1228 = vector.broadcast %parallel_loop3A_1212 : f32 to vector<16xf32>
              %parallel_loop3A_1229 = arith.mulf %parallel_loop3A_1227, %parallel_loop3A_1228 : vector<16xf32>
              %parallel_loop3A_1230 = arith.index_cast %parallel_loop3A_1216 : i32 to index
              %parallel_loop3A_1231 = arith.constant 16 : index
              %parallel_loop3A_1232 = tpu.vector_load %arg16[%parallel_loop3A_1230, %parallel_loop3A_1231] {strides = array<i32>} : memref<128x64xf32, #tpu.memory_space<vmem>>, vector<16xf32>,
              tpu.vector_store %arg16[%parallel_loop3A_1230, %parallel_loop3A_1231], %parallel_loop3A_1229 {strides = array<i32>} : memref<128x64xf32, #tpu.memory_space<vmem>>, vector<16xf32>,
              %parallel_loop3A_1233 = arith.index_cast %parallel_loop3A_1216 : i32 to index
              %parallel_loop3A_1234 = arith.constant 32 : index
              %parallel_loop3A_1235 = tpu.vector_load %arg16[%parallel_loop3A_1233, %parallel_loop3A_1234] {strides = array<i32>} : memref<128x64xf32, #tpu.memory_space<vmem>>, vector<16xf32>,
              %parallel_loop3A_1236 = vector.broadcast %parallel_loop3A_1212 : f32 to vector<16xf32>
              %parallel_loop3A_1237 = arith.mulf %parallel_loop3A_1235, %parallel_loop3A_1236 : vector<16xf32>
              %parallel_loop3A_1238 = arith.index_cast %parallel_loop3A_1216 : i32 to index
              %parallel_loop3A_1239 = arith.constant 32 : index
              %parallel_loop3A_1240 = tpu.vector_load %arg16[%parallel_loop3A_1238, %parallel_loop3A_1239] {strides = array<i32>} : memref<128x64xf32, #tpu.memory_space<vmem>>, vector<16xf32>,
              tpu.vector_store %arg16[%parallel_loop3A_1238, %parallel_loop3A_1239], %parallel_loop3A_1237 {strides = array<i32>} : memref<128x64xf32, #tpu.memory_space<vmem>>, vector<16xf32>,
              %parallel_loop3A_1241 = arith.index_cast %parallel_loop3A_1216 : i32 to index
              %parallel_loop3A_1242 = arith.constant 48 : index
              %parallel_loop3A_1243 = tpu.vector_load %arg16[%parallel_loop3A_1241, %parallel_loop3A_1242] {strides = array<i32>} : memref<128x64xf32, #tpu.memory_space<vmem>>, vector<16xf32>,
              %parallel_loop3A_1244 = vector.broadcast %parallel_loop3A_1212 : f32 to vector<16xf32>
              %parallel_loop3A_1245 = arith.mulf %parallel_loop3A_1243, %parallel_loop3A_1244 : vector<16xf32>
              %parallel_loop3A_1246 = arith.index_cast %parallel_loop3A_1216 : i32 to index
              %parallel_loop3A_1247 = arith.constant 48 : index
              %parallel_loop3A_1248 = tpu.vector_load %arg16[%parallel_loop3A_1246, %parallel_loop3A_1247] {strides = array<i32>} : memref<128x64xf32, #tpu.memory_space<vmem>>, vector<16xf32>,
              tpu.vector_store %arg16[%parallel_loop3A_1246, %parallel_loop3A_1247], %parallel_loop3A_1245 {strides = array<i32>} : memref<128x64xf32, #tpu.memory_space<vmem>>, vector<16xf32>,
              %parallel_loop3A_1249 = vector.extract_strided_slice %parallel_loop3A_792 {offsets = [12], sizes = [1], strides = [1]} : vector<16xf32> to vector<1xf32>
              %parallel_loop3A_1250 = vector.extract %parallel_loop3A_1249[0] : f32 from vector<1xf32>
              %parallel_loop3A_1251 = arith.constant 16 : i32
              %parallel_loop3A_1252 = arith.muli %parallel_loop3A_787, %parallel_loop3A_1251 : i32
              %parallel_loop3A_1253 = arith.constant 12 : i32
              %parallel_loop3A_1254 = arith.addi %parallel_loop3A_1252, %parallel_loop3A_1253 : i32
              %parallel_loop3A_1255 = arith.index_cast %parallel_loop3A_1254 : i32 to index
              %parallel_loop3A_1256 = arith.constant 0 : index
              %parallel_loop3A_1257 = tpu.vector_load %arg16[%parallel_loop3A_1255, %parallel_loop3A_1256] {strides = array<i32>} : memref<128x64xf32, #tpu.memory_space<vmem>>, vector<16xf32>,
              %parallel_loop3A_1258 = vector.broadcast %parallel_loop3A_1250 : f32 to vector<16xf32>
              %parallel_loop3A_1259 = arith.mulf %parallel_loop3A_1257, %parallel_loop3A_1258 : vector<16xf32>
              %parallel_loop3A_1260 = arith.index_cast %parallel_loop3A_1254 : i32 to index
              %parallel_loop3A_1261 = arith.constant 0 : index
              %parallel_loop3A_1262 = tpu.vector_load %arg16[%parallel_loop3A_1260, %parallel_loop3A_1261] {strides = array<i32>} : memref<128x64xf32, #tpu.memory_space<vmem>>, vector<16xf32>,
              tpu.vector_store %arg16[%parallel_loop3A_1260, %parallel_loop3A_1261], %parallel_loop3A_1259 {strides = array<i32>} : memref<128x64xf32, #tpu.memory_space<vmem>>, vector<16xf32>,
              %parallel_loop3A_1263 = arith.index_cast %parallel_loop3A_1254 : i32 to index
              %parallel_loop3A_1264 = arith.constant 16 : index
              %parallel_loop3A_1265 = tpu.vector_load %arg16[%parallel_loop3A_1263, %parallel_loop3A_1264] {strides = array<i32>} : memref<128x64xf32, #tpu.memory_space<vmem>>, vector<16xf32>,
              %parallel_loop3A_1266 = vector.broadcast %parallel_loop3A_1250 : f32 to vector<16xf32>
              %parallel_loop3A_1267 = arith.mulf %parallel_loop3A_1265, %parallel_loop3A_1266 : vector<16xf32>
              %parallel_loop3A_1268 = arith.index_cast %parallel_loop3A_1254 : i32 to index
              %parallel_loop3A_1269 = arith.constant 16 : index
              %parallel_loop3A_1270 = tpu.vector_load %arg16[%parallel_loop3A_1268, %parallel_loop3A_1269] {strides = array<i32>} : memref<128x64xf32, #tpu.memory_space<vmem>>, vector<16xf32>,
              tpu.vector_store %arg16[%parallel_loop3A_1268, %parallel_loop3A_1269], %parallel_loop3A_1267 {strides = array<i32>} : memref<128x64xf32, #tpu.memory_space<vmem>>, vector<16xf32>,
              %parallel_loop3A_1271 = arith.index_cast %parallel_loop3A_1254 : i32 to index
              %parallel_loop3A_1272 = arith.constant 32 : index
              %parallel_loop3A_1273 = tpu.vector_load %arg16[%parallel_loop3A_1271, %parallel_loop3A_1272] {strides = array<i32>} : memref<128x64xf32, #tpu.memory_space<vmem>>, vector<16xf32>,
              %parallel_loop3A_1274 = vector.broadcast %parallel_loop3A_1250 : f32 to vector<16xf32>
              %parallel_loop3A_1275 = arith.mulf %parallel_loop3A_1273, %parallel_loop3A_1274 : vector<16xf32>
              %parallel_loop3A_1276 = arith.index_cast %parallel_loop3A_1254 : i32 to index
              %parallel_loop3A_1277 = arith.constant 32 : index
              %parallel_loop3A_1278 = tpu.vector_load %arg16[%parallel_loop3A_1276, %parallel_loop3A_1277] {strides = array<i32>} : memref<128x64xf32, #tpu.memory_space<vmem>>, vector<16xf32>,
              tpu.vector_store %arg16[%parallel_loop3A_1276, %parallel_loop3A_1277], %parallel_loop3A_1275 {strides = array<i32>} : memref<128x64xf32, #tpu.memory_space<vmem>>, vector<16xf32>,
              %parallel_loop3A_1279 = arith.index_cast %parallel_loop3A_1254 : i32 to index
              %parallel_loop3A_1280 = arith.constant 48 : index
              %parallel_loop3A_1281 = tpu.vector_load %arg16[%parallel_loop3A_1279, %parallel_loop3A_1280] {strides = array<i32>} : memref<128x64xf32, #tpu.memory_space<vmem>>, vector<16xf32>,
              %parallel_loop3A_1282 = vector.broadcast %parallel_loop3A_1250 : f32 to vector<16xf32>
              %parallel_loop3A_1283 = arith.mulf %parallel_loop3A_1281, %parallel_loop3A_1282 : vector<16xf32>
              %parallel_loop3A_1284 = arith.index_cast %parallel_loop3A_1254 : i32 to index
              %parallel_loop3A_1285 = arith.constant 48 : index
              %parallel_loop3A_1286 = tpu.vector_load %arg16[%parallel_loop3A_1284, %parallel_loop3A_1285] {strides = array<i32>} : memref<128x64xf32, #tpu.memory_space<vmem>>, vector<16xf32>,
              tpu.vector_store %arg16[%parallel_loop3A_1284, %parallel_loop3A_1285], %parallel_loop3A_1283 {strides = array<i32>} : memref<128x64xf32, #tpu.memory_space<vmem>>, vector<16xf32>,
              %parallel_loop3A_1287 = vector.extract_strided_slice %parallel_loop3A_792 {offsets = [13], sizes = [1], strides = [1]} : vector<16xf32> to vector<1xf32>
              %parallel_loop3A_1288 = vector.extract %parallel_loop3A_1287[0] : f32 from vector<1xf32>
              %parallel_loop3A_1289 = arith.constant 16 : i32
              %parallel_loop3A_1290 = arith.muli %parallel_loop3A_787, %parallel_loop3A_1289 : i32
              %parallel_loop3A_1291 = arith.constant 13 : i32
              %parallel_loop3A_1292 = arith.addi %parallel_loop3A_1290, %parallel_loop3A_1291 : i32
              %parallel_loop3A_1293 = arith.index_cast %parallel_loop3A_1292 : i32 to index
              %parallel_loop3A_1294 = arith.constant 0 : index
              %parallel_loop3A_1295 = tpu.vector_load %arg16[%parallel_loop3A_1293, %parallel_loop3A_1294] {strides = array<i32>} : memref<128x64xf32, #tpu.memory_space<vmem>>, vector<16xf32>,
              %parallel_loop3A_1296 = vector.broadcast %parallel_loop3A_1288 : f32 to vector<16xf32>
              %parallel_loop3A_1297 = arith.mulf %parallel_loop3A_1295, %parallel_loop3A_1296 : vector<16xf32>
              %parallel_loop3A_1298 = arith.index_cast %parallel_loop3A_1292 : i32 to index
              %parallel_loop3A_1299 = arith.constant 0 : index
              %parallel_loop3A_1300 = tpu.vector_load %arg16[%parallel_loop3A_1298, %parallel_loop3A_1299] {strides = array<i32>} : memref<128x64xf32, #tpu.memory_space<vmem>>, vector<16xf32>,
              tpu.vector_store %arg16[%parallel_loop3A_1298, %parallel_loop3A_1299], %parallel_loop3A_1297 {strides = array<i32>} : memref<128x64xf32, #tpu.memory_space<vmem>>, vector<16xf32>,
              %parallel_loop3A_1301 = arith.index_cast %parallel_loop3A_1292 : i32 to index
              %parallel_loop3A_1302 = arith.constant 16 : index
              %parallel_loop3A_1303 = tpu.vector_load %arg16[%parallel_loop3A_1301, %parallel_loop3A_1302] {strides = array<i32>} : memref<128x64xf32, #tpu.memory_space<vmem>>, vector<16xf32>,
              %parallel_loop3A_1304 = vector.broadcast %parallel_loop3A_1288 : f32 to vector<16xf32>
              %parallel_loop3A_1305 = arith.mulf %parallel_loop3A_1303, %parallel_loop3A_1304 : vector<16xf32>
              %parallel_loop3A_1306 = arith.index_cast %parallel_loop3A_1292 : i32 to index
              %parallel_loop3A_1307 = arith.constant 16 : index
              %parallel_loop3A_1308 = tpu.vector_load %arg16[%parallel_loop3A_1306, %parallel_loop3A_1307] {strides = array<i32>} : memref<128x64xf32, #tpu.memory_space<vmem>>, vector<16xf32>,
              tpu.vector_store %arg16[%parallel_loop3A_1306, %parallel_loop3A_1307], %parallel_loop3A_1305 {strides = array<i32>} : memref<128x64xf32, #tpu.memory_space<vmem>>, vector<16xf32>,
              %parallel_loop3A_1309 = arith.index_cast %parallel_loop3A_1292 : i32 to index
              %parallel_loop3A_1310 = arith.constant 32 : index
              %parallel_loop3A_1311 = tpu.vector_load %arg16[%parallel_loop3A_1309, %parallel_loop3A_1310] {strides = array<i32>} : memref<128x64xf32, #tpu.memory_space<vmem>>, vector<16xf32>,
              %parallel_loop3A_1312 = vector.broadcast %parallel_loop3A_1288 : f32 to vector<16xf32>
              %parallel_loop3A_1313 = arith.mulf %parallel_loop3A_1311, %parallel_loop3A_1312 : vector<16xf32>
              %parallel_loop3A_1314 = arith.index_cast %parallel_loop3A_1292 : i32 to index
              %parallel_loop3A_1315 = arith.constant 32 : index
              %parallel_loop3A_1316 = tpu.vector_load %arg16[%parallel_loop3A_1314, %parallel_loop3A_1315] {strides = array<i32>} : memref<128x64xf32, #tpu.memory_space<vmem>>, vector<16xf32>,
              tpu.vector_store %arg16[%parallel_loop3A_1314, %parallel_loop3A_1315], %parallel_loop3A_1313 {strides = array<i32>} : memref<128x64xf32, #tpu.memory_space<vmem>>, vector<16xf32>,
              %parallel_loop3A_1317 = arith.index_cast %parallel_loop3A_1292 : i32 to index
              %parallel_loop3A_1318 = arith.constant 48 : index
              %parallel_loop3A_1319 = tpu.vector_load %arg16[%parallel_loop3A_1317, %parallel_loop3A_1318] {strides = array<i32>} : memref<128x64xf32, #tpu.memory_space<vmem>>, vector<16xf32>,
              %parallel_loop3A_1320 = vector.broadcast %parallel_loop3A_1288 : f32 to vector<16xf32>
              %parallel_loop3A_1321 = arith.mulf %parallel_loop3A_1319, %parallel_loop3A_1320 : vector<16xf32>
              %parallel_loop3A_1322 = arith.index_cast %parallel_loop3A_1292 : i32 to index
              %parallel_loop3A_1323 = arith.constant 48 : index
              %parallel_loop3A_1324 = tpu.vector_load %arg16[%parallel_loop3A_1322, %parallel_loop3A_1323] {strides = array<i32>} : memref<128x64xf32, #tpu.memory_space<vmem>>, vector<16xf32>,
              tpu.vector_store %arg16[%parallel_loop3A_1322, %parallel_loop3A_1323], %parallel_loop3A_1321 {strides = array<i32>} : memref<128x64xf32, #tpu.memory_space<vmem>>, vector<16xf32>,
              %parallel_loop3A_1325 = vector.extract_strided_slice %parallel_loop3A_792 {offsets = [14], sizes = [1], strides = [1]} : vector<16xf32> to vector<1xf32>
              %parallel_loop3A_1326 = vector.extract %parallel_loop3A_1325[0] : f32 from vector<1xf32>
              %parallel_loop3A_1327 = arith.constant 16 : i32
              %parallel_loop3A_1328 = arith.muli %parallel_loop3A_787, %parallel_loop3A_1327 : i32
              %parallel_loop3A_1329 = arith.constant 14 : i32
              %parallel_loop3A_1330 = arith.addi %parallel_loop3A_1328, %parallel_loop3A_1329 : i32
              %parallel_loop3A_1331 = arith.index_cast %parallel_loop3A_1330 : i32 to index
              %parallel_loop3A_1332 = arith.constant 0 : index
              %parallel_loop3A_1333 = tpu.vector_load %arg16[%parallel_loop3A_1331, %parallel_loop3A_1332] {strides = array<i32>} : memref<128x64xf32, #tpu.memory_space<vmem>>, vector<16xf32>,
              %parallel_loop3A_1334 = vector.broadcast %parallel_loop3A_1326 : f32 to vector<16xf32>
              %parallel_loop3A_1335 = arith.mulf %parallel_loop3A_1333, %parallel_loop3A_1334 : vector<16xf32>
              %parallel_loop3A_1336 = arith.index_cast %parallel_loop3A_1330 : i32 to index
              %parallel_loop3A_1337 = arith.constant 0 : index
              %parallel_loop3A_1338 = tpu.vector_load %arg16[%parallel_loop3A_1336, %parallel_loop3A_1337] {strides = array<i32>} : memref<128x64xf32, #tpu.memory_space<vmem>>, vector<16xf32>,
              tpu.vector_store %arg16[%parallel_loop3A_1336, %parallel_loop3A_1337], %parallel_loop3A_1335 {strides = array<i32>} : memref<128x64xf32, #tpu.memory_space<vmem>>, vector<16xf32>,
              %parallel_loop3A_1339 = arith.index_cast %parallel_loop3A_1330 : i32 to index
              %parallel_loop3A_1340 = arith.constant 16 : index
              %parallel_loop3A_1341 = tpu.vector_load %arg16[%parallel_loop3A_1339, %parallel_loop3A_1340] {strides = array<i32>} : memref<128x64xf32, #tpu.memory_space<vmem>>, vector<16xf32>,
              %parallel_loop3A_1342 = vector.broadcast %parallel_loop3A_1326 : f32 to vector<16xf32>
              %parallel_loop3A_1343 = arith.mulf %parallel_loop3A_1341, %parallel_loop3A_1342 : vector<16xf32>
              %parallel_loop3A_1344 = arith.index_cast %parallel_loop3A_1330 : i32 to index
              %parallel_loop3A_1345 = arith.constant 16 : index
              %parallel_loop3A_1346 = tpu.vector_load %arg16[%parallel_loop3A_1344, %parallel_loop3A_1345] {strides = array<i32>} : memref<128x64xf32, #tpu.memory_space<vmem>>, vector<16xf32>,
              tpu.vector_store %arg16[%parallel_loop3A_1344, %parallel_loop3A_1345], %parallel_loop3A_1343 {strides = array<i32>} : memref<128x64xf32, #tpu.memory_space<vmem>>, vector<16xf32>,
              %parallel_loop3A_1347 = arith.index_cast %parallel_loop3A_1330 : i32 to index
              %parallel_loop3A_1348 = arith.constant 32 : index
              %parallel_loop3A_1349 = tpu.vector_load %arg16[%parallel_loop3A_1347, %parallel_loop3A_1348] {strides = array<i32>} : memref<128x64xf32, #tpu.memory_space<vmem>>, vector<16xf32>,
              %parallel_loop3A_1350 = vector.broadcast %parallel_loop3A_1326 : f32 to vector<16xf32>
              %parallel_loop3A_1351 = arith.mulf %parallel_loop3A_1349, %parallel_loop3A_1350 : vector<16xf32>
              %parallel_loop3A_1352 = arith.index_cast %parallel_loop3A_1330 : i32 to index
              %parallel_loop3A_1353 = arith.constant 32 : index
              %parallel_loop3A_1354 = tpu.vector_load %arg16[%parallel_loop3A_1352, %parallel_loop3A_1353] {strides = array<i32>} : memref<128x64xf32, #tpu.memory_space<vmem>>, vector<16xf32>,
              tpu.vector_store %arg16[%parallel_loop3A_1352, %parallel_loop3A_1353], %parallel_loop3A_1351 {strides = array<i32>} : memref<128x64xf32, #tpu.memory_space<vmem>>, vector<16xf32>,
              %parallel_loop3A_1355 = arith.index_cast %parallel_loop3A_1330 : i32 to index
              %parallel_loop3A_1356 = arith.constant 48 : index
              %parallel_loop3A_1357 = tpu.vector_load %arg16[%parallel_loop3A_1355, %parallel_loop3A_1356] {strides = array<i32>} : memref<128x64xf32, #tpu.memory_space<vmem>>, vector<16xf32>,
              %parallel_loop3A_1358 = vector.broadcast %parallel_loop3A_1326 : f32 to vector<16xf32>
              %parallel_loop3A_1359 = arith.mulf %parallel_loop3A_1357, %parallel_loop3A_1358 : vector<16xf32>
              %parallel_loop3A_1360 = arith.index_cast %parallel_loop3A_1330 : i32 to index
              %parallel_loop3A_1361 = arith.constant 48 : index
              %parallel_loop3A_1362 = tpu.vector_load %arg16[%parallel_loop3A_1360, %parallel_loop3A_1361] {strides = array<i32>} : memref<128x64xf32, #tpu.memory_space<vmem>>, vector<16xf32>,
              tpu.vector_store %arg16[%parallel_loop3A_1360, %parallel_loop3A_1361], %parallel_loop3A_1359 {strides = array<i32>} : memref<128x64xf32, #tpu.memory_space<vmem>>, vector<16xf32>,
              %parallel_loop3A_1363 = vector.extract_strided_slice %parallel_loop3A_792 {offsets = [15], sizes = [1], strides = [1]} : vector<16xf32> to vector<1xf32>
              %parallel_loop3A_1364 = vector.extract %parallel_loop3A_1363[0] : f32 from vector<1xf32>
              %parallel_loop3A_1365 = arith.constant 16 : i32
              %parallel_loop3A_1366 = arith.muli %parallel_loop3A_787, %parallel_loop3A_1365 : i32
              %parallel_loop3A_1367 = arith.constant 15 : i32
              %parallel_loop3A_1368 = arith.addi %parallel_loop3A_1366, %parallel_loop3A_1367 : i32
              %parallel_loop3A_1369 = arith.index_cast %parallel_loop3A_1368 : i32 to index
              %parallel_loop3A_1370 = arith.constant 0 : index
              %parallel_loop3A_1371 = tpu.vector_load %arg16[%parallel_loop3A_1369, %parallel_loop3A_1370] {strides = array<i32>} : memref<128x64xf32, #tpu.memory_space<vmem>>, vector<16xf32>,
              %parallel_loop3A_1372 = vector.broadcast %parallel_loop3A_1364 : f32 to vector<16xf32>
              %parallel_loop3A_1373 = arith.mulf %parallel_loop3A_1371, %parallel_loop3A_1372 : vector<16xf32>
              %parallel_loop3A_1374 = arith.index_cast %parallel_loop3A_1368 : i32 to index
              %parallel_loop3A_1375 = arith.constant 0 : index
              %parallel_loop3A_1376 = tpu.vector_load %arg16[%parallel_loop3A_1374, %parallel_loop3A_1375] {strides = array<i32>} : memref<128x64xf32, #tpu.memory_space<vmem>>, vector<16xf32>,
              tpu.vector_store %arg16[%parallel_loop3A_1374, %parallel_loop3A_1375], %parallel_loop3A_1373 {strides = array<i32>} : memref<128x64xf32, #tpu.memory_space<vmem>>, vector<16xf32>,
              %parallel_loop3A_1377 = arith.index_cast %parallel_loop3A_1368 : i32 to index
              %parallel_loop3A_1378 = arith.constant 16 : index
              %parallel_loop3A_1379 = tpu.vector_load %arg16[%parallel_loop3A_1377, %parallel_loop3A_1378] {strides = array<i32>} : memref<128x64xf32, #tpu.memory_space<vmem>>, vector<16xf32>,
              %parallel_loop3A_1380 = vector.broadcast %parallel_loop3A_1364 : f32 to vector<16xf32>
              %parallel_loop3A_1381 = arith.mulf %parallel_loop3A_1379, %parallel_loop3A_1380 : vector<16xf32>
              %parallel_loop3A_1382 = arith.index_cast %parallel_loop3A_1368 : i32 to index
              %parallel_loop3A_1383 = arith.constant 16 : index
              %parallel_loop3A_1384 = tpu.vector_load %arg16[%parallel_loop3A_1382, %parallel_loop3A_1383] {strides = array<i32>} : memref<128x64xf32, #tpu.memory_space<vmem>>, vector<16xf32>,
              tpu.vector_store %arg16[%parallel_loop3A_1382, %parallel_loop3A_1383], %parallel_loop3A_1381 {strides = array<i32>} : memref<128x64xf32, #tpu.memory_space<vmem>>, vector<16xf32>,
              %parallel_loop3A_1385 = arith.index_cast %parallel_loop3A_1368 : i32 to index
              %parallel_loop3A_1386 = arith.constant 32 : index
              %parallel_loop3A_1387 = tpu.vector_load %arg16[%parallel_loop3A_1385, %parallel_loop3A_1386] {strides = array<i32>} : memref<128x64xf32, #tpu.memory_space<vmem>>, vector<16xf32>,
              %parallel_loop3A_1388 = vector.broadcast %parallel_loop3A_1364 : f32 to vector<16xf32>
              %parallel_loop3A_1389 = arith.mulf %parallel_loop3A_1387, %parallel_loop3A_1388 : vector<16xf32>
              %parallel_loop3A_1390 = arith.index_cast %parallel_loop3A_1368 : i32 to index
              %parallel_loop3A_1391 = arith.constant 32 : index
              %parallel_loop3A_1392 = tpu.vector_load %arg16[%parallel_loop3A_1390, %parallel_loop3A_1391] {strides = array<i32>} : memref<128x64xf32, #tpu.memory_space<vmem>>, vector<16xf32>,
              tpu.vector_store %arg16[%parallel_loop3A_1390, %parallel_loop3A_1391], %parallel_loop3A_1389 {strides = array<i32>} : memref<128x64xf32, #tpu.memory_space<vmem>>, vector<16xf32>,
              %parallel_loop3A_1393 = arith.index_cast %parallel_loop3A_1368 : i32 to index
              %parallel_loop3A_1394 = arith.constant 48 : index
              %parallel_loop3A_1395 = tpu.vector_load %arg16[%parallel_loop3A_1393, %parallel_loop3A_1394] {strides = array<i32>} : memref<128x64xf32, #tpu.memory_space<vmem>>, vector<16xf32>,
              %parallel_loop3A_1396 = vector.broadcast %parallel_loop3A_1364 : f32 to vector<16xf32>
              %parallel_loop3A_1397 = arith.mulf %parallel_loop3A_1395, %parallel_loop3A_1396 : vector<16xf32>
              %parallel_loop3A_1398 = arith.index_cast %parallel_loop3A_1368 : i32 to index
              %parallel_loop3A_1399 = arith.constant 48 : index
              %parallel_loop3A_1400 = tpu.vector_load %arg16[%parallel_loop3A_1398, %parallel_loop3A_1399] {strides = array<i32>} : memref<128x64xf32, #tpu.memory_space<vmem>>, vector<16xf32>,
              tpu.vector_store %arg16[%parallel_loop3A_1398, %parallel_loop3A_1399], %parallel_loop3A_1397 {strides = array<i32>} : memref<128x64xf32, #tpu.memory_space<vmem>>, vector<16xf32>,
            } {sc.loop_unroll_factor = 4 : i64, sc.parallel_access}
            %dma_start3A_784 = arith.constant 0 : i32
            %dma_start3A_785 = arith.constant 0 : i32
            %dma_start3A_786 = tpu.memref_slice %arg18[%dma_start3A_784, %dma_start3A_785] : memref<16512x64xf32, #tpu.memory_space<vmem_shared>> -> memref<16512x64xf32, #tpu.memory_space<vmem_shared>>
            tpu.enqueue_indirect_dma source(%arg16 : memref<128x64xf32, #tpu.memory_space<vmem>>) target(%dma_start3A_786 : memref<16512x64xf32, #tpu.memory_space<vmem_shared>>) offsets(%arg14 : memref<128xi32, #tpu.memory_space<vmem>>) semaphore(%arg22 : memref<!tpu.dma_semaphore, #tpu.memory_space<semaphore_mem>>) {add = true}
          } else {
          }
        }
        %ge3A_651 = arith.constant 1 : i32
        %ge3A_652 = arith.cmpi sge, %select_n3A, %ge3A_651 : i32
        %sub3A_653 = arith.constant 1 : i32
        %sub3A_654 = arith.subi %select_n3A, %sub3A_653 : i32
        %jit3A_655 = arith.constant 2 : i32
        %eq3A = arith.constant 0 : i32
        %eq3A_656 = arith.cmpi eq, %jit3A_655, %eq3A : i32
        %jit3A_657 = arith.constant 1 : i32
        %select_n3A_658 = arith.select %eq3A_656, %jit3A_657, %jit3A_655 : i32
        %rem3A_659 = arith.remsi %sub3A_654, %select_n3A_658 : i32
        %ne3A_660 = arith.constant 0 : i32
        %ne3A_661 = arith.cmpi ne, %rem3A_659, %ne3A_660 : i32
        %lt3A_662 = arith.constant 0 : i32
        %lt3A_663 = arith.cmpi slt, %rem3A_659, %lt3A_662 : i32
        %lt3A_664 = arith.constant 0 : i32
        %lt3A_665 = arith.cmpi slt, %select_n3A_658, %lt3A_664 : i32
        %ne3A_666 = arith.xori %lt3A_663, %lt3A_665 : i1
        %and3A_667 = arith.andi %ne3A_666, %ne3A_661 : i1
        %add3A_668 = arith.addi %rem3A_659, %select_n3A_658 : i32
        %select_n3A_669 = arith.select %and3A_667, %add3A_668, %rem3A_659 : i32
        %eq3A_670 = arith.constant 0 : i32
        %eq3A_671 = arith.cmpi eq, %select_n3A_669, %eq3A_670 : i32
        %and3A_672 = arith.andi %ge3A_652, %eq3A_671 : i1
        %ge3A_673 = arith.constant 2 : i32
        %ge3A_674 = arith.cmpi sge, %select_n3A, %ge3A_673 : i32
        %jit3A_675 = arith.constant 2 : i32
        %eq3A_676 = arith.constant 0 : i32
        %eq3A_677 = arith.cmpi eq, %jit3A_675, %eq3A_676 : i32
        %jit3A_678 = arith.constant 1 : i32
        %select_n3A_679 = arith.select %eq3A_677, %jit3A_678, %jit3A_675 : i32
        %rem3A_680 = arith.remsi %select_n3A, %select_n3A_679 : i32
        %ne3A_681 = arith.constant 0 : i32
        %ne3A_682 = arith.cmpi ne, %rem3A_680, %ne3A_681 : i32
        %lt3A_683 = arith.constant 0 : i32
        %lt3A_684 = arith.cmpi slt, %rem3A_680, %lt3A_683 : i32
        %lt3A_685 = arith.constant 0 : i32
        %lt3A_686 = arith.cmpi slt, %select_n3A_679, %lt3A_685 : i32
        %ne3A_687 = arith.xori %lt3A_684, %lt3A_686 : i1
        %and3A_688 = arith.andi %ne3A_687, %ne3A_682 : i1
        %add3A_689 = arith.addi %rem3A_680, %select_n3A_679 : i32
        %select_n3A_690 = arith.select %and3A_688, %add3A_689, %rem3A_680 : i32
        %eq3A_691 = arith.constant 0 : i32
        %eq3A_692 = arith.cmpi eq, %select_n3A_690, %eq3A_691 : i32
        %and3A_693 = arith.andi %ge3A_674, %eq3A_692 : i1
        %ge3A_694 = arith.constant 1 : i32
        %ge3A_695 = arith.cmpi sge, %select_n3A, %ge3A_694 : i32
        %sub3A_696 = arith.constant 1 : i32
        %sub3A_697 = arith.subi %select_n3A, %sub3A_696 : i32
        %jit3A_698 = arith.constant 2 : i32
        %eq3A_699 = arith.constant 0 : i32
        %eq3A_700 = arith.cmpi eq, %jit3A_698, %eq3A_699 : i32
        %jit3A_701 = arith.constant 1 : i32
        %select_n3A_702 = arith.select %eq3A_700, %jit3A_701, %jit3A_698 : i32
        %rem3A_703 = arith.remsi %sub3A_697, %select_n3A_702 : i32
        %ne3A_704 = arith.constant 0 : i32
        %ne3A_705 = arith.cmpi ne, %rem3A_703, %ne3A_704 : i32
        %lt3A_706 = arith.constant 0 : i32
        %lt3A_707 = arith.cmpi slt, %rem3A_703, %lt3A_706 : i32
        %lt3A_708 = arith.constant 0 : i32
        %lt3A_709 = arith.cmpi slt, %select_n3A_702, %lt3A_708 : i32
        %ne3A_710 = arith.xori %lt3A_707, %lt3A_709 : i1
        %and3A_711 = arith.andi %ne3A_710, %ne3A_705 : i1
        %add3A_712 = arith.addi %rem3A_703, %select_n3A_702 : i32
        %select_n3A_713 = arith.select %and3A_711, %add3A_712, %rem3A_703 : i32
        %eq3A_714 = arith.constant 1 : i32
        %eq3A_715 = arith.cmpi eq, %select_n3A_713, %eq3A_714 : i32
        %and3A_716 = arith.andi %ge3A_695, %eq3A_715 : i1
        %ge3A_717 = arith.constant 2 : i32
        %ge3A_718 = arith.cmpi sge, %select_n3A, %ge3A_717 : i32
        %jit3A_719 = arith.constant 2 : i32
        %eq3A_720 = arith.constant 0 : i32
        %eq3A_721 = arith.cmpi eq, %jit3A_719, %eq3A_720 : i32
        %jit3A_722 = arith.constant 1 : i32
        %select_n3A_723 = arith.select %eq3A_721, %jit3A_722, %jit3A_719 : i32
        %rem3A_724 = arith.remsi %select_n3A, %select_n3A_723 : i32
        %ne3A_725 = arith.constant 0 : i32
        %ne3A_726 = arith.cmpi ne, %rem3A_724, %ne3A_725 : i32
        %lt3A_727 = arith.constant 0 : i32
        %lt3A_728 = arith.cmpi slt, %rem3A_724, %lt3A_727 : i32
        %lt3A_729 = arith.constant 0 : i32
        %lt3A_730 = arith.cmpi slt, %select_n3A_723, %lt3A_729 : i32
        %ne3A_731 = arith.xori %lt3A_728, %lt3A_730 : i1
        %and3A_732 = arith.andi %ne3A_731, %ne3A_726 : i1
        %add3A_733 = arith.addi %rem3A_724, %select_n3A_723 : i32
        %select_n3A_734 = arith.select %and3A_732, %add3A_733, %rem3A_724 : i32
        %eq3A_735 = arith.constant 1 : i32
        %eq3A_736 = arith.cmpi eq, %select_n3A_734, %eq3A_735 : i32
        %and3A_737 = arith.andi %ge3A_718, %eq3A_736 : i1
        %or3A = arith.ori %and3A_672, %and3A_693 : i1
        %convert_element_type3A_738 = arith.extui %or3A : i1 to i32
        %or3A_739 = arith.ori %and3A_716, %and3A_737 : i1
        %convert_element_type3A_740 = arith.extui %or3A_739 : i1 to i32
        scf.yield %convert_element_type3A_738, %convert_element_type3A_740 : i32, i32
      }
      %scan3A_421 = arith.constant 32 : i32
      %gt3A = arith.constant 0 : i32
      %gt3A_422 = arith.cmpi sgt, %scan3A_420#0, %gt3A : i32
      %convert_element_type3A = arith.extui %gt3A_422 : i1 to i32
      %cond3A = arith.constant 0 : i32
      %cond3A_423 = arith.cmpi ne, %convert_element_type3A, %cond3A : i32
      scf.if %cond3A_423 {
        %dma_wait3A_436 = arith.constant 0 : i32
        %dma_wait3A_437 = arith.constant 0 : i32
        %dma_wait3A_438 = tpu.memref_slice %arg18[%dma_wait3A_436, %dma_wait3A_437] : memref<16512x64xf32, #tpu.memory_space<vmem_shared>> -> memref<16512x64xf32, #tpu.memory_space<vmem_shared>>
        tpu.wait_indirect_dma semaphore(%arg21 : memref<!tpu.dma_semaphore, #tpu.memory_space<semaphore_mem>>) src(%arg15 : memref<128x64xf32, #tpu.memory_space<vmem>>) dst(%dma_wait3A_438 : memref<16512x64xf32, #tpu.memory_space<vmem_shared>>)
      } else {
      }
      %gt3A_424 = arith.constant 0 : i32
      %gt3A_425 = arith.cmpi sgt, %scan3A_420#1, %gt3A_424 : i32
      %convert_element_type3A_426 = arith.extui %gt3A_425 : i1 to i32
      %cond3A_427 = arith.constant 0 : i32
      %cond3A_428 = arith.cmpi ne, %convert_element_type3A_426, %cond3A_427 : i32
      scf.if %cond3A_428 {
        %dma_wait3A_436 = arith.constant 0 : i32
        %dma_wait3A_437 = arith.constant 0 : i32
        %dma_wait3A_438 = tpu.memref_slice %arg18[%dma_wait3A_436, %dma_wait3A_437] : memref<16512x64xf32, #tpu.memory_space<vmem_shared>> -> memref<16512x64xf32, #tpu.memory_space<vmem_shared>>
        tpu.wait_indirect_dma semaphore(%arg22 : memref<!tpu.dma_semaphore, #tpu.memory_space<semaphore_mem>>) src(%arg16 : memref<128x64xf32, #tpu.memory_space<vmem>>) dst(%dma_wait3A_438 : memref<16512x64xf32, #tpu.memory_space<vmem_shared>>)
      } else {
      }
      %barrier3A_429 = arith.constant 0 : index
      tpu.barrier barrier_id(%barrier3A_429)
      %mul3A_430 = arith.constant 1024 : i32
      %mul3A_431 = arith.muli %arg1, %mul3A_430 : i32
      %mul3A_432 = arith.constant 1024 : i32
      %mul3A_433 = arith.muli %arg1, %mul3A_432 : i32
      %add3A_434 = arith.addi %mul3A_15, %mul3A_433 : i32
      "tpu.region"() ({
        %run_scoped3A = tpu.sem_alloc : memref<!tpu.dma_semaphore, #tpu.memory_space<semaphore_mem>>
        %dma_start3A_436 = arith.constant 0 : i32
        %dma_start3A_437 = tpu.memref_slice %arg6[%add3A_434, %dma_start3A_436] : memref<65536x64xf32, #tpu.memory_space<hbm>> -> memref<1024x64xf32, #tpu.memory_space<hbm>>
        %dma_start3A_438 = arith.constant 0 : i32
        %dma_start3A_439 = tpu.memref_slice %arg18[%mul3A_431, %dma_start3A_438] : memref<16512x64xf32, #tpu.memory_space<vmem_shared>> -> memref<1024x64xf32, #tpu.memory_space<vmem_shared>>
        tpu.enqueue_dma source(%dma_start3A_439 : memref<1024x64xf32, #tpu.memory_space<vmem_shared>>) target(%dma_start3A_437 : memref<1024x64xf32, #tpu.memory_space<hbm>>) target_semaphore(%run_scoped3A : memref<!tpu.dma_semaphore, #tpu.memory_space<semaphore_mem>>)
        %dma_wait3A_440 = arith.constant 0 : i32
        %dma_wait3A_441 = tpu.memref_slice %arg6[%add3A_434, %dma_wait3A_440] : memref<65536x64xf32, #tpu.memory_space<hbm>> -> memref<1024x64xf32, #tpu.memory_space<hbm>>
        %dma_wait3A_442 = arith.constant 0 : i32
        %dma_wait3A_443 = tpu.memref_slice %arg18[%mul3A_431, %dma_wait3A_442] : memref<16512x64xf32, #tpu.memory_space<vmem_shared>> -> memref<1024x64xf32, #tpu.memory_space<vmem_shared>>
        tpu.wait_dma2 semaphore(%run_scoped3A : memref<!tpu.dma_semaphore, #tpu.memory_space<semaphore_mem>>) src(%dma_wait3A_443 : memref<1024x64xf32, #tpu.memory_space<vmem_shared>>) dst(%dma_wait3A_441 : memref<1024x64xf32, #tpu.memory_space<hbm>>)
        tpu.yield
      }) : () -> ()
      %barrier3A_435 = arith.constant 0 : index
      tpu.barrier barrier_id(%barrier3A_435)
    }
    %scan3A_11 = arith.constant 2 : i32
    return
  }
}

module attributes {stable_mosaic.version = 14 : i64} {
  func.func @_epilogue_body(%arg0: i32, %arg1: memref<2048x64xf32, #tpu.memory_space<vmem>>, %arg2: memref<2048x64xf32, #tpu.memory_space<vmem>>, %arg3: memref<64x64xf32, #tpu.memory_space<vmem>>, %arg4: memref<64x64xf32, #tpu.memory_space<vmem>>, %arg5: memref<8x64xf32, #tpu.memory_space<vmem>>, %arg6: memref<2048x64xf32, #tpu.memory_space<vmem>>) attributes {dimension_semantics = [#tpu.dimension_semantics<arbitrary>], iteration_bounds = array<i64: 32>, scalar_prefetch = 0 : i64, scratch_operands = 0 : i64, tpu.core_type = #tpu.core_type<tc>, window_params = [{transform_indices = @transform_0, window_bounds = array<i64: 2048, 64>}, {transform_indices = @transform_1, window_bounds = array<i64: 2048, 64>}, {pipeline_mode = #tpu.pipeline_mode<synchronous>, transform_indices = @transform_2, window_bounds = array<i64: 64, 64>}, {pipeline_mode = #tpu.pipeline_mode<synchronous>, transform_indices = @transform_3, window_bounds = array<i64: 64, 64>}, {pipeline_mode = #tpu.pipeline_mode<synchronous>, transform_indices = @transform_4, window_bounds = array<i64: 8, 64>}, {transform_indices = @transform_5, window_bounds = array<i64: 2048, 64>}]} {
    %get3A = arith.constant 0 : index
    %get3A_0 = arith.constant 0 : index
    %get3A_1 = vector.load %arg1[%get3A, %get3A_0] : memref<2048x64xf32, #tpu.memory_space<vmem>>, vector<2048x64xf32>
    %get3A_2 = arith.constant 0 : index
    %get3A_3 = arith.constant 0 : index
    %get3A_4 = vector.load %arg2[%get3A_2, %get3A_3] : memref<2048x64xf32, #tpu.memory_space<vmem>>, vector<2048x64xf32>
    %add3A = arith.addf %get3A_1, %get3A_4 : vector<2048x64xf32>
    %mul3A = arith.mulf %get3A_1, %get3A_4 : vector<2048x64xf32>
    %get3A_5 = arith.constant 0 : index
    %get3A_6 = arith.constant 0 : index
    %get3A_7 = vector.load %arg3[%get3A_5, %get3A_6] : memref<64x64xf32, #tpu.memory_space<vmem>>, vector<64x64xf32>
    %dot_general3A = arith.constant dense<0.000000e+00> : vector<2048x64xf32>
    %dot_general3A_8 = tpu.matmul %add3A, %get3A_7, %dot_general3A {dimension_numbers = #tpu.dot_dimension_numbers<[1], [0], [0], [1], [0, 0, 1, 1], [], []>, transpose_lhs_hint = false} : vector<2048x64xf32>, vector<64x64xf32>, vector<2048x64xf32> -> vector<2048x64xf32>
    %get3A_9 = arith.constant 0 : index
    %get3A_10 = arith.constant 0 : index
    %get3A_11 = vector.load %arg4[%get3A_9, %get3A_10] : memref<64x64xf32, #tpu.memory_space<vmem>>, vector<64x64xf32>
    %dot_general3A_12 = arith.constant dense<0.000000e+00> : vector<2048x64xf32>
    %dot_general3A_13 = tpu.matmul %mul3A, %get3A_11, %dot_general3A_12 {dimension_numbers = #tpu.dot_dimension_numbers<[1], [0], [0], [1], [0, 0, 1, 1], [], []>, transpose_lhs_hint = false} : vector<2048x64xf32>, vector<64x64xf32>, vector<2048x64xf32> -> vector<2048x64xf32>
    %add3A_14 = arith.addf %dot_general3A_8, %dot_general3A_13 : vector<2048x64xf32>
    %get3A_15 = arith.constant 0 : index
    %get3A_16 = arith.constant 0 : index
    %get3A_17 = vector.load %arg5[%get3A_15, %get3A_16] : memref<8x64xf32, #tpu.memory_space<vmem>>, vector<1x64xf32>
    %add3A_18 = vector.broadcast %get3A_17 : vector<1x64xf32> to vector<2048x64xf32>
    %add3A_19 = arith.addf %add3A_14, %add3A_18 : vector<2048x64xf32>
    %swap3A = arith.constant 0 : index
    %swap3A_20 = arith.constant 0 : index
    %swap3A_21 = vector.load %arg6[%swap3A, %swap3A_20] : memref<2048x64xf32, #tpu.memory_space<vmem>>, vector<2048x64xf32>
    tpu.vector_store %arg6[%swap3A, %swap3A_20], %add3A_19 {strides = array<i32>} : memref<2048x64xf32, #tpu.memory_space<vmem>>, vector<2048x64xf32>,
    return
  }
  func.func @transform_0(%arg0: i32) -> (i32, i32) {
    %c0_i32 = arith.constant 0 : i32
    %c0_i32_0 = arith.constant 0 : i32
    return %arg0, %c0_i32 : i32, i32
  }
  func.func @transform_1(%arg0: i32) -> (i32, i32) {
    %c0_i32 = arith.constant 0 : i32
    %c0_i32_0 = arith.constant 0 : i32
    return %arg0, %c0_i32 : i32, i32
  }
  func.func @transform_2(%arg0: i32) -> (i32, i32) {
    %c0_i32 = arith.constant 0 : i32
    %c0_i32_0 = arith.constant 0 : i32
    %c0_i32_1 = arith.constant 0 : i32
    return %c0_i32, %c0_i32_0 : i32, i32
  }
  func.func @transform_3(%arg0: i32) -> (i32, i32) {
    %c0_i32 = arith.constant 0 : i32
    %c0_i32_0 = arith.constant 0 : i32
    %c0_i32_1 = arith.constant 0 : i32
    return %c0_i32, %c0_i32_0 : i32, i32
  }
  func.func @transform_4(%arg0: i32) -> (i32, i32) {
    %c0_i32 = arith.constant 0 : i32
    %c0_i32_0 = arith.constant 0 : i32
    %c0_i32_1 = arith.constant 0 : i32
    return %c0_i32, %c0_i32_0 : i32, i32
  }
  func.func @transform_5(%arg0: i32) -> (i32, i32) {
    %c0_i32 = arith.constant 0 : i32
    %c0_i32_0 = arith.constant 0 : i32
    return %arg0, %c0_i32 : i32, i32
  }
}

</mosaic_0001>

<sc_bundles>
// kernel: kernel.4.cloned.1.call-start
scs
__scs_entry_jumppad:
0x0: {  	(pc) =	sbr.rel $0x88, $3  }
0x1: {  	(tag) =	ssettag $0x0;
	lr =	simm.s32 $0x1  }
0x2: {  	[smem:$0x3F99] =	sst lr;
	_ =	strace $0xD0000000  }
0x3: {  	_ = 	snop  }
0x4: {  	_ = 	snop  }
0x5: {  	_ = 	snop  }
0x6: {  	_ = 	snop  }
0x7: {  	_ = 	snop  }
__scs_overlays_trampoline_lowered:
0x8: {  	[smem:$0x3FA8] =	sst s0  }
0x9: {  	[smem:$0x3FA9] =	sst s1  }
0xa: {  	[smem:$0x3FAA] =	sst s2  }
0xb: {  	[smem:$0x3FAB] =	sst s3  }
0xc: {  	[smem:$0x3FAC] =	sst s4  }
0xd: {  	[smem:$0x3FAD] =	sst s5  }
0xe: {  	[smem:$0x3FAE] =	sst s6  }
0xf: {  	[smem:$0x3FAF] =	sst s7  }
0x10: {  	[smem:$0x3FB0] =	sst s8  }
0x11: {  	[smem:$0x3FB1] =	sst s9;
	s0 =	simm.s32 @!p0 $0x0  }
0x12: {  	s1 =	sld [smem:$0x3F97];
	s0 =	simm.s32 @p0 $0x1  }
0x13: {  	[smem:$0x3FB2] =	sst s0;
	s0 =	simm.s32 @!p1 $0x0  }
0x14: {  	s2 =	sld [smem:$0x3F96];
	s0 =	simm.s32 @p1 $0x1  }
0x15: {  	[smem:$0x3FB3] =	sst s0;
	s0 =	simm.s32 @!p2 $0x0  }
0x16: {  	s3 =	sld [smem:$0x3FDB];
	s0 =	simm.s32 @p2 $0x1  }
0x17: {  	s4 =	simm.s32 $0x1BF5;
	[smem:$0x3FB5] =	sst s0  }
0x18: {  	s0 =	sld [smem:$0x3F98];
	_ =	swait.ge [sflag:s4], $0x0  }
0x19: {  	s7 =	sld [smem:$0x3F99]  }
0x1a: {  	s8 =	sadd.s32 $0xFFFFE003, lr  }
0x1b: {  	s9 =	sadd.s32 $0xFFFFFEF7, lr;
	s5 =	simm.s32 $0xFFFFFFFF;
	p2 =	slt.u32 s8, $0xFFFFF086  }
0x1c: {  	p1 =	slt.u32 s9, $0xF7A;
	s5 =	simm.s32 @!p2 $0x0  }
0x1d: {  	s5 =	simm.s32 @p1 $0x1;
	p0 =	seq.s32 s7, s2  }
0x1e: {  	s7 =	smul.u32 @!p0 $0xF7A, s2;
	p2 =	seq.s32 @!p0 s5, $0x0  }
0x1f: {  	s9 =	smul.u32 $0xF7A, s1;
	s8 =	simm.s32 @!p0 $0x1BF5;
	p2 =	por !p2, p0  }
0x20: {  	[sflag:s8] =	ssyncset.s32 @!p0 $0xFFFFF086;
	s6 =	sadd.s32 @!p0 s3, s7;
	s7 =	simm.s32 @!p0 $0x108  }
0x21: {  	s3 =	sadd.s32 s3, s9;
	s6 =	sadd.s32 @!p0 $0x88, s6;
	s7 =	simm.s32 @p2 $0x1082  }
0x22: {  	[simem:s7], [sflag:s8] =	dma.local @!p0 [hbm:s6], $0xF7A  }
0x23: {  	s9 =	sor.u32 $0xD0000000, s2;
	s6 =	simm.s32 $0x108;
	_ =	swait.ge @!p0 [sflag:s8], $0x0  }
0x24: {  	s3 =	sadd.s32 $0x88, s3;
	s6 =	simm.s32 @!p1 $0x1082;
	[sflag:s4] =	ssyncset.s32 $0xFFFFF086  }
0x25: {  	[simem:s6], [sflag:s4] =	dma.local [hbm:s3], $0xF7A  }
0x26: {  	[smem:$0x3F99] =	sst s1;
	(tag) =	ssettag s2;
	_ =	strace s9  }
0x27: {  	s1 =	sld [smem:$0x3FA9]  }
0x28: {  	s2 =	sld [smem:$0x3FAA]  }
0x29: {  	s4 =	sld [smem:$0x3FAC]  }
0x2a: {  	p0 =	seq.s32 s5, $0x0;
	s5 =	sld [smem:$0x3FAD]  }
0x2b: {  	s6 =	sld [smem:$0x3FAE]  }
0x2c: {  	s7 =	sld [smem:$0x3FAF]  }
0x2d: {  	s3 =	simm.s32 $0x108;
	s8 =	sld [smem:$0x3FB0]  }
0x2e: {  	s3 =	simm.s32 @!p0 $0x1082;
	s9 =	sld [smem:$0x3FB1]  }
0x2f: {  	lr =	sadd.s32 s0, s3;
	s0 =	sld [smem:$0x3FA8]  }
0x30: {  	s3 =	sld [smem:$0x3FAB]  }
0x31: {  	[smem:$0x3FB4] =	sst s10  }
0x32: {  	s10 =	sld [smem:$0x3FB2];
	_ =	sdelay $0x3  }
0x33: {  	p0 =	seq.s32 s10, $0x1;
	s10 =	sld [smem:$0x3FB4];
	_ =	sdelay $0x3  }
0x34: {  	[smem:$0x3FB4] =	sst s10  }
0x35: {  	s10 =	sld [smem:$0x3FB3];
	_ =	sdelay $0x3  }
0x36: {  	p1 =	seq.s32 s10, $0x1;
	s10 =	sld [smem:$0x3FB4];
	_ =	sdelay $0x3  }
0x37: {  	[smem:$0x3FB4] =	sst s10  }
0x38: {  	s10 =	sld [smem:$0x3FB5]  }
0x39: {  	_ = 	snop;
	(pc) =	sbr.ind lr, $3  }
0x3a: {  	_ = 	snop  }
0x3b: {  	_ = 	snop  }
0x3c: {  	p2 =	seq.s32 s10, $0x1;
	s10 =	sld [smem:$0x3FB4]  }
0x3d: {  	_ =	shalt  }
0x3e: {  	_ =	shalt  }
0x3f: {  	_ =	shalt  }
0x40: {  	_ =	shalt  }
0x41: {  	_ =	shalt  }
0x42: {  	_ =	shalt  }
0x43: {  	_ =	shalt  }
0x44: {  	_ =	shalt  }
0x45: {  	_ =	shalt  }
0x46: {  	_ =	shalt  }
0x47: {  	_ =	shalt  }
0x48: {  	_ =	shalt  }
0x49: {  	_ =	shalt  }
0x4a: {  	_ =	shalt  }
0x4b: {  	_ =	shalt  }
0x4c: {  	_ =	shalt  }
0x4d: {  	_ =	shalt  }
0x4e: {  	_ =	shalt  }
0x4f: {  	_ =	shalt  }
0x50: {  	_ =	shalt  }
0x51: {  	_ =	shalt  }
0x52: {  	_ =	shalt  }
0x53: {  	_ =	shalt  }
0x54: {  	_ =	shalt  }
0x55: {  	_ =	shalt  }
0x56: {  	_ =	shalt  }
0x57: {  	_ =	shalt  }
0x58: {  	_ =	shalt  }
0x59: {  	_ =	shalt  }
0x5a: {  	_ =	shalt  }
0x5b: {  	_ =	shalt  }
0x5c: {  	_ =	shalt  }
0x5d: {  	_ =	shalt  }
0x5e: {  	_ =	shalt  }
0x5f: {  	_ =	shalt  }
0x60: {  	_ =	shalt  }
0x61: {  	_ =	shalt  }
0x62: {  	_ =	shalt  }
0x63: {  	_ =	shalt  }
0x64: {  	_ =	shalt  }
0x65: {  	_ =	shalt  }
0x66: {  	_ =	shalt  }
0x67: {  	_ =	shalt  }
0x68: {  	_ =	shalt  }
0x69: {  	_ =	shalt  }
0x6a: {  	_ =	shalt  }
0x6b: {  	_ =	shalt  }
0x6c: {  	_ =	shalt  }
0x6d: {  	_ =	shalt  }
0x6e: {  	_ =	shalt  }
0x6f: {  	_ =	shalt  }
0x70: {  	_ =	shalt  }
0x71: {  	_ =	shalt  }
0x72: {  	_ =	shalt  }
0x73: {  	_ =	shalt  }
0x74: {  	_ =	shalt  }
0x75: {  	_ =	shalt  }
0x76: {  	_ =	shalt  }
0x77: {  	_ =	shalt  }
0x78: {  	_ =	shalt  }
0x79: {  	_ =	shalt  }
0x7a: {  	_ =	shalt  }
0x7b: {  	_ =	shalt  }
0x7c: {  	_ =	shalt  }
0x7d: {  	_ =	shalt  }
0x7e: {  	_ =	shalt  }
0x7f: {  	_ =	shalt  }
0x80: {  	_ =	shalt  }
0x81: {  	_ =	shalt  }
0x82: {  	_ =	shalt  }
0x83: {  	_ =	shalt  }
0x84: {  	_ =	shalt  }
0x85: {  	_ =	shalt  }
0x86: {  	_ =	shalt  }
0x87: {  	_ =	shalt  }
.Lfunc_end0:
.L_simem_size_0:
called_computation_lowered:
.L_overlay_start_0:
0x88: {  	s2 =	sld [smem:$0x3FD9]  }
0x89: {  	s3 =	sld [smem:$0x3FFE];
	_ =	sdelay $0x1  }
0x8a: {  	s1 =	srdreg.scid  }
0x8b: {  	s0 =	sand.u32 $0x1, s1  }
0x8c: {  	s17 =	sshll.u32 s0, $0xA;
	s2 =	sadd.s32 s3, s2  }
0x8d: {  	s2 =	sadd.s32 s2, s17  }
0x8e: {  	[smem:$0x3FC0] =	sst s2  }
0x8f: {  	_ = 	snop  }
0x90: {  	s2 =	sld [smem:$0x3FC9]  }
0x91: {  	s18 =	sld [smem:$0x3FC8]  }
0x92: {  	s4 =	sld [smem:$0x3FC7]  }
0x93: {  	s5 =	sld [smem:$0x3FD0];
	(tm) =	ssettm $0x1  }
0x94: {  	s6 =	sld [smem:$0x3FFB];
	_ =	sdelay $0x3  }
0x95: {  	_ =	strace s6  }
0x96: {  	s6 =	sld [smem:$0x3FFC];
	_ =	sdelay $0x3  }
0x97: {  	_ =	strace s6  }
0x98: {  	s6 =	sld [smem:$0x3FFD];
	_ =	sdelay $0x3  }
0x99: {  	_ =	strace s6  }
0x9a: {  	_ =	strace $0x8FFFFFFF  }
0x9b: {  	s19 =	sld [smem:$0x3FDB];
	_ =	sdelay $0x1  }
0x9c: {  	s7 =	simm.s32 $_scs_section_size  }
0x9d: {  	s8 =	simm.s32 $_size__tile_overlayer_lowered;
	s9 =	simm.s32 $_tile_overlayer_lowered  }
0x9e: {  	s22 =	simm.s32 $0x1BFF;
	s21 =	sshll.u32 s9, $0x1;
	s6 =	sadd.s32 s7, s19  }
0x9f: {  	s10 =	simm.s32 $0x0;
	s20 =	sshll.u32 s8, $0x1;
	s8 =	sadd.s32 s21, s6  }
0xa0: {  	[timem:s10], [sflag:s22] =	dma.local [hbm:s8], s20  }
0xa1: {  	_ =	swait.ge [sflag:s22], s20  }
0xa2: {  	s7 =	ssub.s32 $0x0, s20;
	[sflag:s22] =	ssyncset.done $0x0  }
0xa3: {  	[sflag:s22] =	ssyncadd.s32 s7;
	_ =	sdelay $0x1  }
0xa4: {  	s23 =	simm.s32 $0x1B8B  }
0xa5: {  	_ =	swait.ge [sflag:s23], $0x1  }
0xa6: {  	[sflag:s23] =	ssyncset.done $0x0  }
0xa7: {  	s25 =	simm.s32 $0x1B8E;
	s24 =	sld [smem:$0x3FFE];
	[sflag:s23] =	ssyncadd.s32 $0xFFFFFFFF  }
0xa8: {  	s26 =	simm.s32 $execute0_lowered;
	[smem:$0x3FD2] =	sst s25  }
0xa9: {  	s8 =	sshll.u32 s26, $0x1;
	_ =	strace $0x80000046;
	[dreg:$0x1] =	wrdreg $0xFFFFFFFF  }
0xaa: {  	s28 =	simm.s32 $_size_execute0_lowered;
	s6 =	sadd.s32 s6, s8;
	[dreg:$0x0] =	wrdreg $0x0  }
0xab: {  	s8 =	sshll.u32 s28, $0x1;
	[dreg:$0x2] =	wrdreg s6  }
0xac: {  	[dreg:$0x3] =	wrdreg s8  }
0xad: {  	[dreg:$0x4] =	wrdreg $0xC0  }
0xae: {  	_ =	task [dreg:s10], $0x5FFFF  }
0xaf: {  	[dreg:$0x1] =	wrdreg $0xFFFFFFFF  }
0xb0: {  	[dreg:$0x0] =	wrdreg $0x60  }
0xb1: {  	[dreg:$0x2] =	wrdreg s2  }
0xb2: {  	[dreg:$0x3] =	wrdreg s18  }
0xb3: {  	[dreg:$0x4] =	wrdreg s4  }
0xb4: {  	[dreg:$0x5] =	wrdreg s5  }
0xb5: {  	[dreg:$0x6] =	wrdreg s24  }
0xb6: {  	[dreg:$0x7] =	wrdreg $0xDD400  }
0xb7: {  	[dreg:$0x8] =	wrdreg $0x9  }
0xb8: {  	_ =	task.clear_ibuf [dreg:s10], $0x9FFFF;
	_ =	strace $0x90000046  }
0xb9: {  	s29 =	simm.s32 $0x9;
	_ =	strace $0x80000048  }
0xba: {  	_ =	swait.ge [sflag:s29], $0x1  }
0xbb: {  	[sflag:s29] =	ssyncadd.s32 $0xFFFFFFFF  }
0xbc: {  	_ =	strace $0x90000048  }
0xbd: {  	_ =	sfence  }
0xbe: {  	s30 =	sld [smem:$0x0];
	_ =	sdelay $0x2  }
0xbf: {  	s31 =	sshll.u32 s1, $0xD;
	s1 =	sshrl.u32 s1, $0x2  }
0xc0: {  	s3 =	sand.u32 $0x4000, s31;
	s1 =	sadd.s32 s1, s30  }
0xc1: {  	s0 =	sor.u32 s3, s0;
	s1 =	sshll.u32 s1, $0x11  }
0xc2: {  	s0 =	sor.u32 s1, s0  }
0xc3: {  	s0 =	sadd.s32 $0x8F2B, s0  }
0xc4: {  	[sflag:s0] =	ssyncadd.remote.s32 $0x1  }
0xc5: {  	_ =	sfence.sel $0xFFFF  }
0xc6: {  	[dreg:$0x0] =	wrdreg $0xFFFFFFFF;
	(pc) =	sbr.abs _section_cstart, $3  }
0xc7: {  	[dreg:$0x1] =	wrdreg $0xFFFFFFFF  }
0xc8: {  	_ =	task.clear_ibuf [dreg:s10], $0x2FFFF;
	_ =	strace $0x9FFFFFFF  }
0xc9: {  	(tm) =	ssettm $0x7FFFFFFF  }
tec
execute0_lowered:
.L_overlay_start_1:
0x0: {  	(tag) =	ssettag $0x1  }
0x1: {  	s1 =	rddreg [dreg:$0x0]  }
0x2: {  	s2 =	rddreg [dreg:$0x1]  }
0x3: {  	s3 =	rddreg [dreg:$0x2]  }
0x4: {  	s4 =	rddreg [dreg:$0x3]  }
0x5: {  	s0 =	rddreg [dreg:$0x4]  }
0x6: {  	s6 =	rddreg [dreg:$0x5];
	s11 =	stileid.u32  }
0x7: {  	s24 =	simm.s32 $0x0;
	s5 =	srdreg.scid;
	s7 =	smul.u32 $0x40800, s11  }
0x8: {  	[smem:$0x7FF] =	sst s24;
	s5 =	sand.u32 $0x1, s5;
	s19 =	smul.u32 $0x8800, s11  }
0x9: {  	s8 =	sshll.u32 s11, $0xD;
	s9 =	ssub.s32 $0x2, s5;
	s5 =	sshll.u32 s5, $0xF  }
0xa: {  	_ =	strace $0x80000047;
	[dreg:$0x8] =	wrdreg s5;
	s25 =	sadd.s32 s1, s19  }
0xb: {  	s0 =	sadd.s32 s8, s0;
	s31 =	sadd.s32 s2, s19;
	[dreg:$0x13] =	wrdreg s25  }
0xc: {  	s7 =	sshrl.u32 s7, $0x2;
	s5 =	sadd.s32 s3, s19;
	[dreg:$0x14] =	wrdreg s31  }
0xd: {  	s0 =	sadd.s32 $0x100C00, s0;
	s8 =	sadd.s32 s7, s6;
	[dreg:$0x15] =	wrdreg s5  }
0xe: {  	[dreg:$0x16] =	wrdreg s0;
	s13 =	sadd.s32 $0xAC0, s8  }
0xf: {  	s14 =	sadd.s32 $0x1580, s8;
	[dreg:$0x9] =	wrdreg s13  }
0x10: {  	s15 =	sadd.s32 $0x2040, s8;
	[dreg:$0xa] =	wrdreg s14  }
0x11: {  	s16 =	sadd.s32 $0x2B00, s8;
	[dreg:$0xb] =	wrdreg s15  }
0x12: {  	s17 =	sadd.s32 $0x35C0, s8;
	[dreg:$0xc] =	wrdreg s16  }
0x13: {  	s18 =	sadd.s32 $0x4080, s8;
	[dreg:$0xd] =	wrdreg s17  }
0x14: {  	s20 =	sadd.s32 $0x4B40, s8;
	[dreg:$0xe] =	wrdreg s18  }
0x15: {  	s21 =	sadd.s32 $0x5600, s8;
	[dreg:$0xf] =	wrdreg s20  }
0x16: {  	s22 =	sadd.s32 $0x60C0, s8;
	[dreg:$0x10] =	wrdreg s21  }
0x17: {  	s23 =	sadd.s32 $0x6B80, s8;
	[dreg:$0x11] =	wrdreg s22  }
0x18: {  	s26 =	sshll.u32 s11, $0x10;
	s19 =	sadd.s32 $0xA140, s8;
	[dreg:$0x12] =	wrdreg s23  }
0x19: {  	s12 =	sadd.s32 s26, s6;
	s25 =	sadd.s32 $0xD700, s8;
	[dreg:$0x1d] =	wrdreg s19  }
0x1a: {  	s10 =	sshrl.u32 s9, $0x1;
	s26 =	sadd.s32 $0xE1C0, s8;
	[smem:$0x7FB] =	sst s25  }
0x1b: {  	s7 =	ssub.s32 s9, s10;
	s31 =	sadd.s32 $0xEC80, s8;
	[smem:$0x7FC] =	sst s26  }
0x1c: {  	s13 =	smax.u32 s7, $0x1;
	[smem:$0x7FD] =	sst s31  }
0x1d: {  	s14 =	sshrl.u32 s12, $0x3;
	[dreg:$0x17] =	wrdreg s13  }
0x1e: {  	s15 =	sadd.s32 $0x7640, s8;
	[dreg:$0x18] =	wrdreg s14  }
0x1f: {  	s28 =	simm.s32 $0xB280;
	s16 =	sadd.s32 $0x8100, s8;
	[dreg:$0x19] =	wrdreg s15  }
0x20: {  	s29 =	simm.s32 $0x6;
	s17 =	sadd.s32 $0x8BC0, s8;
	[dreg:$0x1a] =	wrdreg s16  }
0x21: {  	s30 =	simm.s32 $0x0;
	s18 =	sadd.s32 $0x9680, s8;
	[dreg:$0x1b] =	wrdreg s17  }
0x22: {  	s20 =	sadd.s32 $0xAC00, s8;
	s21 =	sadd.s32 $0xB6C0, s8;
	[dreg:$0x1c] =	wrdreg s18  }
0x23: {  	s22 =	sadd.s32 $0xC180, s8;
	s23 =	sadd.s32 $0xCC40, s8;
	[dreg:$0x1e] =	wrdreg s20  }
0x24: {  	v0 =	vimm.f32 $0.0e+00;
	v1 =	vimm.s32 $0x0;
	v2 =	vlaneseq.u32;
	s12 =	sadd.s32 $0xF740, s8;
	s19 =	simm.s32 $0x8100;
	[dreg:$0x1f] =	wrdreg s21  }
.Ltmp0:
0x25: {  	v3 =	vor.u32 $0x4000, v2;
	v4 =	vor.u32 $0x10, v2;
	v5 =	vor.u32 $0x4010, v2;
	s25 =	simm.s32 $0x2;
	[smem:$0x7F9] =	sst s22;
	(pc) =	sbr.rel .LBB2_1-.Ltmp0, $4  }
0x26: {  	v6 =	vor.u32 $0x20, v2;
	v7 =	vor.u32 $0x4020, v2;
	v8 =	vor.u32 $0x30, v2;
	s26 =	simm.s32 $0x9200;
	[smem:$0x7FA] =	sst s23;
	s13 =	sshll.u32 s11, $0xF  }
0x27: {  	v9 =	vor.u32 $0x4030, v2;
	v10 =	vor.u32 $0x40, v2;
	v11 =	vor.u32 $0x4040, v2;
	s14 =	sshll.u32 s11, $0xB;
	s15 =	simm.s32 $0xD280;
	s16 =	simm.s32 $0x5  }
0x28: {  	v12 =	vor.u32 $0x50, v2;
	v13 =	vor.u32 $0x4050, v2;
	v14 =	vor.u32 $0x60, v2;
	s17 =	simm.s32 $0x6000;
	s18 =	simm.s32 $0x7080;
	s20 =	simm.s32 $0x1  }
0x29: {  	v15 =	vor.u32 $0x4060, v2;
	v16 =	vor.u32 $0x70, v2;
	v17 =	vor.u32 $0x4070, v2;
	s21 =	simm.s32 $0x80;
	s22 =	simm.s32 $0x9280;
	s23 =	simm.s32 $0x9180  }
.LBB2_19:
0x2a: {  	s24 =	rddreg [dreg:$0x7]  }
0x2b: {  	s0 =	rddreg [dreg:$0x17];
	s24 =	sadd.s32 $0x1, s24  }
0x2c: {  	p0 =	sne.s32 s24, s0  }
.Ltmp1:
0x2d: {  	_ = 	snop;
	(pc) =	sbr.rel @!p0 .LBB2_20-.Ltmp1, $1  }
0x2e: {  	_ =	sdelay $0x3  }
.LBB2_1:
0x2f: {  	[dreg:$0x7] =	wrdreg s24  }
0x30: {  	s5 =	simm.s32 $0x100;
	s0 =	simm.s32 $0x0;
	p1 =	por $0x1, $0x1  }
.LBB2_2:
0x31: {  	p0 =	sne.s32 s5, $0x2A00;
	[tilespmem:s0+$0xD2B0] =	vst v0;
	s7 =	smov.u32 s5;
	s5 =	sadd.s32 $0x100, s5  }
.Ltmp2:
0x32: {  	[tilespmem:s0+$0xD2A0] =	vst v0;
	(pc) =	sbr.rel @p0 .LBB2_2-.Ltmp2, $3  }
0x33: {  	[tilespmem:s0+$0xD280] =	vst v0  }
0x34: {  	[tilespmem:s0+$0xD290] =	vst v0;
	_ =	sdelay $0x1  }
0x35: {  	s0 =	sshra.s32 s7, $0x2  }
.Ltmp3:
0x36: {  	(pc) =	sbr.rel .LBB2_4-.Ltmp3, $4  }
0x37: {  	[tilespmem:s0+$0xD2B0] =	vst v0  }
0x38: {  	[tilespmem:s0+$0xD2A0] =	vst v0  }
0x39: {  	[tilespmem:s0+$0xD280] =	vst v0  }
0x3a: {  	[tilespmem:s0+$0xD290] =	vst v0;
	s0 =	simm.s32 $0x0  }
.LBB2_18:
0x3b: {  	s0 =	simm.s32 @p4 $0x3  }
0x3c: {  	_ =	swait.ge @p4 [sflag:s0], $0x2000  }
0x3d: {  	[sflag:s0] =	ssyncset.done @p4 $0x0  }
0x3e: {  	[sflag:s0] =	ssyncadd.s32 @p4 $0xFFFFE000;
	s0 =	simm.s32 @p3 $0x4  }
0x3f: {  	_ =	swait.ge @p3 [sflag:s0], $0x2000  }
0x40: {  	[sflag:s0] =	ssyncset.done @p3 $0x0  }
0x41: {  	[sflag:s0] =	ssyncadd.s32 @p3 $0xFFFFE000  }
0x42: {  	s5 =	stileid.u32;
	[bflag:$0x0] =	sbarrier.arrive $0xFFFF  }
0x43: {  	s24 =	sshll.u32 s31, $0x3;
	s5 =	sshll.u32 s5, $0x6;
	s7 =	rddreg [dreg:$0x16]  }
0x44: {  	s5 =	sor.u32 $0x1C06, s5;
	s31 =	rddreg [dreg:$0x18];
	s0 =	sadd.s32 s24, s7  }
0x45: {  	[hbm:s0], [sflag:s5] =	dma.local [spmem:s31], $0x2000  }
.Ltmp4:
0x46: {  	_ =	swait.ge [sflag:s29], $0x2000;
	(pc) =	sbr.rel @!p0 .LBB2_19-.Ltmp4, $4  }
0x47: {  	[sflag:s29] =	ssyncset.done $0x0  }
0x48: {  	[sflag:s29] =	ssyncadd.s32 $0xFFFFE000  }
0x49: {  	[bflag:$0x0] =	sbarrier.arrive $0xFFFF  }
0x4a: {  	p1 =	por $0x0, $0x0;
	s0 =	simm.s32 $0x4000  }
.LBB2_4:
0x4b: {  	[spmem:s8] =	stream.linear.scatter [tilespmem:s15], [sflag:$0x5], $0xAC0, $0x38;
	[tilespmem:$0x1DF40] =	vst v63  }
0x4c: {  	s5 =	rddreg [dreg:$0x9]  }
0x4d: {  	s24 =	rddreg [dreg:$0xa]  }
0x4e: {  	[spmem:s5] =	stream.linear.scatter [tilespmem:s15], [sflag:$0x5], $0xAC0, $0x38;
	[tilespmem:$0x1DF40] =	vst v63  }
0x4f: {  	s7 =	rddreg [dreg:$0xb]  }
0x50: {  	[spmem:s24] =	stream.linear.scatter [tilespmem:s15], [sflag:$0x5], $0xAC0, $0x38;
	[tilespmem:$0x1DF40] =	vst v63  }
0x51: {  	s9 =	rddreg [dreg:$0xc]  }
0x52: {  	[spmem:s7] =	stream.linear.scatter [tilespmem:s15], [sflag:$0x5], $0xAC0, $0x38;
	[tilespmem:$0x1DF40] =	vst v63  }
0x53: {  	s10 =	rddreg [dreg:$0xd]  }
0x54: {  	[spmem:s9] =	stream.linear.scatter [tilespmem:s15], [sflag:$0x5], $0xAC0, $0x38;
	[tilespmem:$0x1DF40] =	vst v63  }
0x55: {  	s11 =	rddreg [dreg:$0xe]  }
0x56: {  	[spmem:s10] =	stream.linear.scatter [tilespmem:s15], [sflag:$0x5], $0xAC0, $0x38;
	[tilespmem:$0x1DF40] =	vst v63  }
0x57: {  	s24 =	rddreg [dreg:$0xf]  }
0x58: {  	[spmem:s11] =	stream.linear.scatter [tilespmem:s15], [sflag:$0x5], $0xAC0, $0x38;
	[tilespmem:$0x1DF40] =	vst v63  }
0x59: {  	s7 =	rddreg [dreg:$0x10]  }
0x5a: {  	[spmem:s24] =	stream.linear.scatter [tilespmem:s15], [sflag:$0x5], $0xAC0, $0x38;
	[tilespmem:$0x1DF40] =	vst v63  }
0x5b: {  	s9 =	rddreg [dreg:$0x11]  }
0x5c: {  	[spmem:s7] =	stream.linear.scatter [tilespmem:s15], [sflag:$0x5], $0xAC0, $0x38;
	[tilespmem:$0x1DF40] =	vst v63  }
0x5d: {  	s10 =	rddreg [dreg:$0x12]  }
0x5e: {  	[spmem:s9] =	stream.linear.scatter [tilespmem:s15], [sflag:$0x5], $0xAC0, $0x38;
	[tilespmem:$0x1DF40] =	vst v63  }
0x5f: {  	s11 =	rddreg [dreg:$0x19]  }
0x60: {  	[spmem:s10] =	stream.linear.scatter [tilespmem:s15], [sflag:$0x5], $0xAC0, $0x38;
	[tilespmem:$0x1DF40] =	vst v63  }
0x61: {  	s24 =	rddreg [dreg:$0x1a]  }
0x62: {  	[spmem:s11] =	stream.linear.scatter [tilespmem:s15], [sflag:$0x5], $0xAC0, $0x38;
	[tilespmem:$0x1DF40] =	vst v63  }
0x63: {  	s7 =	rddreg [dreg:$0x1b]  }
0x64: {  	[spmem:s24] =	stream.linear.scatter [tilespmem:s15], [sflag:$0x5], $0xAC0, $0x38;
	[tilespmem:$0x1DF40] =	vst v63  }
0x65: {  	s9 =	rddreg [dreg:$0x1c]  }
0x66: {  	[spmem:s7] =	stream.linear.scatter [tilespmem:s15], [sflag:$0x5], $0xAC0, $0x38;
	[tilespmem:$0x1DF40] =	vst v63  }
0x67: {  	s10 =	rddreg [dreg:$0x1d]  }
0x68: {  	[spmem:s9] =	stream.linear.scatter [tilespmem:s15], [sflag:$0x5], $0xAC0, $0x38;
	[tilespmem:$0x1DF40] =	vst v63  }
0x69: {  	s11 =	rddreg [dreg:$0x1e]  }
0x6a: {  	[spmem:s10] =	stream.linear.scatter [tilespmem:s15], [sflag:$0x5], $0xAC0, $0x38;
	[tilespmem:$0x1DF40] =	vst v63  }
0x6b: {  	s24 =	rddreg [dreg:$0x1f]  }
0x6c: {  	[spmem:s11] =	stream.linear.scatter [tilespmem:s15], [sflag:$0x5], $0xAC0, $0x38;
	[tilespmem:$0x1DF40] =	vst v63  }
0x6d: {  	s7 =	sld [smem:$0x7F9]  }
0x6e: {  	[spmem:s24] =	stream.linear.scatter [tilespmem:s15], [sflag:$0x5], $0xAC0, $0x38;
	[tilespmem:$0x1DF40] =	vst v63  }
0x6f: {  	s9 =	sld [smem:$0x7FA]  }
0x70: {  	[spmem:s7] =	stream.linear.scatter [tilespmem:s15], [sflag:$0x5], $0xAC0, $0x38;
	[tilespmem:$0x1DF40] =	vst v63  }
0x71: {  	s10 =	sld [smem:$0x7FB]  }
0x72: {  	[spmem:s9] =	stream.linear.scatter [tilespmem:s15], [sflag:$0x5], $0xAC0, $0x38;
	[tilespmem:$0x1DF40] =	vst v63  }
0x73: {  	s11 =	sld [smem:$0x7FC]  }
0x74: {  	[spmem:s10] =	stream.linear.scatter [tilespmem:s15], [sflag:$0x5], $0xAC0, $0x38;
	[tilespmem:$0x1DF40] =	vst v63  }
0x75: {  	s24 =	sld [smem:$0x7FD]  }
0x76: {  	[spmem:s11] =	stream.linear.scatter [tilespmem:s15], [sflag:$0x5], $0xAC0, $0x38;
	[tilespmem:$0x1DF40] =	vst v63  }
0x77: {  	_ = 	snop  }
0x78: {  	[spmem:s24] =	stream.linear.scatter [tilespmem:s15], [sflag:$0x5], $0xAC0, $0x38;
	[tilespmem:$0x1DF40] =	vst v63  }
0x79: {  	_ = 	snop  }
0x7a: {  	[spmem:s12] =	stream.linear.scatter [tilespmem:s15], [sflag:$0x5], $0xAC0, $0x38;
	[tilespmem:$0x1DF40] =	vst v63  }
0x7b: {  	_ =	swait.ge [sflag:s16], $0xAC0  }
0x7c: {  	[sflag:s16] =	ssyncset.done $0x0  }
0x7d: {  	[sflag:s16] =	ssyncadd.s32 $0xFFFFF540  }
0x7e: {  	_ =	swait.ge [sflag:s16], $0xAC0  }
0x7f: {  	[sflag:s16] =	ssyncset.done $0x0  }
0x80: {  	[sflag:s16] =	ssyncadd.s32 $0xFFFFF540  }
0x81: {  	_ =	swait.ge [sflag:s16], $0xAC0  }
0x82: {  	[sflag:s16] =	ssyncset.done $0x0  }
0x83: {  	[sflag:s16] =	ssyncadd.s32 $0xFFFFF540  }
0x84: {  	_ =	swait.ge [sflag:s16], $0xAC0  }
0x85: {  	[sflag:s16] =	ssyncset.done $0x0  }
0x86: {  	[sflag:s16] =	ssyncadd.s32 $0xFFFFF540  }
0x87: {  	_ =	swait.ge [sflag:s16], $0xAC0  }
0x88: {  	[sflag:s16] =	ssyncset.done $0x0  }
0x89: {  	[sflag:s16] =	ssyncadd.s32 $0xFFFFF540  }
0x8a: {  	_ =	swait.ge [sflag:s16], $0xAC0  }
0x8b: {  	[sflag:s16] =	ssyncset.done $0x0  }
0x8c: {  	[sflag:s16] =	ssyncadd.s32 $0xFFFFF540  }
0x8d: {  	_ =	swait.ge [sflag:s16], $0xAC0  }
0x8e: {  	[sflag:s16] =	ssyncset.done $0x0  }
0x8f: {  	[sflag:s16] =	ssyncadd.s32 $0xFFFFF540  }
0x90: {  	_ =	swait.ge [sflag:s16], $0xAC0  }
0x91: {  	[sflag:s16] =	ssyncset.done $0x0  }
0x92: {  	[sflag:s16] =	ssyncadd.s32 $0xFFFFF540  }
0x93: {  	_ =	swait.ge [sflag:s16], $0xAC0  }
0x94: {  	[sflag:s16] =	ssyncset.done $0x0  }
0x95: {  	[sflag:s16] =	ssyncadd.s32 $0xFFFFF540  }
0x96: {  	_ =	swait.ge [sflag:s16], $0xAC0  }
0x97: {  	[sflag:s16] =	ssyncset.done $0x0  }
0x98: {  	[sflag:s16] =	ssyncadd.s32 $0xFFFFF540  }
0x99: {  	_ =	swait.ge [sflag:s16], $0xAC0  }
0x9a: {  	[sflag:s16] =	ssyncset.done $0x0  }
0x9b: {  	[sflag:s16] =	ssyncadd.s32 $0xFFFFF540  }
0x9c: {  	_ =	swait.ge [sflag:s16], $0xAC0  }
0x9d: {  	[sflag:s16] =	ssyncset.done $0x0  }
0x9e: {  	[sflag:s16] =	ssyncadd.s32 $0xFFFFF540  }
0x9f: {  	_ =	swait.ge [sflag:s16], $0xAC0  }
0xa0: {  	[sflag:s16] =	ssyncset.done $0x0  }
0xa1: {  	[sflag:s16] =	ssyncadd.s32 $0xFFFFF540  }
0xa2: {  	_ =	swait.ge [sflag:s16], $0xAC0  }
0xa3: {  	[sflag:s16] =	ssyncset.done $0x0  }
0xa4: {  	[sflag:s16] =	ssyncadd.s32 $0xFFFFF540  }
0xa5: {  	_ =	swait.ge [sflag:s16], $0xAC0  }
0xa6: {  	[sflag:s16] =	ssyncset.done $0x0  }
0xa7: {  	[sflag:s16] =	ssyncadd.s32 $0xFFFFF540  }
0xa8: {  	_ =	swait.ge [sflag:s16], $0xAC0  }
0xa9: {  	[sflag:s16] =	ssyncset.done $0x0  }
0xaa: {  	[sflag:s16] =	ssyncadd.s32 $0xFFFFF540  }
0xab: {  	_ =	swait.ge [sflag:s16], $0xAC0  }
0xac: {  	[sflag:s16] =	ssyncset.done $0x0  }
0xad: {  	[sflag:s16] =	ssyncadd.s32 $0xFFFFF540  }
0xae: {  	_ =	swait.ge [sflag:s16], $0xAC0  }
0xaf: {  	[sflag:s16] =	ssyncset.done $0x0  }
0xb0: {  	[sflag:s16] =	ssyncadd.s32 $0xFFFFF540  }
0xb1: {  	_ =	swait.ge [sflag:s16], $0xAC0  }
0xb2: {  	[sflag:s16] =	ssyncset.done $0x0  }
0xb3: {  	[sflag:s16] =	ssyncadd.s32 $0xFFFFF540  }
0xb4: {  	_ =	swait.ge [sflag:s16], $0xAC0  }
0xb5: {  	[sflag:s16] =	ssyncset.done $0x0  }
0xb6: {  	[sflag:s16] =	ssyncadd.s32 $0xFFFFF540  }
0xb7: {  	_ =	swait.ge [sflag:s16], $0xAC0  }
0xb8: {  	[sflag:s16] =	ssyncset.done $0x0  }
0xb9: {  	[sflag:s16] =	ssyncadd.s32 $0xFFFFF540  }
0xba: {  	_ =	swait.ge [sflag:s16], $0xAC0  }
0xbb: {  	[sflag:s16] =	ssyncset.done $0x0  }
0xbc: {  	[sflag:s16] =	ssyncadd.s32 $0xFFFFF540  }
0xbd: {  	_ =	swait.ge [sflag:s16], $0xAC0  }
0xbe: {  	[sflag:s16] =	ssyncset.done $0x0  }
0xbf: {  	[sflag:s16] =	ssyncadd.s32 $0xFFFFF540  }
0xc0: {  	_ =	swait.ge [sflag:s16], $0xAC0  }
0xc1: {  	[sflag:s16] =	ssyncset.done $0x0  }
0xc2: {  	[sflag:s16] =	ssyncadd.s32 $0xFFFFF540  }
0xc3: {  	[bflag:$0x0] =	sbarrier.arrive $0xFFFF  }
0xc4: {  	p0 =	por p1, p1;
	p1 =	por $0x1, $0x1;
	s7 =	rddreg [dreg:$0x13]  }
0xc5: {  	[tilespmem:s30], [sflag:$0x5] =	stream.linear.gather [hbm4b:s7+s30], $0x2000, $0x38;
	[tilespmem:$0x1DF40] =	vst v63  }
.Ltmp5:
0xc6: {  	p2 =	por $0x1, $0x1;
	s9 =	rddreg [dreg:$0x14];
	(pc) =	sbr.rel .LBB2_5-.Ltmp5, $4  }
0xc7: {  	s11 =	simm.s32 $0x4000;
	s24 =	rddreg [dreg:$0x8];
	s7 =	simm.s32 $0x2000  }
0xc8: {  	[tilespmem:s7], [sflag:$0x5] =	stream.linear.gather [hbm4b:s9+s30], $0x2000, $0x38;
	[tilespmem:$0x1DF40] =	vst v63  }
0xc9: {  	s10 =	rddreg [dreg:$0x15];
	s31 =	sor.u32 s24, s0;
	s0 =	simm.s32 $0x0  }
0xca: {  	v18 =	vmov s31;
	[tilespmem:s11], [sflag:$0x5] =	stream.linear.gather [hbm4b:s10+s30], $0x2000, $0x38;
	[tilespmem:$0x1DF40] =	vst v63  }
.LBB2_17:
0xcb: {  	s5 =	sand.u32 $0x1, s24  }
0xcc: {  	p1 =	sgt.s32 s24, $0x0;
	p2 =	seq.s32 s5, $0x1  }
0xcd: {  	p4 =	sgt.s32 s24, $0x1;
	p3 =	por !p1, !p2;
	p5 =	por !p2, !p2  }
0xce: {  	p6 =	por !p4, !p5;
	p1 =	por !p1, !p5;
	p5 =	sne.s32 s0, $0x20  }
.Ltmp6:
0xcf: {  	_ = 	snop;
	(pc) =	sbr.rel @!p5 .LBB2_18-.Ltmp6, $4  }
0xd0: {  	p2 =	por !p4, !p2;
	p3 =	por !p3, !p3  }
0xd1: {  	p2 =	por !p2, !p2;
	p6 =	por !p6, !p6;
	p1 =	por !p1, !p1  }
0xd2: {  	p4 =	por p3, p6;
	p3 =	por p2, p1  }
0xd3: {  	p2 =	por !p4, !p4;
	p1 =	por !p3, !p3  }
.LBB2_5:
0xd4: {  	_ =	swait.ge [sflag:s16], $0x2000  }
0xd5: {  	[sflag:s16] =	ssyncset.done $0x0  }
0xd6: {  	[sflag:s16] =	ssyncadd.s32 $0xFFFFE000  }
0xd7: {  	_ =	swait.ge [sflag:s16], $0x2000  }
0xd8: {  	[sflag:s16] =	ssyncset.done $0x0  }
0xd9: {  	[sflag:s16] =	ssyncadd.s32 $0xFFFFE000  }
0xda: {  	_ =	swait.ge [sflag:s16], $0x2000  }
0xdb: {  	[sflag:s16] =	ssyncset.done $0x0  }
0xdc: {  	s5 =	simm.s32 $0x40;
	[sflag:s16] =	ssyncadd.s32 $0xFFFFE000  }
0xdd: {  	v19 =	vld [tilespmem:s5+$0x0]  }
0xde: {  	v20 =	vld [tilespmem:s5+$0xFFFFFFF0]  }
0xdf: {  	v21 =	vld [tilespmem:s5+$0xFFFFFFD0]  }
0xe0: {  	v22 =	vld [tilespmem:s5+$0xFFFFFFE0]  }
0xe1: {  	v23 =	vld [tilespmem:s5+$0xFFFFFFC0]  }
0xe2: {  	v32 =	vsub.s32 v19, v18  }
0xe3: {  	v20 =	vsub.s32 v20, v18;
	vm0 =	vlt.u32 v32, $0x4000  }
0xe4: {  	v21 =	vsub.s32 v21, v18;
	vm4 =	vlt.u32 v20, $0x4000;
	v19 =	vsel vm0, $0x1, v1  }
0xe5: {  	v24 =	vld [tilespmem:s5+$0x20];
	v28 =	vsub.s32 v22, v18;
	vm1 =	vlt.u32 v21, $0x4000;
	v25 =	vsel vm4, $0x1, v1;
	(xrf0) =	vadd.scan.msk.s32 $0xffff, v19  }
0xe6: {  	v22 =	vld [tilespmem:s5+$0x10];
	v23 =	vsub.s32 v23, v18;
	vm5 =	vlt.u32 v28, $0x4000;
	v26 =	vsel vm1, $0x1, v1;
	(xrf0) =	vadd.scan.msk.s32 $0xffff, v25  }
0xe7: {  	v27 =	vld [tilespmem:s5+$0x30];
	vm3 =	vlt.u32 v23, $0x4000;
	v29 =	vsel vm5, $0x1, v1;
	(xrf0) =	vadd.scan.msk.s32 $0xffff, v26  }
0xe8: {  	v30 =	vsel vm3, $0x1, v1;
	(xrf0) =	vadd.scan.msk.s32 $0xffff, v29  }
0xe9: {  	(xrf0) =	vadd.scan.msk.s32 $0xffff, v30;
	_ =	sdelay $0x1  }
0xea: {  	v24 =	vsub.s32 v24, v18;
	v37 =	vsub.s32 v22, v18;
	v22, _, _ =	vpop (xrf0)  }
0xeb: {  	s7 =	simm.s32 $0x2040;
	v36 =	vimm.s32 $0x0;
	v34 =	vsub.s32 v27, v18;
	vm2 =	vlt.u32 v24, $0x4000;
	v38, _, _ =	vpop (xrf0)  }
0xec: {  	s9 =	simm.s32 $0x4040;
	v33 =	vld [tilespmem:s7+$0xFFFFFFD0];
	v27 =	vsel vm2, $0x1, v1;
	v22 =	vsub.s32 v22, v19;
	v19 =	vmpcnt.ones.xlane vm3;
	v41, _, _ =	vpop (xrf0)  }
0xed: {  	v31 =	vld [tilespmem:s9+$0x10];
	v39 =	vmpcnt.ones.xlane vm1;
	v43 =	vmpcnt.ones.xlane vm5;
	vm6 =	vlt.u32 v37, $0x4000;
	v45, _, _ =	vpop (xrf0)  }
0xee: {  	v42 =	vld [tilespmem:s7+$0x10];
	vm4 =	vmmov vm4;
	v40 =	vsel vm6, $0x1, v1;
	v19 =	vadd.s32 v36, v19;
	v46, _, _ =	vpop (xrf0)  }
0xef: {  	v47 =	vld [tilespmem:s9+$0xFFFFFFF0];
	(xrf0) =	vadd.scan.msk.s32 $0xffff, v27;
	vm3 =	vmmov vm3;
	v39 =	vadd.s32 v19, v39;
	v30 =	vsub.s32 v46, v30  }
0xf0: {  	v63 =	vld [tilespmem:s7+$0xFFFFFFC0];
	(xrf0) =	vadd.scan.msk.s32 $0xffff, v40;
	v25 =	vsub.s32 v38, v25;
	v43 =	vadd.s32 v39, v43;
	v36 =	vadd.s32 v36, v30  }
0xf1: {  	s24 =	simm.s32 $0xC0;
	v52 =	vld [tilespmem:s7+$0xFFFFFFF0];
	v26 =	vsub.s32 v41, v26;
	v53 =	vadd.s32 v43, v25  }
0xf2: {  	v57 =	vld [tilespmem:s24+$0xFFFFFFD0];
	v25 =	vsub.s32 v45, v29;
	v29 =	vadd.s32 v19, v26  }
0xf3: {  	v54 =	vld [tilespmem:s24+$0x10];
	vm7 =	vlt.u32 v34, $0x4000;
	v48 =	vmpcnt.ones.xlane vm4  }
0xf4: {  	v62 =	vsel vm7, $0x1, v1;
	v51 =	vmpcnt.ones.xlane vm0;
	v30 =	vld [tilespmem:s9+$0xFFFFFFD0]  }
0xf5: {  	vm5 =	vmmov vm5;
	v56 =	vmpcnt.ones.xlane vm2;
	v43 =	vadd.s32 v43, v48;
	v45 =	vld [tilespmem:s9+$0xFFFFFFC0];
	v50, _, _ =	vpop (xrf0);
	[tilespmem:v36+s17+$0x0] =	vst.idx.msk vm3, v63  }
0xf6: {  	v58 =	vmpcnt.ones.xlane vm7;
	(xrf0) =	vadd.scan.msk.s32 $0xffff, v62;
	v26 =	vld [tilespmem:s24+$0x0];
	v55 =	vadd.s32 v43, v51;
	v19, _, _ =	vpop (xrf0);
	[tilespmem:v53+s17+$0x0] =	vst.idx.msk vm4, v52  }
0xf7: {  	v49 =	vmpcnt.ones.xlane vm6;
	v39 =	vadd.s32 v39, v25;
	v25 =	vld [tilespmem:s24+$0xFFFFFFF0];
	v19 =	vsub.s32 v19, v40;
	[tilespmem:v29+s17+$0x0] =	vst.idx.msk vm1, v33  }
0xf8: {  	v59 =	vld [tilespmem:s24+$0x30];
	vm10 =	vmmov vm2;
	v27 =	vsub.s32 v50, v27;
	v50 =	vadd.s32 v55, v19;
	[tilespmem:v36+s18+$0x0] =	vst.idx.msk vm3, v23  }
0xf9: {  	v61 =	vld [tilespmem:s24+$0xFFFFFFC0];
	vm9 =	vmmov vm0;
	v19 =	vadd.s32 v55, v49;
	v55 =	vadd.s32 v43, v22;
	[tilespmem:v53+s18+$0x0] =	vst.idx.msk vm4, v20  }
0xfa: {  	vm2 =	vmmov vm7;
	v41 =	vld [tilespmem:s7+$0x20];
	v22 =	vsub.s32 v54, v18;
	v51 =	vadd.s32 v19, v27;
	[tilespmem:v29+s18+$0x0] =	vst.idx.msk vm1, v21  }
0xfb: {  	vm12 =	vmmov vm6;
	v48 =	vadd.s32 v19, v56;
	v27 =	vld [tilespmem:s24+$0xFFFFFFE0];
	v19 =	vsub.s32 v26, v18;
	[tilespmem:v29+s19+$0x0] =	vst.idx.msk vm1, v30  }
0xfc: {  	v60 =	vld [tilespmem:s24+$0x20];
	vm8 =	vlt.u32 v22, $0x4000;
	v23, _, _ =	vpop (xrf0);
	v20 =	vsub.s32 v25, v18;
	v21 =	vsub.s32 v57, v18;
	[tilespmem:v36+s19+$0x0] =	vst.idx.msk vm3, v45  }
0xfd: {  	v35 =	vld [tilespmem:s9+$0x20];
	vm0 =	vlt.u32 v19, $0x4000;
	v25 =	vsub.s32 v59, v18;
	v23 =	vsub.s32 v23, v62;
	[tilespmem:v53+s19+$0x0] =	vst.idx.msk vm4, v47  }
0xfe: {  	v52 =	vsel vm0, $0x1, v1;
	vm11 =	vlt.u32 v20, $0x4000;
	vm1 =	vlt.u32 v21, $0x4000;
	v30 =	vld [tilespmem:s7+$0xFFFFFFE0];
	[tilespmem:v50+s17+$0x0] =	vst.idx.msk vm6, v42  }
0xff: {  	v44 =	vld [tilespmem:s7+$0x30];
	s5 =	simm.s32 $0x20C0;
	v26 =	vadd.s32 v48, v23;
	v62 =	vsel vm11, $0x1, v1;
	(xrf0) =	vadd.scan.msk.s32 $0xffff, v52;
	[tilespmem:v51+s17+$0x0] =	vst.idx.msk vm10, v41  }
0x100: {  	v40 =	vld [tilespmem:s5+$0x20];
	v29 =	vsub.s32 v61, v18;
	(xrf0) =	vadd.scan.msk.s32 $0xffff, v62;
	[tilespmem:v51+s18+$0x0] =	vst.idx.msk vm10, v24;
	v24 =	vsub.s32 v27, v18  }
0x101: {  	v63 =	vld [tilespmem:s9+$0xFFFFFFE0];
	v23 =	vsub.s32 v60, v18;
	v41 =	vsel vm1, $0x1, v1;
	[tilespmem:v50+s18+$0x0] =	vst.idx.msk vm6, v37;
	vm13 =	vlt.u32 v24, $0x4000  }
0x102: {  	v54 =	vld [tilespmem:s9+$0x0];
	vm14 =	vlt.u32 v29, $0x4000;
	(xrf0) =	vadd.scan.msk.s32 $0xffff, v41;
	[tilespmem:v50+s19+$0x0] =	vst.idx.msk vm12, v31;
	v60 =	vsel vm13, $0x1, v1  }
0x103: {  	v57 =	vld [tilespmem:s7+$0x0];
	v59 =	vsel vm8, $0x1, v1;
	v61 =	vsel vm14, $0x1, v1;
	[tilespmem:v39+s17+$0x0] =	vst.idx.msk vm5, v30;
	(xrf0) =	vadd.scan.msk.s32 $0xffff, v60  }
0x104: {  	v33 =	vld [tilespmem:s9+$0x30];
	s9 =	simm.s32 $0x40C0;
	v46 =	vmpcnt.ones.xlane vm8;
	[tilespmem:v26+s17+$0x0] =	vst.idx.msk vm7, v44;
	vm7 =	vlt.u32 v23, $0x4000;
	(xrf0) =	vadd.scan.msk.s32 $0xffff, v61  }
0x105: {  	v38 =	vld [tilespmem:s9+$0x20];
	v48 =	vadd.s32 v48, v58;
	vm6 =	vlt.u32 v25, $0x4000;
	[tilespmem:v39+s18+$0x0] =	vst.idx.msk vm5, v28;
	v56 =	vsel vm7, $0x1, v1;
	v30, _, _ =	vpop (xrf0)  }
0x106: {  	v43 =	vld [tilespmem:s9+$0xFFFFFFD0];
	v49 =	vmpcnt.ones.xlane vm1;
	[tilespmem:v39+s19+$0x0] =	vst.idx.msk vm5, v63;
	v39 =	vsel vm6, $0x1, v1;
	v28, _, _ =	vpop (xrf0);
	(xrf0) =	vadd.scan.msk.s32 $0xffff, v56  }
0x107: {  	v37 =	vld [tilespmem:s9+$0x10];
	v30 =	vsub.s32 v30, v52;
	v52 =	vsub.s32 v28, v62;
	v62 =	vmpcnt.ones.xlane vm14;
	(xrf0) =	vadd.scan.msk.s32 $0xffff, v59  }
0x108: {  	vm4 =	vmmov vm11;
	vm3 =	vmmov vm14;
	v27 =	vld [tilespmem:s5+$0xFFFFFFD0];
	[tilespmem:v55+s17+$0x0] =	vst.idx.msk vm9, v57;
	v28, _, _ =	vpop (xrf0);
	(xrf0) =	vadd.scan.msk.s32 $0xffff, v39  }
0x109: {  	v31 =	vld [tilespmem:s5+$0x10];
	[tilespmem:v51+s19+$0x0] =	vst.idx.msk vm10, v35;
	v58 =	vmpcnt.ones.xlane vm13;
	v41 =	vsub.s32 v28, v41;
	v63 =	vadd.s32 v48, v62;
	v28, _, _ =	vpop (xrf0)  }
0x10a: {  	v35 =	vld [tilespmem:s5+$0x30];
	vm5 =	vmmov vm13;
	v47 =	vmpcnt.ones.xlane vm7;
	[tilespmem:v26+s18+$0x0] =	vst.idx.msk vm2, v34;
	v50 =	vadd.s32 v63, v49;
	v53, _, _ =	vpop (xrf0)  }
0x10b: {  	v34 =	vld [tilespmem:s9+$0xFFFFFFC0];
	v45 =	vadd.s32 v63, v41;
	v51 =	vsub.s32 v28, v60;
	v42 =	vsub.s32 v53, v61  }
0x10c: {  	[tilespmem:v55+s18+$0x0] =	vst.idx.msk vm9, v32;
	v49 =	vld [tilespmem:s5+$0xFFFFFFC0];
	v60 =	vadd.s32 v50, v58;
	v61 =	vmpcnt.ones.xlane vm4;
	v62, _, _ =	vpop (xrf0);
	v32 =	vadd.s32 v48, v42  }
0x10d: {  	s10 =	simm.s32 $0x8;
	s11 =	simm.s32 $0x140;
	[tilespmem:v55+s19+$0x0] =	vst.idx.msk vm9, v54;
	v28 =	vld [tilespmem:s9+$0xFFFFFFF0];
	v41 =	vadd.s32 v50, v51;
	v36 =	vadd.s32 v60, v52;
	v42 =	vmpcnt.ones.xlane vm0;
	v63, _, _ =	vpop (xrf0)  }
0x10e: {  	s24 =	simm.s32 $0x20C0;
	s7 =	smov.u32 s0;
	s0 =	simm.s32 $0x40C0;
	v51 =	vld [tilespmem:s5+$0xFFFFFFF0];
	v48 =	vsub.s32 v62, v56;
	v44 =	vadd.s32 v60, v61;
	v52 =	vsub.s32 v63, v59;
	v50, _, _ =	vpop (xrf0)  }
.LBB2_6:
0x10f: {  	v53 =	vld [tilespmem:s11+$0x0];
	s10 =	sadd.s32 $0x8, s10;
	v54 =	vadd.s32 v44, v42;
	s5 =	sadd.s32 $0x80, s5;
	s9 =	sadd.s32 $0x80, s9;
	[tilespmem:v26+s19+$0x0] =	vst.idx.msk vm2, v33;
	v42 =	vmovc v25;
	v55 =	vmov v37;
	v56 =	vmov v38  }
0x110: {  	v33 =	vmpcnt.ones.xlane vm6;
	v25 =	vld [tilespmem:s11+$0xFFFFFFD0];
	p3 =	slt.u32 s10, $0x1F8;
	v52 =	vadd.s32 v54, v52;
	v26 =	vadd.s32 v54, v46  }
0x111: {  	vm9 =	vmmov vm0;
	vm2 =	vmmov vm6;
	v37 =	vld [tilespmem:s11+$0xFFFFFFF0];
	[tilespmem:v32+s17+$0x0] =	vst.idx.msk vm3, v49;
	v38 =	vadd.s32 v26, v47  }
0x112: {  	vm10 =	vmmov vm7;
	vm11 =	vmmov vm8;
	v46 =	vld [tilespmem:s11+$0x30];
	[tilespmem:v32+s18+$0x0] =	vst.idx.msk vm3, v29;
	v54 =	vadd.s32 v38, v33  }
0x113: {  	v48 =	vadd.s32 v26, v48;
	v47 =	vld [tilespmem:s11+$0x10];
	[tilespmem:v36+s17+$0x0] =	vst.idx.msk vm4, v51  }
0x114: {  	v26 =	vsub.s32 v50, v39;
	v29 =	vld [tilespmem:s11+$0xFFFFFFE0];
	v51 =	vsub.s32 v53, v18;
	[tilespmem:v45+s17+$0x0] =	vst.idx.msk vm1, v27  }
0x115: {  	v26 =	vadd.s32 v38, v26;
	vm0 =	vlt.u32 v51, $0x4000;
	v39 =	vld [tilespmem:s11+$0x20];
	[tilespmem:v36+s18+$0x0] =	vst.idx.msk vm4, v20  }
0x116: {  	v50 =	vadd.s32 v44, v30;
	v38 =	vld [tilespmem:s11+$0xFFFFFFC0];
	v20 =	vsub.s32 v37, v18;
	v37 =	vsel vm0, $0x1, v1;
	[tilespmem:v45+s18+$0x0] =	vst.idx.msk vm1, v21  }
0x117: {  	v21 =	vsub.s32 v25, v18;
	v27 =	vld [tilespmem:s5+$0xFFFFFFD0];
	vm12 =	vlt.u32 v20, $0x4000;
	v25 =	vsub.s32 v46, v18;
	[tilespmem:v45+s19+$0x0] =	vst.idx.msk vm1, v43  }
0x118: {  	vm1 =	vlt.u32 v21, $0x4000;
	v43 =	vsel vm12, $0x1, v1;
	(xrf0) =	vadd.scan.msk.s32 $0xffff, v37;
	v30 =	vld [tilespmem:s24+$0xFFFFFFE0];
	[tilespmem:v48+s17+$0x0] =	vst.idx.msk vm7, v40  }
0x119: {  	v40 =	vsel vm1, $0x1, v1;
	v44 =	vmpcnt.ones.xlane vm1;
	(xrf0) =	vadd.scan.msk.s32 $0xffff, v43;
	[tilespmem:v48+s18+$0x0] =	vst.idx.msk vm7, v23;
	v33 =	vld [tilespmem:s0+$0x30]  }
0x11a: {  	v45 =	vsub.s32 v29, v18;
	v23 =	vsub.s32 v39, v18;
	(xrf0) =	vadd.scan.msk.s32 $0xffff, v40;
	v39 =	vld [tilespmem:s0+$0xFFFFFFE0];
	[tilespmem:v26+s17+$0x0] =	vst.idx.msk vm6, v35  }
0x11b: {  	vm13 =	vlt.u32 v45, $0x4000;
	v35 =	vsub.s32 v47, v18;
	v29 =	vsub.s32 v38, v18;
	[tilespmem:v52+s17+$0x0] =	vst.idx.msk vm8, v31  }
0x11c: {  	vm6 =	vlt.u32 v25, $0x4000;
	v47 =	vsel vm13, $0x1, v1;
	vm14 =	vlt.u32 v29, $0x4000;
	[tilespmem:v52+s18+$0x0] =	vst.idx.msk vm11, v22;
	v22 =	vmovc v35  }
0x11d: {  	vm7 =	vlt.u32 v23, $0x4000;
	v49 =	vsel vm14, $0x1, v1;
	(xrf0) =	vadd.scan.msk.s32 $0xffff, v47;
	[tilespmem:v41+s17+$0x0] =	vst.idx.msk vm5, v30;
	v53 =	vld [tilespmem:s0+$0x0];
	s0 =	smov.u32 s9  }
0x11e: {  	v57 =	vmpcnt.ones.xlane vm13;
	v58 =	vsel vm7, $0x1, v1;
	(xrf0) =	vadd.scan.msk.s32 $0xffff, v49;
	v30, _, _ =	vpop (xrf0);
	[tilespmem:v41+s18+$0x0] =	vst.idx.msk vm5, v24;
	v59 =	vld [tilespmem:s24+$0x0];
	s24 =	smov.u32 s5  }
0x11f: {  	vm8 =	vlt.u32 v22, $0x4000;
	v30 =	vsub.s32 v30, v37;
	v37 =	vld [tilespmem:s9+$0x10];
	v24, _, _ =	vpop (xrf0);
	(xrf0) =	vadd.scan.msk.s32 $0xffff, v58;
	[tilespmem:v41+s19+$0x0] =	vst.idx.msk vm5, v39  }
0x120: {  	v61 =	vsel vm8, $0x1, v1;
	v39 =	vsel vm6, $0x1, v1;
	v60 =	vsub.s32 v24, v43;
	v38 =	vld [tilespmem:s9+$0x20];
	v24, _, _ =	vpop (xrf0);
	[tilespmem:v52+s19+$0x0] =	vst.idx.msk vm11, v55  }
0x121: {  	v41 =	vmpcnt.ones.xlane vm14;
	v52 =	vsub.s32 v24, v40;
	v31 =	vld [tilespmem:s5+$0x10];
	(xrf0) =	vadd.scan.msk.s32 $0xffff, v61;
	[tilespmem:v48+s19+$0x0] =	vst.idx.msk vm10, v56;
	v24 =	vmovc v45  }
0x122: {  	vm5 =	vmmov vm13;
	v35 =	vld [tilespmem:s5+$0x30];
	(xrf0) =	vadd.scan.msk.s32 $0xffff, v39;
	[tilespmem:v32+s19+$0x0] =	vst.idx.msk vm3, v34;
	vm3 =	vmmov vm14  }
0x123: {  	v46 =	vmpcnt.ones.xlane vm8;
	v41 =	vadd.s32 v54, v41;
	v40 =	vld [tilespmem:s5+$0x20];
	v32, _, _ =	vpop (xrf0);
	[tilespmem:v36+s19+$0x0] =	vst.idx.msk vm4, v28;
	vm4 =	vmmov vm12  }
.Ltmp7:
0x124: {  	v36 =	vadd.s32 v41, v44;
	v55 =	vsub.s32 v32, v47;
	v28 =	vld [tilespmem:s9+$0xFFFFFFF0];
	v47 =	vmpcnt.ones.xlane vm7;
	v32, _, _ =	vpop (xrf0);
	[tilespmem:v50+s17+$0x0] =	vst.idx.msk vm9, v59;
	(pc) =	sbr.rel @p3 .LBB2_6-.Ltmp7, $4  }
0x125: {  	v56 =	vadd.s32 v36, v57;
	v44 =	vmpcnt.ones.xlane vm4;
	v32 =	vsub.s32 v32, v49;
	v43 =	vld [tilespmem:s9+$0xFFFFFFD0];
	v34, _, _ =	vpop (xrf0);
	[tilespmem:v50+s18+$0x0] =	vst.idx.msk vm9, v19  }
0x126: {  	v19 =	vmov v51;
	v49 =	vld [tilespmem:s5+$0xFFFFFFC0];
	v32 =	vadd.s32 v54, v32;
	v48 =	vsub.s32 v34, v58;
	[tilespmem:v26+s18+$0x0] =	vst.idx.msk vm2, v42  }
0x127: {  	v45 =	vadd.s32 v41, v52;
	v44 =	vadd.s32 v56, v44;
	v42 =	vmpcnt.ones.xlane vm0;
	v34 =	vld [tilespmem:s9+$0xFFFFFFC0];
	v52, _, _ =	vpop (xrf0);
	[tilespmem:v50+s19+$0x0] =	vst.idx.msk vm9, v53  }
0x128: {  	s11 =	sadd.s32 $0x80, s11;
	v41 =	vadd.s32 v36, v55;
	v36 =	vadd.s32 v56, v60;
	v51 =	vld [tilespmem:s5+$0xFFFFFFF0];
	v52 =	vsub.s32 v52, v61;
	v50, _, _ =	vpop (xrf0)  }
0x129: {  	_ =	sdelay $0x4  }
0x12a: {  	[tilespmem:v26+s19+$0x0] =	vst.idx.msk vm2, v33  }
0x12b: {  	[tilespmem:v45+s17+$0x0] =	vst.idx.msk vm1, v27  }
0x12c: {  	[tilespmem:v45+s18+$0x0] =	vst.idx.msk vm1, v21  }
0x12d: {  	[tilespmem:v32+s17+$0x0] =	vst.idx.msk vm3, v49  }
0x12e: {  	v42 =	vadd.s32 v44, v42;
	vm8 =	vmmov vm8;
	v58 =	vld [tilespmem:s24+$0xFFFFFFE0];
	[tilespmem:v45+s19+$0x0] =	vst.idx.msk vm1, v43  }
0x12f: {  	v26 =	vadd.s32 v42, v52;
	[tilespmem:v32+s18+$0x0] =	vst.idx.msk vm3, v29  }
0x130: {  	v56 =	vmpcnt.ones.xlane vm6;
	v53 =	vadd.s32 v42, v46;
	[tilespmem:v36+s17+$0x0] =	vst.idx.msk vm4, v51  }
0x131: {  	vm0 =	vmmov vm0;
	v33 =	vadd.s32 v53, v47;
	[tilespmem:v32+s19+$0x0] =	vst.idx.msk vm3, v34  }
0x132: {  	vm7 =	vmmov vm7;
	v61 =	vadd.s32 v44, v30;
	v62 =	vld [tilespmem:s24+$0x0];
	v57 =	vadd.s32 v33, v56;
	[tilespmem:v36+s18+$0x0] =	vst.idx.msk vm4, v20  }
0x133: {  	v60 =	vld [tilespmem:s0+$0xFFFFFFE0];
	v54 =	vadd.s32 v53, v48;
	(v2sf) =	vpush v57, $0x0;
	[tilespmem:v41+s17+$0x0] =	vst.idx.msk vm5, v58  }
0x134: {  	[tilespmem:v26+s17+$0x0] =	vst.idx.msk vm8, v31  }
0x135: {  	[tilespmem:v41+s18+$0x0] =	vst.idx.msk vm5, v24  }
0x136: {  	[tilespmem:v36+s19+$0x0] =	vst.idx.msk vm4, v28  }
0x137: {  	v63 =	vld [tilespmem:s0+$0x0];
	[tilespmem:v61+s17+$0x0] =	vst.idx.msk vm0, v62  }
0x138: {  	[tilespmem:v54+s17+$0x0] =	vst.idx.msk vm7, v40  }
0x139: {  	[tilespmem:v26+s18+$0x0] =	vst.idx.msk vm8, v22  }
0x13a: {  	v55 =	vsub.s32 v50, v39;
	[tilespmem:v41+s19+$0x0] =	vst.idx.msk vm5, v60  }
0x13b: {  	v20 =	vadd.s32 v33, v55;
	[tilespmem:v61+s18+$0x0] =	vst.idx.msk vm0, v19  }
0x13c: {  	[tilespmem:v54+s18+$0x0] =	vst.idx.msk vm7, v23  }
0x13d: {  	v59 =	vld [tilespmem:s0+$0x30];
	[tilespmem:v26+s19+$0x0] =	vst.idx.msk vm8, v37  }
0x13e: {  	[tilespmem:v61+s19+$0x0] =	vst.idx.msk vm0, v63  }
0x13f: {  	[tilespmem:v54+s19+$0x0] =	vst.idx.msk vm7, v38  }
0x140: {  	[tilespmem:v20+s17+$0x0] =	vst.idx.msk vm6, v35  }
0x141: {  	[tilespmem:v20+s18+$0x0] =	vst.idx.msk vm6, v25  }
0x142: {  	[tilespmem:v20+s19+$0x0] =	vst.idx.msk vm6, v59;
	s5 =	spop (v2sf)  }
0x143: {  	[tilespmem:s5+$0x6000] =	vst v2  }
0x144: {  	[tilespmem:s5+$0x7080] =	vst v3  }
0x145: {  	[tilespmem:s5+$0x8100] =	vst v0  }
0x146: {  	[tilespmem:s5+$0x6010] =	vst v4  }
0x147: {  	[tilespmem:s5+$0x7090] =	vst v5  }
0x148: {  	[tilespmem:s5+$0x8110] =	vst v0  }
0x149: {  	[tilespmem:s5+$0x6020] =	vst v6  }
0x14a: {  	[tilespmem:s5+$0x70A0] =	vst v7  }
0x14b: {  	[tilespmem:s5+$0x8120] =	vst v0  }
0x14c: {  	[tilespmem:s5+$0x6030] =	vst v8  }
0x14d: {  	[tilespmem:s5+$0x70B0] =	vst v9  }
0x14e: {  	[tilespmem:s5+$0x8130] =	vst v0  }
0x14f: {  	[tilespmem:s5+$0x6040] =	vst v10  }
0x150: {  	[tilespmem:s5+$0x70C0] =	vst v11  }
0x151: {  	[tilespmem:s5+$0x8140] =	vst v0  }
0x152: {  	[tilespmem:s5+$0x6050] =	vst v12  }
0x153: {  	[tilespmem:s5+$0x70D0] =	vst v13  }
0x154: {  	[tilespmem:s5+$0x8150] =	vst v0  }
0x155: {  	s0 =	sadd.s32 $0x1, s7;
	p3 =	seq.s32 s7, $0x1F;
	[tilespmem:s5+$0x6060] =	vst v14  }
0x156: {  	s7 =	sshll.u32 @!p3 s0, $0xA;
	[tilespmem:s5+$0x70E0] =	vst v15  }
0x157: {  	s7 =	sadd.s32 @!p3 s14, s7;
	[tilespmem:s5+$0x8160] =	vst v0  }
0x158: {  	s7 =	sand.u32 @!p3 $0x7C00, s7;
	[tilespmem:s5+$0x6070] =	vst v16  }
0x159: {  	s7 =	sor.u32 @!p3 s13, s7;
	[tilespmem:s5+$0x70F0] =	vst v17  }
0x15a: {  	s10 =	simm.s32 @!p3 $0x0;
	s9 =	sadd.s32 @!p3 s1, s7;
	[tilespmem:s5+$0x8170] =	vst v0;
	s5 =	sadd.s32 $0x7F, s5  }
0x15b: {  	[tilespmem:s10], [sflag:$0x5] =	stream.linear.gather @!p3 [hbm4b:s9+s10], $0x2000, $0x38;
	[tilespmem:$0x1DF40] =	vst v63  }
0x15c: {  	s11 =	simm.s32 @!p3 $0x2000;
	s9 =	sadd.s32 @!p3 s2, s7;
	s24 =	sshra.s32 s5, $0x1F  }
0x15d: {  	[tilespmem:s11], [sflag:$0x5] =	stream.linear.gather @!p3 [hbm4b:s9+s10], $0x2000, $0x38;
	[tilespmem:$0x1DF40] =	vst v63  }
0x15e: {  	s7 =	sadd.s32 @!p3 s3, s7;
	s9 =	sshrl.u32 s24, $0x19;
	s24 =	sand.u32 $0x7F, s5  }
0x15f: {  	p6 =	slt.s32 s5, $0x1;
	s11 =	simm.s32 @!p3 $0x4000;
	p4 =	sne.s32 s24, $0x0  }
0x160: {  	[tilespmem:s11], [sflag:$0x5] =	stream.linear.gather @!p3 [hbm4b:s7+s10], $0x2000, $0x38;
	[tilespmem:$0x1DF40] =	vst v63  }
0x161: {  	s11 =	sadd.s32 s9, s5;
	p3 =	por !p6, !p4  }
0x162: {  	s5 =	simm.s32 @!p2 $0x3;
	s9 =	simm.s32 $0x1;
	p3 =	por !p3, !p3  }
0x163: {  	s7 =	sshra.s32 s11, $0x7;
	_ =	swait.ge @!p2 [sflag:s5], $0x2000;
	s9 =	simm.s32 @!p3 $0x0  }
0x164: {  	[sflag:s5] =	ssyncset.done @!p2 $0x0;
	s24 =	ssub.s32 s7, s9  }
0x165: {  	[sflag:s5] =	ssyncadd.s32 @!p2 $0xFFFFE000;
	p2 =	slt.s32 s24, $0x1  }
.Ltmp8:
0x166: {  	_ = 	snop;
	(pc) =	sbr.rel @p2 .LBB2_17-.Ltmp8, $4  }
0x167: {  	s5 =	simm.s32 @!p1 $0x4  }
0x168: {  	_ =	swait.ge @!p1 [sflag:s5], $0x2000  }
0x169: {  	[sflag:s5] =	ssyncset.done @!p1 $0x0  }
0x16a: {  	vm15 =	vmmov vm6;
	[sflag:s5] =	ssyncadd.s32 @!p1 $0xFFFFE000  }
0x16b: {  	v19 =	vld [tilespmem:$0x7080]  }
0x16c: {  	v20 =	vld [tilespmem:$0x7090]  }
0x16d: {  	v21 =	vld [tilespmem:$0x70A0]  }
0x16e: {  	v22 =	vld [tilespmem:$0x70B0]  }
0x16f: {  	v23 =	vld [tilespmem:$0x70C0]  }
0x170: {  	v63 =	vld [tilespmem:$0x70F0];
	[tilespmem:$0x9180] =	vst v19  }
0x171: {  	v19 =	vld [tilespmem:$0x70D0];
	[tilespmem:$0x9190] =	vst v20  }
0x172: {  	v20 =	vld [tilespmem:$0x70E0];
	[tilespmem:$0x91A0] =	vst v21  }
0x173: {  	[tilespmem:$0x91B0] =	vst v22  }
.Ltmp9:
0x174: {  	[tilespmem:$0x91C0] =	vst v23;
	(pc) =	sbr.rel .LBB2_9-.Ltmp9, $4  }
0x175: {  	[tilespmem:$0x91F0] =	vst v63  }
0x176: {  	[tilespmem:$0x91D0] =	vst v19  }
0x177: {  	s5 =	simm.s32 $0x0;
	[tilespmem:$0x91E0] =	vst v20  }
0x178: {  	[tilespmem:s22], [sflag:$0x1] =	stream.indirect.gather [hbm4b:s4+s21], $0x40, s17, s21, $0xb8;
	[tilespmem:$0x1DF40] =	vst v63  }
.LBB2_16:
0x179: {  	p1 =	sne.s32 s7, s24  }
.Ltmp10:
0x17a: {  	_ = 	snop;
	(pc) =	sbr.rel @!p1 .LBB2_17-.Ltmp10, $2  }
0x17b: {  	_ =	sdelay $0x2  }
0x17c: {  	s5 =	smov.u32 s7  }
.LBB2_9:
0x17d: {  	s7 =	sand.u32 $0x1, s5  }
0x17e: {  	p1 =	seq.s32 s7, $0x1  }
.Ltmp11:
0x17f: {  	_ = 	snop;
	(pc) =	sbr.rel @p1 .LBB2_13-.Ltmp11, $1  }
0x180: {  	_ =	sdelay $0x3  }
0x181: {  	s7 =	sor.u32 $0x1, s5  }
0x182: {  	p1 =	sge.s32 s7, s24  }
0x183: {  	_ =	swait.ge [sflag:s20], $0x2000;
	p2 =	seq.s32 @!p1 s5, $0x0  }
0x184: {  	[sflag:s20] =	ssyncset.done $0x0;
	p2 =	por p2, p1  }
0x185: {  	[sflag:s20] =	ssyncadd.s32 $0xFFFFE000;
	s9 =	simm.s32 @!p2 $0x4  }
0x186: {  	_ =	swait.ge @!p2 [sflag:s9], $0x2000  }
0x187: {  	[sflag:s9] =	ssyncset.done @!p2 $0x0  }
0x188: {  	[sflag:s9] =	ssyncadd.s32 @!p2 $0xFFFFE000;
	s9 =	sshll.u32 @!p1 s7, $0x7  }
0x189: {  	v19 =	vld @!p1 [tilespmem:s9+$0x7080];
	_ =	sdelay $0x4  }
0x18a: {  	[tilespmem:$0x9200] =	vst @!p1 v19  }
0x18b: {  	v19 =	vld @!p1 [tilespmem:s9+$0x7090];
	_ =	sdelay $0x4  }
0x18c: {  	[tilespmem:$0x9210] =	vst @!p1 v19  }
0x18d: {  	v19 =	vld @!p1 [tilespmem:s9+$0x70A0];
	_ =	sdelay $0x4  }
0x18e: {  	[tilespmem:$0x9220] =	vst @!p1 v19  }
0x18f: {  	v19 =	vld @!p1 [tilespmem:s9+$0x70B0];
	_ =	sdelay $0x4  }
0x190: {  	[tilespmem:$0x9230] =	vst @!p1 v19  }
0x191: {  	v19 =	vld @!p1 [tilespmem:s9+$0x70C0];
	_ =	sdelay $0x4  }
0x192: {  	[tilespmem:$0x9240] =	vst @!p1 v19  }
0x193: {  	v19 =	vld @!p1 [tilespmem:s9+$0x70D0];
	_ =	sdelay $0x4  }
0x194: {  	[tilespmem:$0x9250] =	vst @!p1 v19  }
0x195: {  	v19 =	vld @!p1 [tilespmem:s9+$0x70E0];
	_ =	sdelay $0x4  }
0x196: {  	[tilespmem:$0x9260] =	vst @!p1 v19  }
0x197: {  	v19 =	vld @!p1 [tilespmem:s9+$0x70F0];
	_ =	sdelay $0x4  }
0x198: {  	s10 =	simm.s32 @!p1 $0x80;
	s11 =	simm.s32 @!p1 $0xB280;
	s9 =	sadd.s32 @!p1 $0x6000, s9;
	[tilespmem:$0x9270] =	vst @!p1 v19  }
0x199: {  	[tilespmem:s11], [sflag:$0x2] =	stream.indirect.gather @!p1 [hbm4b:s4+s10], $0x40, s9, s10, $0xb8;
	[tilespmem:$0x1DF40] =	vst v63  }
0x19a: {  	s10 =	sshll.u32 s5, $0x9  }
0x19b: {  	s5 =	sshra.s32 s10, $0x2  }
0x19c: {  	s11 =	sadd.s32 $0x8100, s5  }
0x19d: {  	v19 =	vmov s11;
	_ =	sdelay $0x1  }
0x19e: {  	p1 =	por $0x1, $0x1;
	s5 =	simm.s32 $0x0  }
.LBB2_11:
0x19f: {  	s9 =	sshll.u32 s5, $0x4  }
0x1a0: {  	s10 =	sand.u32 $0x3FFFFFF0, s9  }
0x1a1: {  	v21 =	vld.idx.msk [tilespmem:v19+s10+$0x0 ss:$0x1], $0xffff;
	s10 =	sshll.u32 s5, $0xA  }
0x1a2: {  	s5 =	sand.u32 $0x3FFFFC00, s10  }
0x1a3: {  	v20 =	vld [tilespmem:s5+$0x9280]  }
0x1a4: {  	v22 =	vld [tilespmem:s5+$0x9290]  }
0x1a5: {  	v23 =	vld [tilespmem:s5+$0x92A0]  }
0x1a6: {  	v25 =	vld [tilespmem:s5+$0x92B0];
	v24 =	vbroadcast v21, $0x0  }
0x1a7: {  	v26 =	vld [tilespmem:s5+$0x92C0]  }
0x1a8: {  	v27 =	vld [tilespmem:s5+$0x92D0];
	v20 =	vmul.f32 v24, v20  }
0x1a9: {  	v28 =	vld [tilespmem:s5+$0x92E0];
	v22 =	vmul.f32 v22, v24  }
0x1aa: {  	v29 =	vld [tilespmem:s5+$0x92F0];
	v46 =	vbroadcast v21, $0x1;
	[tilespmem:s5+$0x9280] =	vst v20;
	v20 =	vmul.f32 v23, v24  }
0x1ab: {  	v47 =	vmul.f32 v25, v24;
	[tilespmem:s5+$0x9290] =	vst v22  }
0x1ac: {  	[tilespmem:s5+$0x92A0] =	vst v20;
	v20 =	vmul.f32 v26, v46  }
0x1ad: {  	v48 =	vmul.f32 v27, v46;
	[tilespmem:s5+$0x92B0] =	vst v47  }
0x1ae: {  	[tilespmem:s5+$0x92C0] =	vst v20;
	v20 =	vmul.f32 v28, v46  }
0x1af: {  	v49 =	vmul.f32 v29, v46;
	[tilespmem:s5+$0x92D0] =	vst v48  }
0x1b0: {  	[tilespmem:s5+$0x92E0] =	vst v20  }
0x1b1: {  	[tilespmem:s5+$0x92F0] =	vst v49  }
0x1b2: {  	v20 =	vld [tilespmem:s5+$0x9300]  }
0x1b3: {  	v22 =	vld [tilespmem:s5+$0x9310]  }
0x1b4: {  	v50 =	vld [tilespmem:s5+$0x9320]  }
0x1b5: {  	v51 =	vld [tilespmem:s5+$0x9330]  }
0x1b6: {  	v52 =	vld [tilespmem:s5+$0x9340]  }
0x1b7: {  	v53 =	vld [tilespmem:s5+$0x9350]  }
0x1b8: {  	v55 =	vld [tilespmem:s5+$0x9360]  }
0x1b9: {  	v54 =	vbroadcast v21, $0x2;
	v56 =	vld [tilespmem:s5+$0x9370]  }
0x1ba: {  	v30 =	vld [tilespmem:s5+$0x9380]  }
0x1bb: {  	v31 =	vld [tilespmem:s5+$0x9390];
	v20 =	vmul.f32 v20, v54  }
0x1bc: {  	v32 =	vld [tilespmem:s5+$0x93A0];
	v22 =	vmul.f32 v22, v54  }
0x1bd: {  	v57 =	vbroadcast v21, $0x3;
	v59 =	vld [tilespmem:s5+$0x93B0];
	v58 =	vmul.f32 v51, v54;
	[tilespmem:s5+$0x9300] =	vst v20  }
0x1be: {  	v60 =	vld [tilespmem:s5+$0x93C0];
	v20 =	vmul.f32 v50, v54;
	[tilespmem:s5+$0x9310] =	vst v22  }
0x1bf: {  	v62 =	vld [tilespmem:s5+$0x93D0];
	v61 =	vmul.f32 v53, v57;
	[tilespmem:s5+$0x9330] =	vst v58  }
0x1c0: {  	v36 =	vld [tilespmem:s5+$0x93E0];
	[tilespmem:s5+$0x9320] =	vst v20;
	v20 =	vmul.f32 v52, v57  }
0x1c1: {  	v63 =	vbroadcast v21, $0x4;
	v38 =	vld [tilespmem:s5+$0x93F0];
	v37 =	vmul.f32 v56, v57;
	[tilespmem:s5+$0x9350] =	vst v61  }
0x1c2: {  	v39 =	vld [tilespmem:s5+$0x9400];
	[tilespmem:s5+$0x9340] =	vst v20;
	v20 =	vmul.f32 v55, v57  }
0x1c3: {  	v41 =	vld [tilespmem:s5+$0x9410];
	v40 =	vmul.f32 v31, v63;
	[tilespmem:s5+$0x9370] =	vst v37  }
0x1c4: {  	v43 =	vld [tilespmem:s5+$0x9420];
	[tilespmem:s5+$0x9360] =	vst v20;
	v20 =	vmul.f32 v30, v63  }
0x1c5: {  	v42 =	vbroadcast v21, $0x5;
	v45 =	vld [tilespmem:s5+$0x9430];
	v44 =	vmul.f32 v59, v63;
	[tilespmem:s5+$0x9390] =	vst v40  }
0x1c6: {  	v46 =	vld [tilespmem:s5+$0x9440];
	[tilespmem:s5+$0x9380] =	vst v20;
	v20 =	vmul.f32 v32, v63  }
0x1c7: {  	v48 =	vld [tilespmem:s5+$0x9450];
	v47 =	vmul.f32 v62, v42;
	[tilespmem:s5+$0x93B0] =	vst v44  }
0x1c8: {  	v53 =	vld [tilespmem:s5+$0x9480];
	[tilespmem:s5+$0x93A0] =	vst v20;
	v20 =	vmul.f32 v60, v42  }
0x1c9: {  	v49 =	vbroadcast v21, $0x6;
	v51 =	vmul.f32 v38, v42;
	v59 =	vld [tilespmem:s5+$0x94B0];
	[tilespmem:s5+$0x93D0] =	vst v47  }
0x1ca: {  	v62 =	vld [tilespmem:s5+$0x94D0];
	[tilespmem:s5+$0x93C0] =	vst v20;
	v20 =	vmul.f32 v36, v42  }
0x1cb: {  	v38 =	vld [tilespmem:s5+$0x94F0];
	[tilespmem:s5+$0x93F0] =	vst v51;
	v54 =	vmul.f32 v41, v49  }
0x1cc: {  	v52 =	vld [tilespmem:s5+$0x9470];
	[tilespmem:s5+$0x93E0] =	vst v20;
	v20 =	vmul.f32 v39, v49  }
0x1cd: {  	v56 =	vbroadcast v21, $0x7;
	v50 =	vld [tilespmem:s5+$0x9460];
	v58 =	vmul.f32 v45, v49;
	[tilespmem:s5+$0x9410] =	vst v54  }
0x1ce: {  	v55 =	vld [tilespmem:s5+$0x9490];
	[tilespmem:s5+$0x9400] =	vst v20;
	v20 =	vmul.f32 v43, v49  }
0x1cf: {  	v61 =	vmul.f32 v48, v56;
	v41 =	vld [tilespmem:s5+$0x9510];
	[tilespmem:s5+$0x9430] =	vst v58  }
0x1d0: {  	v45 =	vld [tilespmem:s5+$0x9530];
	[tilespmem:s5+$0x9420] =	vst v20;
	v20 =	vmul.f32 v46, v56  }
0x1d1: {  	[tilespmem:s5+$0x9450] =	vst v61;
	v57 =	vld [tilespmem:s5+$0x94A0];
	v37 =	vmul.f32 v52, v56;
	v63 =	vbroadcast v21, $0x8  }
0x1d2: {  	v48 =	vld [tilespmem:s5+$0x9550];
	[tilespmem:s5+$0x9440] =	vst v20;
	v20 =	vmul.f32 v50, v56  }
0x1d3: {  	[tilespmem:s5+$0x9470] =	vst v37;
	v60 =	vld [tilespmem:s5+$0x94C0];
	v40 =	vmul.f32 v55, v63  }
0x1d4: {  	v52 =	vld [tilespmem:s5+$0x9570];
	[tilespmem:s5+$0x9460] =	vst v20;
	v20 =	vmul.f32 v53, v63  }
0x1d5: {  	v44 =	vmul.f32 v59, v63;
	v36 =	vld [tilespmem:s5+$0x94E0];
	v42 =	vbroadcast v21, $0x9;
	[tilespmem:s5+$0x9490] =	vst v40  }
0x1d6: {  	v55 =	vld [tilespmem:s5+$0x9590];
	[tilespmem:s5+$0x9480] =	vst v20;
	v20 =	vmul.f32 v57, v63  }
0x1d7: {  	[tilespmem:s5+$0x94B0] =	vst v44;
	v39 =	vld [tilespmem:s5+$0x9500];
	v47 =	vmul.f32 v62, v42  }
0x1d8: {  	v59 =	vld [tilespmem:s5+$0x95B0];
	[tilespmem:s5+$0x94A0] =	vst v20;
	v20 =	vmul.f32 v60, v42  }
0x1d9: {  	v51 =	vmul.f32 v38, v42;
	v43 =	vld [tilespmem:s5+$0x9520];
	v49 =	vbroadcast v21, $0xA;
	[tilespmem:s5+$0x94D0] =	vst v47  }
0x1da: {  	v62 =	vld [tilespmem:s5+$0x95D0];
	[tilespmem:s5+$0x94C0] =	vst v20;
	v20 =	vmul.f32 v36, v42  }
0x1db: {  	[tilespmem:s5+$0x94F0] =	vst v51;
	v46 =	vld [tilespmem:s5+$0x9540];
	v54 =	vmul.f32 v41, v49  }
0x1dc: {  	v38 =	vld [tilespmem:s5+$0x95F0];
	[tilespmem:s5+$0x94E0] =	vst v20;
	v20 =	vmul.f32 v39, v49  }
0x1dd: {  	v58 =	vmul.f32 v45, v49;
	v50 =	vld [tilespmem:s5+$0x9560];
	v56 =	vbroadcast v21, $0xB;
	[tilespmem:s5+$0x9510] =	vst v54  }
0x1de: {  	v57 =	vld [tilespmem:s5+$0x95A0];
	[tilespmem:s5+$0x9500] =	vst v20;
	v20 =	vmul.f32 v43, v49  }
0x1df: {  	[tilespmem:s5+$0x9530] =	vst v58;
	v53 =	vld [tilespmem:s5+$0x9580];
	v61 =	vmul.f32 v48, v56  }
0x1e0: {  	v54 =	vld [tilespmem:s5+$0x9640];
	[tilespmem:s5+$0x9520] =	vst v20;
	v20 =	vmul.f32 v46, v56  }
0x1e1: {  	v58 =	vld [tilespmem:s5+$0x9670];
	v37 =	vmul.f32 v52, v56;
	v63 =	vbroadcast v21, $0xC;
	[tilespmem:s5+$0x9550] =	vst v61  }
0x1e2: {  	v60 =	vld [tilespmem:s5+$0x95C0];
	[tilespmem:s5+$0x9540] =	vst v20;
	v20 =	vmul.f32 v50, v56  }
0x1e3: {  	s11 =	sor.u32 $0x10, s9;
	[tilespmem:s5+$0x9570] =	vst v37;
	v44 =	vmul.f32 v59, v63;
	v41 =	vmul.f32 v57, v63;
	v57 =	vld [tilespmem:s5+$0x9660]  }
0x1e4: {  	s10 =	sshll.u32 s11, $0x6;
	v29 =	vmul.f32 v53, v63;
	[tilespmem:s5+$0x9560] =	vst v20;
	v20 =	vld.idx.msk [tilespmem:v19+s11+$0x0 ss:$0x1], $0xffff  }
0x1e5: {  	s10 =	sand.u32 $0x3FFFFC00, s10;
	v42 =	vbroadcast v21, $0xD;
	[tilespmem:s5+$0x95B0] =	vst v44;
	v39 =	vmul.f32 v55, v63;
	v56 =	vld [tilespmem:s5+$0x9650]  }
0x1e6: {  	[tilespmem:s5+$0x9580] =	vst v29;
	v55 =	vbroadcast v21, $0xE;
	v21 =	vbroadcast v21, $0xF;
	v43 =	vld [tilespmem:s10+$0x9280]  }
0x1e7: {  	v45 =	vld [tilespmem:s10+$0x9290];
	v47 =	vmul.f32 v62, v42;
	v23 =	vmul.f32 v38, v42;
	[tilespmem:s5+$0x95A0] =	vst v41  }
0x1e8: {  	v25 =	vmul.f32 v60, v42;
	[tilespmem:s5+$0x9590] =	vst v39;
	v33 =	vmul.f32 v54, v21;
	v46 =	vld [tilespmem:s10+$0x92A0]  }
0x1e9: {  	v49 =	vld [tilespmem:s10+$0x92B0];
	[tilespmem:s5+$0x95D0] =	vst v47;
	v37 =	vmul.f32 v57, v21;
	v48 =	vbroadcast v20, $0x0  }
0x1ea: {  	v40 =	vld [tilespmem:s5+$0x9600];
	[tilespmem:s5+$0x95F0] =	vst v23;
	v35 =	vmul.f32 v56, v21;
	v21 =	vmul.f32 v58, v21  }
0x1eb: {  	v51 =	vld [tilespmem:s5+$0x9610];
	[tilespmem:s5+$0x95C0] =	vst v25;
	v32 =	vmul.f32 v48, v43  }
0x1ec: {  	v52 =	vld [tilespmem:s5+$0x9620];
	[tilespmem:s5+$0x9670] =	vst v21;
	v24 =	vmul.f32 v45, v48  }
0x1ed: {  	v53 =	vld [tilespmem:s5+$0x9630];
	v27 =	vmul.f32 v46, v48;
	[tilespmem:s10+$0x9280] =	vst v32  }
0x1ee: {  	v26 =	vmul.f32 v49, v48;
	[tilespmem:s10+$0x9290] =	vst v24  }
0x1ef: {  	v36 =	vld [tilespmem:s5+$0x95E0];
	v30 =	vmul.f32 v40, v55;
	s11 =	sor.u32 $0x20, s9;
	[tilespmem:s10+$0x92A0] =	vst v27  }
0x1f0: {  	v59 =	vmul.f32 v51, v55;
	v21 =	vld.idx.msk [tilespmem:v19+s11+$0x0 ss:$0x1], $0xffff;
	[tilespmem:s10+$0x92B0] =	vst v26  }
0x1f1: {  	v22 =	vmul.f32 v52, v55;
	[tilespmem:s5+$0x9600] =	vst v30;
	v60 =	vld [tilespmem:s5+$0x96C0]  }
0x1f2: {  	v62 =	vmul.f32 v53, v55;
	[tilespmem:s5+$0x9610] =	vst v59;
	v61 =	vld [tilespmem:s5+$0x96D0]  }
0x1f3: {  	[tilespmem:s5+$0x9620] =	vst v22;
	v63 =	vld [tilespmem:s5+$0x96E0]  }
0x1f4: {  	[tilespmem:s5+$0x9630] =	vst v62;
	v34 =	vld [tilespmem:s5+$0x96F0]  }
0x1f5: {  	[tilespmem:s5+$0x9640] =	vst v33;
	v50 =	vmul.f32 v36, v42;
	v38 =	vbroadcast v20, $0x1;
	v36 =	vld [tilespmem:s5+$0x9700]  }
0x1f6: {  	[tilespmem:s5+$0x9660] =	vst v37;
	v39 =	vld [tilespmem:s5+$0x9710]  }
0x1f7: {  	[tilespmem:s5+$0x95E0] =	vst v50;
	v40 =	vld [tilespmem:s5+$0x9720];
	v41 =	vmul.f32 v60, v38  }
0x1f8: {  	[tilespmem:s5+$0x9650] =	vst v35;
	v42 =	vld [tilespmem:s5+$0x9730];
	v43 =	vmul.f32 v61, v38  }
0x1f9: {  	v46 =	vbroadcast v20, $0x2;
	v44 =	vld [tilespmem:s5+$0x9740];
	v45 =	vmul.f32 v63, v38;
	[tilespmem:s5+$0x96C0] =	vst v41  }
0x1fa: {  	v47 =	vld [tilespmem:s5+$0x9750];
	v48 =	vmul.f32 v34, v38;
	[tilespmem:s5+$0x96D0] =	vst v43  }
0x1fb: {  	v49 =	vld [tilespmem:s5+$0x9760];
	v50 =	vmul.f32 v36, v46;
	[tilespmem:s5+$0x96E0] =	vst v45  }
0x1fc: {  	v51 =	vld [tilespmem:s5+$0x9770];
	v52 =	vmul.f32 v39, v46;
	[tilespmem:s5+$0x96F0] =	vst v48  }
0x1fd: {  	v55 =	vbroadcast v20, $0x3;
	v53 =	vld [tilespmem:s5+$0x9780];
	v54 =	vmul.f32 v40, v46;
	[tilespmem:s5+$0x9700] =	vst v50  }
0x1fe: {  	v56 =	vld [tilespmem:s5+$0x9790];
	v57 =	vmul.f32 v42, v46;
	[tilespmem:s5+$0x9710] =	vst v52  }
0x1ff: {  	v58 =	vld [tilespmem:s5+$0x97A0];
	v59 =	vmul.f32 v44, v55;
	[tilespmem:s5+$0x9720] =	vst v54  }
0x200: {  	v62 =	vld [tilespmem:s5+$0x97C0];
	v61 =	vmul.f32 v47, v55;
	[tilespmem:s5+$0x9730] =	vst v57  }
0x201: {  	v33 =	vbroadcast v20, $0x4;
	v60 =	vld [tilespmem:s5+$0x97B0];
	v63 =	vmul.f32 v49, v55;
	[tilespmem:s5+$0x9740] =	vst v59  }
0x202: {  	v34 =	vld [tilespmem:s5+$0x97D0];
	v35 =	vmul.f32 v51, v55;
	[tilespmem:s5+$0x9750] =	vst v61  }
0x203: {  	v36 =	vld [tilespmem:s5+$0x97E0];
	v37 =	vmul.f32 v53, v33;
	[tilespmem:s5+$0x9760] =	vst v63  }
0x204: {  	v38 =	vld [tilespmem:s5+$0x97F0];
	v39 =	vmul.f32 v56, v33;
	v42 =	vbroadcast v20, $0x5;
	[tilespmem:s5+$0x9770] =	vst v35  }
0x205: {  	v40 =	vld [tilespmem:s5+$0x9800];
	[tilespmem:s5+$0x9780] =	vst v37;
	v41 =	vmul.f32 v58, v33  }
0x206: {  	v47 =	vld [tilespmem:s5+$0x9830];
	[tilespmem:s5+$0x9790] =	vst v39;
	v46 =	vmul.f32 v62, v42  }
0x207: {  	v49 =	vld [tilespmem:s5+$0x9840];
	[tilespmem:s5+$0x97A0] =	vst v41;
	v44 =	vmul.f32 v60, v33  }
0x208: {  	v43 =	vld [tilespmem:s5+$0x9810];
	[tilespmem:s5+$0x97C0] =	vst v46;
	v48 =	vmul.f32 v34, v42  }
0x209: {  	v51 =	vbroadcast v20, $0x6;
	v45 =	vld [tilespmem:s5+$0x9820];
	v50 =	vmul.f32 v36, v42;
	[tilespmem:s5+$0x97B0] =	vst v44  }
0x20a: {  	v56 =	vld [tilespmem:s5+$0x9870];
	v53 =	vmul.f32 v38, v42;
	[tilespmem:s5+$0x97D0] =	vst v48  }
0x20b: {  	v52 =	vld [tilespmem:s5+$0x9850];
	v55 =	vmul.f32 v40, v51;
	[tilespmem:s5+$0x97E0] =	vst v50  }
0x20c: {  	v54 =	vld [tilespmem:s5+$0x9860];
	v62 =	vmul.f32 v47, v51;
	[tilespmem:s5+$0x97F0] =	vst v53  }
0x20d: {  	v58 =	vld [tilespmem:s5+$0x9880];
	v60 =	vbroadcast v20, $0x7;
	v57 =	vmul.f32 v43, v51;
	[tilespmem:s5+$0x9800] =	vst v55  }
0x20e: {  	v61 =	vld [tilespmem:s5+$0x9890];
	v59 =	vmul.f32 v45, v51;
	[tilespmem:s5+$0x9830] =	vst v62  }
0x20f: {  	v63 =	vld [tilespmem:s5+$0x98A0];
	v32 =	vmul.f32 v49, v60;
	[tilespmem:s5+$0x9810] =	vst v57  }
0x210: {  	v35 =	vld [tilespmem:s5+$0x98C0];
	v34 =	vmul.f32 v52, v60;
	[tilespmem:s5+$0x9820] =	vst v59  }
0x211: {  	v37 =	vbroadcast v20, $0x8;
	v33 =	vld [tilespmem:s5+$0x98B0];
	v36 =	vmul.f32 v54, v60;
	[tilespmem:s5+$0x9840] =	vst v32  }
0x212: {  	v38 =	vld [tilespmem:s5+$0x98D0];
	v39 =	vmul.f32 v56, v60;
	[tilespmem:s5+$0x9850] =	vst v34  }
0x213: {  	v40 =	vld [tilespmem:s5+$0x98E0];
	v41 =	vmul.f32 v58, v37;
	[tilespmem:s5+$0x9860] =	vst v36  }
0x214: {  	v46 =	vbroadcast v20, $0x9;
	v42 =	vld [tilespmem:s5+$0x98F0];
	v43 =	vmul.f32 v61, v37;
	[tilespmem:s5+$0x9870] =	vst v39  }
0x215: {  	v47 =	vld [tilespmem:s5+$0x9910];
	v45 =	vmul.f32 v63, v37;
	[tilespmem:s5+$0x9880] =	vst v41  }
0x216: {  	v44 =	vld [tilespmem:s5+$0x9900];
	v50 =	vmul.f32 v35, v46;
	[tilespmem:s5+$0x9890] =	vst v43  }
0x217: {  	v49 =	vld [tilespmem:s5+$0x9920];
	[tilespmem:s5+$0x98A0] =	vst v45;
	v48 =	vmul.f32 v33, v37  }
0x218: {  	v51 =	vld [tilespmem:s5+$0x9930];
	[tilespmem:s5+$0x98C0] =	vst v50;
	v52 =	vmul.f32 v38, v46  }
0x219: {  	v53 =	vld [tilespmem:s5+$0x9940];
	v55 =	vbroadcast v20, $0xA;
	v54 =	vmul.f32 v40, v46;
	[tilespmem:s5+$0x98B0] =	vst v48  }
0x21a: {  	v56 =	vld [tilespmem:s5+$0x9950];
	v57 =	vmul.f32 v42, v46;
	[tilespmem:s5+$0x98D0] =	vst v52  }
0x21b: {  	v58 =	vld [tilespmem:s5+$0x9960];
	v61 =	vmul.f32 v47, v55;
	[tilespmem:s5+$0x98E0] =	vst v54  }
0x21c: {  	v60 =	vld [tilespmem:s5+$0x9970];
	v59 =	vmul.f32 v44, v55;
	[tilespmem:s5+$0x98F0] =	vst v57  }
0x21d: {  	v62 =	vld [tilespmem:s5+$0x9980];
	v33 =	vbroadcast v20, $0xB;
	v63 =	vmul.f32 v49, v55;
	[tilespmem:s5+$0x9910] =	vst v61  }
0x21e: {  	v34 =	vld [tilespmem:s5+$0x9990];
	v35 =	vmul.f32 v51, v55;
	[tilespmem:s5+$0x9900] =	vst v59  }
0x21f: {  	v36 =	vld [tilespmem:s5+$0x99A0];
	v37 =	vmul.f32 v53, v33;
	[tilespmem:s5+$0x9920] =	vst v63  }
0x220: {  	v43 =	vld [tilespmem:s5+$0x99D0];
	v39 =	vmul.f32 v56, v33;
	[tilespmem:s5+$0x9930] =	vst v35  }
0x221: {  	v45 =	vld [tilespmem:s5+$0x99E0];
	v42 =	vbroadcast v20, $0xC;
	v41 =	vmul.f32 v58, v33;
	[tilespmem:s5+$0x9940] =	vst v37  }
0x222: {  	v38 =	vld [tilespmem:s5+$0x99B0];
	v44 =	vmul.f32 v60, v33;
	[tilespmem:s5+$0x9950] =	vst v39  }
0x223: {  	v40 =	vld [tilespmem:s5+$0x99C0];
	v46 =	vmul.f32 v62, v42;
	[tilespmem:s5+$0x9960] =	vst v41  }
0x224: {  	s10 =	sshll.u32 s11, $0x6;
	v50 =	vbroadcast v20, $0xD;
	v47 =	vld [tilespmem:s5+$0x99F0];
	[tilespmem:s5+$0x9970] =	vst v44;
	v48 =	vmul.f32 v34, v42  }
0x225: {  	s10 =	sand.u32 $0x3FFFFC00, s10;
	v51 =	vld [tilespmem:s5+$0x9A00];
	[tilespmem:s5+$0x9980] =	vst v46;
	v49 =	vmul.f32 v36, v42  }
0x226: {  	v52 =	vld [tilespmem:s10+$0x9280];
	v55 =	vmul.f32 v43, v50;
	[tilespmem:s5+$0x9990] =	vst v48  }
0x227: {  	v54 =	vld [tilespmem:s10+$0x9290];
	v57 =	vmul.f32 v45, v50;
	[tilespmem:s5+$0x99A0] =	vst v49  }
0x228: {  	v56 =	vld [tilespmem:s10+$0x92A0];
	v23 =	vmul.f32 v38, v42;
	[tilespmem:s5+$0x99D0] =	vst v55  }
0x229: {  	v58 =	vbroadcast v21, $0x0;
	v59 =	vld [tilespmem:s10+$0x92B0];
	v53 =	vmul.f32 v40, v50;
	[tilespmem:s5+$0x99E0] =	vst v57  }
0x22a: {  	v61 =	vld [tilespmem:s5+$0x9A10];
	v60 =	vmul.f32 v47, v50;
	[tilespmem:s5+$0x99B0] =	vst v23  }
0x22b: {  	v62 =	vld [tilespmem:s5+$0x9A20];
	[tilespmem:s5+$0x99C0] =	vst v53;
	v26 =	vmul.f32 v58, v52  }
0x22c: {  	v63 =	vld [tilespmem:s5+$0x9A30];
	[tilespmem:s5+$0x99F0] =	vst v60;
	v33 =	vmul.f32 v54, v58  }
0x22d: {  	v34 =	vbroadcast v20, $0xE;
	v35 =	vld [tilespmem:s5+$0x9A40];
	v29 =	vmul.f32 v56, v58;
	[tilespmem:s10+$0x9280] =	vst v26  }
0x22e: {  	v36 =	vld [tilespmem:s5+$0x9A50];
	[tilespmem:s10+$0x9290] =	vst v33;
	v24 =	vmul.f32 v59, v58  }
0x22f: {  	v39 =	vld [tilespmem:s5+$0x9A70];
	v37 =	vmul.f32 v51, v34;
	[tilespmem:s10+$0x92A0] =	vst v29  }
0x230: {  	v38 =	vld [tilespmem:s5+$0x9A60];
	v25 =	vmul.f32 v61, v34;
	[tilespmem:s10+$0x92B0] =	vst v24  }
0x231: {  	v20 =	vbroadcast v20, $0xF;
	v22 =	vmul.f32 v62, v34;
	[tilespmem:s5+$0x9A00] =	vst v37;
	v40 =	vld [tilespmem:s5+$0x9AC0]  }
0x232: {  	[tilespmem:s5+$0x9A10] =	vst v25;
	v23 =	vmul.f32 v63, v34;
	v41 =	vld [tilespmem:s5+$0x9AD0]  }
0x233: {  	[tilespmem:s5+$0x9A20] =	vst v22;
	v42 =	vmul.f32 v35, v20;
	v43 =	vld [tilespmem:s5+$0x9AE0]  }
0x234: {  	v44 =	vmul.f32 v36, v20;
	[tilespmem:s5+$0x9A30] =	vst v23;
	v45 =	vld [tilespmem:s5+$0x9AF0]  }
0x235: {  	v47 =	vbroadcast v21, $0x1;
	v46 =	vmul.f32 v38, v20;
	[tilespmem:s5+$0x9A40] =	vst v42;
	v48 =	vld [tilespmem:s5+$0x9B00]  }
0x236: {  	v20 =	vmul.f32 v39, v20;
	[tilespmem:s5+$0x9A50] =	vst v44;
	v49 =	vld [tilespmem:s5+$0x9B10]  }
0x237: {  	[tilespmem:s5+$0x9A60] =	vst v46;
	v51 =	vld [tilespmem:s5+$0x9B20];
	v50 =	vmul.f32 v40, v47  }
0x238: {  	v54 =	vbroadcast v21, $0x2;
	[tilespmem:s5+$0x9A70] =	vst v20;
	v52 =	vld [tilespmem:s5+$0x9B30];
	v20 =	vmul.f32 v41, v47  }
0x239: {  	v55 =	vld [tilespmem:s5+$0x9B40];
	v53 =	vmul.f32 v43, v47;
	[tilespmem:s5+$0x9AC0] =	vst v50  }
0x23a: {  	v56 =	vld [tilespmem:s5+$0x9B50];
	v57 =	vmul.f32 v48, v54;
	[tilespmem:s5+$0x9AD0] =	vst v20  }
0x23b: {  	v58 =	vld [tilespmem:s5+$0x9B60];
	v20 =	vmul.f32 v45, v47;
	[tilespmem:s5+$0x9AE0] =	vst v53  }
0x23c: {  	v61 =	vbroadcast v21, $0x3;
	v59 =	vld [tilespmem:s5+$0x9B70];
	v60 =	vmul.f32 v51, v54;
	[tilespmem:s5+$0x9B00] =	vst v57  }
0x23d: {  	v62 =	vld [tilespmem:s5+$0x9B80];
	[tilespmem:s5+$0x9AF0] =	vst v20;
	v20 =	vmul.f32 v49, v54  }
0x23e: {  	v63 =	vld [tilespmem:s5+$0x9B90];
	v32 =	vmul.f32 v55, v61;
	[tilespmem:s5+$0x9B20] =	vst v60  }
0x23f: {  	v33 =	vld [tilespmem:s5+$0x9BA0];
	[tilespmem:s5+$0x9B10] =	vst v20;
	v20 =	vmul.f32 v52, v54  }
0x240: {  	v36 =	vbroadcast v21, $0x4;
	v34 =	vld [tilespmem:s5+$0x9BB0];
	v35 =	vmul.f32 v58, v61;
	[tilespmem:s5+$0x9B40] =	vst v32  }
0x241: {  	v37 =	vld [tilespmem:s5+$0x9BC0];
	[tilespmem:s5+$0x9B30] =	vst v20;
	v20 =	vmul.f32 v56, v61  }
0x242: {  	v38 =	vld [tilespmem:s5+$0x9BD0];
	v39 =	vmul.f32 v62, v36;
	[tilespmem:s5+$0x9B60] =	vst v35  }
0x243: {  	v44 =	vld [tilespmem:s5+$0x9C00];
	[tilespmem:s5+$0x9B50] =	vst v20;
	v20 =	vmul.f32 v59, v61  }
0x244: {  	v40 =	vld [tilespmem:s5+$0x9BE0];
	v42 =	vmul.f32 v33, v36;
	v43 =	vbroadcast v21, $0x5;
	[tilespmem:s5+$0x9B80] =	vst v39  }
0x245: {  	v41 =	vld [tilespmem:s5+$0x9BF0];
	[tilespmem:s5+$0x9B70] =	vst v20;
	v20 =	vmul.f32 v63, v36  }
0x246: {  	v48 =	vld [tilespmem:s5+$0x9C30];
	[tilespmem:s5+$0x9BA0] =	vst v42;
	v46 =	vmul.f32 v37, v43;
	v50 =	vbroadcast v21, $0x6  }
0x247: {  	v51 =	vld [tilespmem:s5+$0x9C40];
	[tilespmem:s5+$0x9B90] =	vst v20;
	v20 =	vmul.f32 v34, v36  }
0x248: {  	v45 =	vld [tilespmem:s5+$0x9C10];
	[tilespmem:s5+$0x9BC0] =	vst v46;
	v53 =	vmul.f32 v44, v50  }
0x249: {  	v37 =	vld [tilespmem:s5+$0x9CE0];
	[tilespmem:s5+$0x9BB0] =	vst v20;
	v20 =	vmul.f32 v38, v43  }
0x24a: {  	v55 =	vld [tilespmem:s5+$0x9C70];
	v57 =	vbroadcast v21, $0x7;
	v49 =	vmul.f32 v40, v43;
	[tilespmem:s5+$0x9C00] =	vst v53  }
0x24b: {  	v47 =	vld [tilespmem:s5+$0x9C20];
	[tilespmem:s5+$0x9BD0] =	vst v20;
	v20 =	vmul.f32 v41, v43  }
0x24c: {  	v60 =	vmul.f32 v51, v57;
	v40 =	vbroadcast v21, $0x9;
	v52 =	vld [tilespmem:s5+$0x9C50];
	[tilespmem:s5+$0x9BE0] =	vst v49  }
0x24d: {  	v44 =	vld [tilespmem:s5+$0x9D20];
	[tilespmem:s5+$0x9BF0] =	vst v20;
	v20 =	vmul.f32 v45, v50  }
0x24e: {  	v58 =	vld [tilespmem:s5+$0x9C80];
	[tilespmem:s5+$0x9C40] =	vst v60;
	v46 =	vmul.f32 v37, v40  }
0x24f: {  	v54 =	vld [tilespmem:s5+$0x9C60];
	[tilespmem:s5+$0x9C10] =	vst v20;
	v20 =	vmul.f32 v48, v50  }
0x250: {  	v56 =	vmul.f32 v47, v50;
	v47 =	vbroadcast v21, $0xA;
	[tilespmem:s5+$0x9CE0] =	vst v46;
	v59 =	vld [tilespmem:s5+$0x9C90]  }
0x251: {  	v62 =	vld [tilespmem:s5+$0x9CB0];
	[tilespmem:s5+$0x9C30] =	vst v20;
	v20 =	vmul.f32 v52, v57  }
0x252: {  	v35 =	vld [tilespmem:s5+$0x9CD0];
	[tilespmem:s5+$0x9C20] =	vst v56;
	v53 =	vmul.f32 v44, v47  }
0x253: {  	v33 =	vbroadcast v21, $0x8;
	v51 =	vld [tilespmem:s5+$0x9D60];
	[tilespmem:s5+$0x9C50] =	vst v20;
	v20 =	vmul.f32 v55, v57  }
0x254: {  	v42 =	vld [tilespmem:s5+$0x9D10];
	v63 =	vmul.f32 v54, v57;
	[tilespmem:s5+$0x9D20] =	vst v53  }
0x255: {  	v61 =	vld [tilespmem:s5+$0x9CA0];
	[tilespmem:s5+$0x9C70] =	vst v20;
	v20 =	vmul.f32 v59, v33  }
0x256: {  	v54 =	vbroadcast v21, $0xB;
	[tilespmem:s5+$0x9C60] =	vst v63;
	v36 =	vmul.f32 v58, v33;
	v38 =	vld [tilespmem:s5+$0x9CF0]  }
0x257: {  	v56 =	vld [tilespmem:s5+$0x9D90];
	[tilespmem:s5+$0x9C90] =	vst v20;
	v20 =	vmul.f32 v62, v33  }
0x258: {  	v49 =	vld [tilespmem:s5+$0x9D50];
	v60 =	vmul.f32 v51, v54;
	[tilespmem:s5+$0x9C80] =	vst v36  }
0x259: {  	v34 =	vld [tilespmem:s5+$0x9CC0];
	[tilespmem:s5+$0x9CB0] =	vst v20;
	v20 =	vmul.f32 v35, v40  }
0x25a: {  	v39 =	vmul.f32 v61, v33;
	v61 =	vbroadcast v21, $0xC;
	[tilespmem:s5+$0x9D60] =	vst v60;
	v45 =	vld [tilespmem:s5+$0x9D30]  }
0x25b: {  	v41 =	vld [tilespmem:s5+$0x9D00];
	[tilespmem:s5+$0x9CD0] =	vst v20;
	v20 =	vmul.f32 v38, v40  }
0x25c: {  	v37 =	vld [tilespmem:s5+$0x9E00];
	[tilespmem:s5+$0x9CA0] =	vst v39;
	v27 =	vmul.f32 v56, v61  }
0x25d: {  	v51 =	vld [tilespmem:s5+$0x9E30];
	[tilespmem:s5+$0x9CF0] =	vst v20;
	v20 =	vmul.f32 v42, v47  }
0x25e: {  	v43 =	vmul.f32 v34, v40;
	[tilespmem:s5+$0x9D90] =	vst v27;
	v52 =	vld [tilespmem:s5+$0x9D70]  }
0x25f: {  	v48 =	vld [tilespmem:s5+$0x9D40];
	[tilespmem:s5+$0x9D10] =	vst v20;
	v20 =	vmul.f32 v45, v47  }
0x260: {  	v58 =	vld [tilespmem:s5+$0x9DA0];
	[tilespmem:s5+$0x9CC0] =	vst v43;
	v43 =	vbroadcast v21, $0xE;
	v50 =	vmul.f32 v41, v47  }
0x261: {  	v55 =	vld [tilespmem:s5+$0x9D80];
	[tilespmem:s5+$0x9D30] =	vst v20;
	v20 =	vmul.f32 v49, v54  }
0x262: {  	v63 =	vld [tilespmem:s5+$0x9DD0];
	v22 =	vmul.f32 v51, v43;
	[tilespmem:s5+$0x9D00] =	vst v50  }
0x263: {  	v59 =	vld [tilespmem:s5+$0x9DB0];
	[tilespmem:s5+$0x9D50] =	vst v20;
	v20 =	vmul.f32 v52, v54  }
0x264: {  	s9 =	sor.u32 $0x30, s9;
	[tilespmem:s5+$0x9E30] =	vst v22;
	v57 =	vmul.f32 v48, v54;
	v62 =	vld [tilespmem:s5+$0x9DC0]  }
0x265: {  	v48 =	vmul.f32 v37, v43;
	[tilespmem:s5+$0x9D70] =	vst v20;
	v20 =	vld.idx.msk [tilespmem:v19+s9+$0x0 ss:$0x1], $0xffff;
	s9 =	sshll.u32 s9, $0x6  }
0x266: {  	v50 =	vld [tilespmem:s5+$0x9E20];
	[tilespmem:s5+$0x9D40] =	vst v57;
	v32 =	vmul.f32 v55, v61;
	s9 =	sand.u32 $0x3FFFFC00, s9  }
0x267: {  	v36 =	vbroadcast v21, $0xD;
	[tilespmem:s5+$0x9E00] =	vst v48;
	v35 =	vmul.f32 v58, v61;
	v39 =	vld [tilespmem:s9+$0x9280]  }
0x268: {  	[tilespmem:s5+$0x9D80] =	vst v32;
	v23 =	vmul.f32 v59, v61;
	v41 =	vld [tilespmem:s9+$0x9290]  }
0x269: {  	[tilespmem:s5+$0x9DA0] =	vst v35;
	v40 =	vmul.f32 v63, v36;
	v44 =	vld [tilespmem:s9+$0x92A0]  }
0x26a: {  	v38 =	vmul.f32 v62, v36;
	[tilespmem:s5+$0x9DB0] =	vst v23;
	v47 =	vld [tilespmem:s9+$0x92B0];
	v46 =	vbroadcast v20, $0x0  }
0x26b: {  	v33 =	vld [tilespmem:s5+$0x9DE0];
	v23 =	vmul.f32 v50, v43;
	[tilespmem:s5+$0x9DD0] =	vst v40  }
0x26c: {  	v55 =	vld [tilespmem:s5+$0x9E60];
	[tilespmem:s5+$0x9DC0] =	vst v38;
	v27 =	vmul.f32 v46, v39  }
0x26d: {  	v34 =	vld [tilespmem:s5+$0x9DF0];
	[tilespmem:s5+$0x9E20] =	vst v23;
	v25 =	vmul.f32 v41, v46  }
0x26e: {  	v49 =	vld [tilespmem:s5+$0x9E10];
	v30 =	vmul.f32 v44, v46;
	[tilespmem:s9+$0x9280] =	vst v27  }
0x26f: {  	v21 =	vbroadcast v21, $0xF;
	v52 =	vld [tilespmem:s5+$0x9E40];
	v53 =	vmul.f32 v47, v46;
	[tilespmem:s9+$0x9290] =	vst v25  }
0x270: {  	v42 =	vmul.f32 v33, v36;
	v54 =	vld [tilespmem:s5+$0x9E50];
	[tilespmem:s9+$0x92A0] =	vst v30  }
0x271: {  	v56 =	vld [tilespmem:s5+$0x9E70];
	v62 =	vmul.f32 v55, v21;
	[tilespmem:s9+$0x92B0] =	vst v53  }
0x272: {  	v45 =	vmul.f32 v34, v36;
	[tilespmem:s5+$0x9DE0] =	vst v42;
	v57 =	vld [tilespmem:s5+$0x9EC0]  }
0x273: {  	[tilespmem:s5+$0x9E60] =	vst v62;
	v24 =	vmul.f32 v49, v43;
	v59 =	vld [tilespmem:s5+$0x9ED0]  }
0x274: {  	[tilespmem:s5+$0x9DF0] =	vst v45;
	v58 =	vmul.f32 v52, v21;
	v61 =	vld [tilespmem:s5+$0x9EE0]  }
0x275: {  	[tilespmem:s5+$0x9E10] =	vst v24;
	v60 =	vmul.f32 v54, v21;
	v63 =	vbroadcast v20, $0x1;
	v32 =	vld [tilespmem:s5+$0x9EF0]  }
0x276: {  	v21 =	vmul.f32 v56, v21;
	[tilespmem:s5+$0x9E40] =	vst v58;
	v33 =	vld [tilespmem:s5+$0x9F00]  }
0x277: {  	[tilespmem:s5+$0x9E50] =	vst v60;
	v35 =	vld [tilespmem:s5+$0x9F10];
	v34 =	vmul.f32 v57, v63  }
0x278: {  	[tilespmem:s5+$0x9E70] =	vst v21;
	v37 =	vld [tilespmem:s5+$0x9F20];
	v36 =	vmul.f32 v59, v63  }
0x279: {  	v39 =	vbroadcast v20, $0x2;
	v40 =	vld [tilespmem:s5+$0x9F30];
	v38 =	vmul.f32 v61, v63;
	[tilespmem:s5+$0x9EC0] =	vst v34  }
0x27a: {  	v42 =	vld [tilespmem:s5+$0x9F40];
	v41 =	vmul.f32 v32, v63;
	[tilespmem:s5+$0x9ED0] =	vst v36  }
0x27b: {  	v43 =	vld [tilespmem:s5+$0x9F50];
	v22 =	vmul.f32 v33, v39;
	[tilespmem:s5+$0x9EE0] =	vst v38  }
0x27c: {  	v45 =	vld [tilespmem:s5+$0x9F60];
	v44 =	vmul.f32 v35, v39;
	[tilespmem:s5+$0x9EF0] =	vst v41  }
0x27d: {  	v47 =	vbroadcast v20, $0x3;
	v48 =	vld [tilespmem:s5+$0x9F70];
	v46 =	vmul.f32 v37, v39;
	[tilespmem:s5+$0x9F00] =	vst v22  }
0x27e: {  	v50 =	vld [tilespmem:s5+$0x9F80];
	v49 =	vmul.f32 v40, v39;
	[tilespmem:s5+$0x9F10] =	vst v44  }
0x27f: {  	v52 =	vld [tilespmem:s5+$0x9F90];
	v51 =	vmul.f32 v42, v47;
	[tilespmem:s5+$0x9F20] =	vst v46  }
0x280: {  	v54 =	vld [tilespmem:s5+$0x9FA0];
	v53 =	vmul.f32 v43, v47;
	[tilespmem:s5+$0x9F30] =	vst v49  }
0x281: {  	v56 =	vbroadcast v20, $0x4;
	v55 =	vmul.f32 v45, v47;
	v57 =	vld [tilespmem:s5+$0x9FB0];
	[tilespmem:s5+$0x9F40] =	vst v51  }
0x282: {  	v58 =	vmul.f32 v48, v47;
	v59 =	vld [tilespmem:s5+$0x9FC0];
	[tilespmem:s5+$0x9F50] =	vst v53  }
0x283: {  	v60 =	vmul.f32 v50, v56;
	v61 =	vld [tilespmem:s5+$0x9FD0];
	[tilespmem:s5+$0x9F60] =	vst v55  }
0x284: {  	v62 =	vmul.f32 v52, v56;
	v63 =	vld [tilespmem:s5+$0x9FE0];
	[tilespmem:s5+$0x9F70] =	vst v58  }
0x285: {  	v32 =	vmul.f32 v54, v56;
	v33 =	vbroadcast v20, $0x5;
	v40 =	vld [tilespmem:s5+$0xA020];
	[tilespmem:s5+$0x9F80] =	vst v60  }
0x286: {  	v43 =	vld [tilespmem:s5+$0xA030];
	[tilespmem:s5+$0x9F90] =	vst v62;
	v35 =	vmul.f32 v57, v56  }
0x287: {  	v45 =	vld [tilespmem:s5+$0xA040];
	[tilespmem:s5+$0x9FA0] =	vst v32;
	v37 =	vmul.f32 v59, v33  }
0x288: {  	v42 =	vbroadcast v20, $0x6;
	v47 =	vld [tilespmem:s5+$0xA050];
	v39 =	vmul.f32 v61, v33;
	[tilespmem:s5+$0x9FB0] =	vst v35  }
0x289: {  	v52 =	vld [tilespmem:s5+$0xA070];
	v41 =	vmul.f32 v63, v33;
	[tilespmem:s5+$0x9FC0] =	vst v37  }
0x28a: {  	v54 =	vld [tilespmem:s5+$0xA080];
	v51 =	vbroadcast v20, $0x7;
	v50 =	vmul.f32 v40, v42;
	[tilespmem:s5+$0x9FD0] =	vst v39  }
0x28b: {  	v34 =	vld [tilespmem:s5+$0x9FF0];
	v53 =	vmul.f32 v43, v42;
	[tilespmem:s5+$0x9FE0] =	vst v41  }
0x28c: {  	v36 =	vld [tilespmem:s5+$0xA000];
	v55 =	vmul.f32 v45, v51;
	[tilespmem:s5+$0xA020] =	vst v50  }
0x28d: {  	v38 =	vld [tilespmem:s5+$0xA010];
	v60 =	vbroadcast v20, $0x8;
	v57 =	vmul.f32 v47, v51;
	[tilespmem:s5+$0xA030] =	vst v53  }
0x28e: {  	v49 =	vld [tilespmem:s5+$0xA060];
	v62 =	vmul.f32 v52, v51;
	[tilespmem:s5+$0xA040] =	vst v55  }
0x28f: {  	v58 =	vld [tilespmem:s5+$0xA0A0];
	v32 =	vmul.f32 v54, v60;
	[tilespmem:s5+$0xA050] =	vst v57  }
0x290: {  	v56 =	vld [tilespmem:s5+$0xA090];
	v44 =	vmul.f32 v34, v33;
	[tilespmem:s5+$0xA070] =	vst v62  }
0x291: {  	v61 =	vld [tilespmem:s5+$0xA0B0];
	v46 =	vmul.f32 v36, v42;
	[tilespmem:s5+$0xA080] =	vst v32  }
0x292: {  	v63 =	vld [tilespmem:s5+$0xA0C0];
	v48 =	vmul.f32 v38, v42;
	[tilespmem:s5+$0x9FF0] =	vst v44  }
0x293: {  	v40 =	vld [tilespmem:s5+$0xA100];
	v59 =	vmul.f32 v49, v51;
	[tilespmem:s5+$0xA000] =	vst v46  }
0x294: {  	v47 =	vld [tilespmem:s5+$0xA130];
	v36 =	vmul.f32 v58, v60;
	[tilespmem:s5+$0xA010] =	vst v48  }
0x295: {  	v33 =	vld [tilespmem:s5+$0xA0D0];
	v37 =	vbroadcast v20, $0x9;
	[tilespmem:s5+$0xA060] =	vst v59;
	v34 =	vmul.f32 v56, v60  }
0x296: {  	v35 =	vld [tilespmem:s5+$0xA0E0];
	[tilespmem:s5+$0xA0A0] =	vst v36;
	v46 =	vbroadcast v20, $0xA;
	v39 =	vmul.f32 v61, v60  }
0x297: {  	v38 =	vld [tilespmem:s5+$0xA0F0];
	v41 =	vmul.f32 v63, v37;
	[tilespmem:s5+$0xA090] =	vst v34  }
0x298: {  	v42 =	vld [tilespmem:s5+$0xA110];
	v50 =	vmul.f32 v40, v46;
	[tilespmem:s5+$0xA0B0] =	vst v39  }
0x299: {  	v49 =	vld [tilespmem:s5+$0xA140];
	v57 =	vmul.f32 v47, v46;
	[tilespmem:s5+$0xA0C0] =	vst v41  }
0x29a: {  	v51 =	vld [tilespmem:s5+$0xA150];
	v43 =	vmul.f32 v33, v37;
	[tilespmem:s5+$0xA100] =	vst v50  }
0x29b: {  	v53 =	vld [tilespmem:s5+$0xA160];
	v45 =	vmul.f32 v35, v37;
	[tilespmem:s5+$0xA130] =	vst v57  }
0x29c: {  	v55 =	vbroadcast v20, $0xB;
	v58 =	vld [tilespmem:s5+$0xA180];
	v48 =	vmul.f32 v38, v37;
	[tilespmem:s5+$0xA0D0] =	vst v43  }
0x29d: {  	v62 =	vld [tilespmem:s5+$0xA1A0];
	v52 =	vmul.f32 v42, v46;
	[tilespmem:s5+$0xA0E0] =	vst v45  }
0x29e: {  	v44 =	vld [tilespmem:s5+$0xA120];
	v59 =	vmul.f32 v49, v55;
	[tilespmem:s5+$0xA0F0] =	vst v48  }
0x29f: {  	v32 =	vbroadcast v20, $0xC;
	v56 =	vld [tilespmem:s5+$0xA170];
	v61 =	vmul.f32 v51, v55;
	[tilespmem:s5+$0xA110] =	vst v52  }
0x2a0: {  	v60 =	vld [tilespmem:s5+$0xA190];
	v63 =	vmul.f32 v53, v55;
	[tilespmem:s5+$0xA140] =	vst v59  }
0x2a1: {  	v33 =	vld [tilespmem:s5+$0xA1B0];
	v36 =	vmul.f32 v58, v32;
	[tilespmem:s5+$0xA150] =	vst v61  }
0x2a2: {  	v35 =	vld [tilespmem:s5+$0xA1C0];
	v40 =	vmul.f32 v62, v32;
	[tilespmem:s5+$0xA160] =	vst v63  }
0x2a3: {  	v37 =	vld [tilespmem:s5+$0xA1D0];
	v54 =	vmul.f32 v44, v46;
	[tilespmem:s5+$0xA180] =	vst v36  }
0x2a4: {  	v39 =	vld [tilespmem:s5+$0xA1E0];
	[tilespmem:s5+$0xA1A0] =	vst v40;
	v34 =	vmul.f32 v56, v55  }
0x2a5: {  	v41 =	vbroadcast v20, $0xD;
	v42 =	vld [tilespmem:s5+$0xA1F0];
	v38 =	vmul.f32 v60, v32;
	[tilespmem:s5+$0xA120] =	vst v54  }
0x2a6: {  	v51 =	vld [tilespmem:s5+$0xA230];
	[tilespmem:s5+$0xA170] =	vst v34;
	v43 =	vmul.f32 v33, v32  }
0x2a7: {  	v53 =	vld [tilespmem:s5+$0xA240];
	[tilespmem:s5+$0xA190] =	vst v38;
	v45 =	vmul.f32 v35, v41  }
0x2a8: {  	v57 =	vld [tilespmem:s5+$0xA260];
	v47 =	vmul.f32 v37, v41;
	[tilespmem:s5+$0xA1B0] =	vst v43  }
0x2a9: {  	v50 =	vbroadcast v20, $0xE;
	v44 =	vld [tilespmem:s5+$0xA200];
	v49 =	vmul.f32 v39, v41;
	[tilespmem:s5+$0xA1C0] =	vst v45  }
0x2aa: {  	v20 =	vbroadcast v20, $0xF;
	v46 =	vld [tilespmem:s5+$0xA210];
	v52 =	vmul.f32 v42, v41;
	[tilespmem:s5+$0xA1D0] =	vst v47  }
0x2ab: {  	v48 =	vld [tilespmem:s5+$0xA220];
	v60 =	vmul.f32 v51, v50;
	[tilespmem:s5+$0xA1E0] =	vst v49  }
0x2ac: {  	v55 =	vld [tilespmem:s5+$0xA250];
	v61 =	vmul.f32 v53, v20;
	[tilespmem:s5+$0xA1F0] =	vst v52  }
0x2ad: {  	v59 =	vld [tilespmem:s5+$0xA270];
	v63 =	vmul.f32 v57, v20;
	[tilespmem:s5+$0xA230] =	vst v60  }
0x2ae: {  	v54 =	vmul.f32 v44, v50;
	[tilespmem:s5+$0xA240] =	vst v61  }
0x2af: {  	p2 =	por p1, p1;
	v56 =	vmul.f32 v46, v50;
	[tilespmem:s5+$0xA260] =	vst v63  }
.Ltmp12:
0x2b0: {  	v58 =	vmul.f32 v48, v50;
	[tilespmem:s5+$0xA200] =	vst v54;
	(pc) =	sbr.rel @p2 .LBB2_11-.Ltmp12, $4  }
0x2b1: {  	v62 =	vmul.f32 v55, v20;
	[tilespmem:s5+$0xA210] =	vst v56  }
0x2b2: {  	v20 =	vmul.f32 v59, v20;
	[tilespmem:s5+$0xA220] =	vst v58  }
0x2b3: {  	[tilespmem:s5+$0xA250] =	vst v62  }
0x2b4: {  	p1 =	por $0x0, $0x0;
	[tilespmem:s5+$0xA270] =	vst v20;
	s5 =	simm.s32 $0x4  }
.Ltmp13:
0x2b5: {  	(pc) =	sbr.rel .LBB2_16-.Ltmp13, $2  }
0x2b6: {  	_ =	sdelay $0x2  }
0x2b7: {  	[spmem:s6] =	stream.indirect.scatter.add.f32 [tilespmem:s22], [sflag:$0x3], $0x40, s23, s21, $0xb8;
	[tilespmem:$0x1DF40] =	vst v63  }
.LBB2_13:
0x2b8: {  	_ =	swait.ge [sflag:s25], $0x2000;
	s7 =	sadd.s32 $0x1, s5  }
0x2b9: {  	[sflag:s25] =	ssyncset.done $0x0;
	p1 =	sge.s32 s7, s24  }
0x2ba: {  	[sflag:s25] =	ssyncadd.s32 $0xFFFFE000;
	s9 =	simm.s32 @!p1 $0x3  }
0x2bb: {  	_ =	swait.ge @!p1 [sflag:s9], $0x2000  }
0x2bc: {  	[sflag:s9] =	ssyncset.done @!p1 $0x0  }
0x2bd: {  	[sflag:s9] =	ssyncadd.s32 @!p1 $0xFFFFE000;
	s9 =	sshll.u32 @!p1 s7, $0x7  }
0x2be: {  	v19 =	vld @!p1 [tilespmem:s9+$0x7080];
	_ =	sdelay $0x4  }
0x2bf: {  	[tilespmem:$0x9180] =	vst @!p1 v19  }
0x2c0: {  	v19 =	vld @!p1 [tilespmem:s9+$0x7090];
	_ =	sdelay $0x4  }
0x2c1: {  	[tilespmem:$0x9190] =	vst @!p1 v19  }
0x2c2: {  	v19 =	vld @!p1 [tilespmem:s9+$0x70A0];
	_ =	sdelay $0x4  }
0x2c3: {  	[tilespmem:$0x91A0] =	vst @!p1 v19  }
0x2c4: {  	v19 =	vld @!p1 [tilespmem:s9+$0x70B0];
	_ =	sdelay $0x4  }
0x2c5: {  	[tilespmem:$0x91B0] =	vst @!p1 v19  }
0x2c6: {  	v19 =	vld @!p1 [tilespmem:s9+$0x70C0];
	_ =	sdelay $0x4  }
0x2c7: {  	[tilespmem:$0x91C0] =	vst @!p1 v19  }
0x2c8: {  	v19 =	vld @!p1 [tilespmem:s9+$0x70D0];
	_ =	sdelay $0x4  }
0x2c9: {  	[tilespmem:$0x91D0] =	vst @!p1 v19  }
0x2ca: {  	v19 =	vld @!p1 [tilespmem:s9+$0x70E0];
	_ =	sdelay $0x4  }
0x2cb: {  	[tilespmem:$0x91E0] =	vst @!p1 v19  }
0x2cc: {  	v19 =	vld @!p1 [tilespmem:s9+$0x70F0];
	_ =	sdelay $0x4  }
0x2cd: {  	s10 =	simm.s32 @!p1 $0x80;
	s11 =	simm.s32 @!p1 $0x9280;
	s9 =	sadd.s32 @!p1 $0x6000, s9;
	[tilespmem:$0x91F0] =	vst @!p1 v19  }
0x2ce: {  	[tilespmem:s11], [sflag:$0x1] =	stream.indirect.gather @!p1 [hbm4b:s4+s10], $0x40, s9, s10, $0xb8;
	[tilespmem:$0x1DF40] =	vst v63  }
0x2cf: {  	s10 =	sshll.u32 s5, $0x9  }
0x2d0: {  	s5 =	sshra.s32 s10, $0x2  }
0x2d1: {  	s11 =	sadd.s32 $0x8100, s5  }
0x2d2: {  	v19 =	vmov s11;
	_ =	sdelay $0x1  }
0x2d3: {  	p1 =	por $0x1, $0x1;
	s5 =	simm.s32 $0x0  }
.LBB2_14:
0x2d4: {  	s9 =	sshll.u32 s5, $0x4  }
0x2d5: {  	s10 =	sand.u32 $0x3FFFFFF0, s9  }
0x2d6: {  	v21 =	vld.idx.msk [tilespmem:v19+s10+$0x0 ss:$0x1], $0xffff;
	s10 =	sshll.u32 s5, $0xA  }
0x2d7: {  	s5 =	sand.u32 $0x3FFFFC00, s10  }
0x2d8: {  	v20 =	vld [tilespmem:s5+$0xB280]  }
0x2d9: {  	v22 =	vld [tilespmem:s5+$0xB290]  }
0x2da: {  	v23 =	vld [tilespmem:s5+$0xB2A0]  }
0x2db: {  	v25 =	vld [tilespmem:s5+$0xB2B0];
	v24 =	vbroadcast v21, $0x0  }
0x2dc: {  	v26 =	vld [tilespmem:s5+$0xB2C0]  }
0x2dd: {  	v27 =	vld [tilespmem:s5+$0xB2D0];
	v20 =	vmul.f32 v24, v20  }
0x2de: {  	v28 =	vld [tilespmem:s5+$0xB2E0];
	v22 =	vmul.f32 v22, v24  }
0x2df: {  	v29 =	vld [tilespmem:s5+$0xB2F0];
	v46 =	vbroadcast v21, $0x1;
	[tilespmem:s5+$0xB280] =	vst v20;
	v20 =	vmul.f32 v23, v24  }
0x2e0: {  	v47 =	vmul.f32 v25, v24;
	[tilespmem:s5+$0xB290] =	vst v22  }
0x2e1: {  	[tilespmem:s5+$0xB2A0] =	vst v20;
	v20 =	vmul.f32 v26, v46  }
0x2e2: {  	v48 =	vmul.f32 v27, v46;
	[tilespmem:s5+$0xB2B0] =	vst v47  }
0x2e3: {  	[tilespmem:s5+$0xB2C0] =	vst v20;
	v20 =	vmul.f32 v28, v46  }
0x2e4: {  	v49 =	vmul.f32 v29, v46;
	[tilespmem:s5+$0xB2D0] =	vst v48  }
0x2e5: {  	[tilespmem:s5+$0xB2E0] =	vst v20  }
0x2e6: {  	[tilespmem:s5+$0xB2F0] =	vst v49  }
0x2e7: {  	v20 =	vld [tilespmem:s5+$0xB300]  }
0x2e8: {  	v22 =	vld [tilespmem:s5+$0xB310]  }
0x2e9: {  	v50 =	vld [tilespmem:s5+$0xB320]  }
0x2ea: {  	v51 =	vld [tilespmem:s5+$0xB330]  }
0x2eb: {  	v52 =	vld [tilespmem:s5+$0xB340]  }
0x2ec: {  	v53 =	vld [tilespmem:s5+$0xB350]  }
0x2ed: {  	v55 =	vld [tilespmem:s5+$0xB360]  }
0x2ee: {  	v54 =	vbroadcast v21, $0x2;
	v56 =	vld [tilespmem:s5+$0xB370]  }
0x2ef: {  	v30 =	vld [tilespmem:s5+$0xB380]  }
0x2f0: {  	v31 =	vld [tilespmem:s5+$0xB390];
	v20 =	vmul.f32 v20, v54  }
0x2f1: {  	v32 =	vld [tilespmem:s5+$0xB3A0];
	v22 =	vmul.f32 v22, v54  }
0x2f2: {  	v57 =	vbroadcast v21, $0x3;
	v59 =	vld [tilespmem:s5+$0xB3B0];
	v58 =	vmul.f32 v51, v54;
	[tilespmem:s5+$0xB300] =	vst v20  }
0x2f3: {  	v60 =	vld [tilespmem:s5+$0xB3C0];
	v20 =	vmul.f32 v50, v54;
	[tilespmem:s5+$0xB310] =	vst v22  }
0x2f4: {  	v62 =	vld [tilespmem:s5+$0xB3D0];
	v61 =	vmul.f32 v53, v57;
	[tilespmem:s5+$0xB330] =	vst v58  }
0x2f5: {  	v36 =	vld [tilespmem:s5+$0xB3E0];
	[tilespmem:s5+$0xB320] =	vst v20;
	v20 =	vmul.f32 v52, v57  }
0x2f6: {  	v63 =	vbroadcast v21, $0x4;
	v38 =	vld [tilespmem:s5+$0xB3F0];
	v37 =	vmul.f32 v56, v57;
	[tilespmem:s5+$0xB350] =	vst v61  }
0x2f7: {  	v39 =	vld [tilespmem:s5+$0xB400];
	[tilespmem:s5+$0xB340] =	vst v20;
	v20 =	vmul.f32 v55, v57  }
0x2f8: {  	v41 =	vld [tilespmem:s5+$0xB410];
	v40 =	vmul.f32 v31, v63;
	[tilespmem:s5+$0xB370] =	vst v37  }
0x2f9: {  	v43 =	vld [tilespmem:s5+$0xB420];
	[tilespmem:s5+$0xB360] =	vst v20;
	v20 =	vmul.f32 v30, v63  }
0x2fa: {  	v42 =	vbroadcast v21, $0x5;
	v45 =	vld [tilespmem:s5+$0xB430];
	v44 =	vmul.f32 v59, v63;
	[tilespmem:s5+$0xB390] =	vst v40  }
0x2fb: {  	v46 =	vld [tilespmem:s5+$0xB440];
	[tilespmem:s5+$0xB380] =	vst v20;
	v20 =	vmul.f32 v32, v63  }
0x2fc: {  	v48 =	vld [tilespmem:s5+$0xB450];
	v47 =	vmul.f32 v62, v42;
	[tilespmem:s5+$0xB3B0] =	vst v44  }
0x2fd: {  	v53 =	vld [tilespmem:s5+$0xB480];
	[tilespmem:s5+$0xB3A0] =	vst v20;
	v20 =	vmul.f32 v60, v42  }
0x2fe: {  	v49 =	vbroadcast v21, $0x6;
	v51 =	vmul.f32 v38, v42;
	v59 =	vld [tilespmem:s5+$0xB4B0];
	[tilespmem:s5+$0xB3D0] =	vst v47  }
0x2ff: {  	v62 =	vld [tilespmem:s5+$0xB4D0];
	[tilespmem:s5+$0xB3C0] =	vst v20;
	v20 =	vmul.f32 v36, v42  }
0x300: {  	v38 =	vld [tilespmem:s5+$0xB4F0];
	[tilespmem:s5+$0xB3F0] =	vst v51;
	v54 =	vmul.f32 v41, v49  }
0x301: {  	v52 =	vld [tilespmem:s5+$0xB470];
	[tilespmem:s5+$0xB3E0] =	vst v20;
	v20 =	vmul.f32 v39, v49  }
0x302: {  	v56 =	vbroadcast v21, $0x7;
	v50 =	vld [tilespmem:s5+$0xB460];
	v58 =	vmul.f32 v45, v49;
	[tilespmem:s5+$0xB410] =	vst v54  }
0x303: {  	v55 =	vld [tilespmem:s5+$0xB490];
	[tilespmem:s5+$0xB400] =	vst v20;
	v20 =	vmul.f32 v43, v49  }
0x304: {  	v61 =	vmul.f32 v48, v56;
	v41 =	vld [tilespmem:s5+$0xB510];
	[tilespmem:s5+$0xB430] =	vst v58  }
0x305: {  	v45 =	vld [tilespmem:s5+$0xB530];
	[tilespmem:s5+$0xB420] =	vst v20;
	v20 =	vmul.f32 v46, v56  }
0x306: {  	[tilespmem:s5+$0xB450] =	vst v61;
	v57 =	vld [tilespmem:s5+$0xB4A0];
	v37 =	vmul.f32 v52, v56;
	v63 =	vbroadcast v21, $0x8  }
0x307: {  	v48 =	vld [tilespmem:s5+$0xB550];
	[tilespmem:s5+$0xB440] =	vst v20;
	v20 =	vmul.f32 v50, v56  }
0x308: {  	[tilespmem:s5+$0xB470] =	vst v37;
	v60 =	vld [tilespmem:s5+$0xB4C0];
	v40 =	vmul.f32 v55, v63  }
0x309: {  	v52 =	vld [tilespmem:s5+$0xB570];
	[tilespmem:s5+$0xB460] =	vst v20;
	v20 =	vmul.f32 v53, v63  }
0x30a: {  	v44 =	vmul.f32 v59, v63;
	v36 =	vld [tilespmem:s5+$0xB4E0];
	v42 =	vbroadcast v21, $0x9;
	[tilespmem:s5+$0xB490] =	vst v40  }
0x30b: {  	v55 =	vld [tilespmem:s5+$0xB590];
	[tilespmem:s5+$0xB480] =	vst v20;
	v20 =	vmul.f32 v57, v63  }
0x30c: {  	[tilespmem:s5+$0xB4B0] =	vst v44;
	v39 =	vld [tilespmem:s5+$0xB500];
	v47 =	vmul.f32 v62, v42  }
0x30d: {  	v59 =	vld [tilespmem:s5+$0xB5B0];
	[tilespmem:s5+$0xB4A0] =	vst v20;
	v20 =	vmul.f32 v60, v42  }
0x30e: {  	v51 =	vmul.f32 v38, v42;
	v43 =	vld [tilespmem:s5+$0xB520];
	v49 =	vbroadcast v21, $0xA;
	[tilespmem:s5+$0xB4D0] =	vst v47  }
0x30f: {  	v62 =	vld [tilespmem:s5+$0xB5D0];
	[tilespmem:s5+$0xB4C0] =	vst v20;
	v20 =	vmul.f32 v36, v42  }
0x310: {  	[tilespmem:s5+$0xB4F0] =	vst v51;
	v46 =	vld [tilespmem:s5+$0xB540];
	v54 =	vmul.f32 v41, v49  }
0x311: {  	v38 =	vld [tilespmem:s5+$0xB5F0];
	[tilespmem:s5+$0xB4E0] =	vst v20;
	v20 =	vmul.f32 v39, v49  }
0x312: {  	v58 =	vmul.f32 v45, v49;
	v50 =	vld [tilespmem:s5+$0xB560];
	v56 =	vbroadcast v21, $0xB;
	[tilespmem:s5+$0xB510] =	vst v54  }
0x313: {  	v57 =	vld [tilespmem:s5+$0xB5A0];
	[tilespmem:s5+$0xB500] =	vst v20;
	v20 =	vmul.f32 v43, v49  }
0x314: {  	[tilespmem:s5+$0xB530] =	vst v58;
	v53 =	vld [tilespmem:s5+$0xB580];
	v61 =	vmul.f32 v48, v56  }
0x315: {  	v54 =	vld [tilespmem:s5+$0xB640];
	[tilespmem:s5+$0xB520] =	vst v20;
	v20 =	vmul.f32 v46, v56  }
0x316: {  	v58 =	vld [tilespmem:s5+$0xB670];
	v37 =	vmul.f32 v52, v56;
	v63 =	vbroadcast v21, $0xC;
	[tilespmem:s5+$0xB550] =	vst v61  }
0x317: {  	v60 =	vld [tilespmem:s5+$0xB5C0];
	[tilespmem:s5+$0xB540] =	vst v20;
	v20 =	vmul.f32 v50, v56  }
0x318: {  	s11 =	sor.u32 $0x10, s9;
	[tilespmem:s5+$0xB570] =	vst v37;
	v44 =	vmul.f32 v59, v63;
	v41 =	vmul.f32 v57, v63;
	v57 =	vld [tilespmem:s5+$0xB660]  }
0x319: {  	s10 =	sshll.u32 s11, $0x6;
	v29 =	vmul.f32 v53, v63;
	[tilespmem:s5+$0xB560] =	vst v20;
	v20 =	vld.idx.msk [tilespmem:v19+s11+$0x0 ss:$0x1], $0xffff  }
0x31a: {  	s10 =	sand.u32 $0x3FFFFC00, s10;
	v42 =	vbroadcast v21, $0xD;
	[tilespmem:s5+$0xB5B0] =	vst v44;
	v39 =	vmul.f32 v55, v63;
	v56 =	vld [tilespmem:s5+$0xB650]  }
0x31b: {  	[tilespmem:s5+$0xB580] =	vst v29;
	v55 =	vbroadcast v21, $0xE;
	v21 =	vbroadcast v21, $0xF;
	v43 =	vld [tilespmem:s10+$0xB280]  }
0x31c: {  	v45 =	vld [tilespmem:s10+$0xB290];
	v47 =	vmul.f32 v62, v42;
	v23 =	vmul.f32 v38, v42;
	[tilespmem:s5+$0xB5A0] =	vst v41  }
0x31d: {  	v25 =	vmul.f32 v60, v42;
	[tilespmem:s5+$0xB590] =	vst v39;
	v33 =	vmul.f32 v54, v21;
	v46 =	vld [tilespmem:s10+$0xB2A0]  }
0x31e: {  	v49 =	vld [tilespmem:s10+$0xB2B0];
	[tilespmem:s5+$0xB5D0] =	vst v47;
	v37 =	vmul.f32 v57, v21;
	v48 =	vbroadcast v20, $0x0  }
0x31f: {  	v40 =	vld [tilespmem:s5+$0xB600];
	[tilespmem:s5+$0xB5F0] =	vst v23;
	v35 =	vmul.f32 v56, v21;
	v21 =	vmul.f32 v58, v21  }
0x320: {  	v51 =	vld [tilespmem:s5+$0xB610];
	[tilespmem:s5+$0xB5C0] =	vst v25;
	v32 =	vmul.f32 v48, v43  }
0x321: {  	v52 =	vld [tilespmem:s5+$0xB620];
	[tilespmem:s5+$0xB670] =	vst v21;
	v24 =	vmul.f32 v45, v48  }
0x322: {  	v53 =	vld [tilespmem:s5+$0xB630];
	v27 =	vmul.f32 v46, v48;
	[tilespmem:s10+$0xB280] =	vst v32  }
0x323: {  	v26 =	vmul.f32 v49, v48;
	[tilespmem:s10+$0xB290] =	vst v24  }
0x324: {  	v36 =	vld [tilespmem:s5+$0xB5E0];
	v30 =	vmul.f32 v40, v55;
	s11 =	sor.u32 $0x20, s9;
	[tilespmem:s10+$0xB2A0] =	vst v27  }
0x325: {  	v59 =	vmul.f32 v51, v55;
	v21 =	vld.idx.msk [tilespmem:v19+s11+$0x0 ss:$0x1], $0xffff;
	[tilespmem:s10+$0xB2B0] =	vst v26  }
0x326: {  	v22 =	vmul.f32 v52, v55;
	[tilespmem:s5+$0xB600] =	vst v30;
	v60 =	vld [tilespmem:s5+$0xB6C0]  }
0x327: {  	v62 =	vmul.f32 v53, v55;
	[tilespmem:s5+$0xB610] =	vst v59;
	v61 =	vld [tilespmem:s5+$0xB6D0]  }
0x328: {  	[tilespmem:s5+$0xB620] =	vst v22;
	v63 =	vld [tilespmem:s5+$0xB6E0]  }
0x329: {  	[tilespmem:s5+$0xB630] =	vst v62;
	v34 =	vld [tilespmem:s5+$0xB6F0]  }
0x32a: {  	[tilespmem:s5+$0xB640] =	vst v33;
	v50 =	vmul.f32 v36, v42;
	v38 =	vbroadcast v20, $0x1;
	v36 =	vld [tilespmem:s5+$0xB700]  }
0x32b: {  	[tilespmem:s5+$0xB660] =	vst v37;
	v39 =	vld [tilespmem:s5+$0xB710]  }
0x32c: {  	[tilespmem:s5+$0xB5E0] =	vst v50;
	v40 =	vld [tilespmem:s5+$0xB720];
	v41 =	vmul.f32 v60, v38  }
0x32d: {  	[tilespmem:s5+$0xB650] =	vst v35;
	v42 =	vld [tilespmem:s5+$0xB730];
	v43 =	vmul.f32 v61, v38  }
0x32e: {  	v46 =	vbroadcast v20, $0x2;
	v44 =	vld [tilespmem:s5+$0xB740];
	v45 =	vmul.f32 v63, v38;
	[tilespmem:s5+$0xB6C0] =	vst v41  }
0x32f: {  	v47 =	vld [tilespmem:s5+$0xB750];
	v48 =	vmul.f32 v34, v38;
	[tilespmem:s5+$0xB6D0] =	vst v43  }
0x330: {  	v49 =	vld [tilespmem:s5+$0xB760];
	v50 =	vmul.f32 v36, v46;
	[tilespmem:s5+$0xB6E0] =	vst v45  }
0x331: {  	v51 =	vld [tilespmem:s5+$0xB770];
	v52 =	vmul.f32 v39, v46;
	[tilespmem:s5+$0xB6F0] =	vst v48  }
0x332: {  	v55 =	vbroadcast v20, $0x3;
	v53 =	vld [tilespmem:s5+$0xB780];
	v54 =	vmul.f32 v40, v46;
	[tilespmem:s5+$0xB700] =	vst v50  }
0x333: {  	v56 =	vld [tilespmem:s5+$0xB790];
	v57 =	vmul.f32 v42, v46;
	[tilespmem:s5+$0xB710] =	vst v52  }
0x334: {  	v58 =	vld [tilespmem:s5+$0xB7A0];
	v59 =	vmul.f32 v44, v55;
	[tilespmem:s5+$0xB720] =	vst v54  }
0x335: {  	v62 =	vld [tilespmem:s5+$0xB7C0];
	v61 =	vmul.f32 v47, v55;
	[tilespmem:s5+$0xB730] =	vst v57  }
0x336: {  	v33 =	vbroadcast v20, $0x4;
	v60 =	vld [tilespmem:s5+$0xB7B0];
	v63 =	vmul.f32 v49, v55;
	[tilespmem:s5+$0xB740] =	vst v59  }
0x337: {  	v34 =	vld [tilespmem:s5+$0xB7D0];
	v35 =	vmul.f32 v51, v55;
	[tilespmem:s5+$0xB750] =	vst v61  }
0x338: {  	v36 =	vld [tilespmem:s5+$0xB7E0];
	v37 =	vmul.f32 v53, v33;
	[tilespmem:s5+$0xB760] =	vst v63  }
0x339: {  	v38 =	vld [tilespmem:s5+$0xB7F0];
	v39 =	vmul.f32 v56, v33;
	v42 =	vbroadcast v20, $0x5;
	[tilespmem:s5+$0xB770] =	vst v35  }
0x33a: {  	v40 =	vld [tilespmem:s5+$0xB800];
	[tilespmem:s5+$0xB780] =	vst v37;
	v41 =	vmul.f32 v58, v33  }
0x33b: {  	v47 =	vld [tilespmem:s5+$0xB830];
	[tilespmem:s5+$0xB790] =	vst v39;
	v46 =	vmul.f32 v62, v42  }
0x33c: {  	v49 =	vld [tilespmem:s5+$0xB840];
	[tilespmem:s5+$0xB7A0] =	vst v41;
	v44 =	vmul.f32 v60, v33  }
0x33d: {  	v43 =	vld [tilespmem:s5+$0xB810];
	[tilespmem:s5+$0xB7C0] =	vst v46;
	v48 =	vmul.f32 v34, v42  }
0x33e: {  	v51 =	vbroadcast v20, $0x6;
	v45 =	vld [tilespmem:s5+$0xB820];
	v50 =	vmul.f32 v36, v42;
	[tilespmem:s5+$0xB7B0] =	vst v44  }
0x33f: {  	v56 =	vld [tilespmem:s5+$0xB870];
	v53 =	vmul.f32 v38, v42;
	[tilespmem:s5+$0xB7D0] =	vst v48  }
0x340: {  	v52 =	vld [tilespmem:s5+$0xB850];
	v55 =	vmul.f32 v40, v51;
	[tilespmem:s5+$0xB7E0] =	vst v50  }
0x341: {  	v54 =	vld [tilespmem:s5+$0xB860];
	v62 =	vmul.f32 v47, v51;
	[tilespmem:s5+$0xB7F0] =	vst v53  }
0x342: {  	v58 =	vld [tilespmem:s5+$0xB880];
	v60 =	vbroadcast v20, $0x7;
	v57 =	vmul.f32 v43, v51;
	[tilespmem:s5+$0xB800] =	vst v55  }
0x343: {  	v61 =	vld [tilespmem:s5+$0xB890];
	v59 =	vmul.f32 v45, v51;
	[tilespmem:s5+$0xB830] =	vst v62  }
0x344: {  	v63 =	vld [tilespmem:s5+$0xB8A0];
	v32 =	vmul.f32 v49, v60;
	[tilespmem:s5+$0xB810] =	vst v57  }
0x345: {  	v35 =	vld [tilespmem:s5+$0xB8C0];
	v34 =	vmul.f32 v52, v60;
	[tilespmem:s5+$0xB820] =	vst v59  }
0x346: {  	v37 =	vbroadcast v20, $0x8;
	v33 =	vld [tilespmem:s5+$0xB8B0];
	v36 =	vmul.f32 v54, v60;
	[tilespmem:s5+$0xB840] =	vst v32  }
0x347: {  	v38 =	vld [tilespmem:s5+$0xB8D0];
	v39 =	vmul.f32 v56, v60;
	[tilespmem:s5+$0xB850] =	vst v34  }
0x348: {  	v40 =	vld [tilespmem:s5+$0xB8E0];
	v41 =	vmul.f32 v58, v37;
	[tilespmem:s5+$0xB860] =	vst v36  }
0x349: {  	v46 =	vbroadcast v20, $0x9;
	v42 =	vld [tilespmem:s5+$0xB8F0];
	v43 =	vmul.f32 v61, v37;
	[tilespmem:s5+$0xB870] =	vst v39  }
0x34a: {  	v47 =	vld [tilespmem:s5+$0xB910];
	v45 =	vmul.f32 v63, v37;
	[tilespmem:s5+$0xB880] =	vst v41  }
0x34b: {  	v44 =	vld [tilespmem:s5+$0xB900];
	v50 =	vmul.f32 v35, v46;
	[tilespmem:s5+$0xB890] =	vst v43  }
0x34c: {  	v49 =	vld [tilespmem:s5+$0xB920];
	[tilespmem:s5+$0xB8A0] =	vst v45;
	v48 =	vmul.f32 v33, v37  }
0x34d: {  	v51 =	vld [tilespmem:s5+$0xB930];
	[tilespmem:s5+$0xB8C0] =	vst v50;
	v52 =	vmul.f32 v38, v46  }
0x34e: {  	v53 =	vld [tilespmem:s5+$0xB940];
	v55 =	vbroadcast v20, $0xA;
	v54 =	vmul.f32 v40, v46;
	[tilespmem:s5+$0xB8B0] =	vst v48  }
0x34f: {  	v56 =	vld [tilespmem:s5+$0xB950];
	v57 =	vmul.f32 v42, v46;
	[tilespmem:s5+$0xB8D0] =	vst v52  }
0x350: {  	v58 =	vld [tilespmem:s5+$0xB960];
	v61 =	vmul.f32 v47, v55;
	[tilespmem:s5+$0xB8E0] =	vst v54  }
0x351: {  	v60 =	vld [tilespmem:s5+$0xB970];
	v59 =	vmul.f32 v44, v55;
	[tilespmem:s5+$0xB8F0] =	vst v57  }
0x352: {  	v62 =	vld [tilespmem:s5+$0xB980];
	v33 =	vbroadcast v20, $0xB;
	v63 =	vmul.f32 v49, v55;
	[tilespmem:s5+$0xB910] =	vst v61  }
0x353: {  	v34 =	vld [tilespmem:s5+$0xB990];
	v35 =	vmul.f32 v51, v55;
	[tilespmem:s5+$0xB900] =	vst v59  }
0x354: {  	v36 =	vld [tilespmem:s5+$0xB9A0];
	v37 =	vmul.f32 v53, v33;
	[tilespmem:s5+$0xB920] =	vst v63  }
0x355: {  	v43 =	vld [tilespmem:s5+$0xB9D0];
	v39 =	vmul.f32 v56, v33;
	[tilespmem:s5+$0xB930] =	vst v35  }
0x356: {  	v45 =	vld [tilespmem:s5+$0xB9E0];
	v42 =	vbroadcast v20, $0xC;
	v41 =	vmul.f32 v58, v33;
	[tilespmem:s5+$0xB940] =	vst v37  }
0x357: {  	v38 =	vld [tilespmem:s5+$0xB9B0];
	v44 =	vmul.f32 v60, v33;
	[tilespmem:s5+$0xB950] =	vst v39  }
0x358: {  	v40 =	vld [tilespmem:s5+$0xB9C0];
	v46 =	vmul.f32 v62, v42;
	[tilespmem:s5+$0xB960] =	vst v41  }
0x359: {  	s10 =	sshll.u32 s11, $0x6;
	v50 =	vbroadcast v20, $0xD;
	v47 =	vld [tilespmem:s5+$0xB9F0];
	[tilespmem:s5+$0xB970] =	vst v44;
	v48 =	vmul.f32 v34, v42  }
0x35a: {  	s10 =	sand.u32 $0x3FFFFC00, s10;
	v51 =	vld [tilespmem:s5+$0xBA00];
	[tilespmem:s5+$0xB980] =	vst v46;
	v49 =	vmul.f32 v36, v42  }
0x35b: {  	v52 =	vld [tilespmem:s10+$0xB280];
	v55 =	vmul.f32 v43, v50;
	[tilespmem:s5+$0xB990] =	vst v48  }
0x35c: {  	v54 =	vld [tilespmem:s10+$0xB290];
	v57 =	vmul.f32 v45, v50;
	[tilespmem:s5+$0xB9A0] =	vst v49  }
0x35d: {  	v56 =	vld [tilespmem:s10+$0xB2A0];
	v23 =	vmul.f32 v38, v42;
	[tilespmem:s5+$0xB9D0] =	vst v55  }
0x35e: {  	v58 =	vbroadcast v21, $0x0;
	v59 =	vld [tilespmem:s10+$0xB2B0];
	v53 =	vmul.f32 v40, v50;
	[tilespmem:s5+$0xB9E0] =	vst v57  }
0x35f: {  	v61 =	vld [tilespmem:s5+$0xBA10];
	v60 =	vmul.f32 v47, v50;
	[tilespmem:s5+$0xB9B0] =	vst v23  }
0x360: {  	v62 =	vld [tilespmem:s5+$0xBA20];
	[tilespmem:s5+$0xB9C0] =	vst v53;
	v26 =	vmul.f32 v58, v52  }
0x361: {  	v63 =	vld [tilespmem:s5+$0xBA30];
	[tilespmem:s5+$0xB9F0] =	vst v60;
	v33 =	vmul.f32 v54, v58  }
0x362: {  	v34 =	vbroadcast v20, $0xE;
	v35 =	vld [tilespmem:s5+$0xBA40];
	v29 =	vmul.f32 v56, v58;
	[tilespmem:s10+$0xB280] =	vst v26  }
0x363: {  	v36 =	vld [tilespmem:s5+$0xBA50];
	[tilespmem:s10+$0xB290] =	vst v33;
	v24 =	vmul.f32 v59, v58  }
0x364: {  	v39 =	vld [tilespmem:s5+$0xBA70];
	v37 =	vmul.f32 v51, v34;
	[tilespmem:s10+$0xB2A0] =	vst v29  }
0x365: {  	v38 =	vld [tilespmem:s5+$0xBA60];
	v25 =	vmul.f32 v61, v34;
	[tilespmem:s10+$0xB2B0] =	vst v24  }
0x366: {  	v20 =	vbroadcast v20, $0xF;
	v22 =	vmul.f32 v62, v34;
	[tilespmem:s5+$0xBA00] =	vst v37;
	v40 =	vld [tilespmem:s5+$0xBAC0]  }
0x367: {  	[tilespmem:s5+$0xBA10] =	vst v25;
	v23 =	vmul.f32 v63, v34;
	v41 =	vld [tilespmem:s5+$0xBAD0]  }
0x368: {  	[tilespmem:s5+$0xBA20] =	vst v22;
	v42 =	vmul.f32 v35, v20;
	v43 =	vld [tilespmem:s5+$0xBAE0]  }
0x369: {  	v44 =	vmul.f32 v36, v20;
	[tilespmem:s5+$0xBA30] =	vst v23;
	v45 =	vld [tilespmem:s5+$0xBAF0]  }
0x36a: {  	v47 =	vbroadcast v21, $0x1;
	v46 =	vmul.f32 v38, v20;
	[tilespmem:s5+$0xBA40] =	vst v42;
	v48 =	vld [tilespmem:s5+$0xBB00]  }
0x36b: {  	v20 =	vmul.f32 v39, v20;
	[tilespmem:s5+$0xBA50] =	vst v44;
	v49 =	vld [tilespmem:s5+$0xBB10]  }
0x36c: {  	[tilespmem:s5+$0xBA60] =	vst v46;
	v51 =	vld [tilespmem:s5+$0xBB20];
	v50 =	vmul.f32 v40, v47  }
0x36d: {  	v54 =	vbroadcast v21, $0x2;
	[tilespmem:s5+$0xBA70] =	vst v20;
	v52 =	vld [tilespmem:s5+$0xBB30];
	v20 =	vmul.f32 v41, v47  }
0x36e: {  	v55 =	vld [tilespmem:s5+$0xBB40];
	v53 =	vmul.f32 v43, v47;
	[tilespmem:s5+$0xBAC0] =	vst v50  }
0x36f: {  	v56 =	vld [tilespmem:s5+$0xBB50];
	v57 =	vmul.f32 v48, v54;
	[tilespmem:s5+$0xBAD0] =	vst v20  }
0x370: {  	v58 =	vld [tilespmem:s5+$0xBB60];
	v20 =	vmul.f32 v45, v47;
	[tilespmem:s5+$0xBAE0] =	vst v53  }
0x371: {  	v61 =	vbroadcast v21, $0x3;
	v59 =	vld [tilespmem:s5+$0xBB70];
	v60 =	vmul.f32 v51, v54;
	[tilespmem:s5+$0xBB00] =	vst v57  }
0x372: {  	v62 =	vld [tilespmem:s5+$0xBB80];
	[tilespmem:s5+$0xBAF0] =	vst v20;
	v20 =	vmul.f32 v49, v54  }
0x373: {  	v63 =	vld [tilespmem:s5+$0xBB90];
	v32 =	vmul.f32 v55, v61;
	[tilespmem:s5+$0xBB20] =	vst v60  }
0x374: {  	v33 =	vld [tilespmem:s5+$0xBBA0];
	[tilespmem:s5+$0xBB10] =	vst v20;
	v20 =	vmul.f32 v52, v54  }
0x375: {  	v36 =	vbroadcast v21, $0x4;
	v34 =	vld [tilespmem:s5+$0xBBB0];
	v35 =	vmul.f32 v58, v61;
	[tilespmem:s5+$0xBB40] =	vst v32  }
0x376: {  	v37 =	vld [tilespmem:s5+$0xBBC0];
	[tilespmem:s5+$0xBB30] =	vst v20;
	v20 =	vmul.f32 v56, v61  }
0x377: {  	v38 =	vld [tilespmem:s5+$0xBBD0];
	v39 =	vmul.f32 v62, v36;
	[tilespmem:s5+$0xBB60] =	vst v35  }
0x378: {  	v44 =	vld [tilespmem:s5+$0xBC00];
	[tilespmem:s5+$0xBB50] =	vst v20;
	v20 =	vmul.f32 v59, v61  }
0x379: {  	v40 =	vld [tilespmem:s5+$0xBBE0];
	v42 =	vmul.f32 v33, v36;
	v43 =	vbroadcast v21, $0x5;
	[tilespmem:s5+$0xBB80] =	vst v39  }
0x37a: {  	v41 =	vld [tilespmem:s5+$0xBBF0];
	[tilespmem:s5+$0xBB70] =	vst v20;
	v20 =	vmul.f32 v63, v36  }
0x37b: {  	v48 =	vld [tilespmem:s5+$0xBC30];
	[tilespmem:s5+$0xBBA0] =	vst v42;
	v46 =	vmul.f32 v37, v43;
	v50 =	vbroadcast v21, $0x6  }
0x37c: {  	v51 =	vld [tilespmem:s5+$0xBC40];
	[tilespmem:s5+$0xBB90] =	vst v20;
	v20 =	vmul.f32 v34, v36  }
0x37d: {  	v45 =	vld [tilespmem:s5+$0xBC10];
	[tilespmem:s5+$0xBBC0] =	vst v46;
	v53 =	vmul.f32 v44, v50  }
0x37e: {  	v37 =	vld [tilespmem:s5+$0xBCE0];
	[tilespmem:s5+$0xBBB0] =	vst v20;
	v20 =	vmul.f32 v38, v43  }
0x37f: {  	v55 =	vld [tilespmem:s5+$0xBC70];
	v57 =	vbroadcast v21, $0x7;
	v49 =	vmul.f32 v40, v43;
	[tilespmem:s5+$0xBC00] =	vst v53  }
0x380: {  	v47 =	vld [tilespmem:s5+$0xBC20];
	[tilespmem:s5+$0xBBD0] =	vst v20;
	v20 =	vmul.f32 v41, v43  }
0x381: {  	v60 =	vmul.f32 v51, v57;
	v40 =	vbroadcast v21, $0x9;
	v52 =	vld [tilespmem:s5+$0xBC50];
	[tilespmem:s5+$0xBBE0] =	vst v49  }
0x382: {  	v44 =	vld [tilespmem:s5+$0xBD20];
	[tilespmem:s5+$0xBBF0] =	vst v20;
	v20 =	vmul.f32 v45, v50  }
0x383: {  	v58 =	vld [tilespmem:s5+$0xBC80];
	[tilespmem:s5+$0xBC40] =	vst v60;
	v46 =	vmul.f32 v37, v40  }
0x384: {  	v54 =	vld [tilespmem:s5+$0xBC60];
	[tilespmem:s5+$0xBC10] =	vst v20;
	v20 =	vmul.f32 v48, v50  }
0x385: {  	v56 =	vmul.f32 v47, v50;
	v47 =	vbroadcast v21, $0xA;
	[tilespmem:s5+$0xBCE0] =	vst v46;
	v59 =	vld [tilespmem:s5+$0xBC90]  }
0x386: {  	v62 =	vld [tilespmem:s5+$0xBCB0];
	[tilespmem:s5+$0xBC30] =	vst v20;
	v20 =	vmul.f32 v52, v57  }
0x387: {  	v35 =	vld [tilespmem:s5+$0xBCD0];
	[tilespmem:s5+$0xBC20] =	vst v56;
	v53 =	vmul.f32 v44, v47  }
0x388: {  	v33 =	vbroadcast v21, $0x8;
	v51 =	vld [tilespmem:s5+$0xBD60];
	[tilespmem:s5+$0xBC50] =	vst v20;
	v20 =	vmul.f32 v55, v57  }
0x389: {  	v42 =	vld [tilespmem:s5+$0xBD10];
	v63 =	vmul.f32 v54, v57;
	[tilespmem:s5+$0xBD20] =	vst v53  }
0x38a: {  	v61 =	vld [tilespmem:s5+$0xBCA0];
	[tilespmem:s5+$0xBC70] =	vst v20;
	v20 =	vmul.f32 v59, v33  }
0x38b: {  	v54 =	vbroadcast v21, $0xB;
	[tilespmem:s5+$0xBC60] =	vst v63;
	v36 =	vmul.f32 v58, v33;
	v38 =	vld [tilespmem:s5+$0xBCF0]  }
0x38c: {  	v56 =	vld [tilespmem:s5+$0xBD90];
	[tilespmem:s5+$0xBC90] =	vst v20;
	v20 =	vmul.f32 v62, v33  }
0x38d: {  	v49 =	vld [tilespmem:s5+$0xBD50];
	v60 =	vmul.f32 v51, v54;
	[tilespmem:s5+$0xBC80] =	vst v36  }
0x38e: {  	v34 =	vld [tilespmem:s5+$0xBCC0];
	[tilespmem:s5+$0xBCB0] =	vst v20;
	v20 =	vmul.f32 v35, v40  }
0x38f: {  	v39 =	vmul.f32 v61, v33;
	v61 =	vbroadcast v21, $0xC;
	[tilespmem:s5+$0xBD60] =	vst v60;
	v45 =	vld [tilespmem:s5+$0xBD30]  }
0x390: {  	v41 =	vld [tilespmem:s5+$0xBD00];
	[tilespmem:s5+$0xBCD0] =	vst v20;
	v20 =	vmul.f32 v38, v40  }
0x391: {  	v37 =	vld [tilespmem:s5+$0xBE00];
	[tilespmem:s5+$0xBCA0] =	vst v39;
	v27 =	vmul.f32 v56, v61  }
0x392: {  	v51 =	vld [tilespmem:s5+$0xBE30];
	[tilespmem:s5+$0xBCF0] =	vst v20;
	v20 =	vmul.f32 v42, v47  }
0x393: {  	v43 =	vmul.f32 v34, v40;
	[tilespmem:s5+$0xBD90] =	vst v27;
	v52 =	vld [tilespmem:s5+$0xBD70]  }
0x394: {  	v48 =	vld [tilespmem:s5+$0xBD40];
	[tilespmem:s5+$0xBD10] =	vst v20;
	v20 =	vmul.f32 v45, v47  }
0x395: {  	v58 =	vld [tilespmem:s5+$0xBDA0];
	[tilespmem:s5+$0xBCC0] =	vst v43;
	v43 =	vbroadcast v21, $0xE;
	v50 =	vmul.f32 v41, v47  }
0x396: {  	v55 =	vld [tilespmem:s5+$0xBD80];
	[tilespmem:s5+$0xBD30] =	vst v20;
	v20 =	vmul.f32 v49, v54  }
0x397: {  	v63 =	vld [tilespmem:s5+$0xBDD0];
	v22 =	vmul.f32 v51, v43;
	[tilespmem:s5+$0xBD00] =	vst v50  }
0x398: {  	v59 =	vld [tilespmem:s5+$0xBDB0];
	[tilespmem:s5+$0xBD50] =	vst v20;
	v20 =	vmul.f32 v52, v54  }
0x399: {  	s9 =	sor.u32 $0x30, s9;
	[tilespmem:s5+$0xBE30] =	vst v22;
	v57 =	vmul.f32 v48, v54;
	v62 =	vld [tilespmem:s5+$0xBDC0]  }
0x39a: {  	v48 =	vmul.f32 v37, v43;
	[tilespmem:s5+$0xBD70] =	vst v20;
	v20 =	vld.idx.msk [tilespmem:v19+s9+$0x0 ss:$0x1], $0xffff;
	s9 =	sshll.u32 s9, $0x6  }
0x39b: {  	v50 =	vld [tilespmem:s5+$0xBE20];
	[tilespmem:s5+$0xBD40] =	vst v57;
	v32 =	vmul.f32 v55, v61;
	s9 =	sand.u32 $0x3FFFFC00, s9  }
0x39c: {  	v36 =	vbroadcast v21, $0xD;
	[tilespmem:s5+$0xBE00] =	vst v48;
	v35 =	vmul.f32 v58, v61;
	v39 =	vld [tilespmem:s9+$0xB280]  }
0x39d: {  	[tilespmem:s5+$0xBD80] =	vst v32;
	v23 =	vmul.f32 v59, v61;
	v41 =	vld [tilespmem:s9+$0xB290]  }
0x39e: {  	[tilespmem:s5+$0xBDA0] =	vst v35;
	v40 =	vmul.f32 v63, v36;
	v44 =	vld [tilespmem:s9+$0xB2A0]  }
0x39f: {  	v38 =	vmul.f32 v62, v36;
	[tilespmem:s5+$0xBDB0] =	vst v23;
	v47 =	vld [tilespmem:s9+$0xB2B0];
	v46 =	vbroadcast v20, $0x0  }
0x3a0: {  	v33 =	vld [tilespmem:s5+$0xBDE0];
	v23 =	vmul.f32 v50, v43;
	[tilespmem:s5+$0xBDD0] =	vst v40  }
0x3a1: {  	v55 =	vld [tilespmem:s5+$0xBE60];
	[tilespmem:s5+$0xBDC0] =	vst v38;
	v27 =	vmul.f32 v46, v39  }
0x3a2: {  	v34 =	vld [tilespmem:s5+$0xBDF0];
	[tilespmem:s5+$0xBE20] =	vst v23;
	v25 =	vmul.f32 v41, v46  }
0x3a3: {  	v49 =	vld [tilespmem:s5+$0xBE10];
	v30 =	vmul.f32 v44, v46;
	[tilespmem:s9+$0xB280] =	vst v27  }
0x3a4: {  	v21 =	vbroadcast v21, $0xF;
	v52 =	vld [tilespmem:s5+$0xBE40];
	v53 =	vmul.f32 v47, v46;
	[tilespmem:s9+$0xB290] =	vst v25  }
0x3a5: {  	v42 =	vmul.f32 v33, v36;
	v54 =	vld [tilespmem:s5+$0xBE50];
	[tilespmem:s9+$0xB2A0] =	vst v30  }
0x3a6: {  	v56 =	vld [tilespmem:s5+$0xBE70];
	v62 =	vmul.f32 v55, v21;
	[tilespmem:s9+$0xB2B0] =	vst v53  }
0x3a7: {  	v45 =	vmul.f32 v34, v36;
	[tilespmem:s5+$0xBDE0] =	vst v42;
	v57 =	vld [tilespmem:s5+$0xBEC0]  }
0x3a8: {  	[tilespmem:s5+$0xBE60] =	vst v62;
	v24 =	vmul.f32 v49, v43;
	v59 =	vld [tilespmem:s5+$0xBED0]  }
0x3a9: {  	[tilespmem:s5+$0xBDF0] =	vst v45;
	v58 =	vmul.f32 v52, v21;
	v61 =	vld [tilespmem:s5+$0xBEE0]  }
0x3aa: {  	[tilespmem:s5+$0xBE10] =	vst v24;
	v60 =	vmul.f32 v54, v21;
	v63 =	vbroadcast v20, $0x1;
	v32 =	vld [tilespmem:s5+$0xBEF0]  }
0x3ab: {  	v21 =	vmul.f32 v56, v21;
	[tilespmem:s5+$0xBE40] =	vst v58;
	v33 =	vld [tilespmem:s5+$0xBF00]  }
0x3ac: {  	[tilespmem:s5+$0xBE50] =	vst v60;
	v35 =	vld [tilespmem:s5+$0xBF10];
	v34 =	vmul.f32 v57, v63  }
0x3ad: {  	[tilespmem:s5+$0xBE70] =	vst v21;
	v37 =	vld [tilespmem:s5+$0xBF20];
	v36 =	vmul.f32 v59, v63  }
0x3ae: {  	v39 =	vbroadcast v20, $0x2;
	v40 =	vld [tilespmem:s5+$0xBF30];
	v38 =	vmul.f32 v61, v63;
	[tilespmem:s5+$0xBEC0] =	vst v34  }
0x3af: {  	v42 =	vld [tilespmem:s5+$0xBF40];
	v41 =	vmul.f32 v32, v63;
	[tilespmem:s5+$0xBED0] =	vst v36  }
0x3b0: {  	v43 =	vld [tilespmem:s5+$0xBF50];
	v22 =	vmul.f32 v33, v39;
	[tilespmem:s5+$0xBEE0] =	vst v38  }
0x3b1: {  	v45 =	vld [tilespmem:s5+$0xBF60];
	v44 =	vmul.f32 v35, v39;
	[tilespmem:s5+$0xBEF0] =	vst v41  }
0x3b2: {  	v47 =	vbroadcast v20, $0x3;
	v48 =	vld [tilespmem:s5+$0xBF70];
	v46 =	vmul.f32 v37, v39;
	[tilespmem:s5+$0xBF00] =	vst v22  }
0x3b3: {  	v50 =	vld [tilespmem:s5+$0xBF80];
	v49 =	vmul.f32 v40, v39;
	[tilespmem:s5+$0xBF10] =	vst v44  }
0x3b4: {  	v52 =	vld [tilespmem:s5+$0xBF90];
	v51 =	vmul.f32 v42, v47;
	[tilespmem:s5+$0xBF20] =	vst v46  }
0x3b5: {  	v54 =	vld [tilespmem:s5+$0xBFA0];
	v53 =	vmul.f32 v43, v47;
	[tilespmem:s5+$0xBF30] =	vst v49  }
0x3b6: {  	v56 =	vbroadcast v20, $0x4;
	v55 =	vmul.f32 v45, v47;
	v57 =	vld [tilespmem:s5+$0xBFB0];
	[tilespmem:s5+$0xBF40] =	vst v51  }
0x3b7: {  	v58 =	vmul.f32 v48, v47;
	v59 =	vld [tilespmem:s5+$0xBFC0];
	[tilespmem:s5+$0xBF50] =	vst v53  }
0x3b8: {  	v60 =	vmul.f32 v50, v56;
	v61 =	vld [tilespmem:s5+$0xBFD0];
	[tilespmem:s5+$0xBF60] =	vst v55  }
0x3b9: {  	v62 =	vmul.f32 v52, v56;
	v63 =	vld [tilespmem:s5+$0xBFE0];
	[tilespmem:s5+$0xBF70] =	vst v58  }
0x3ba: {  	v32 =	vmul.f32 v54, v56;
	v33 =	vbroadcast v20, $0x5;
	v40 =	vld [tilespmem:s5+$0xC020];
	[tilespmem:s5+$0xBF80] =	vst v60  }
0x3bb: {  	v43 =	vld [tilespmem:s5+$0xC030];
	[tilespmem:s5+$0xBF90] =	vst v62;
	v35 =	vmul.f32 v57, v56  }
0x3bc: {  	v45 =	vld [tilespmem:s5+$0xC040];
	[tilespmem:s5+$0xBFA0] =	vst v32;
	v37 =	vmul.f32 v59, v33  }
0x3bd: {  	v42 =	vbroadcast v20, $0x6;
	v47 =	vld [tilespmem:s5+$0xC050];
	v39 =	vmul.f32 v61, v33;
	[tilespmem:s5+$0xBFB0] =	vst v35  }
0x3be: {  	v52 =	vld [tilespmem:s5+$0xC070];
	v41 =	vmul.f32 v63, v33;
	[tilespmem:s5+$0xBFC0] =	vst v37  }
0x3bf: {  	v54 =	vld [tilespmem:s5+$0xC080];
	v51 =	vbroadcast v20, $0x7;
	v50 =	vmul.f32 v40, v42;
	[tilespmem:s5+$0xBFD0] =	vst v39  }
0x3c0: {  	v34 =	vld [tilespmem:s5+$0xBFF0];
	v53 =	vmul.f32 v43, v42;
	[tilespmem:s5+$0xBFE0] =	vst v41  }
0x3c1: {  	v36 =	vld [tilespmem:s5+$0xC000];
	v55 =	vmul.f32 v45, v51;
	[tilespmem:s5+$0xC020] =	vst v50  }
0x3c2: {  	v38 =	vld [tilespmem:s5+$0xC010];
	v60 =	vbroadcast v20, $0x8;
	v57 =	vmul.f32 v47, v51;
	[tilespmem:s5+$0xC030] =	vst v53  }
0x3c3: {  	v49 =	vld [tilespmem:s5+$0xC060];
	v62 =	vmul.f32 v52, v51;
	[tilespmem:s5+$0xC040] =	vst v55  }
0x3c4: {  	v58 =	vld [tilespmem:s5+$0xC0A0];
	v32 =	vmul.f32 v54, v60;
	[tilespmem:s5+$0xC050] =	vst v57  }
0x3c5: {  	v56 =	vld [tilespmem:s5+$0xC090];
	v44 =	vmul.f32 v34, v33;
	[tilespmem:s5+$0xC070] =	vst v62  }
0x3c6: {  	v61 =	vld [tilespmem:s5+$0xC0B0];
	v46 =	vmul.f32 v36, v42;
	[tilespmem:s5+$0xC080] =	vst v32  }
0x3c7: {  	v63 =	vld [tilespmem:s5+$0xC0C0];
	v48 =	vmul.f32 v38, v42;
	[tilespmem:s5+$0xBFF0] =	vst v44  }
0x3c8: {  	v40 =	vld [tilespmem:s5+$0xC100];
	v59 =	vmul.f32 v49, v51;
	[tilespmem:s5+$0xC000] =	vst v46  }
0x3c9: {  	v47 =	vld [tilespmem:s5+$0xC130];
	v36 =	vmul.f32 v58, v60;
	[tilespmem:s5+$0xC010] =	vst v48  }
0x3ca: {  	v33 =	vld [tilespmem:s5+$0xC0D0];
	v37 =	vbroadcast v20, $0x9;
	[tilespmem:s5+$0xC060] =	vst v59;
	v34 =	vmul.f32 v56, v60  }
0x3cb: {  	v35 =	vld [tilespmem:s5+$0xC0E0];
	[tilespmem:s5+$0xC0A0] =	vst v36;
	v46 =	vbroadcast v20, $0xA;
	v39 =	vmul.f32 v61, v60  }
0x3cc: {  	v38 =	vld [tilespmem:s5+$0xC0F0];
	v41 =	vmul.f32 v63, v37;
	[tilespmem:s5+$0xC090] =	vst v34  }
0x3cd: {  	v42 =	vld [tilespmem:s5+$0xC110];
	v50 =	vmul.f32 v40, v46;
	[tilespmem:s5+$0xC0B0] =	vst v39  }
0x3ce: {  	v49 =	vld [tilespmem:s5+$0xC140];
	v57 =	vmul.f32 v47, v46;
	[tilespmem:s5+$0xC0C0] =	vst v41  }
0x3cf: {  	v51 =	vld [tilespmem:s5+$0xC150];
	v43 =	vmul.f32 v33, v37;
	[tilespmem:s5+$0xC100] =	vst v50  }
0x3d0: {  	v53 =	vld [tilespmem:s5+$0xC160];
	v45 =	vmul.f32 v35, v37;
	[tilespmem:s5+$0xC130] =	vst v57  }
0x3d1: {  	v55 =	vbroadcast v20, $0xB;
	v58 =	vld [tilespmem:s5+$0xC180];
	v48 =	vmul.f32 v38, v37;
	[tilespmem:s5+$0xC0D0] =	vst v43  }
0x3d2: {  	v62 =	vld [tilespmem:s5+$0xC1A0];
	v52 =	vmul.f32 v42, v46;
	[tilespmem:s5+$0xC0E0] =	vst v45  }
0x3d3: {  	v44 =	vld [tilespmem:s5+$0xC120];
	v59 =	vmul.f32 v49, v55;
	[tilespmem:s5+$0xC0F0] =	vst v48  }
0x3d4: {  	v32 =	vbroadcast v20, $0xC;
	v56 =	vld [tilespmem:s5+$0xC170];
	v61 =	vmul.f32 v51, v55;
	[tilespmem:s5+$0xC110] =	vst v52  }
0x3d5: {  	v60 =	vld [tilespmem:s5+$0xC190];
	v63 =	vmul.f32 v53, v55;
	[tilespmem:s5+$0xC140] =	vst v59  }
0x3d6: {  	v33 =	vld [tilespmem:s5+$0xC1B0];
	v36 =	vmul.f32 v58, v32;
	[tilespmem:s5+$0xC150] =	vst v61  }
0x3d7: {  	v35 =	vld [tilespmem:s5+$0xC1C0];
	v40 =	vmul.f32 v62, v32;
	[tilespmem:s5+$0xC160] =	vst v63  }
0x3d8: {  	v37 =	vld [tilespmem:s5+$0xC1D0];
	v54 =	vmul.f32 v44, v46;
	[tilespmem:s5+$0xC180] =	vst v36  }
0x3d9: {  	v39 =	vld [tilespmem:s5+$0xC1E0];
	[tilespmem:s5+$0xC1A0] =	vst v40;
	v34 =	vmul.f32 v56, v55  }
0x3da: {  	v41 =	vbroadcast v20, $0xD;
	v42 =	vld [tilespmem:s5+$0xC1F0];
	v38 =	vmul.f32 v60, v32;
	[tilespmem:s5+$0xC120] =	vst v54  }
0x3db: {  	v51 =	vld [tilespmem:s5+$0xC230];
	[tilespmem:s5+$0xC170] =	vst v34;
	v43 =	vmul.f32 v33, v32  }
0x3dc: {  	v53 =	vld [tilespmem:s5+$0xC240];
	[tilespmem:s5+$0xC190] =	vst v38;
	v45 =	vmul.f32 v35, v41  }
0x3dd: {  	v57 =	vld [tilespmem:s5+$0xC260];
	v47 =	vmul.f32 v37, v41;
	[tilespmem:s5+$0xC1B0] =	vst v43  }
0x3de: {  	v50 =	vbroadcast v20, $0xE;
	v44 =	vld [tilespmem:s5+$0xC200];
	v49 =	vmul.f32 v39, v41;
	[tilespmem:s5+$0xC1C0] =	vst v45  }
0x3df: {  	v20 =	vbroadcast v20, $0xF;
	v46 =	vld [tilespmem:s5+$0xC210];
	v52 =	vmul.f32 v42, v41;
	[tilespmem:s5+$0xC1D0] =	vst v47  }
0x3e0: {  	v48 =	vld [tilespmem:s5+$0xC220];
	v60 =	vmul.f32 v51, v50;
	[tilespmem:s5+$0xC1E0] =	vst v49  }
0x3e1: {  	v55 =	vld [tilespmem:s5+$0xC250];
	v61 =	vmul.f32 v53, v20;
	[tilespmem:s5+$0xC1F0] =	vst v52  }
0x3e2: {  	v59 =	vld [tilespmem:s5+$0xC270];
	v63 =	vmul.f32 v57, v20;
	[tilespmem:s5+$0xC230] =	vst v60  }
0x3e3: {  	v54 =	vmul.f32 v44, v50;
	[tilespmem:s5+$0xC240] =	vst v61  }
0x3e4: {  	p2 =	por p1, p1;
	v56 =	vmul.f32 v46, v50;
	[tilespmem:s5+$0xC260] =	vst v63  }
.Ltmp14:
0x3e5: {  	v58 =	vmul.f32 v48, v50;
	[tilespmem:s5+$0xC200] =	vst v54;
	(pc) =	sbr.rel @p2 .LBB2_14-.Ltmp14, $4  }
0x3e6: {  	v62 =	vmul.f32 v55, v20;
	[tilespmem:s5+$0xC210] =	vst v56  }
0x3e7: {  	v20 =	vmul.f32 v59, v20;
	[tilespmem:s5+$0xC220] =	vst v58  }
0x3e8: {  	[tilespmem:s5+$0xC250] =	vst v62  }
0x3e9: {  	p1 =	por $0x0, $0x0;
	[tilespmem:s5+$0xC270] =	vst v20;
	s5 =	simm.s32 $0x4  }
.Ltmp15:
0x3ea: {  	(pc) =	sbr.rel .LBB2_16-.Ltmp15, $2  }
0x3eb: {  	_ =	sdelay $0x2  }
0x3ec: {  	[spmem:s6] =	stream.indirect.scatter.add.f32 [tilespmem:s28], [sflag:$0x4], $0x40, s26, s21, $0xb8;
	[tilespmem:$0x1DF40] =	vst v63  }
.LBB2_20:
0x3ed: {  	_ =	sfence.sel $0x180000  }
0x3ee: {  	[bflag:$0x0] =	sbarrier.arrive $0xFFFF  }
0x3ef: {  	_ =	strace $0x90000047  }
0x3f0: {  	s0 =	stileid.u32;
	[bflag:$0x2] =	sbarrier.arrive $0xFFFF  }
0x3f1: {  	p0 =	sne.s32 s0, $0x0;
	s0 =	rddreg [dreg:$0x6]  }
0x3f2: {  	s0 =	sadd.s32 @!p0 $0x100000, s0  }
0x3f3: {  	[sflag:s0] =	ssyncadd.tile.s32 @!p0 $0x1;
	_ =	shalt  }
.Lfunc_end2:
_tile_overlayer_lowered:
.L_overlay_start_2:
0x3f4: {  	(tag) =	ssettag $0x2  }
0x3f5: {  	s0 =	rddreg [dreg:$0x0];
	s2 =	stileid.u32  }
0x3f6: {  	s1 =	rddreg [dreg:$0x1];
	p0 =	sne.s32 s2, $0x0  }
0x3f7: {  	s3 =	rddreg [dreg:$0x2];
	[bflag:$0x3] =	sbarrier.arrive $0xFFFF;
	s2 =	simm.s32 @!p0 $0x1C06  }
0x3f8: {  	[timem:s3], [sflag:s2] =	dma.local @!p0 [hbm:s0], s1  }
0x3f9: {  	s0 =	simm.s32 @!p0 $0x6  }
0x3fa: {  	_ =	swait.ge @!p0 [sflag:s0], s1  }
0x3fb: {  	s1 =	ssub.s32 @!p0 $0x0, s1;
	[sflag:s0] =	ssyncset.done @!p0 $0x0  }
0x3fc: {  	[sflag:s0] =	ssyncadd.s32 @!p0 s1  }
0x3fd: {  	[bflag:$0x3] =	sbarrier.arrive $0xFFFF  }
0x3fe: {  	_ =	shalt  }

</sc_bundles>
